<compile_context>
chip_gen: v7x
topology: tpu7x:2x2x1
jax: 0.10.2.dev20260603
libtpu: 0.0.44.dev20260713+nightly
codegen_flags: <defaults>
</compile_context>

<pallas_src>
import functools

import jax
import jax.numpy as jnp
from jax import lax
from jax.experimental import pallas as pl
from jax.experimental.pallas import tpu as pltpu
from jax.experimental.pallas import tpu_sc as plsc

D = 128
NC = 2
NS = 16
NW = NC * NS
CH = 128
DUMP_PAD = 240

_mesh = plsc.VectorSubcoreMesh(core_axis_name="c", subcore_axis_name="s")


def _seg_sum_body(n_rows, k, x_hbm, src_hbm, dst_hbm, zeros_hbm, out_hbm,
                  src_v, dst_v, rows0, rows1, acc, gsem0, gsem1):
    cid = lax.axis_index("c")
    sid = lax.axis_index("s")
    wid = cid * NS + sid
    n_acc = n_rows + DUMP_PAD
    acc_slab = n_acc // NS
    pltpu.sync_copy(zeros_hbm.at[pl.ds(sid * acc_slab, acc_slab)],
                    acc.at[pl.ds(sid * acc_slab, acc_slab)])
    plsc.subcore_barrier()

    for h in range(2):
        pltpu.sync_copy(src_hbm.at[2 * wid + h], src_v)
        pltpu.sync_copy(dst_hbm.at[2 * wid + h], dst_v)

        def rnd(r, carry):
            j0 = 2 * r
            g0 = pltpu.async_copy(x_hbm.at[src_v.at[j0]], rows0, gsem0)
            g1 = pltpu.async_copy(x_hbm.at[src_v.at[j0 + 1]], rows1, gsem1)
            g0.wait()
            pltpu.sync_copy(rows0, acc.at[dst_v.at[j0]], add=True)
            g1.wait()
            pltpu.sync_copy(rows1, acc.at[dst_v.at[j0 + 1]], add=True)
            return carry

        lax.fori_loop(0, k // 4, rnd, 0)
    plsc.subcore_barrier()
    pltpu.sync_copy(acc.at[pl.ds(sid * acc_slab, acc_slab)],
                    out_hbm.at[cid, pl.ds(sid * acc_slab, acc_slab)])


def _count_body(n_rows, k, dst_hbm, zeros_hbm, out_hbm,
                dst_v, ones_v, acc, sem):
    cid = lax.axis_index("c")
    sid = lax.axis_index("s")
    wid = cid * NS + sid
    n_acc = n_rows + DUMP_PAD
    acc_slab = n_acc // NS
    pltpu.sync_copy(dst_hbm.at[wid], dst_v)
    ones16 = jnp.ones((16,), jnp.float32)

    def obody(r, carry):
        for g in range(D // 16):
            ones_v[r, pl.ds(g * 16, 16)] = ones16
        return carry

    lax.fori_loop(0, CH, obody, 0)
    pltpu.sync_copy(zeros_hbm.at[pl.ds(sid * acc_slab, acc_slab)],
                    acc.at[pl.ds(sid * acc_slab, acc_slab)])
    plsc.subcore_barrier()

    del sem

    def body(j, carry):
        pltpu.sync_copy(ones_v, acc.at[dst_v.at[j]], add=True)
        return carry

    lax.fori_loop(0, k, body, 0)
    plsc.subcore_barrier()
    pltpu.sync_copy(acc.at[pl.ds(sid * acc_slab, acc_slab)],
                    out_hbm.at[cid, pl.ds(sid * acc_slab, acc_slab)])


@functools.lru_cache(maxsize=None)
def _make_seg_sum(n_rows, k):
    return pl.kernel(
        functools.partial(_seg_sum_body, n_rows, k),
        out_type=jax.ShapeDtypeStruct((NC, n_rows + DUMP_PAD, D), jnp.float32),
        mesh=_mesh,
        scratch_types=[
            pltpu.VMEM((k // 2, CH), jnp.int32),
            pltpu.VMEM((k // 2, CH), jnp.int32),
            pltpu.VMEM((CH, D), jnp.float32),
            pltpu.VMEM((CH, D), jnp.float32),
            pltpu.VMEM_SHARED((n_rows + DUMP_PAD, D), jnp.float32),
            pltpu.SemaphoreType.DMA,
            pltpu.SemaphoreType.DMA,
        ],
    )


@functools.lru_cache(maxsize=None)
def _make_count(n_rows, k):
    return pl.kernel(
        functools.partial(_count_body, n_rows, k),
        out_type=jax.ShapeDtypeStruct((NC, n_rows + DUMP_PAD, D), jnp.float32),
        mesh=_mesh,
        scratch_types=[
            pltpu.VMEM((k, CH), jnp.int32),
            pltpu.VMEM((CH, D), jnp.float32),
            pltpu.VMEM_SHARED((n_rows + DUMP_PAD, D), jnp.float32),
            pltpu.SemaphoreType.DMA,
        ],
    )


def _tc_update_body(agg_ref, cnt_ref, h_ref, w1_ref, w2_ref, o_ref):
    a = agg_ref[0] + agg_ref[1]
    c = cnt_ref[0][:, 0:1] + cnt_ref[1][:, 0:1]
    a = a / jnp.maximum(c, 1.0)
    o_ref[...] = jnp.maximum(
        jnp.dot(a, w1_ref[...], preferred_element_type=jnp.float32,
                precision=lax.Precision.HIGHEST)
        + jnp.dot(h_ref[...], w2_ref[...], preferred_element_type=jnp.float32,
                  precision=lax.Precision.HIGHEST),
        0.0,
    )


def _tc_update(agg, cnt, h, w1, w2):
    n = h.shape[0]
    b = 1000
    return pl.pallas_call(
        _tc_update_body,
        grid=(n // b,),
        in_specs=[
            pl.BlockSpec((NC, b, D), lambda i: (0, i, 0)),
            pl.BlockSpec((NC, b, D), lambda i: (0, i, 0)),
            pl.BlockSpec((b, D), lambda i: (i, 0)),
            pl.BlockSpec((D, D), lambda i: (0, 0)),
            pl.BlockSpec((D, D), lambda i: (0, 0)),
        ],
        out_specs=pl.BlockSpec((b, D), lambda i: (i, 0)),
        out_shape=jax.ShapeDtypeStruct((n, D), jnp.float32),
    )(agg, cnt, h, w1, w2)


def _tc_tanh_body(x_ref, w_ref, o_ref):
    o_ref[...] = jnp.tanh(
        jnp.dot(x_ref[...], w_ref[...], preferred_element_type=jnp.float32,
                precision=lax.Precision.HIGHEST))


def _tc_tanh(x, w):
    n = x.shape[0]
    b = 1000
    return pl.pallas_call(
        _tc_tanh_body,
        grid=(n // b,),
        in_specs=[
            pl.BlockSpec((b, D), lambda i: (i, 0)),
            pl.BlockSpec((D, D), lambda i: (0, 0)),
        ],
        out_specs=pl.BlockSpec((b, D), lambda i: (i, 0)),
        out_shape=jax.ShapeDtypeStruct((n, D), jnp.float32),
    )(x, w)


def kernel(d_feat, p_feat, dd_edge_index, dp_edge_index,
           Wd_att, Wp_att, W_dd, W_dd_self, W_dp, W_p_self, W_pd, W_d_self):
    n_drug = d_feat.shape[0]
    n_prot = p_feat.shape[0]
    e = dd_edge_index.shape[1]
    k = -(-e // (NW * CH))
    k = -(-k // 4) * 4
    e_pad = NW * k * CH

    def prep(idx, fill, spread=1):
        idx = idx.astype(jnp.int32)
        pad = fill + jnp.arange(e_pad - e, dtype=jnp.int32) % spread
        return jnp.concatenate([idx, pad]).reshape(NW, k, CH)

    def vk(a):
        return a

    def v3(a):
        return a.reshape(NW * 2, k // 2, CH)

    src_dd_g = prep(dd_edge_index[0], 0, n_drug)
    dst_dd_s = prep(dd_edge_index[1], n_drug, DUMP_PAD)
    src_dp_g = prep(dp_edge_index[0], 0, n_drug)
    src_dp_s = prep(dp_edge_index[0], n_drug, DUMP_PAD)
    dst_dp_g = prep(dp_edge_index[1], 0, n_prot)
    dst_dp_s = prep(dp_edge_index[1], n_prot, DUMP_PAD)

    zeros_acc = jnp.zeros((n_drug + DUMP_PAD, D), jnp.float32)

    seg_sum = _make_seg_sum(n_drug, k)
    count = _make_count(n_drug, k)

    cnt_dd = count(vk(dst_dd_s), zeros_acc)
    cnt_p = count(vk(dst_dp_s), zeros_acc)
    cnt_d = count(vk(src_dp_s), zeros_acc)

    d_att = _tc_tanh(d_feat, Wd_att)
    p_att = _tc_tanh(p_feat, Wp_att)
    d, p = d_att, p_att
    for _ in range(2):
        s_dd = seg_sum(d, v3(src_dd_g), v3(dst_dd_s), zeros_acc)
        d = _tc_update(s_dd, cnt_dd, d, W_dd, W_dd_self)
        s_pd = seg_sum(p, v3(dst_dp_g), v3(src_dp_s), zeros_acc)
        s_dp = seg_sum(d, v3(src_dp_g), v3(dst_dp_s), zeros_acc)
        p_new = _tc_update(s_dp, cnt_p, p, W_dp, W_p_self)
        d = _tc_update(s_pd, cnt_d, d, W_pd, W_d_self)
        p = p_new
    return jnp.concatenate([d, p, d_att, p_att], axis=0)

# --- scband reference (transcript-rebuilt; emitter-appended) ---
"""Pipeline reference for scband-my-encoder-43559558316780 (READ-ONLY COPY).

The authoritative reference and input builder live on the scoring server;
editing this copy changes nothing except your own understanding.
"""

import jax, jax.numpy as jnp
import numpy as np

N_DRUG = 10000
N_PROT = 10000
E = 320000
D = 128
CYCLES = 2


def setup_inputs(seed: int = 0) -> dict:
    key = jax.random.key(seed)
    ks = jax.random.split(key, 12)
    s = 1.0 / np.sqrt(D)
    inp = {
        "d_feat": jax.random.normal(ks[0], (N_DRUG, D), dtype=jnp.float32),
        "p_feat": jax.random.normal(ks[1], (N_PROT, D), dtype=jnp.float32),
        "dd_edge_index": jax.random.randint(ks[2], (2, E), 0, N_DRUG),
        "dp_edge_index": jax.random.randint(ks[3], (2, E), 0, N_PROT),
        "Wd_att": jax.random.normal(ks[4], (D, D), dtype=jnp.float32) * s,
        "Wp_att": jax.random.normal(ks[5], (D, D), dtype=jnp.float32) * s,
        "W_dd": jax.random.normal(ks[6], (D, D), dtype=jnp.float32) * s,
        "W_dd_self": jax.random.normal(ks[7], (D, D), dtype=jnp.float32) * s,
        "W_dp": jax.random.normal(ks[8], (D, D), dtype=jnp.float32) * s,
        "W_p_self": jax.random.normal(ks[9], (D, D), dtype=jnp.float32) * s,
        "W_pd": jax.random.normal(ks[10], (D, D), dtype=jnp.float32) * s,
        "W_d_self": jax.random.normal(ks[11], (D, D), dtype=jnp.float32) * s,
    }
    return inp


def _mean_agg(x, src, dst, n):
    # gather source node features along edges, scatter-add to destination nodes,
    # then normalize by in-degree (mean aggregation) -- SparseCore-friendly.
    msg = jnp.take(x, src, axis=0)
    summed = jax.ops.segment_sum(msg, dst, num_segments=n)
    cnt = jax.ops.segment_sum(jnp.ones_like(dst, dtype=jnp.float32), dst, num_segments=n)
    return summed / jnp.maximum(cnt, 1.0)[:, None]


def reference(d_feat, p_feat, dd_edge_index, dp_edge_index,
              Wd_att, Wp_att, W_dd, W_dd_self, W_dp, W_p_self, W_pd, W_d_self):
    # attribute encoders (ECFP / AminoSeq) abstracted to learned projections
    d_att = jnp.tanh(d_feat @ Wd_att)
    p_att = jnp.tanh(p_feat @ Wp_att)
    d = d_att
    p = p_att
    src_dd, dst_dd = dd_edge_index[0], dd_edge_index[1]
    src_dp, dst_dp = dp_edge_index[0], dp_edge_index[1]
    for _ in range(CYCLES):
        # mono network: drug-drug message passing (MonoEncoder)
        agg_dd = _mean_agg(d, src_dd, dst_dd, N_DRUG)
        d = jax.nn.relu(agg_dd @ W_dd + d @ W_dd_self)
        # bipartite network: drug -> protein (BipartiteEncoder, forward direction)
        agg_p = _mean_agg(d, src_dp, dst_dp, N_PROT)
        p_new = jax.nn.relu(agg_p @ W_dp + p @ W_p_self)
        # bipartite network: protein -> drug (reverse direction)
        agg_d = _mean_agg(p, dst_dp, src_dp, N_DRUG)
        d = jax.nn.relu(agg_d @ W_pd + d @ W_d_self)
        p = p_new
    # dict output flattened: [d_feat; p_feat; d_feat_att; p_feat_att]
    return jnp.concatenate([d, p, d_att, p_att], axis=0)

if __name__ == "__main__":
    import jax
    _d = setup_inputs()
    print(jax.jit(kernel)(*tuple(_d.values())))

</pallas_src>

<mosaic_0001>
#map = affine_map<(d0, d1) -> (0, 0, 0)>
#map1 = affine_map<(d0, d1) -> (0, 0)>
module attributes {stable_mosaic.version = 14 : i64} {
  func.func @_count_body(%arg0: i32, %arg1: i32, %arg2: memref<32x80x128xi32, #tpu.memory_space<hbm>>, %arg3: memref<10240x128xf32, #tpu.memory_space<hbm>>, %arg4: memref<2x10240x128xf32, #tpu.memory_space<hbm>>, %arg5: memref<80x128xi32, #tpu.memory_space<vmem>>, %arg6: memref<128x128xf32, #tpu.memory_space<vmem>>, %arg7: memref<10240x128xf32, #tpu.memory_space<vmem_shared>>, %arg8: memref<!tpu.dma_semaphore, #tpu.memory_space<semaphore_mem>>) attributes {dimension_semantics = [#tpu.dimension_semantics<core_parallel>, #tpu.dimension_semantics<subcore_parallel>], iteration_bounds = array<i64: 2, 16>, scalar_prefetch = 0 : i64, scratch_operands = 4 : i64, tpu.core_type = #tpu.core_type<sc_vector_subcore>, window_params = [{transform_indices = #map}, {transform_indices = #map1}, {transform_indices = #map}]} {
    %mul3A = arith.constant 16 : i32
    %mul3A_0 = arith.muli %arg0, %mul3A : i32
    %add3A = arith.addi %mul3A_0, %arg1 : i32
    "tpu.region"() ({
      %run_scoped3A = tpu.sem_alloc : memref<!tpu.dma_semaphore, #tpu.memory_space<semaphore_mem>>
      %dma_start3A = arith.constant 0 : i32
      %dma_start3A_22 = arith.constant 0 : i32
      %dma_start3A_23 = tpu.memref_slice %arg2[%add3A, %dma_start3A, %dma_start3A_22] : memref<32x80x128xi32, #tpu.memory_space<hbm>> -> memref<1x80x128xi32, #tpu.memory_space<hbm>>
      %dma_start3A_24 = tpu.memref_squeeze %dma_start3A_23 : memref<1x80x128xi32, #tpu.memory_space<hbm>> -> memref<80x128xi32, #tpu.memory_space<hbm>>
      %dma_start3A_25 = arith.constant 0 : i32
      %dma_start3A_26 = arith.constant 0 : i32
      %dma_start3A_27 = tpu.memref_slice %arg2[%add3A, %dma_start3A_25, %dma_start3A_26] : memref<32x80x128xi32, #tpu.memory_space<hbm>> -> memref<1x80x128xi32, #tpu.memory_space<hbm>>
      %dma_start3A_28 = tpu.memref_squeeze %dma_start3A_27 : memref<1x80x128xi32, #tpu.memory_space<hbm>> -> memref<80x128xi32, #tpu.memory_space<hbm>>
      tpu.enqueue_dma source(%dma_start3A_28 : memref<80x128xi32, #tpu.memory_space<hbm>>) target(%arg5 : memref<80x128xi32, #tpu.memory_space<vmem>>) target_semaphore(%run_scoped3A : memref<!tpu.dma_semaphore, #tpu.memory_space<semaphore_mem>>)
      %dma_wait3A = arith.constant 0 : i32
      %dma_wait3A_29 = arith.constant 0 : i32
      %dma_wait3A_30 = tpu.memref_slice %arg2[%add3A, %dma_wait3A, %dma_wait3A_29] : memref<32x80x128xi32, #tpu.memory_space<hbm>> -> memref<1x80x128xi32, #tpu.memory_space<hbm>>
      %dma_wait3A_31 = tpu.memref_squeeze %dma_wait3A_30 : memref<1x80x128xi32, #tpu.memory_space<hbm>> -> memref<80x128xi32, #tpu.memory_space<hbm>>
      %dma_wait3A_32 = arith.constant 0 : i32
      %dma_wait3A_33 = arith.constant 0 : i32
      %dma_wait3A_34 = tpu.memref_slice %arg2[%add3A, %dma_wait3A_32, %dma_wait3A_33] : memref<32x80x128xi32, #tpu.memory_space<hbm>> -> memref<1x80x128xi32, #tpu.memory_space<hbm>>
      %dma_wait3A_35 = tpu.memref_squeeze %dma_wait3A_34 : memref<1x80x128xi32, #tpu.memory_space<hbm>> -> memref<80x128xi32, #tpu.memory_space<hbm>>
      tpu.wait_dma2 semaphore(%run_scoped3A : memref<!tpu.dma_semaphore, #tpu.memory_space<semaphore_mem>>) src(%dma_wait3A_35 : memref<80x128xi32, #tpu.memory_space<hbm>>) dst(%arg5 : memref<80x128xi32, #tpu.memory_space<vmem>>)
      tpu.yield
    }) : () -> ()
    %broadcast_in_dim3A = arith.constant 1.000000e+00 : f32
    %broadcast_in_dim3A_1 = vector.broadcast %broadcast_in_dim3A : f32 to vector<16xf32>
    %scan3A = arith.constant 0 : i32
    %scan3A_2 = arith.constant 0 : i32
    %scan3A_3 = arith.constant 128 : i32
    %scan3A_4 = arith.addi %scan3A_2, %scan3A_3 : i32
    %scan3A_5 = arith.constant 1 : i32
    scf.for %scan3A_22 = %scan3A_2 to %scan3A_4 step %scan3A_5  : i32 {
      %swap3A = arith.index_cast %scan3A_22 : i32 to index
      %swap3A_23 = arith.constant 0 : index
      %swap3A_24 = tpu.vector_load %arg6[%swap3A, %swap3A_23] {strides = array<i32>} : memref<128x128xf32, #tpu.memory_space<vmem>>, vector<1x16xf32>,
      %swap3A_25 = vector.shape_cast %swap3A_24 : vector<1x16xf32> to vector<16xf32>
      %swap3A_26 = vector.shape_cast %broadcast_in_dim3A_1 : vector<16xf32> to vector<1x16xf32>
      tpu.vector_store %arg6[%swap3A, %swap3A_23], %swap3A_26 {strides = array<i32>} : memref<128x128xf32, #tpu.memory_space<vmem>>, vector<1x16xf32>,
      %swap3A_27 = arith.index_cast %scan3A_22 : i32 to index
      %swap3A_28 = arith.constant 16 : index
      %swap3A_29 = tpu.vector_load %arg6[%swap3A_27, %swap3A_28] {strides = array<i32>} : memref<128x128xf32, #tpu.memory_space<vmem>>, vector<1x16xf32>,
      %swap3A_30 = vector.shape_cast %swap3A_29 : vector<1x16xf32> to vector<16xf32>
      %swap3A_31 = vector.shape_cast %broadcast_in_dim3A_1 : vector<16xf32> to vector<1x16xf32>
      tpu.vector_store %arg6[%swap3A_27, %swap3A_28], %swap3A_31 {strides = array<i32>} : memref<128x128xf32, #tpu.memory_space<vmem>>, vector<1x16xf32>,
      %swap3A_32 = arith.index_cast %scan3A_22 : i32 to index
      %swap3A_33 = arith.constant 32 : index
      %swap3A_34 = tpu.vector_load %arg6[%swap3A_32, %swap3A_33] {strides = array<i32>} : memref<128x128xf32, #tpu.memory_space<vmem>>, vector<1x16xf32>,
      %swap3A_35 = vector.shape_cast %swap3A_34 : vector<1x16xf32> to vector<16xf32>
      %swap3A_36 = vector.shape_cast %broadcast_in_dim3A_1 : vector<16xf32> to vector<1x16xf32>
      tpu.vector_store %arg6[%swap3A_32, %swap3A_33], %swap3A_36 {strides = array<i32>} : memref<128x128xf32, #tpu.memory_space<vmem>>, vector<1x16xf32>,
      %swap3A_37 = arith.index_cast %scan3A_22 : i32 to index
      %swap3A_38 = arith.constant 48 : index
      %swap3A_39 = tpu.vector_load %arg6[%swap3A_37, %swap3A_38] {strides = array<i32>} : memref<128x128xf32, #tpu.memory_space<vmem>>, vector<1x16xf32>,
      %swap3A_40 = vector.shape_cast %swap3A_39 : vector<1x16xf32> to vector<16xf32>
      %swap3A_41 = vector.shape_cast %broadcast_in_dim3A_1 : vector<16xf32> to vector<1x16xf32>
      tpu.vector_store %arg6[%swap3A_37, %swap3A_38], %swap3A_41 {strides = array<i32>} : memref<128x128xf32, #tpu.memory_space<vmem>>, vector<1x16xf32>,
      %swap3A_42 = arith.index_cast %scan3A_22 : i32 to index
      %swap3A_43 = arith.constant 64 : index
      %swap3A_44 = tpu.vector_load %arg6[%swap3A_42, %swap3A_43] {strides = array<i32>} : memref<128x128xf32, #tpu.memory_space<vmem>>, vector<1x16xf32>,
      %swap3A_45 = vector.shape_cast %swap3A_44 : vector<1x16xf32> to vector<16xf32>
      %swap3A_46 = vector.shape_cast %broadcast_in_dim3A_1 : vector<16xf32> to vector<1x16xf32>
      tpu.vector_store %arg6[%swap3A_42, %swap3A_43], %swap3A_46 {strides = array<i32>} : memref<128x128xf32, #tpu.memory_space<vmem>>, vector<1x16xf32>,
      %swap3A_47 = arith.index_cast %scan3A_22 : i32 to index
      %swap3A_48 = arith.constant 80 : index
      %swap3A_49 = tpu.vector_load %arg6[%swap3A_47, %swap3A_48] {strides = array<i32>} : memref<128x128xf32, #tpu.memory_space<vmem>>, vector<1x16xf32>,
      %swap3A_50 = vector.shape_cast %swap3A_49 : vector<1x16xf32> to vector<16xf32>
      %swap3A_51 = vector.shape_cast %broadcast_in_dim3A_1 : vector<16xf32> to vector<1x16xf32>
      tpu.vector_store %arg6[%swap3A_47, %swap3A_48], %swap3A_51 {strides = array<i32>} : memref<128x128xf32, #tpu.memory_space<vmem>>, vector<1x16xf32>,
      %swap3A_52 = arith.index_cast %scan3A_22 : i32 to index
      %swap3A_53 = arith.constant 96 : index
      %swap3A_54 = tpu.vector_load %arg6[%swap3A_52, %swap3A_53] {strides = array<i32>} : memref<128x128xf32, #tpu.memory_space<vmem>>, vector<1x16xf32>,
      %swap3A_55 = vector.shape_cast %swap3A_54 : vector<1x16xf32> to vector<16xf32>
      %swap3A_56 = vector.shape_cast %broadcast_in_dim3A_1 : vector<16xf32> to vector<1x16xf32>
      tpu.vector_store %arg6[%swap3A_52, %swap3A_53], %swap3A_56 {strides = array<i32>} : memref<128x128xf32, #tpu.memory_space<vmem>>, vector<1x16xf32>,
      %swap3A_57 = arith.index_cast %scan3A_22 : i32 to index
      %swap3A_58 = arith.constant 112 : index
      %swap3A_59 = tpu.vector_load %arg6[%swap3A_57, %swap3A_58] {strides = array<i32>} : memref<128x128xf32, #tpu.memory_space<vmem>>, vector<1x16xf32>,
      %swap3A_60 = vector.shape_cast %swap3A_59 : vector<1x16xf32> to vector<16xf32>
      %swap3A_61 = vector.shape_cast %broadcast_in_dim3A_1 : vector<16xf32> to vector<1x16xf32>
      tpu.vector_store %arg6[%swap3A_57, %swap3A_58], %swap3A_61 {strides = array<i32>} : memref<128x128xf32, #tpu.memory_space<vmem>>, vector<1x16xf32>,
    }
    %scan3A_6 = arith.constant 128 : i32
    %mul3A_7 = arith.constant 640 : i32
    %mul3A_8 = arith.muli %arg1, %mul3A_7 : i32
    %mul3A_9 = arith.constant 640 : i32
    %mul3A_10 = arith.muli %arg1, %mul3A_9 : i32
    "tpu.region"() ({
      %run_scoped3A = tpu.sem_alloc : memref<!tpu.dma_semaphore, #tpu.memory_space<semaphore_mem>>
      %dma_start3A = arith.constant 0 : i32
      %dma_start3A_22 = tpu.memref_slice %arg7[%mul3A_10, %dma_start3A] : memref<10240x128xf32, #tpu.memory_space<vmem_shared>> -> memref<640x128xf32, #tpu.memory_space<vmem_shared>>
      %dma_start3A_23 = arith.constant 0 : i32
      %dma_start3A_24 = tpu.memref_slice %arg3[%mul3A_8, %dma_start3A_23] : memref<10240x128xf32, #tpu.memory_space<hbm>> -> memref<640x128xf32, #tpu.memory_space<hbm>>
      tpu.enqueue_dma source(%dma_start3A_24 : memref<640x128xf32, #tpu.memory_space<hbm>>) target(%dma_start3A_22 : memref<640x128xf32, #tpu.memory_space<vmem_shared>>) target_semaphore(%run_scoped3A : memref<!tpu.dma_semaphore, #tpu.memory_space<semaphore_mem>>)
      %dma_wait3A = arith.constant 0 : i32
      %dma_wait3A_25 = tpu.memref_slice %arg7[%mul3A_10, %dma_wait3A] : memref<10240x128xf32, #tpu.memory_space<vmem_shared>> -> memref<640x128xf32, #tpu.memory_space<vmem_shared>>
      %dma_wait3A_26 = arith.constant 0 : i32
      %dma_wait3A_27 = tpu.memref_slice %arg3[%mul3A_8, %dma_wait3A_26] : memref<10240x128xf32, #tpu.memory_space<hbm>> -> memref<640x128xf32, #tpu.memory_space<hbm>>
      tpu.wait_dma2 semaphore(%run_scoped3A : memref<!tpu.dma_semaphore, #tpu.memory_space<semaphore_mem>>) src(%dma_wait3A_27 : memref<640x128xf32, #tpu.memory_space<hbm>>) dst(%dma_wait3A_25 : memref<640x128xf32, #tpu.memory_space<vmem_shared>>)
      tpu.yield
    }) : () -> ()
    %barrier3A = arith.constant 0 : index
    tpu.barrier barrier_id(%barrier3A)
    %scan3A_11 = arith.constant 0 : i32
    %scan3A_12 = arith.constant 0 : i32
    %scan3A_13 = arith.constant 80 : i32
    %scan3A_14 = arith.addi %scan3A_12, %scan3A_13 : i32
    %scan3A_15 = arith.constant 1 : i32
    scf.for %scan3A_22 = %scan3A_12 to %scan3A_14 step %scan3A_15  : i32 {
      "tpu.region"() ({
        %run_scoped3A = tpu.sem_alloc : memref<!tpu.dma_semaphore, #tpu.memory_space<semaphore_mem>>
        %dma_start3A = arith.constant 0 : i32
        %dma_start3A_23 = tpu.memref_slice %arg5[%scan3A_22, %dma_start3A] : memref<80x128xi32, #tpu.memory_space<vmem>> -> memref<1x128xi32, #tpu.memory_space<vmem>>
        %dma_start3A_24 = tpu.memref_squeeze %dma_start3A_23 : memref<1x128xi32, #tpu.memory_space<vmem>> -> memref<128xi32, #tpu.memory_space<vmem>>
        %dma_start3A_25 = arith.constant 0 : i32
        %dma_start3A_26 = arith.constant 0 : i32
        %dma_start3A_27 = tpu.memref_slice %arg7[%dma_start3A_25, %dma_start3A_26] : memref<10240x128xf32, #tpu.memory_space<vmem_shared>> -> memref<10240x128xf32, #tpu.memory_space<vmem_shared>>
        tpu.enqueue_indirect_dma source(%arg6 : memref<128x128xf32, #tpu.memory_space<vmem>>) target(%dma_start3A_27 : memref<10240x128xf32, #tpu.memory_space<vmem_shared>>) offsets(%dma_start3A_24 : memref<128xi32, #tpu.memory_space<vmem>>) semaphore(%run_scoped3A : memref<!tpu.dma_semaphore, #tpu.memory_space<semaphore_mem>>) {add = true}
        %dma_wait3A = arith.constant 0 : i32
        %dma_wait3A_28 = tpu.memref_slice %arg5[%scan3A_22, %dma_wait3A] : memref<80x128xi32, #tpu.memory_space<vmem>> -> memref<1x128xi32, #tpu.memory_space<vmem>>
        %dma_wait3A_29 = tpu.memref_squeeze %dma_wait3A_28 : memref<1x128xi32, #tpu.memory_space<vmem>> -> memref<128xi32, #tpu.memory_space<vmem>>
        %dma_wait3A_30 = arith.constant 0 : i32
        %dma_wait3A_31 = arith.constant 0 : i32
        %dma_wait3A_32 = tpu.memref_slice %arg7[%dma_wait3A_30, %dma_wait3A_31] : memref<10240x128xf32, #tpu.memory_space<vmem_shared>> -> memref<10240x128xf32, #tpu.memory_space<vmem_shared>>
        tpu.wait_indirect_dma semaphore(%run_scoped3A : memref<!tpu.dma_semaphore, #tpu.memory_space<semaphore_mem>>) src(%arg6 : memref<128x128xf32, #tpu.memory_space<vmem>>) dst(%dma_wait3A_32 : memref<10240x128xf32, #tpu.memory_space<vmem_shared>>)
        tpu.yield
      }) : () -> ()
    }
    %scan3A_16 = arith.constant 80 : i32
    %barrier3A_17 = arith.constant 0 : index
    tpu.barrier barrier_id(%barrier3A_17)
    %mul3A_18 = arith.constant 640 : i32
    %mul3A_19 = arith.muli %arg1, %mul3A_18 : i32
    %mul3A_20 = arith.constant 640 : i32
    %mul3A_21 = arith.muli %arg1, %mul3A_20 : i32
    "tpu.region"() ({
      %run_scoped3A = tpu.sem_alloc : memref<!tpu.dma_semaphore, #tpu.memory_space<semaphore_mem>>
      %dma_start3A = arith.constant 0 : i32
      %dma_start3A_22 = tpu.memref_slice %arg4[%arg0, %mul3A_21, %dma_start3A] : memref<2x10240x128xf32, #tpu.memory_space<hbm>> -> memref<1x640x128xf32, #tpu.memory_space<hbm>>
      %dma_start3A_23 = tpu.memref_squeeze %dma_start3A_22 : memref<1x640x128xf32, #tpu.memory_space<hbm>> -> memref<640x128xf32, #tpu.memory_space<hbm>>
      %dma_start3A_24 = arith.constant 0 : i32
      %dma_start3A_25 = tpu.memref_slice %arg7[%mul3A_19, %dma_start3A_24] : memref<10240x128xf32, #tpu.memory_space<vmem_shared>> -> memref<640x128xf32, #tpu.memory_space<vmem_shared>>
      tpu.enqueue_dma source(%dma_start3A_25 : memref<640x128xf32, #tpu.memory_space<vmem_shared>>) target(%dma_start3A_23 : memref<640x128xf32, #tpu.memory_space<hbm>>) target_semaphore(%run_scoped3A : memref<!tpu.dma_semaphore, #tpu.memory_space<semaphore_mem>>)
      %dma_wait3A = arith.constant 0 : i32
      %dma_wait3A_26 = tpu.memref_slice %arg4[%arg0, %mul3A_21, %dma_wait3A] : memref<2x10240x128xf32, #tpu.memory_space<hbm>> -> memref<1x640x128xf32, #tpu.memory_space<hbm>>
      %dma_wait3A_27 = tpu.memref_squeeze %dma_wait3A_26 : memref<1x640x128xf32, #tpu.memory_space<hbm>> -> memref<640x128xf32, #tpu.memory_space<hbm>>
      %dma_wait3A_28 = arith.constant 0 : i32
      %dma_wait3A_29 = tpu.memref_slice %arg7[%mul3A_19, %dma_wait3A_28] : memref<10240x128xf32, #tpu.memory_space<vmem_shared>> -> memref<640x128xf32, #tpu.memory_space<vmem_shared>>
      tpu.wait_dma2 semaphore(%run_scoped3A : memref<!tpu.dma_semaphore, #tpu.memory_space<semaphore_mem>>) src(%dma_wait3A_29 : memref<640x128xf32, #tpu.memory_space<vmem_shared>>) dst(%dma_wait3A_27 : memref<640x128xf32, #tpu.memory_space<hbm>>)
      tpu.yield
    }) : () -> ()
    return
  }
}

#map = affine_map<(d0, d1) -> (0, 0)>
#map1 = affine_map<(d0, d1) -> (0, 0, 0)>
module attributes {stable_mosaic.version = 14 : i64} {
  func.func @_seg_sum_body(%arg0: i32, %arg1: i32, %arg2: memref<10000x128xf32, #tpu.memory_space<hbm>>, %arg3: memref<64x40x128xi32, #tpu.memory_space<hbm>>, %arg4: memref<64x40x128xi32, #tpu.memory_space<hbm>>, %arg5: memref<10240x128xf32, #tpu.memory_space<hbm>>, %arg6: memref<2x10240x128xf32, #tpu.memory_space<hbm>>, %arg7: memref<40x128xi32, #tpu.memory_space<vmem>>, %arg8: memref<40x128xi32, #tpu.memory_space<vmem>>, %arg9: memref<128x128xf32, #tpu.memory_space<vmem>>, %arg10: memref<128x128xf32, #tpu.memory_space<vmem>>, %arg11: memref<10240x128xf32, #tpu.memory_space<vmem_shared>>, %arg12: memref<!tpu.dma_semaphore, #tpu.memory_space<semaphore_mem>>, %arg13: memref<!tpu.dma_semaphore, #tpu.memory_space<semaphore_mem>>) attributes {dimension_semantics = [#tpu.dimension_semantics<core_parallel>, #tpu.dimension_semantics<subcore_parallel>], iteration_bounds = array<i64: 2, 16>, scalar_prefetch = 0 : i64, scratch_operands = 7 : i64, tpu.core_type = #tpu.core_type<sc_vector_subcore>, window_params = [{transform_indices = #map}, {transform_indices = #map1}, {transform_indices = #map1}, {transform_indices = #map}, {transform_indices = #map1}]} {
    %mul3A = arith.constant 16 : i32
    %mul3A_0 = arith.muli %arg0, %mul3A : i32
    %add3A = arith.addi %mul3A_0, %arg1 : i32
    %mul3A_1 = arith.constant 640 : i32
    %mul3A_2 = arith.muli %arg1, %mul3A_1 : i32
    %mul3A_3 = arith.constant 640 : i32
    %mul3A_4 = arith.muli %arg1, %mul3A_3 : i32
    "tpu.region"() ({
      %run_scoped3A = tpu.sem_alloc : memref<!tpu.dma_semaphore, #tpu.memory_space<semaphore_mem>>
      %dma_start3A = arith.constant 0 : i32
      %dma_start3A_37 = tpu.memref_slice %arg11[%mul3A_4, %dma_start3A] : memref<10240x128xf32, #tpu.memory_space<vmem_shared>> -> memref<640x128xf32, #tpu.memory_space<vmem_shared>>
      %dma_start3A_38 = arith.constant 0 : i32
      %dma_start3A_39 = tpu.memref_slice %arg5[%mul3A_2, %dma_start3A_38] : memref<10240x128xf32, #tpu.memory_space<hbm>> -> memref<640x128xf32, #tpu.memory_space<hbm>>
      tpu.enqueue_dma source(%dma_start3A_39 : memref<640x128xf32, #tpu.memory_space<hbm>>) target(%dma_start3A_37 : memref<640x128xf32, #tpu.memory_space<vmem_shared>>) target_semaphore(%run_scoped3A : memref<!tpu.dma_semaphore, #tpu.memory_space<semaphore_mem>>)
      %dma_wait3A = arith.constant 0 : i32
      %dma_wait3A_40 = tpu.memref_slice %arg11[%mul3A_4, %dma_wait3A] : memref<10240x128xf32, #tpu.memory_space<vmem_shared>> -> memref<640x128xf32, #tpu.memory_space<vmem_shared>>
      %dma_wait3A_41 = arith.constant 0 : i32
      %dma_wait3A_42 = tpu.memref_slice %arg5[%mul3A_2, %dma_wait3A_41] : memref<10240x128xf32, #tpu.memory_space<hbm>> -> memref<640x128xf32, #tpu.memory_space<hbm>>
      tpu.wait_dma2 semaphore(%run_scoped3A : memref<!tpu.dma_semaphore, #tpu.memory_space<semaphore_mem>>) src(%dma_wait3A_42 : memref<640x128xf32, #tpu.memory_space<hbm>>) dst(%dma_wait3A_40 : memref<640x128xf32, #tpu.memory_space<vmem_shared>>)
      tpu.yield
    }) : () -> ()
    %barrier3A = arith.constant 0 : index
    tpu.barrier barrier_id(%barrier3A)
    %mul3A_5 = arith.constant 2 : i32
    %mul3A_6 = arith.muli %mul3A_5, %add3A : i32
    %add3A_7 = arith.constant 0 : i32
    %add3A_8 = arith.addi %mul3A_6, %add3A_7 : i32
    "tpu.region"() ({
      %run_scoped3A = tpu.sem_alloc : memref<!tpu.dma_semaphore, #tpu.memory_space<semaphore_mem>>
      %dma_start3A = arith.constant 0 : i32
      %dma_start3A_37 = arith.constant 0 : i32
      %dma_start3A_38 = tpu.memref_slice %arg3[%add3A_8, %dma_start3A, %dma_start3A_37] : memref<64x40x128xi32, #tpu.memory_space<hbm>> -> memref<1x40x128xi32, #tpu.memory_space<hbm>>
      %dma_start3A_39 = tpu.memref_squeeze %dma_start3A_38 : memref<1x40x128xi32, #tpu.memory_space<hbm>> -> memref<40x128xi32, #tpu.memory_space<hbm>>
      %dma_start3A_40 = arith.constant 0 : i32
      %dma_start3A_41 = arith.constant 0 : i32
      %dma_start3A_42 = tpu.memref_slice %arg3[%add3A_8, %dma_start3A_40, %dma_start3A_41] : memref<64x40x128xi32, #tpu.memory_space<hbm>> -> memref<1x40x128xi32, #tpu.memory_space<hbm>>
      %dma_start3A_43 = tpu.memref_squeeze %dma_start3A_42 : memref<1x40x128xi32, #tpu.memory_space<hbm>> -> memref<40x128xi32, #tpu.memory_space<hbm>>
      tpu.enqueue_dma source(%dma_start3A_43 : memref<40x128xi32, #tpu.memory_space<hbm>>) target(%arg7 : memref<40x128xi32, #tpu.memory_space<vmem>>) target_semaphore(%run_scoped3A : memref<!tpu.dma_semaphore, #tpu.memory_space<semaphore_mem>>)
      %dma_wait3A = arith.constant 0 : i32
      %dma_wait3A_44 = arith.constant 0 : i32
      %dma_wait3A_45 = tpu.memref_slice %arg3[%add3A_8, %dma_wait3A, %dma_wait3A_44] : memref<64x40x128xi32, #tpu.memory_space<hbm>> -> memref<1x40x128xi32, #tpu.memory_space<hbm>>
      %dma_wait3A_46 = tpu.memref_squeeze %dma_wait3A_45 : memref<1x40x128xi32, #tpu.memory_space<hbm>> -> memref<40x128xi32, #tpu.memory_space<hbm>>
      %dma_wait3A_47 = arith.constant 0 : i32
      %dma_wait3A_48 = arith.constant 0 : i32
      %dma_wait3A_49 = tpu.memref_slice %arg3[%add3A_8, %dma_wait3A_47, %dma_wait3A_48] : memref<64x40x128xi32, #tpu.memory_space<hbm>> -> memref<1x40x128xi32, #tpu.memory_space<hbm>>
      %dma_wait3A_50 = tpu.memref_squeeze %dma_wait3A_49 : memref<1x40x128xi32, #tpu.memory_space<hbm>> -> memref<40x128xi32, #tpu.memory_space<hbm>>
      tpu.wait_dma2 semaphore(%run_scoped3A : memref<!tpu.dma_semaphore, #tpu.memory_space<semaphore_mem>>) src(%dma_wait3A_50 : memref<40x128xi32, #tpu.memory_space<hbm>>) dst(%arg7 : memref<40x128xi32, #tpu.memory_space<vmem>>)
      tpu.yield
    }) : () -> ()
    %mul3A_9 = arith.constant 2 : i32
    %mul3A_10 = arith.muli %mul3A_9, %add3A : i32
    %add3A_11 = arith.constant 0 : i32
    %add3A_12 = arith.addi %mul3A_10, %add3A_11 : i32
    "tpu.region"() ({
      %run_scoped3A = tpu.sem_alloc : memref<!tpu.dma_semaphore, #tpu.memory_space<semaphore_mem>>
      %dma_start3A = arith.constant 0 : i32
      %dma_start3A_37 = arith.constant 0 : i32
      %dma_start3A_38 = tpu.memref_slice %arg4[%add3A_12, %dma_start3A, %dma_start3A_37] : memref<64x40x128xi32, #tpu.memory_space<hbm>> -> memref<1x40x128xi32, #tpu.memory_space<hbm>>
      %dma_start3A_39 = tpu.memref_squeeze %dma_start3A_38 : memref<1x40x128xi32, #tpu.memory_space<hbm>> -> memref<40x128xi32, #tpu.memory_space<hbm>>
      %dma_start3A_40 = arith.constant 0 : i32
      %dma_start3A_41 = arith.constant 0 : i32
      %dma_start3A_42 = tpu.memref_slice %arg4[%add3A_12, %dma_start3A_40, %dma_start3A_41] : memref<64x40x128xi32, #tpu.memory_space<hbm>> -> memref<1x40x128xi32, #tpu.memory_space<hbm>>
      %dma_start3A_43 = tpu.memref_squeeze %dma_start3A_42 : memref<1x40x128xi32, #tpu.memory_space<hbm>> -> memref<40x128xi32, #tpu.memory_space<hbm>>
      tpu.enqueue_dma source(%dma_start3A_43 : memref<40x128xi32, #tpu.memory_space<hbm>>) target(%arg8 : memref<40x128xi32, #tpu.memory_space<vmem>>) target_semaphore(%run_scoped3A : memref<!tpu.dma_semaphore, #tpu.memory_space<semaphore_mem>>)
      %dma_wait3A = arith.constant 0 : i32
      %dma_wait3A_44 = arith.constant 0 : i32
      %dma_wait3A_45 = tpu.memref_slice %arg4[%add3A_12, %dma_wait3A, %dma_wait3A_44] : memref<64x40x128xi32, #tpu.memory_space<hbm>> -> memref<1x40x128xi32, #tpu.memory_space<hbm>>
      %dma_wait3A_46 = tpu.memref_squeeze %dma_wait3A_45 : memref<1x40x128xi32, #tpu.memory_space<hbm>> -> memref<40x128xi32, #tpu.memory_space<hbm>>
      %dma_wait3A_47 = arith.constant 0 : i32
      %dma_wait3A_48 = arith.constant 0 : i32
      %dma_wait3A_49 = tpu.memref_slice %arg4[%add3A_12, %dma_wait3A_47, %dma_wait3A_48] : memref<64x40x128xi32, #tpu.memory_space<hbm>> -> memref<1x40x128xi32, #tpu.memory_space<hbm>>
      %dma_wait3A_50 = tpu.memref_squeeze %dma_wait3A_49 : memref<1x40x128xi32, #tpu.memory_space<hbm>> -> memref<40x128xi32, #tpu.memory_space<hbm>>
      tpu.wait_dma2 semaphore(%run_scoped3A : memref<!tpu.dma_semaphore, #tpu.memory_space<semaphore_mem>>) src(%dma_wait3A_50 : memref<40x128xi32, #tpu.memory_space<hbm>>) dst(%arg8 : memref<40x128xi32, #tpu.memory_space<vmem>>)
      tpu.yield
    }) : () -> ()
    %scan3A = arith.constant 0 : i32
    %scan3A_13 = arith.constant 0 : i32
    %scan3A_14 = arith.constant 20 : i32
    %scan3A_15 = arith.addi %scan3A_13, %scan3A_14 : i32
    %scan3A_16 = arith.constant 1 : i32
    scf.for %scan3A_37 = %scan3A_13 to %scan3A_15 step %scan3A_16  : i32 {
      %mul3A_38 = arith.constant 2 : i32
      %mul3A_39 = arith.muli %mul3A_38, %scan3A_37 : i32
      %dma_start3A = arith.constant 0 : i32
      %dma_start3A_40 = tpu.memref_slice %arg7[%mul3A_39, %dma_start3A] : memref<40x128xi32, #tpu.memory_space<vmem>> -> memref<1x128xi32, #tpu.memory_space<vmem>>
      %dma_start3A_41 = tpu.memref_squeeze %dma_start3A_40 : memref<1x128xi32, #tpu.memory_space<vmem>> -> memref<128xi32, #tpu.memory_space<vmem>>
      %dma_start3A_42 = arith.constant 0 : i32
      %dma_start3A_43 = arith.constant 0 : i32
      %dma_start3A_44 = tpu.memref_slice %arg2[%dma_start3A_42, %dma_start3A_43] : memref<10000x128xf32, #tpu.memory_space<hbm>> -> memref<10000x128xf32, #tpu.memory_space<hbm>>
      tpu.enqueue_indirect_dma source(%dma_start3A_44 : memref<10000x128xf32, #tpu.memory_space<hbm>>) target(%arg9 : memref<128x128xf32, #tpu.memory_space<vmem>>) offsets(%dma_start3A_41 : memref<128xi32, #tpu.memory_space<vmem>>) semaphore(%arg12 : memref<!tpu.dma_semaphore, #tpu.memory_space<semaphore_mem>>)
      %add3A_45 = arith.constant 1 : i32
      %add3A_46 = arith.addi %mul3A_39, %add3A_45 : i32
      %dma_start3A_47 = arith.constant 0 : i32
      %dma_start3A_48 = tpu.memref_slice %arg7[%add3A_46, %dma_start3A_47] : memref<40x128xi32, #tpu.memory_space<vmem>> -> memref<1x128xi32, #tpu.memory_space<vmem>>
      %dma_start3A_49 = tpu.memref_squeeze %dma_start3A_48 : memref<1x128xi32, #tpu.memory_space<vmem>> -> memref<128xi32, #tpu.memory_space<vmem>>
      %dma_start3A_50 = arith.constant 0 : i32
      %dma_start3A_51 = arith.constant 0 : i32
      %dma_start3A_52 = tpu.memref_slice %arg2[%dma_start3A_50, %dma_start3A_51] : memref<10000x128xf32, #tpu.memory_space<hbm>> -> memref<10000x128xf32, #tpu.memory_space<hbm>>
      tpu.enqueue_indirect_dma source(%dma_start3A_52 : memref<10000x128xf32, #tpu.memory_space<hbm>>) target(%arg10 : memref<128x128xf32, #tpu.memory_space<vmem>>) offsets(%dma_start3A_49 : memref<128xi32, #tpu.memory_space<vmem>>) semaphore(%arg13 : memref<!tpu.dma_semaphore, #tpu.memory_space<semaphore_mem>>)
      %dma_wait3A = arith.constant 0 : i32
      %dma_wait3A_53 = tpu.memref_slice %arg7[%mul3A_39, %dma_wait3A] : memref<40x128xi32, #tpu.memory_space<vmem>> -> memref<1x128xi32, #tpu.memory_space<vmem>>
      %dma_wait3A_54 = tpu.memref_squeeze %dma_wait3A_53 : memref<1x128xi32, #tpu.memory_space<vmem>> -> memref<128xi32, #tpu.memory_space<vmem>>
      %dma_wait3A_55 = arith.constant 0 : i32
      %dma_wait3A_56 = arith.constant 0 : i32
      %dma_wait3A_57 = tpu.memref_slice %arg2[%dma_wait3A_55, %dma_wait3A_56] : memref<10000x128xf32, #tpu.memory_space<hbm>> -> memref<10000x128xf32, #tpu.memory_space<hbm>>
      tpu.wait_indirect_dma semaphore(%arg12 : memref<!tpu.dma_semaphore, #tpu.memory_space<semaphore_mem>>) src(%dma_wait3A_57 : memref<10000x128xf32, #tpu.memory_space<hbm>>) dst(%arg9 : memref<128x128xf32, #tpu.memory_space<vmem>>)
      "tpu.region"() ({
        %run_scoped3A = tpu.sem_alloc : memref<!tpu.dma_semaphore, #tpu.memory_space<semaphore_mem>>
        %dma_start3A_66 = arith.constant 0 : i32
        %dma_start3A_67 = tpu.memref_slice %arg8[%mul3A_39, %dma_start3A_66] : memref<40x128xi32, #tpu.memory_space<vmem>> -> memref<1x128xi32, #tpu.memory_space<vmem>>
        %dma_start3A_68 = tpu.memref_squeeze %dma_start3A_67 : memref<1x128xi32, #tpu.memory_space<vmem>> -> memref<128xi32, #tpu.memory_space<vmem>>
        %dma_start3A_69 = arith.constant 0 : i32
        %dma_start3A_70 = arith.constant 0 : i32
        %dma_start3A_71 = tpu.memref_slice %arg11[%dma_start3A_69, %dma_start3A_70] : memref<10240x128xf32, #tpu.memory_space<vmem_shared>> -> memref<10240x128xf32, #tpu.memory_space<vmem_shared>>
        tpu.enqueue_indirect_dma source(%arg9 : memref<128x128xf32, #tpu.memory_space<vmem>>) target(%dma_start3A_71 : memref<10240x128xf32, #tpu.memory_space<vmem_shared>>) offsets(%dma_start3A_68 : memref<128xi32, #tpu.memory_space<vmem>>) semaphore(%run_scoped3A : memref<!tpu.dma_semaphore, #tpu.memory_space<semaphore_mem>>) {add = true}
        %dma_wait3A_72 = arith.constant 0 : i32
        %dma_wait3A_73 = tpu.memref_slice %arg8[%mul3A_39, %dma_wait3A_72] : memref<40x128xi32, #tpu.memory_space<vmem>> -> memref<1x128xi32, #tpu.memory_space<vmem>>
        %dma_wait3A_74 = tpu.memref_squeeze %dma_wait3A_73 : memref<1x128xi32, #tpu.memory_space<vmem>> -> memref<128xi32, #tpu.memory_space<vmem>>
        %dma_wait3A_75 = arith.constant 0 : i32
        %dma_wait3A_76 = arith.constant 0 : i32
        %dma_wait3A_77 = tpu.memref_slice %arg11[%dma_wait3A_75, %dma_wait3A_76] : memref<10240x128xf32, #tpu.memory_space<vmem_shared>> -> memref<10240x128xf32, #tpu.memory_space<vmem_shared>>
        tpu.wait_indirect_dma semaphore(%run_scoped3A : memref<!tpu.dma_semaphore, #tpu.memory_space<semaphore_mem>>) src(%arg9 : memref<128x128xf32, #tpu.memory_space<vmem>>) dst(%dma_wait3A_77 : memref<10240x128xf32, #tpu.memory_space<vmem_shared>>)
        tpu.yield
      }) : () -> ()
      %dma_wait3A_58 = arith.constant 0 : i32
      %dma_wait3A_59 = tpu.memref_slice %arg7[%add3A_46, %dma_wait3A_58] : memref<40x128xi32, #tpu.memory_space<vmem>> -> memref<1x128xi32, #tpu.memory_space<vmem>>
      %dma_wait3A_60 = tpu.memref_squeeze %dma_wait3A_59 : memref<1x128xi32, #tpu.memory_space<vmem>> -> memref<128xi32, #tpu.memory_space<vmem>>
      %dma_wait3A_61 = arith.constant 0 : i32
      %dma_wait3A_62 = arith.constant 0 : i32
      %dma_wait3A_63 = tpu.memref_slice %arg2[%dma_wait3A_61, %dma_wait3A_62] : memref<10000x128xf32, #tpu.memory_space<hbm>> -> memref<10000x128xf32, #tpu.memory_space<hbm>>
      tpu.wait_indirect_dma semaphore(%arg13 : memref<!tpu.dma_semaphore, #tpu.memory_space<semaphore_mem>>) src(%dma_wait3A_63 : memref<10000x128xf32, #tpu.memory_space<hbm>>) dst(%arg10 : memref<128x128xf32, #tpu.memory_space<vmem>>)
      %add3A_64 = arith.constant 1 : i32
      %add3A_65 = arith.addi %mul3A_39, %add3A_64 : i32
      "tpu.region"() ({
        %run_scoped3A = tpu.sem_alloc : memref<!tpu.dma_semaphore, #tpu.memory_space<semaphore_mem>>
        %dma_start3A_66 = arith.constant 0 : i32
        %dma_start3A_67 = tpu.memref_slice %arg8[%add3A_65, %dma_start3A_66] : memref<40x128xi32, #tpu.memory_space<vmem>> -> memref<1x128xi32, #tpu.memory_space<vmem>>
        %dma_start3A_68 = tpu.memref_squeeze %dma_start3A_67 : memref<1x128xi32, #tpu.memory_space<vmem>> -> memref<128xi32, #tpu.memory_space<vmem>>
        %dma_start3A_69 = arith.constant 0 : i32
        %dma_start3A_70 = arith.constant 0 : i32
        %dma_start3A_71 = tpu.memref_slice %arg11[%dma_start3A_69, %dma_start3A_70] : memref<10240x128xf32, #tpu.memory_space<vmem_shared>> -> memref<10240x128xf32, #tpu.memory_space<vmem_shared>>
        tpu.enqueue_indirect_dma source(%arg10 : memref<128x128xf32, #tpu.memory_space<vmem>>) target(%dma_start3A_71 : memref<10240x128xf32, #tpu.memory_space<vmem_shared>>) offsets(%dma_start3A_68 : memref<128xi32, #tpu.memory_space<vmem>>) semaphore(%run_scoped3A : memref<!tpu.dma_semaphore, #tpu.memory_space<semaphore_mem>>) {add = true}
        %dma_wait3A_72 = arith.constant 0 : i32
        %dma_wait3A_73 = tpu.memref_slice %arg8[%add3A_65, %dma_wait3A_72] : memref<40x128xi32, #tpu.memory_space<vmem>> -> memref<1x128xi32, #tpu.memory_space<vmem>>
        %dma_wait3A_74 = tpu.memref_squeeze %dma_wait3A_73 : memref<1x128xi32, #tpu.memory_space<vmem>> -> memref<128xi32, #tpu.memory_space<vmem>>
        %dma_wait3A_75 = arith.constant 0 : i32
        %dma_wait3A_76 = arith.constant 0 : i32
        %dma_wait3A_77 = tpu.memref_slice %arg11[%dma_wait3A_75, %dma_wait3A_76] : memref<10240x128xf32, #tpu.memory_space<vmem_shared>> -> memref<10240x128xf32, #tpu.memory_space<vmem_shared>>
        tpu.wait_indirect_dma semaphore(%run_scoped3A : memref<!tpu.dma_semaphore, #tpu.memory_space<semaphore_mem>>) src(%arg10 : memref<128x128xf32, #tpu.memory_space<vmem>>) dst(%dma_wait3A_77 : memref<10240x128xf32, #tpu.memory_space<vmem_shared>>)
        tpu.yield
      }) : () -> ()
    }
    %scan3A_17 = arith.constant 20 : i32
    %mul3A_18 = arith.constant 2 : i32
    %mul3A_19 = arith.muli %mul3A_18, %add3A : i32
    %add3A_20 = arith.constant 1 : i32
    %add3A_21 = arith.addi %mul3A_19, %add3A_20 : i32
    "tpu.region"() ({
      %run_scoped3A = tpu.sem_alloc : memref<!tpu.dma_semaphore, #tpu.memory_space<semaphore_mem>>
      %dma_start3A = arith.constant 0 : i32
      %dma_start3A_37 = arith.constant 0 : i32
      %dma_start3A_38 = tpu.memref_slice %arg3[%add3A_21, %dma_start3A, %dma_start3A_37] : memref<64x40x128xi32, #tpu.memory_space<hbm>> -> memref<1x40x128xi32, #tpu.memory_space<hbm>>
      %dma_start3A_39 = tpu.memref_squeeze %dma_start3A_38 : memref<1x40x128xi32, #tpu.memory_space<hbm>> -> memref<40x128xi32, #tpu.memory_space<hbm>>
      %dma_start3A_40 = arith.constant 0 : i32
      %dma_start3A_41 = arith.constant 0 : i32
      %dma_start3A_42 = tpu.memref_slice %arg3[%add3A_21, %dma_start3A_40, %dma_start3A_41] : memref<64x40x128xi32, #tpu.memory_space<hbm>> -> memref<1x40x128xi32, #tpu.memory_space<hbm>>
      %dma_start3A_43 = tpu.memref_squeeze %dma_start3A_42 : memref<1x40x128xi32, #tpu.memory_space<hbm>> -> memref<40x128xi32, #tpu.memory_space<hbm>>
      tpu.enqueue_dma source(%dma_start3A_43 : memref<40x128xi32, #tpu.memory_space<hbm>>) target(%arg7 : memref<40x128xi32, #tpu.memory_space<vmem>>) target_semaphore(%run_scoped3A : memref<!tpu.dma_semaphore, #tpu.memory_space<semaphore_mem>>)
      %dma_wait3A = arith.constant 0 : i32
      %dma_wait3A_44 = arith.constant 0 : i32
      %dma_wait3A_45 = tpu.memref_slice %arg3[%add3A_21, %dma_wait3A, %dma_wait3A_44] : memref<64x40x128xi32, #tpu.memory_space<hbm>> -> memref<1x40x128xi32, #tpu.memory_space<hbm>>
      %dma_wait3A_46 = tpu.memref_squeeze %dma_wait3A_45 : memref<1x40x128xi32, #tpu.memory_space<hbm>> -> memref<40x128xi32, #tpu.memory_space<hbm>>
      %dma_wait3A_47 = arith.constant 0 : i32
      %dma_wait3A_48 = arith.constant 0 : i32
      %dma_wait3A_49 = tpu.memref_slice %arg3[%add3A_21, %dma_wait3A_47, %dma_wait3A_48] : memref<64x40x128xi32, #tpu.memory_space<hbm>> -> memref<1x40x128xi32, #tpu.memory_space<hbm>>
      %dma_wait3A_50 = tpu.memref_squeeze %dma_wait3A_49 : memref<1x40x128xi32, #tpu.memory_space<hbm>> -> memref<40x128xi32, #tpu.memory_space<hbm>>
      tpu.wait_dma2 semaphore(%run_scoped3A : memref<!tpu.dma_semaphore, #tpu.memory_space<semaphore_mem>>) src(%dma_wait3A_50 : memref<40x128xi32, #tpu.memory_space<hbm>>) dst(%arg7 : memref<40x128xi32, #tpu.memory_space<vmem>>)
      tpu.yield
    }) : () -> ()
    %mul3A_22 = arith.constant 2 : i32
    %mul3A_23 = arith.muli %mul3A_22, %add3A : i32
    %add3A_24 = arith.constant 1 : i32
    %add3A_25 = arith.addi %mul3A_23, %add3A_24 : i32
    "tpu.region"() ({
      %run_scoped3A = tpu.sem_alloc : memref<!tpu.dma_semaphore, #tpu.memory_space<semaphore_mem>>
      %dma_start3A = arith.constant 0 : i32
      %dma_start3A_37 = arith.constant 0 : i32
      %dma_start3A_38 = tpu.memref_slice %arg4[%add3A_25, %dma_start3A, %dma_start3A_37] : memref<64x40x128xi32, #tpu.memory_space<hbm>> -> memref<1x40x128xi32, #tpu.memory_space<hbm>>
      %dma_start3A_39 = tpu.memref_squeeze %dma_start3A_38 : memref<1x40x128xi32, #tpu.memory_space<hbm>> -> memref<40x128xi32, #tpu.memory_space<hbm>>
      %dma_start3A_40 = arith.constant 0 : i32
      %dma_start3A_41 = arith.constant 0 : i32
      %dma_start3A_42 = tpu.memref_slice %arg4[%add3A_25, %dma_start3A_40, %dma_start3A_41] : memref<64x40x128xi32, #tpu.memory_space<hbm>> -> memref<1x40x128xi32, #tpu.memory_space<hbm>>
      %dma_start3A_43 = tpu.memref_squeeze %dma_start3A_42 : memref<1x40x128xi32, #tpu.memory_space<hbm>> -> memref<40x128xi32, #tpu.memory_space<hbm>>
      tpu.enqueue_dma source(%dma_start3A_43 : memref<40x128xi32, #tpu.memory_space<hbm>>) target(%arg8 : memref<40x128xi32, #tpu.memory_space<vmem>>) target_semaphore(%run_scoped3A : memref<!tpu.dma_semaphore, #tpu.memory_space<semaphore_mem>>)
      %dma_wait3A = arith.constant 0 : i32
      %dma_wait3A_44 = arith.constant 0 : i32
      %dma_wait3A_45 = tpu.memref_slice %arg4[%add3A_25, %dma_wait3A, %dma_wait3A_44] : memref<64x40x128xi32, #tpu.memory_space<hbm>> -> memref<1x40x128xi32, #tpu.memory_space<hbm>>
      %dma_wait3A_46 = tpu.memref_squeeze %dma_wait3A_45 : memref<1x40x128xi32, #tpu.memory_space<hbm>> -> memref<40x128xi32, #tpu.memory_space<hbm>>
      %dma_wait3A_47 = arith.constant 0 : i32
      %dma_wait3A_48 = arith.constant 0 : i32
      %dma_wait3A_49 = tpu.memref_slice %arg4[%add3A_25, %dma_wait3A_47, %dma_wait3A_48] : memref<64x40x128xi32, #tpu.memory_space<hbm>> -> memref<1x40x128xi32, #tpu.memory_space<hbm>>
      %dma_wait3A_50 = tpu.memref_squeeze %dma_wait3A_49 : memref<1x40x128xi32, #tpu.memory_space<hbm>> -> memref<40x128xi32, #tpu.memory_space<hbm>>
      tpu.wait_dma2 semaphore(%run_scoped3A : memref<!tpu.dma_semaphore, #tpu.memory_space<semaphore_mem>>) src(%dma_wait3A_50 : memref<40x128xi32, #tpu.memory_space<hbm>>) dst(%arg8 : memref<40x128xi32, #tpu.memory_space<vmem>>)
      tpu.yield
    }) : () -> ()
    %scan3A_26 = arith.constant 0 : i32
    %scan3A_27 = arith.constant 0 : i32
    %scan3A_28 = arith.constant 20 : i32
    %scan3A_29 = arith.addi %scan3A_27, %scan3A_28 : i32
    %scan3A_30 = arith.constant 1 : i32
    scf.for %scan3A_37 = %scan3A_27 to %scan3A_29 step %scan3A_30  : i32 {
      %mul3A_38 = arith.constant 2 : i32
      %mul3A_39 = arith.muli %mul3A_38, %scan3A_37 : i32
      %dma_start3A = arith.constant 0 : i32
      %dma_start3A_40 = tpu.memref_slice %arg7[%mul3A_39, %dma_start3A] : memref<40x128xi32, #tpu.memory_space<vmem>> -> memref<1x128xi32, #tpu.memory_space<vmem>>
      %dma_start3A_41 = tpu.memref_squeeze %dma_start3A_40 : memref<1x128xi32, #tpu.memory_space<vmem>> -> memref<128xi32, #tpu.memory_space<vmem>>
      %dma_start3A_42 = arith.constant 0 : i32
      %dma_start3A_43 = arith.constant 0 : i32
      %dma_start3A_44 = tpu.memref_slice %arg2[%dma_start3A_42, %dma_start3A_43] : memref<10000x128xf32, #tpu.memory_space<hbm>> -> memref<10000x128xf32, #tpu.memory_space<hbm>>
      tpu.enqueue_indirect_dma source(%dma_start3A_44 : memref<10000x128xf32, #tpu.memory_space<hbm>>) target(%arg9 : memref<128x128xf32, #tpu.memory_space<vmem>>) offsets(%dma_start3A_41 : memref<128xi32, #tpu.memory_space<vmem>>) semaphore(%arg12 : memref<!tpu.dma_semaphore, #tpu.memory_space<semaphore_mem>>)
      %add3A_45 = arith.constant 1 : i32
      %add3A_46 = arith.addi %mul3A_39, %add3A_45 : i32
      %dma_start3A_47 = arith.constant 0 : i32
      %dma_start3A_48 = tpu.memref_slice %arg7[%add3A_46, %dma_start3A_47] : memref<40x128xi32, #tpu.memory_space<vmem>> -> memref<1x128xi32, #tpu.memory_space<vmem>>
      %dma_start3A_49 = tpu.memref_squeeze %dma_start3A_48 : memref<1x128xi32, #tpu.memory_space<vmem>> -> memref<128xi32, #tpu.memory_space<vmem>>
      %dma_start3A_50 = arith.constant 0 : i32
      %dma_start3A_51 = arith.constant 0 : i32
      %dma_start3A_52 = tpu.memref_slice %arg2[%dma_start3A_50, %dma_start3A_51] : memref<10000x128xf32, #tpu.memory_space<hbm>> -> memref<10000x128xf32, #tpu.memory_space<hbm>>
      tpu.enqueue_indirect_dma source(%dma_start3A_52 : memref<10000x128xf32, #tpu.memory_space<hbm>>) target(%arg10 : memref<128x128xf32, #tpu.memory_space<vmem>>) offsets(%dma_start3A_49 : memref<128xi32, #tpu.memory_space<vmem>>) semaphore(%arg13 : memref<!tpu.dma_semaphore, #tpu.memory_space<semaphore_mem>>)
      %dma_wait3A = arith.constant 0 : i32
      %dma_wait3A_53 = tpu.memref_slice %arg7[%mul3A_39, %dma_wait3A] : memref<40x128xi32, #tpu.memory_space<vmem>> -> memref<1x128xi32, #tpu.memory_space<vmem>>
      %dma_wait3A_54 = tpu.memref_squeeze %dma_wait3A_53 : memref<1x128xi32, #tpu.memory_space<vmem>> -> memref<128xi32, #tpu.memory_space<vmem>>
      %dma_wait3A_55 = arith.constant 0 : i32
      %dma_wait3A_56 = arith.constant 0 : i32
      %dma_wait3A_57 = tpu.memref_slice %arg2[%dma_wait3A_55, %dma_wait3A_56] : memref<10000x128xf32, #tpu.memory_space<hbm>> -> memref<10000x128xf32, #tpu.memory_space<hbm>>
      tpu.wait_indirect_dma semaphore(%arg12 : memref<!tpu.dma_semaphore, #tpu.memory_space<semaphore_mem>>) src(%dma_wait3A_57 : memref<10000x128xf32, #tpu.memory_space<hbm>>) dst(%arg9 : memref<128x128xf32, #tpu.memory_space<vmem>>)
      "tpu.region"() ({
        %run_scoped3A = tpu.sem_alloc : memref<!tpu.dma_semaphore, #tpu.memory_space<semaphore_mem>>
        %dma_start3A_66 = arith.constant 0 : i32
        %dma_start3A_67 = tpu.memref_slice %arg8[%mul3A_39, %dma_start3A_66] : memref<40x128xi32, #tpu.memory_space<vmem>> -> memref<1x128xi32, #tpu.memory_space<vmem>>
        %dma_start3A_68 = tpu.memref_squeeze %dma_start3A_67 : memref<1x128xi32, #tpu.memory_space<vmem>> -> memref<128xi32, #tpu.memory_space<vmem>>
        %dma_start3A_69 = arith.constant 0 : i32
        %dma_start3A_70 = arith.constant 0 : i32
        %dma_start3A_71 = tpu.memref_slice %arg11[%dma_start3A_69, %dma_start3A_70] : memref<10240x128xf32, #tpu.memory_space<vmem_shared>> -> memref<10240x128xf32, #tpu.memory_space<vmem_shared>>
        tpu.enqueue_indirect_dma source(%arg9 : memref<128x128xf32, #tpu.memory_space<vmem>>) target(%dma_start3A_71 : memref<10240x128xf32, #tpu.memory_space<vmem_shared>>) offsets(%dma_start3A_68 : memref<128xi32, #tpu.memory_space<vmem>>) semaphore(%run_scoped3A : memref<!tpu.dma_semaphore, #tpu.memory_space<semaphore_mem>>) {add = true}
        %dma_wait3A_72 = arith.constant 0 : i32
        %dma_wait3A_73 = tpu.memref_slice %arg8[%mul3A_39, %dma_wait3A_72] : memref<40x128xi32, #tpu.memory_space<vmem>> -> memref<1x128xi32, #tpu.memory_space<vmem>>
        %dma_wait3A_74 = tpu.memref_squeeze %dma_wait3A_73 : memref<1x128xi32, #tpu.memory_space<vmem>> -> memref<128xi32, #tpu.memory_space<vmem>>
        %dma_wait3A_75 = arith.constant 0 : i32
        %dma_wait3A_76 = arith.constant 0 : i32
        %dma_wait3A_77 = tpu.memref_slice %arg11[%dma_wait3A_75, %dma_wait3A_76] : memref<10240x128xf32, #tpu.memory_space<vmem_shared>> -> memref<10240x128xf32, #tpu.memory_space<vmem_shared>>
        tpu.wait_indirect_dma semaphore(%run_scoped3A : memref<!tpu.dma_semaphore, #tpu.memory_space<semaphore_mem>>) src(%arg9 : memref<128x128xf32, #tpu.memory_space<vmem>>) dst(%dma_wait3A_77 : memref<10240x128xf32, #tpu.memory_space<vmem_shared>>)
        tpu.yield
      }) : () -> ()
      %dma_wait3A_58 = arith.constant 0 : i32
      %dma_wait3A_59 = tpu.memref_slice %arg7[%add3A_46, %dma_wait3A_58] : memref<40x128xi32, #tpu.memory_space<vmem>> -> memref<1x128xi32, #tpu.memory_space<vmem>>
      %dma_wait3A_60 = tpu.memref_squeeze %dma_wait3A_59 : memref<1x128xi32, #tpu.memory_space<vmem>> -> memref<128xi32, #tpu.memory_space<vmem>>
      %dma_wait3A_61 = arith.constant 0 : i32
      %dma_wait3A_62 = arith.constant 0 : i32
      %dma_wait3A_63 = tpu.memref_slice %arg2[%dma_wait3A_61, %dma_wait3A_62] : memref<10000x128xf32, #tpu.memory_space<hbm>> -> memref<10000x128xf32, #tpu.memory_space<hbm>>
      tpu.wait_indirect_dma semaphore(%arg13 : memref<!tpu.dma_semaphore, #tpu.memory_space<semaphore_mem>>) src(%dma_wait3A_63 : memref<10000x128xf32, #tpu.memory_space<hbm>>) dst(%arg10 : memref<128x128xf32, #tpu.memory_space<vmem>>)
      %add3A_64 = arith.constant 1 : i32
      %add3A_65 = arith.addi %mul3A_39, %add3A_64 : i32
      "tpu.region"() ({
        %run_scoped3A = tpu.sem_alloc : memref<!tpu.dma_semaphore, #tpu.memory_space<semaphore_mem>>
        %dma_start3A_66 = arith.constant 0 : i32
        %dma_start3A_67 = tpu.memref_slice %arg8[%add3A_65, %dma_start3A_66] : memref<40x128xi32, #tpu.memory_space<vmem>> -> memref<1x128xi32, #tpu.memory_space<vmem>>
        %dma_start3A_68 = tpu.memref_squeeze %dma_start3A_67 : memref<1x128xi32, #tpu.memory_space<vmem>> -> memref<128xi32, #tpu.memory_space<vmem>>
        %dma_start3A_69 = arith.constant 0 : i32
        %dma_start3A_70 = arith.constant 0 : i32
        %dma_start3A_71 = tpu.memref_slice %arg11[%dma_start3A_69, %dma_start3A_70] : memref<10240x128xf32, #tpu.memory_space<vmem_shared>> -> memref<10240x128xf32, #tpu.memory_space<vmem_shared>>
        tpu.enqueue_indirect_dma source(%arg10 : memref<128x128xf32, #tpu.memory_space<vmem>>) target(%dma_start3A_71 : memref<10240x128xf32, #tpu.memory_space<vmem_shared>>) offsets(%dma_start3A_68 : memref<128xi32, #tpu.memory_space<vmem>>) semaphore(%run_scoped3A : memref<!tpu.dma_semaphore, #tpu.memory_space<semaphore_mem>>) {add = true}
        %dma_wait3A_72 = arith.constant 0 : i32
        %dma_wait3A_73 = tpu.memref_slice %arg8[%add3A_65, %dma_wait3A_72] : memref<40x128xi32, #tpu.memory_space<vmem>> -> memref<1x128xi32, #tpu.memory_space<vmem>>
        %dma_wait3A_74 = tpu.memref_squeeze %dma_wait3A_73 : memref<1x128xi32, #tpu.memory_space<vmem>> -> memref<128xi32, #tpu.memory_space<vmem>>
        %dma_wait3A_75 = arith.constant 0 : i32
        %dma_wait3A_76 = arith.constant 0 : i32
        %dma_wait3A_77 = tpu.memref_slice %arg11[%dma_wait3A_75, %dma_wait3A_76] : memref<10240x128xf32, #tpu.memory_space<vmem_shared>> -> memref<10240x128xf32, #tpu.memory_space<vmem_shared>>
        tpu.wait_indirect_dma semaphore(%run_scoped3A : memref<!tpu.dma_semaphore, #tpu.memory_space<semaphore_mem>>) src(%arg10 : memref<128x128xf32, #tpu.memory_space<vmem>>) dst(%dma_wait3A_77 : memref<10240x128xf32, #tpu.memory_space<vmem_shared>>)
        tpu.yield
      }) : () -> ()
    }
    %scan3A_31 = arith.constant 20 : i32
    %barrier3A_32 = arith.constant 0 : index
    tpu.barrier barrier_id(%barrier3A_32)
    %mul3A_33 = arith.constant 640 : i32
    %mul3A_34 = arith.muli %arg1, %mul3A_33 : i32
    %mul3A_35 = arith.constant 640 : i32
    %mul3A_36 = arith.muli %arg1, %mul3A_35 : i32
    "tpu.region"() ({
      %run_scoped3A = tpu.sem_alloc : memref<!tpu.dma_semaphore, #tpu.memory_space<semaphore_mem>>
      %dma_start3A = arith.constant 0 : i32
      %dma_start3A_37 = tpu.memref_slice %arg6[%arg0, %mul3A_36, %dma_start3A] : memref<2x10240x128xf32, #tpu.memory_space<hbm>> -> memref<1x640x128xf32, #tpu.memory_space<hbm>>
      %dma_start3A_38 = tpu.memref_squeeze %dma_start3A_37 : memref<1x640x128xf32, #tpu.memory_space<hbm>> -> memref<640x128xf32, #tpu.memory_space<hbm>>
      %dma_start3A_39 = arith.constant 0 : i32
      %dma_start3A_40 = tpu.memref_slice %arg11[%mul3A_34, %dma_start3A_39] : memref<10240x128xf32, #tpu.memory_space<vmem_shared>> -> memref<640x128xf32, #tpu.memory_space<vmem_shared>>
      tpu.enqueue_dma source(%dma_start3A_40 : memref<640x128xf32, #tpu.memory_space<vmem_shared>>) target(%dma_start3A_38 : memref<640x128xf32, #tpu.memory_space<hbm>>) target_semaphore(%run_scoped3A : memref<!tpu.dma_semaphore, #tpu.memory_space<semaphore_mem>>)
      %dma_wait3A = arith.constant 0 : i32
      %dma_wait3A_41 = tpu.memref_slice %arg6[%arg0, %mul3A_36, %dma_wait3A] : memref<2x10240x128xf32, #tpu.memory_space<hbm>> -> memref<1x640x128xf32, #tpu.memory_space<hbm>>
      %dma_wait3A_42 = tpu.memref_squeeze %dma_wait3A_41 : memref<1x640x128xf32, #tpu.memory_space<hbm>> -> memref<640x128xf32, #tpu.memory_space<hbm>>
      %dma_wait3A_43 = arith.constant 0 : i32
      %dma_wait3A_44 = tpu.memref_slice %arg11[%mul3A_34, %dma_wait3A_43] : memref<10240x128xf32, #tpu.memory_space<vmem_shared>> -> memref<640x128xf32, #tpu.memory_space<vmem_shared>>
      tpu.wait_dma2 semaphore(%run_scoped3A : memref<!tpu.dma_semaphore, #tpu.memory_space<semaphore_mem>>) src(%dma_wait3A_44 : memref<640x128xf32, #tpu.memory_space<vmem_shared>>) dst(%dma_wait3A_42 : memref<640x128xf32, #tpu.memory_space<hbm>>)
      tpu.yield
    }) : () -> ()
    return
  }
}

#map = affine_map<(d0, d1) -> (0, 0, 0)>
#map1 = affine_map<(d0, d1) -> (0, 0)>
module attributes {stable_mosaic.version = 14 : i64} {
  func.func @_count_body(%arg0: i32, %arg1: i32, %arg2: memref<32x80x128xi32, #tpu.memory_space<hbm>>, %arg3: memref<10240x128xf32, #tpu.memory_space<hbm>>, %arg4: memref<2x10240x128xf32, #tpu.memory_space<hbm>>, %arg5: memref<80x128xi32, #tpu.memory_space<vmem>>, %arg6: memref<128x128xf32, #tpu.memory_space<vmem>>, %arg7: memref<10240x128xf32, #tpu.memory_space<vmem_shared>>, %arg8: memref<!tpu.dma_semaphore, #tpu.memory_space<semaphore_mem>>) attributes {dimension_semantics = [#tpu.dimension_semantics<core_parallel>, #tpu.dimension_semantics<subcore_parallel>], iteration_bounds = array<i64: 2, 16>, scalar_prefetch = 0 : i64, scratch_operands = 4 : i64, tpu.core_type = #tpu.core_type<sc_vector_subcore>, window_params = [{transform_indices = #map}, {transform_indices = #map1}, {transform_indices = #map}]} {
    %mul3A = arith.constant 16 : i32
    %mul3A_0 = arith.muli %arg0, %mul3A : i32
    %add3A = arith.addi %mul3A_0, %arg1 : i32
    "tpu.region"() ({
      %run_scoped3A = tpu.sem_alloc : memref<!tpu.dma_semaphore, #tpu.memory_space<semaphore_mem>>
      %dma_start3A = arith.constant 0 : i32
      %dma_start3A_22 = arith.constant 0 : i32
      %dma_start3A_23 = tpu.memref_slice %arg2[%add3A, %dma_start3A, %dma_start3A_22] : memref<32x80x128xi32, #tpu.memory_space<hbm>> -> memref<1x80x128xi32, #tpu.memory_space<hbm>>
      %dma_start3A_24 = tpu.memref_squeeze %dma_start3A_23 : memref<1x80x128xi32, #tpu.memory_space<hbm>> -> memref<80x128xi32, #tpu.memory_space<hbm>>
      %dma_start3A_25 = arith.constant 0 : i32
      %dma_start3A_26 = arith.constant 0 : i32
      %dma_start3A_27 = tpu.memref_slice %arg2[%add3A, %dma_start3A_25, %dma_start3A_26] : memref<32x80x128xi32, #tpu.memory_space<hbm>> -> memref<1x80x128xi32, #tpu.memory_space<hbm>>
      %dma_start3A_28 = tpu.memref_squeeze %dma_start3A_27 : memref<1x80x128xi32, #tpu.memory_space<hbm>> -> memref<80x128xi32, #tpu.memory_space<hbm>>
      tpu.enqueue_dma source(%dma_start3A_28 : memref<80x128xi32, #tpu.memory_space<hbm>>) target(%arg5 : memref<80x128xi32, #tpu.memory_space<vmem>>) target_semaphore(%run_scoped3A : memref<!tpu.dma_semaphore, #tpu.memory_space<semaphore_mem>>)
      %dma_wait3A = arith.constant 0 : i32
      %dma_wait3A_29 = arith.constant 0 : i32
      %dma_wait3A_30 = tpu.memref_slice %arg2[%add3A, %dma_wait3A, %dma_wait3A_29] : memref<32x80x128xi32, #tpu.memory_space<hbm>> -> memref<1x80x128xi32, #tpu.memory_space<hbm>>
      %dma_wait3A_31 = tpu.memref_squeeze %dma_wait3A_30 : memref<1x80x128xi32, #tpu.memory_space<hbm>> -> memref<80x128xi32, #tpu.memory_space<hbm>>
      %dma_wait3A_32 = arith.constant 0 : i32
      %dma_wait3A_33 = arith.constant 0 : i32
      %dma_wait3A_34 = tpu.memref_slice %arg2[%add3A, %dma_wait3A_32, %dma_wait3A_33] : memref<32x80x128xi32, #tpu.memory_space<hbm>> -> memref<1x80x128xi32, #tpu.memory_space<hbm>>
      %dma_wait3A_35 = tpu.memref_squeeze %dma_wait3A_34 : memref<1x80x128xi32, #tpu.memory_space<hbm>> -> memref<80x128xi32, #tpu.memory_space<hbm>>
      tpu.wait_dma2 semaphore(%run_scoped3A : memref<!tpu.dma_semaphore, #tpu.memory_space<semaphore_mem>>) src(%dma_wait3A_35 : memref<80x128xi32, #tpu.memory_space<hbm>>) dst(%arg5 : memref<80x128xi32, #tpu.memory_space<vmem>>)
      tpu.yield
    }) : () -> ()
    %broadcast_in_dim3A = arith.constant 1.000000e+00 : f32
    %broadcast_in_dim3A_1 = vector.broadcast %broadcast_in_dim3A : f32 to vector<16xf32>
    %scan3A = arith.constant 0 : i32
    %scan3A_2 = arith.constant 0 : i32
    %scan3A_3 = arith.constant 128 : i32
    %scan3A_4 = arith.addi %scan3A_2, %scan3A_3 : i32
    %scan3A_5 = arith.constant 1 : i32
    scf.for %scan3A_22 = %scan3A_2 to %scan3A_4 step %scan3A_5  : i32 {
      %swap3A = arith.index_cast %scan3A_22 : i32 to index
      %swap3A_23 = arith.constant 0 : index
      %swap3A_24 = tpu.vector_load %arg6[%swap3A, %swap3A_23] {strides = array<i32>} : memref<128x128xf32, #tpu.memory_space<vmem>>, vector<1x16xf32>,
      %swap3A_25 = vector.shape_cast %swap3A_24 : vector<1x16xf32> to vector<16xf32>
      %swap3A_26 = vector.shape_cast %broadcast_in_dim3A_1 : vector<16xf32> to vector<1x16xf32>
      tpu.vector_store %arg6[%swap3A, %swap3A_23], %swap3A_26 {strides = array<i32>} : memref<128x128xf32, #tpu.memory_space<vmem>>, vector<1x16xf32>,
      %swap3A_27 = arith.index_cast %scan3A_22 : i32 to index
      %swap3A_28 = arith.constant 16 : index
      %swap3A_29 = tpu.vector_load %arg6[%swap3A_27, %swap3A_28] {strides = array<i32>} : memref<128x128xf32, #tpu.memory_space<vmem>>, vector<1x16xf32>,
      %swap3A_30 = vector.shape_cast %swap3A_29 : vector<1x16xf32> to vector<16xf32>
      %swap3A_31 = vector.shape_cast %broadcast_in_dim3A_1 : vector<16xf32> to vector<1x16xf32>
      tpu.vector_store %arg6[%swap3A_27, %swap3A_28], %swap3A_31 {strides = array<i32>} : memref<128x128xf32, #tpu.memory_space<vmem>>, vector<1x16xf32>,
      %swap3A_32 = arith.index_cast %scan3A_22 : i32 to index
      %swap3A_33 = arith.constant 32 : index
      %swap3A_34 = tpu.vector_load %arg6[%swap3A_32, %swap3A_33] {strides = array<i32>} : memref<128x128xf32, #tpu.memory_space<vmem>>, vector<1x16xf32>,
      %swap3A_35 = vector.shape_cast %swap3A_34 : vector<1x16xf32> to vector<16xf32>
      %swap3A_36 = vector.shape_cast %broadcast_in_dim3A_1 : vector<16xf32> to vector<1x16xf32>
      tpu.vector_store %arg6[%swap3A_32, %swap3A_33], %swap3A_36 {strides = array<i32>} : memref<128x128xf32, #tpu.memory_space<vmem>>, vector<1x16xf32>,
      %swap3A_37 = arith.index_cast %scan3A_22 : i32 to index
      %swap3A_38 = arith.constant 48 : index
      %swap3A_39 = tpu.vector_load %arg6[%swap3A_37, %swap3A_38] {strides = array<i32>} : memref<128x128xf32, #tpu.memory_space<vmem>>, vector<1x16xf32>,
      %swap3A_40 = vector.shape_cast %swap3A_39 : vector<1x16xf32> to vector<16xf32>
      %swap3A_41 = vector.shape_cast %broadcast_in_dim3A_1 : vector<16xf32> to vector<1x16xf32>
      tpu.vector_store %arg6[%swap3A_37, %swap3A_38], %swap3A_41 {strides = array<i32>} : memref<128x128xf32, #tpu.memory_space<vmem>>, vector<1x16xf32>,
      %swap3A_42 = arith.index_cast %scan3A_22 : i32 to index
      %swap3A_43 = arith.constant 64 : index
      %swap3A_44 = tpu.vector_load %arg6[%swap3A_42, %swap3A_43] {strides = array<i32>} : memref<128x128xf32, #tpu.memory_space<vmem>>, vector<1x16xf32>,
      %swap3A_45 = vector.shape_cast %swap3A_44 : vector<1x16xf32> to vector<16xf32>
      %swap3A_46 = vector.shape_cast %broadcast_in_dim3A_1 : vector<16xf32> to vector<1x16xf32>
      tpu.vector_store %arg6[%swap3A_42, %swap3A_43], %swap3A_46 {strides = array<i32>} : memref<128x128xf32, #tpu.memory_space<vmem>>, vector<1x16xf32>,
      %swap3A_47 = arith.index_cast %scan3A_22 : i32 to index
      %swap3A_48 = arith.constant 80 : index
      %swap3A_49 = tpu.vector_load %arg6[%swap3A_47, %swap3A_48] {strides = array<i32>} : memref<128x128xf32, #tpu.memory_space<vmem>>, vector<1x16xf32>,
      %swap3A_50 = vector.shape_cast %swap3A_49 : vector<1x16xf32> to vector<16xf32>
      %swap3A_51 = vector.shape_cast %broadcast_in_dim3A_1 : vector<16xf32> to vector<1x16xf32>
      tpu.vector_store %arg6[%swap3A_47, %swap3A_48], %swap3A_51 {strides = array<i32>} : memref<128x128xf32, #tpu.memory_space<vmem>>, vector<1x16xf32>,
      %swap3A_52 = arith.index_cast %scan3A_22 : i32 to index
      %swap3A_53 = arith.constant 96 : index
      %swap3A_54 = tpu.vector_load %arg6[%swap3A_52, %swap3A_53] {strides = array<i32>} : memref<128x128xf32, #tpu.memory_space<vmem>>, vector<1x16xf32>,
      %swap3A_55 = vector.shape_cast %swap3A_54 : vector<1x16xf32> to vector<16xf32>
      %swap3A_56 = vector.shape_cast %broadcast_in_dim3A_1 : vector<16xf32> to vector<1x16xf32>
      tpu.vector_store %arg6[%swap3A_52, %swap3A_53], %swap3A_56 {strides = array<i32>} : memref<128x128xf32, #tpu.memory_space<vmem>>, vector<1x16xf32>,
      %swap3A_57 = arith.index_cast %scan3A_22 : i32 to index
      %swap3A_58 = arith.constant 112 : index
      %swap3A_59 = tpu.vector_load %arg6[%swap3A_57, %swap3A_58] {strides = array<i32>} : memref<128x128xf32, #tpu.memory_space<vmem>>, vector<1x16xf32>,
      %swap3A_60 = vector.shape_cast %swap3A_59 : vector<1x16xf32> to vector<16xf32>
      %swap3A_61 = vector.shape_cast %broadcast_in_dim3A_1 : vector<16xf32> to vector<1x16xf32>
      tpu.vector_store %arg6[%swap3A_57, %swap3A_58], %swap3A_61 {strides = array<i32>} : memref<128x128xf32, #tpu.memory_space<vmem>>, vector<1x16xf32>,
    }
    %scan3A_6 = arith.constant 128 : i32
    %mul3A_7 = arith.constant 640 : i32
    %mul3A_8 = arith.muli %arg1, %mul3A_7 : i32
    %mul3A_9 = arith.constant 640 : i32
    %mul3A_10 = arith.muli %arg1, %mul3A_9 : i32
    "tpu.region"() ({
      %run_scoped3A = tpu.sem_alloc : memref<!tpu.dma_semaphore, #tpu.memory_space<semaphore_mem>>
      %dma_start3A = arith.constant 0 : i32
      %dma_start3A_22 = tpu.memref_slice %arg7[%mul3A_10, %dma_start3A] : memref<10240x128xf32, #tpu.memory_space<vmem_shared>> -> memref<640x128xf32, #tpu.memory_space<vmem_shared>>
      %dma_start3A_23 = arith.constant 0 : i32
      %dma_start3A_24 = tpu.memref_slice %arg3[%mul3A_8, %dma_start3A_23] : memref<10240x128xf32, #tpu.memory_space<hbm>> -> memref<640x128xf32, #tpu.memory_space<hbm>>
      tpu.enqueue_dma source(%dma_start3A_24 : memref<640x128xf32, #tpu.memory_space<hbm>>) target(%dma_start3A_22 : memref<640x128xf32, #tpu.memory_space<vmem_shared>>) target_semaphore(%run_scoped3A : memref<!tpu.dma_semaphore, #tpu.memory_space<semaphore_mem>>)
      %dma_wait3A = arith.constant 0 : i32
      %dma_wait3A_25 = tpu.memref_slice %arg7[%mul3A_10, %dma_wait3A] : memref<10240x128xf32, #tpu.memory_space<vmem_shared>> -> memref<640x128xf32, #tpu.memory_space<vmem_shared>>
      %dma_wait3A_26 = arith.constant 0 : i32
      %dma_wait3A_27 = tpu.memref_slice %arg3[%mul3A_8, %dma_wait3A_26] : memref<10240x128xf32, #tpu.memory_space<hbm>> -> memref<640x128xf32, #tpu.memory_space<hbm>>
      tpu.wait_dma2 semaphore(%run_scoped3A : memref<!tpu.dma_semaphore, #tpu.memory_space<semaphore_mem>>) src(%dma_wait3A_27 : memref<640x128xf32, #tpu.memory_space<hbm>>) dst(%dma_wait3A_25 : memref<640x128xf32, #tpu.memory_space<vmem_shared>>)
      tpu.yield
    }) : () -> ()
    %barrier3A = arith.constant 0 : index
    tpu.barrier barrier_id(%barrier3A)
    %scan3A_11 = arith.constant 0 : i32
    %scan3A_12 = arith.constant 0 : i32
    %scan3A_13 = arith.constant 80 : i32
    %scan3A_14 = arith.addi %scan3A_12, %scan3A_13 : i32
    %scan3A_15 = arith.constant 1 : i32
    scf.for %scan3A_22 = %scan3A_12 to %scan3A_14 step %scan3A_15  : i32 {
      "tpu.region"() ({
        %run_scoped3A = tpu.sem_alloc : memref<!tpu.dma_semaphore, #tpu.memory_space<semaphore_mem>>
        %dma_start3A = arith.constant 0 : i32
        %dma_start3A_23 = tpu.memref_slice %arg5[%scan3A_22, %dma_start3A] : memref<80x128xi32, #tpu.memory_space<vmem>> -> memref<1x128xi32, #tpu.memory_space<vmem>>
        %dma_start3A_24 = tpu.memref_squeeze %dma_start3A_23 : memref<1x128xi32, #tpu.memory_space<vmem>> -> memref<128xi32, #tpu.memory_space<vmem>>
        %dma_start3A_25 = arith.constant 0 : i32
        %dma_start3A_26 = arith.constant 0 : i32
        %dma_start3A_27 = tpu.memref_slice %arg7[%dma_start3A_25, %dma_start3A_26] : memref<10240x128xf32, #tpu.memory_space<vmem_shared>> -> memref<10240x128xf32, #tpu.memory_space<vmem_shared>>
        tpu.enqueue_indirect_dma source(%arg6 : memref<128x128xf32, #tpu.memory_space<vmem>>) target(%dma_start3A_27 : memref<10240x128xf32, #tpu.memory_space<vmem_shared>>) offsets(%dma_start3A_24 : memref<128xi32, #tpu.memory_space<vmem>>) semaphore(%run_scoped3A : memref<!tpu.dma_semaphore, #tpu.memory_space<semaphore_mem>>) {add = true}
        %dma_wait3A = arith.constant 0 : i32
        %dma_wait3A_28 = tpu.memref_slice %arg5[%scan3A_22, %dma_wait3A] : memref<80x128xi32, #tpu.memory_space<vmem>> -> memref<1x128xi32, #tpu.memory_space<vmem>>
        %dma_wait3A_29 = tpu.memref_squeeze %dma_wait3A_28 : memref<1x128xi32, #tpu.memory_space<vmem>> -> memref<128xi32, #tpu.memory_space<vmem>>
        %dma_wait3A_30 = arith.constant 0 : i32
        %dma_wait3A_31 = arith.constant 0 : i32
        %dma_wait3A_32 = tpu.memref_slice %arg7[%dma_wait3A_30, %dma_wait3A_31] : memref<10240x128xf32, #tpu.memory_space<vmem_shared>> -> memref<10240x128xf32, #tpu.memory_space<vmem_shared>>
        tpu.wait_indirect_dma semaphore(%run_scoped3A : memref<!tpu.dma_semaphore, #tpu.memory_space<semaphore_mem>>) src(%arg6 : memref<128x128xf32, #tpu.memory_space<vmem>>) dst(%dma_wait3A_32 : memref<10240x128xf32, #tpu.memory_space<vmem_shared>>)
        tpu.yield
      }) : () -> ()
    }
    %scan3A_16 = arith.constant 80 : i32
    %barrier3A_17 = arith.constant 0 : index
    tpu.barrier barrier_id(%barrier3A_17)
    %mul3A_18 = arith.constant 640 : i32
    %mul3A_19 = arith.muli %arg1, %mul3A_18 : i32
    %mul3A_20 = arith.constant 640 : i32
    %mul3A_21 = arith.muli %arg1, %mul3A_20 : i32
    "tpu.region"() ({
      %run_scoped3A = tpu.sem_alloc : memref<!tpu.dma_semaphore, #tpu.memory_space<semaphore_mem>>
      %dma_start3A = arith.constant 0 : i32
      %dma_start3A_22 = tpu.memref_slice %arg4[%arg0, %mul3A_21, %dma_start3A] : memref<2x10240x128xf32, #tpu.memory_space<hbm>> -> memref<1x640x128xf32, #tpu.memory_space<hbm>>
      %dma_start3A_23 = tpu.memref_squeeze %dma_start3A_22 : memref<1x640x128xf32, #tpu.memory_space<hbm>> -> memref<640x128xf32, #tpu.memory_space<hbm>>
      %dma_start3A_24 = arith.constant 0 : i32
      %dma_start3A_25 = tpu.memref_slice %arg7[%mul3A_19, %dma_start3A_24] : memref<10240x128xf32, #tpu.memory_space<vmem_shared>> -> memref<640x128xf32, #tpu.memory_space<vmem_shared>>
      tpu.enqueue_dma source(%dma_start3A_25 : memref<640x128xf32, #tpu.memory_space<vmem_shared>>) target(%dma_start3A_23 : memref<640x128xf32, #tpu.memory_space<hbm>>) target_semaphore(%run_scoped3A : memref<!tpu.dma_semaphore, #tpu.memory_space<semaphore_mem>>)
      %dma_wait3A = arith.constant 0 : i32
      %dma_wait3A_26 = tpu.memref_slice %arg4[%arg0, %mul3A_21, %dma_wait3A] : memref<2x10240x128xf32, #tpu.memory_space<hbm>> -> memref<1x640x128xf32, #tpu.memory_space<hbm>>
      %dma_wait3A_27 = tpu.memref_squeeze %dma_wait3A_26 : memref<1x640x128xf32, #tpu.memory_space<hbm>> -> memref<640x128xf32, #tpu.memory_space<hbm>>
      %dma_wait3A_28 = arith.constant 0 : i32
      %dma_wait3A_29 = tpu.memref_slice %arg7[%mul3A_19, %dma_wait3A_28] : memref<10240x128xf32, #tpu.memory_space<vmem_shared>> -> memref<640x128xf32, #tpu.memory_space<vmem_shared>>
      tpu.wait_dma2 semaphore(%run_scoped3A : memref<!tpu.dma_semaphore, #tpu.memory_space<semaphore_mem>>) src(%dma_wait3A_29 : memref<640x128xf32, #tpu.memory_space<vmem_shared>>) dst(%dma_wait3A_27 : memref<640x128xf32, #tpu.memory_space<hbm>>)
      tpu.yield
    }) : () -> ()
    return
  }
}

#map = affine_map<(d0, d1) -> (0, 0)>
#map1 = affine_map<(d0, d1) -> (0, 0, 0)>
module attributes {stable_mosaic.version = 14 : i64} {
  func.func @_seg_sum_body(%arg0: i32, %arg1: i32, %arg2: memref<10000x128xf32, #tpu.memory_space<hbm>>, %arg3: memref<64x40x128xi32, #tpu.memory_space<hbm>>, %arg4: memref<64x40x128xi32, #tpu.memory_space<hbm>>, %arg5: memref<10240x128xf32, #tpu.memory_space<hbm>>, %arg6: memref<2x10240x128xf32, #tpu.memory_space<hbm>>, %arg7: memref<40x128xi32, #tpu.memory_space<vmem>>, %arg8: memref<40x128xi32, #tpu.memory_space<vmem>>, %arg9: memref<128x128xf32, #tpu.memory_space<vmem>>, %arg10: memref<128x128xf32, #tpu.memory_space<vmem>>, %arg11: memref<10240x128xf32, #tpu.memory_space<vmem_shared>>, %arg12: memref<!tpu.dma_semaphore, #tpu.memory_space<semaphore_mem>>, %arg13: memref<!tpu.dma_semaphore, #tpu.memory_space<semaphore_mem>>) attributes {dimension_semantics = [#tpu.dimension_semantics<core_parallel>, #tpu.dimension_semantics<subcore_parallel>], iteration_bounds = array<i64: 2, 16>, scalar_prefetch = 0 : i64, scratch_operands = 7 : i64, tpu.core_type = #tpu.core_type<sc_vector_subcore>, window_params = [{transform_indices = #map}, {transform_indices = #map1}, {transform_indices = #map1}, {transform_indices = #map}, {transform_indices = #map1}]} {
    %mul3A = arith.constant 16 : i32
    %mul3A_0 = arith.muli %arg0, %mul3A : i32
    %add3A = arith.addi %mul3A_0, %arg1 : i32
    %mul3A_1 = arith.constant 640 : i32
    %mul3A_2 = arith.muli %arg1, %mul3A_1 : i32
    %mul3A_3 = arith.constant 640 : i32
    %mul3A_4 = arith.muli %arg1, %mul3A_3 : i32
    "tpu.region"() ({
      %run_scoped3A = tpu.sem_alloc : memref<!tpu.dma_semaphore, #tpu.memory_space<semaphore_mem>>
      %dma_start3A = arith.constant 0 : i32
      %dma_start3A_37 = tpu.memref_slice %arg11[%mul3A_4, %dma_start3A] : memref<10240x128xf32, #tpu.memory_space<vmem_shared>> -> memref<640x128xf32, #tpu.memory_space<vmem_shared>>
      %dma_start3A_38 = arith.constant 0 : i32
      %dma_start3A_39 = tpu.memref_slice %arg5[%mul3A_2, %dma_start3A_38] : memref<10240x128xf32, #tpu.memory_space<hbm>> -> memref<640x128xf32, #tpu.memory_space<hbm>>
      tpu.enqueue_dma source(%dma_start3A_39 : memref<640x128xf32, #tpu.memory_space<hbm>>) target(%dma_start3A_37 : memref<640x128xf32, #tpu.memory_space<vmem_shared>>) target_semaphore(%run_scoped3A : memref<!tpu.dma_semaphore, #tpu.memory_space<semaphore_mem>>)
      %dma_wait3A = arith.constant 0 : i32
      %dma_wait3A_40 = tpu.memref_slice %arg11[%mul3A_4, %dma_wait3A] : memref<10240x128xf32, #tpu.memory_space<vmem_shared>> -> memref<640x128xf32, #tpu.memory_space<vmem_shared>>
      %dma_wait3A_41 = arith.constant 0 : i32
      %dma_wait3A_42 = tpu.memref_slice %arg5[%mul3A_2, %dma_wait3A_41] : memref<10240x128xf32, #tpu.memory_space<hbm>> -> memref<640x128xf32, #tpu.memory_space<hbm>>
      tpu.wait_dma2 semaphore(%run_scoped3A : memref<!tpu.dma_semaphore, #tpu.memory_space<semaphore_mem>>) src(%dma_wait3A_42 : memref<640x128xf32, #tpu.memory_space<hbm>>) dst(%dma_wait3A_40 : memref<640x128xf32, #tpu.memory_space<vmem_shared>>)
      tpu.yield
    }) : () -> ()
    %barrier3A = arith.constant 0 : index
    tpu.barrier barrier_id(%barrier3A)
    %mul3A_5 = arith.constant 2 : i32
    %mul3A_6 = arith.muli %mul3A_5, %add3A : i32
    %add3A_7 = arith.constant 0 : i32
    %add3A_8 = arith.addi %mul3A_6, %add3A_7 : i32
    "tpu.region"() ({
      %run_scoped3A = tpu.sem_alloc : memref<!tpu.dma_semaphore, #tpu.memory_space<semaphore_mem>>
      %dma_start3A = arith.constant 0 : i32
      %dma_start3A_37 = arith.constant 0 : i32
      %dma_start3A_38 = tpu.memref_slice %arg3[%add3A_8, %dma_start3A, %dma_start3A_37] : memref<64x40x128xi32, #tpu.memory_space<hbm>> -> memref<1x40x128xi32, #tpu.memory_space<hbm>>
      %dma_start3A_39 = tpu.memref_squeeze %dma_start3A_38 : memref<1x40x128xi32, #tpu.memory_space<hbm>> -> memref<40x128xi32, #tpu.memory_space<hbm>>
      %dma_start3A_40 = arith.constant 0 : i32
      %dma_start3A_41 = arith.constant 0 : i32
      %dma_start3A_42 = tpu.memref_slice %arg3[%add3A_8, %dma_start3A_40, %dma_start3A_41] : memref<64x40x128xi32, #tpu.memory_space<hbm>> -> memref<1x40x128xi32, #tpu.memory_space<hbm>>
      %dma_start3A_43 = tpu.memref_squeeze %dma_start3A_42 : memref<1x40x128xi32, #tpu.memory_space<hbm>> -> memref<40x128xi32, #tpu.memory_space<hbm>>
      tpu.enqueue_dma source(%dma_start3A_43 : memref<40x128xi32, #tpu.memory_space<hbm>>) target(%arg7 : memref<40x128xi32, #tpu.memory_space<vmem>>) target_semaphore(%run_scoped3A : memref<!tpu.dma_semaphore, #tpu.memory_space<semaphore_mem>>)
      %dma_wait3A = arith.constant 0 : i32
      %dma_wait3A_44 = arith.constant 0 : i32
      %dma_wait3A_45 = tpu.memref_slice %arg3[%add3A_8, %dma_wait3A, %dma_wait3A_44] : memref<64x40x128xi32, #tpu.memory_space<hbm>> -> memref<1x40x128xi32, #tpu.memory_space<hbm>>
      %dma_wait3A_46 = tpu.memref_squeeze %dma_wait3A_45 : memref<1x40x128xi32, #tpu.memory_space<hbm>> -> memref<40x128xi32, #tpu.memory_space<hbm>>
      %dma_wait3A_47 = arith.constant 0 : i32
      %dma_wait3A_48 = arith.constant 0 : i32
      %dma_wait3A_49 = tpu.memref_slice %arg3[%add3A_8, %dma_wait3A_47, %dma_wait3A_48] : memref<64x40x128xi32, #tpu.memory_space<hbm>> -> memref<1x40x128xi32, #tpu.memory_space<hbm>>
      %dma_wait3A_50 = tpu.memref_squeeze %dma_wait3A_49 : memref<1x40x128xi32, #tpu.memory_space<hbm>> -> memref<40x128xi32, #tpu.memory_space<hbm>>
      tpu.wait_dma2 semaphore(%run_scoped3A : memref<!tpu.dma_semaphore, #tpu.memory_space<semaphore_mem>>) src(%dma_wait3A_50 : memref<40x128xi32, #tpu.memory_space<hbm>>) dst(%arg7 : memref<40x128xi32, #tpu.memory_space<vmem>>)
      tpu.yield
    }) : () -> ()
    %mul3A_9 = arith.constant 2 : i32
    %mul3A_10 = arith.muli %mul3A_9, %add3A : i32
    %add3A_11 = arith.constant 0 : i32
    %add3A_12 = arith.addi %mul3A_10, %add3A_11 : i32
    "tpu.region"() ({
      %run_scoped3A = tpu.sem_alloc : memref<!tpu.dma_semaphore, #tpu.memory_space<semaphore_mem>>
      %dma_start3A = arith.constant 0 : i32
      %dma_start3A_37 = arith.constant 0 : i32
      %dma_start3A_38 = tpu.memref_slice %arg4[%add3A_12, %dma_start3A, %dma_start3A_37] : memref<64x40x128xi32, #tpu.memory_space<hbm>> -> memref<1x40x128xi32, #tpu.memory_space<hbm>>
      %dma_start3A_39 = tpu.memref_squeeze %dma_start3A_38 : memref<1x40x128xi32, #tpu.memory_space<hbm>> -> memref<40x128xi32, #tpu.memory_space<hbm>>
      %dma_start3A_40 = arith.constant 0 : i32
      %dma_start3A_41 = arith.constant 0 : i32
      %dma_start3A_42 = tpu.memref_slice %arg4[%add3A_12, %dma_start3A_40, %dma_start3A_41] : memref<64x40x128xi32, #tpu.memory_space<hbm>> -> memref<1x40x128xi32, #tpu.memory_space<hbm>>
      %dma_start3A_43 = tpu.memref_squeeze %dma_start3A_42 : memref<1x40x128xi32, #tpu.memory_space<hbm>> -> memref<40x128xi32, #tpu.memory_space<hbm>>
      tpu.enqueue_dma source(%dma_start3A_43 : memref<40x128xi32, #tpu.memory_space<hbm>>) target(%arg8 : memref<40x128xi32, #tpu.memory_space<vmem>>) target_semaphore(%run_scoped3A : memref<!tpu.dma_semaphore, #tpu.memory_space<semaphore_mem>>)
      %dma_wait3A = arith.constant 0 : i32
      %dma_wait3A_44 = arith.constant 0 : i32
      %dma_wait3A_45 = tpu.memref_slice %arg4[%add3A_12, %dma_wait3A, %dma_wait3A_44] : memref<64x40x128xi32, #tpu.memory_space<hbm>> -> memref<1x40x128xi32, #tpu.memory_space<hbm>>
      %dma_wait3A_46 = tpu.memref_squeeze %dma_wait3A_45 : memref<1x40x128xi32, #tpu.memory_space<hbm>> -> memref<40x128xi32, #tpu.memory_space<hbm>>
      %dma_wait3A_47 = arith.constant 0 : i32
      %dma_wait3A_48 = arith.constant 0 : i32
      %dma_wait3A_49 = tpu.memref_slice %arg4[%add3A_12, %dma_wait3A_47, %dma_wait3A_48] : memref<64x40x128xi32, #tpu.memory_space<hbm>> -> memref<1x40x128xi32, #tpu.memory_space<hbm>>
      %dma_wait3A_50 = tpu.memref_squeeze %dma_wait3A_49 : memref<1x40x128xi32, #tpu.memory_space<hbm>> -> memref<40x128xi32, #tpu.memory_space<hbm>>
      tpu.wait_dma2 semaphore(%run_scoped3A : memref<!tpu.dma_semaphore, #tpu.memory_space<semaphore_mem>>) src(%dma_wait3A_50 : memref<40x128xi32, #tpu.memory_space<hbm>>) dst(%arg8 : memref<40x128xi32, #tpu.memory_space<vmem>>)
      tpu.yield
    }) : () -> ()
    %scan3A = arith.constant 0 : i32
    %scan3A_13 = arith.constant 0 : i32
    %scan3A_14 = arith.constant 20 : i32
    %scan3A_15 = arith.addi %scan3A_13, %scan3A_14 : i32
    %scan3A_16 = arith.constant 1 : i32
    scf.for %scan3A_37 = %scan3A_13 to %scan3A_15 step %scan3A_16  : i32 {
      %mul3A_38 = arith.constant 2 : i32
      %mul3A_39 = arith.muli %mul3A_38, %scan3A_37 : i32
      %dma_start3A = arith.constant 0 : i32
      %dma_start3A_40 = tpu.memref_slice %arg7[%mul3A_39, %dma_start3A] : memref<40x128xi32, #tpu.memory_space<vmem>> -> memref<1x128xi32, #tpu.memory_space<vmem>>
      %dma_start3A_41 = tpu.memref_squeeze %dma_start3A_40 : memref<1x128xi32, #tpu.memory_space<vmem>> -> memref<128xi32, #tpu.memory_space<vmem>>
      %dma_start3A_42 = arith.constant 0 : i32
      %dma_start3A_43 = arith.constant 0 : i32
      %dma_start3A_44 = tpu.memref_slice %arg2[%dma_start3A_42, %dma_start3A_43] : memref<10000x128xf32, #tpu.memory_space<hbm>> -> memref<10000x128xf32, #tpu.memory_space<hbm>>
      tpu.enqueue_indirect_dma source(%dma_start3A_44 : memref<10000x128xf32, #tpu.memory_space<hbm>>) target(%arg9 : memref<128x128xf32, #tpu.memory_space<vmem>>) offsets(%dma_start3A_41 : memref<128xi32, #tpu.memory_space<vmem>>) semaphore(%arg12 : memref<!tpu.dma_semaphore, #tpu.memory_space<semaphore_mem>>)
      %add3A_45 = arith.constant 1 : i32
      %add3A_46 = arith.addi %mul3A_39, %add3A_45 : i32
      %dma_start3A_47 = arith.constant 0 : i32
      %dma_start3A_48 = tpu.memref_slice %arg7[%add3A_46, %dma_start3A_47] : memref<40x128xi32, #tpu.memory_space<vmem>> -> memref<1x128xi32, #tpu.memory_space<vmem>>
      %dma_start3A_49 = tpu.memref_squeeze %dma_start3A_48 : memref<1x128xi32, #tpu.memory_space<vmem>> -> memref<128xi32, #tpu.memory_space<vmem>>
      %dma_start3A_50 = arith.constant 0 : i32
      %dma_start3A_51 = arith.constant 0 : i32
      %dma_start3A_52 = tpu.memref_slice %arg2[%dma_start3A_50, %dma_start3A_51] : memref<10000x128xf32, #tpu.memory_space<hbm>> -> memref<10000x128xf32, #tpu.memory_space<hbm>>
      tpu.enqueue_indirect_dma source(%dma_start3A_52 : memref<10000x128xf32, #tpu.memory_space<hbm>>) target(%arg10 : memref<128x128xf32, #tpu.memory_space<vmem>>) offsets(%dma_start3A_49 : memref<128xi32, #tpu.memory_space<vmem>>) semaphore(%arg13 : memref<!tpu.dma_semaphore, #tpu.memory_space<semaphore_mem>>)
      %dma_wait3A = arith.constant 0 : i32
      %dma_wait3A_53 = tpu.memref_slice %arg7[%mul3A_39, %dma_wait3A] : memref<40x128xi32, #tpu.memory_space<vmem>> -> memref<1x128xi32, #tpu.memory_space<vmem>>
      %dma_wait3A_54 = tpu.memref_squeeze %dma_wait3A_53 : memref<1x128xi32, #tpu.memory_space<vmem>> -> memref<128xi32, #tpu.memory_space<vmem>>
      %dma_wait3A_55 = arith.constant 0 : i32
      %dma_wait3A_56 = arith.constant 0 : i32
      %dma_wait3A_57 = tpu.memref_slice %arg2[%dma_wait3A_55, %dma_wait3A_56] : memref<10000x128xf32, #tpu.memory_space<hbm>> -> memref<10000x128xf32, #tpu.memory_space<hbm>>
      tpu.wait_indirect_dma semaphore(%arg12 : memref<!tpu.dma_semaphore, #tpu.memory_space<semaphore_mem>>) src(%dma_wait3A_57 : memref<10000x128xf32, #tpu.memory_space<hbm>>) dst(%arg9 : memref<128x128xf32, #tpu.memory_space<vmem>>)
      "tpu.region"() ({
        %run_scoped3A = tpu.sem_alloc : memref<!tpu.dma_semaphore, #tpu.memory_space<semaphore_mem>>
        %dma_start3A_66 = arith.constant 0 : i32
        %dma_start3A_67 = tpu.memref_slice %arg8[%mul3A_39, %dma_start3A_66] : memref<40x128xi32, #tpu.memory_space<vmem>> -> memref<1x128xi32, #tpu.memory_space<vmem>>
        %dma_start3A_68 = tpu.memref_squeeze %dma_start3A_67 : memref<1x128xi32, #tpu.memory_space<vmem>> -> memref<128xi32, #tpu.memory_space<vmem>>
        %dma_start3A_69 = arith.constant 0 : i32
        %dma_start3A_70 = arith.constant 0 : i32
        %dma_start3A_71 = tpu.memref_slice %arg11[%dma_start3A_69, %dma_start3A_70] : memref<10240x128xf32, #tpu.memory_space<vmem_shared>> -> memref<10240x128xf32, #tpu.memory_space<vmem_shared>>
        tpu.enqueue_indirect_dma source(%arg9 : memref<128x128xf32, #tpu.memory_space<vmem>>) target(%dma_start3A_71 : memref<10240x128xf32, #tpu.memory_space<vmem_shared>>) offsets(%dma_start3A_68 : memref<128xi32, #tpu.memory_space<vmem>>) semaphore(%run_scoped3A : memref<!tpu.dma_semaphore, #tpu.memory_space<semaphore_mem>>) {add = true}
        %dma_wait3A_72 = arith.constant 0 : i32
        %dma_wait3A_73 = tpu.memref_slice %arg8[%mul3A_39, %dma_wait3A_72] : memref<40x128xi32, #tpu.memory_space<vmem>> -> memref<1x128xi32, #tpu.memory_space<vmem>>
        %dma_wait3A_74 = tpu.memref_squeeze %dma_wait3A_73 : memref<1x128xi32, #tpu.memory_space<vmem>> -> memref<128xi32, #tpu.memory_space<vmem>>
        %dma_wait3A_75 = arith.constant 0 : i32
        %dma_wait3A_76 = arith.constant 0 : i32
        %dma_wait3A_77 = tpu.memref_slice %arg11[%dma_wait3A_75, %dma_wait3A_76] : memref<10240x128xf32, #tpu.memory_space<vmem_shared>> -> memref<10240x128xf32, #tpu.memory_space<vmem_shared>>
        tpu.wait_indirect_dma semaphore(%run_scoped3A : memref<!tpu.dma_semaphore, #tpu.memory_space<semaphore_mem>>) src(%arg9 : memref<128x128xf32, #tpu.memory_space<vmem>>) dst(%dma_wait3A_77 : memref<10240x128xf32, #tpu.memory_space<vmem_shared>>)
        tpu.yield
      }) : () -> ()
      %dma_wait3A_58 = arith.constant 0 : i32
      %dma_wait3A_59 = tpu.memref_slice %arg7[%add3A_46, %dma_wait3A_58] : memref<40x128xi32, #tpu.memory_space<vmem>> -> memref<1x128xi32, #tpu.memory_space<vmem>>
      %dma_wait3A_60 = tpu.memref_squeeze %dma_wait3A_59 : memref<1x128xi32, #tpu.memory_space<vmem>> -> memref<128xi32, #tpu.memory_space<vmem>>
      %dma_wait3A_61 = arith.constant 0 : i32
      %dma_wait3A_62 = arith.constant 0 : i32
      %dma_wait3A_63 = tpu.memref_slice %arg2[%dma_wait3A_61, %dma_wait3A_62] : memref<10000x128xf32, #tpu.memory_space<hbm>> -> memref<10000x128xf32, #tpu.memory_space<hbm>>
      tpu.wait_indirect_dma semaphore(%arg13 : memref<!tpu.dma_semaphore, #tpu.memory_space<semaphore_mem>>) src(%dma_wait3A_63 : memref<10000x128xf32, #tpu.memory_space<hbm>>) dst(%arg10 : memref<128x128xf32, #tpu.memory_space<vmem>>)
      %add3A_64 = arith.constant 1 : i32
      %add3A_65 = arith.addi %mul3A_39, %add3A_64 : i32
      "tpu.region"() ({
        %run_scoped3A = tpu.sem_alloc : memref<!tpu.dma_semaphore, #tpu.memory_space<semaphore_mem>>
        %dma_start3A_66 = arith.constant 0 : i32
        %dma_start3A_67 = tpu.memref_slice %arg8[%add3A_65, %dma_start3A_66] : memref<40x128xi32, #tpu.memory_space<vmem>> -> memref<1x128xi32, #tpu.memory_space<vmem>>
        %dma_start3A_68 = tpu.memref_squeeze %dma_start3A_67 : memref<1x128xi32, #tpu.memory_space<vmem>> -> memref<128xi32, #tpu.memory_space<vmem>>
        %dma_start3A_69 = arith.constant 0 : i32
        %dma_start3A_70 = arith.constant 0 : i32
        %dma_start3A_71 = tpu.memref_slice %arg11[%dma_start3A_69, %dma_start3A_70] : memref<10240x128xf32, #tpu.memory_space<vmem_shared>> -> memref<10240x128xf32, #tpu.memory_space<vmem_shared>>
        tpu.enqueue_indirect_dma source(%arg10 : memref<128x128xf32, #tpu.memory_space<vmem>>) target(%dma_start3A_71 : memref<10240x128xf32, #tpu.memory_space<vmem_shared>>) offsets(%dma_start3A_68 : memref<128xi32, #tpu.memory_space<vmem>>) semaphore(%run_scoped3A : memref<!tpu.dma_semaphore, #tpu.memory_space<semaphore_mem>>) {add = true}
        %dma_wait3A_72 = arith.constant 0 : i32
        %dma_wait3A_73 = tpu.memref_slice %arg8[%add3A_65, %dma_wait3A_72] : memref<40x128xi32, #tpu.memory_space<vmem>> -> memref<1x128xi32, #tpu.memory_space<vmem>>
        %dma_wait3A_74 = tpu.memref_squeeze %dma_wait3A_73 : memref<1x128xi32, #tpu.memory_space<vmem>> -> memref<128xi32, #tpu.memory_space<vmem>>
        %dma_wait3A_75 = arith.constant 0 : i32
        %dma_wait3A_76 = arith.constant 0 : i32
        %dma_wait3A_77 = tpu.memref_slice %arg11[%dma_wait3A_75, %dma_wait3A_76] : memref<10240x128xf32, #tpu.memory_space<vmem_shared>> -> memref<10240x128xf32, #tpu.memory_space<vmem_shared>>
        tpu.wait_indirect_dma semaphore(%run_scoped3A : memref<!tpu.dma_semaphore, #tpu.memory_space<semaphore_mem>>) src(%arg10 : memref<128x128xf32, #tpu.memory_space<vmem>>) dst(%dma_wait3A_77 : memref<10240x128xf32, #tpu.memory_space<vmem_shared>>)
        tpu.yield
      }) : () -> ()
    }
    %scan3A_17 = arith.constant 20 : i32
    %mul3A_18 = arith.constant 2 : i32
    %mul3A_19 = arith.muli %mul3A_18, %add3A : i32
    %add3A_20 = arith.constant 1 : i32
    %add3A_21 = arith.addi %mul3A_19, %add3A_20 : i32
    "tpu.region"() ({
      %run_scoped3A = tpu.sem_alloc : memref<!tpu.dma_semaphore, #tpu.memory_space<semaphore_mem>>
      %dma_start3A = arith.constant 0 : i32
      %dma_start3A_37 = arith.constant 0 : i32
      %dma_start3A_38 = tpu.memref_slice %arg3[%add3A_21, %dma_start3A, %dma_start3A_37] : memref<64x40x128xi32, #tpu.memory_space<hbm>> -> memref<1x40x128xi32, #tpu.memory_space<hbm>>
      %dma_start3A_39 = tpu.memref_squeeze %dma_start3A_38 : memref<1x40x128xi32, #tpu.memory_space<hbm>> -> memref<40x128xi32, #tpu.memory_space<hbm>>
      %dma_start3A_40 = arith.constant 0 : i32
      %dma_start3A_41 = arith.constant 0 : i32
      %dma_start3A_42 = tpu.memref_slice %arg3[%add3A_21, %dma_start3A_40, %dma_start3A_41] : memref<64x40x128xi32, #tpu.memory_space<hbm>> -> memref<1x40x128xi32, #tpu.memory_space<hbm>>
      %dma_start3A_43 = tpu.memref_squeeze %dma_start3A_42 : memref<1x40x128xi32, #tpu.memory_space<hbm>> -> memref<40x128xi32, #tpu.memory_space<hbm>>
      tpu.enqueue_dma source(%dma_start3A_43 : memref<40x128xi32, #tpu.memory_space<hbm>>) target(%arg7 : memref<40x128xi32, #tpu.memory_space<vmem>>) target_semaphore(%run_scoped3A : memref<!tpu.dma_semaphore, #tpu.memory_space<semaphore_mem>>)
      %dma_wait3A = arith.constant 0 : i32
      %dma_wait3A_44 = arith.constant 0 : i32
      %dma_wait3A_45 = tpu.memref_slice %arg3[%add3A_21, %dma_wait3A, %dma_wait3A_44] : memref<64x40x128xi32, #tpu.memory_space<hbm>> -> memref<1x40x128xi32, #tpu.memory_space<hbm>>
      %dma_wait3A_46 = tpu.memref_squeeze %dma_wait3A_45 : memref<1x40x128xi32, #tpu.memory_space<hbm>> -> memref<40x128xi32, #tpu.memory_space<hbm>>
      %dma_wait3A_47 = arith.constant 0 : i32
      %dma_wait3A_48 = arith.constant 0 : i32
      %dma_wait3A_49 = tpu.memref_slice %arg3[%add3A_21, %dma_wait3A_47, %dma_wait3A_48] : memref<64x40x128xi32, #tpu.memory_space<hbm>> -> memref<1x40x128xi32, #tpu.memory_space<hbm>>
      %dma_wait3A_50 = tpu.memref_squeeze %dma_wait3A_49 : memref<1x40x128xi32, #tpu.memory_space<hbm>> -> memref<40x128xi32, #tpu.memory_space<hbm>>
      tpu.wait_dma2 semaphore(%run_scoped3A : memref<!tpu.dma_semaphore, #tpu.memory_space<semaphore_mem>>) src(%dma_wait3A_50 : memref<40x128xi32, #tpu.memory_space<hbm>>) dst(%arg7 : memref<40x128xi32, #tpu.memory_space<vmem>>)
      tpu.yield
    }) : () -> ()
    %mul3A_22 = arith.constant 2 : i32
    %mul3A_23 = arith.muli %mul3A_22, %add3A : i32
    %add3A_24 = arith.constant 1 : i32
    %add3A_25 = arith.addi %mul3A_23, %add3A_24 : i32
    "tpu.region"() ({
      %run_scoped3A = tpu.sem_alloc : memref<!tpu.dma_semaphore, #tpu.memory_space<semaphore_mem>>
      %dma_start3A = arith.constant 0 : i32
      %dma_start3A_37 = arith.constant 0 : i32
      %dma_start3A_38 = tpu.memref_slice %arg4[%add3A_25, %dma_start3A, %dma_start3A_37] : memref<64x40x128xi32, #tpu.memory_space<hbm>> -> memref<1x40x128xi32, #tpu.memory_space<hbm>>
      %dma_start3A_39 = tpu.memref_squeeze %dma_start3A_38 : memref<1x40x128xi32, #tpu.memory_space<hbm>> -> memref<40x128xi32, #tpu.memory_space<hbm>>
      %dma_start3A_40 = arith.constant 0 : i32
      %dma_start3A_41 = arith.constant 0 : i32
      %dma_start3A_42 = tpu.memref_slice %arg4[%add3A_25, %dma_start3A_40, %dma_start3A_41] : memref<64x40x128xi32, #tpu.memory_space<hbm>> -> memref<1x40x128xi32, #tpu.memory_space<hbm>>
      %dma_start3A_43 = tpu.memref_squeeze %dma_start3A_42 : memref<1x40x128xi32, #tpu.memory_space<hbm>> -> memref<40x128xi32, #tpu.memory_space<hbm>>
      tpu.enqueue_dma source(%dma_start3A_43 : memref<40x128xi32, #tpu.memory_space<hbm>>) target(%arg8 : memref<40x128xi32, #tpu.memory_space<vmem>>) target_semaphore(%run_scoped3A : memref<!tpu.dma_semaphore, #tpu.memory_space<semaphore_mem>>)
      %dma_wait3A = arith.constant 0 : i32
      %dma_wait3A_44 = arith.constant 0 : i32
      %dma_wait3A_45 = tpu.memref_slice %arg4[%add3A_25, %dma_wait3A, %dma_wait3A_44] : memref<64x40x128xi32, #tpu.memory_space<hbm>> -> memref<1x40x128xi32, #tpu.memory_space<hbm>>
      %dma_wait3A_46 = tpu.memref_squeeze %dma_wait3A_45 : memref<1x40x128xi32, #tpu.memory_space<hbm>> -> memref<40x128xi32, #tpu.memory_space<hbm>>
      %dma_wait3A_47 = arith.constant 0 : i32
      %dma_wait3A_48 = arith.constant 0 : i32
      %dma_wait3A_49 = tpu.memref_slice %arg4[%add3A_25, %dma_wait3A_47, %dma_wait3A_48] : memref<64x40x128xi32, #tpu.memory_space<hbm>> -> memref<1x40x128xi32, #tpu.memory_space<hbm>>
      %dma_wait3A_50 = tpu.memref_squeeze %dma_wait3A_49 : memref<1x40x128xi32, #tpu.memory_space<hbm>> -> memref<40x128xi32, #tpu.memory_space<hbm>>
      tpu.wait_dma2 semaphore(%run_scoped3A : memref<!tpu.dma_semaphore, #tpu.memory_space<semaphore_mem>>) src(%dma_wait3A_50 : memref<40x128xi32, #tpu.memory_space<hbm>>) dst(%arg8 : memref<40x128xi32, #tpu.memory_space<vmem>>)
      tpu.yield
    }) : () -> ()
    %scan3A_26 = arith.constant 0 : i32
    %scan3A_27 = arith.constant 0 : i32
    %scan3A_28 = arith.constant 20 : i32
    %scan3A_29 = arith.addi %scan3A_27, %scan3A_28 : i32
    %scan3A_30 = arith.constant 1 : i32
    scf.for %scan3A_37 = %scan3A_27 to %scan3A_29 step %scan3A_30  : i32 {
      %mul3A_38 = arith.constant 2 : i32
      %mul3A_39 = arith.muli %mul3A_38, %scan3A_37 : i32
      %dma_start3A = arith.constant 0 : i32
      %dma_start3A_40 = tpu.memref_slice %arg7[%mul3A_39, %dma_start3A] : memref<40x128xi32, #tpu.memory_space<vmem>> -> memref<1x128xi32, #tpu.memory_space<vmem>>
      %dma_start3A_41 = tpu.memref_squeeze %dma_start3A_40 : memref<1x128xi32, #tpu.memory_space<vmem>> -> memref<128xi32, #tpu.memory_space<vmem>>
      %dma_start3A_42 = arith.constant 0 : i32
      %dma_start3A_43 = arith.constant 0 : i32
      %dma_start3A_44 = tpu.memref_slice %arg2[%dma_start3A_42, %dma_start3A_43] : memref<10000x128xf32, #tpu.memory_space<hbm>> -> memref<10000x128xf32, #tpu.memory_space<hbm>>
      tpu.enqueue_indirect_dma source(%dma_start3A_44 : memref<10000x128xf32, #tpu.memory_space<hbm>>) target(%arg9 : memref<128x128xf32, #tpu.memory_space<vmem>>) offsets(%dma_start3A_41 : memref<128xi32, #tpu.memory_space<vmem>>) semaphore(%arg12 : memref<!tpu.dma_semaphore, #tpu.memory_space<semaphore_mem>>)
      %add3A_45 = arith.constant 1 : i32
      %add3A_46 = arith.addi %mul3A_39, %add3A_45 : i32
      %dma_start3A_47 = arith.constant 0 : i32
      %dma_start3A_48 = tpu.memref_slice %arg7[%add3A_46, %dma_start3A_47] : memref<40x128xi32, #tpu.memory_space<vmem>> -> memref<1x128xi32, #tpu.memory_space<vmem>>
      %dma_start3A_49 = tpu.memref_squeeze %dma_start3A_48 : memref<1x128xi32, #tpu.memory_space<vmem>> -> memref<128xi32, #tpu.memory_space<vmem>>
      %dma_start3A_50 = arith.constant 0 : i32
      %dma_start3A_51 = arith.constant 0 : i32
      %dma_start3A_52 = tpu.memref_slice %arg2[%dma_start3A_50, %dma_start3A_51] : memref<10000x128xf32, #tpu.memory_space<hbm>> -> memref<10000x128xf32, #tpu.memory_space<hbm>>
      tpu.enqueue_indirect_dma source(%dma_start3A_52 : memref<10000x128xf32, #tpu.memory_space<hbm>>) target(%arg10 : memref<128x128xf32, #tpu.memory_space<vmem>>) offsets(%dma_start3A_49 : memref<128xi32, #tpu.memory_space<vmem>>) semaphore(%arg13 : memref<!tpu.dma_semaphore, #tpu.memory_space<semaphore_mem>>)
      %dma_wait3A = arith.constant 0 : i32
      %dma_wait3A_53 = tpu.memref_slice %arg7[%mul3A_39, %dma_wait3A] : memref<40x128xi32, #tpu.memory_space<vmem>> -> memref<1x128xi32, #tpu.memory_space<vmem>>
      %dma_wait3A_54 = tpu.memref_squeeze %dma_wait3A_53 : memref<1x128xi32, #tpu.memory_space<vmem>> -> memref<128xi32, #tpu.memory_space<vmem>>
      %dma_wait3A_55 = arith.constant 0 : i32
      %dma_wait3A_56 = arith.constant 0 : i32
      %dma_wait3A_57 = tpu.memref_slice %arg2[%dma_wait3A_55, %dma_wait3A_56] : memref<10000x128xf32, #tpu.memory_space<hbm>> -> memref<10000x128xf32, #tpu.memory_space<hbm>>
      tpu.wait_indirect_dma semaphore(%arg12 : memref<!tpu.dma_semaphore, #tpu.memory_space<semaphore_mem>>) src(%dma_wait3A_57 : memref<10000x128xf32, #tpu.memory_space<hbm>>) dst(%arg9 : memref<128x128xf32, #tpu.memory_space<vmem>>)
      "tpu.region"() ({
        %run_scoped3A = tpu.sem_alloc : memref<!tpu.dma_semaphore, #tpu.memory_space<semaphore_mem>>
        %dma_start3A_66 = arith.constant 0 : i32
        %dma_start3A_67 = tpu.memref_slice %arg8[%mul3A_39, %dma_start3A_66] : memref<40x128xi32, #tpu.memory_space<vmem>> -> memref<1x128xi32, #tpu.memory_space<vmem>>
        %dma_start3A_68 = tpu.memref_squeeze %dma_start3A_67 : memref<1x128xi32, #tpu.memory_space<vmem>> -> memref<128xi32, #tpu.memory_space<vmem>>
        %dma_start3A_69 = arith.constant 0 : i32
        %dma_start3A_70 = arith.constant 0 : i32
        %dma_start3A_71 = tpu.memref_slice %arg11[%dma_start3A_69, %dma_start3A_70] : memref<10240x128xf32, #tpu.memory_space<vmem_shared>> -> memref<10240x128xf32, #tpu.memory_space<vmem_shared>>
        tpu.enqueue_indirect_dma source(%arg9 : memref<128x128xf32, #tpu.memory_space<vmem>>) target(%dma_start3A_71 : memref<10240x128xf32, #tpu.memory_space<vmem_shared>>) offsets(%dma_start3A_68 : memref<128xi32, #tpu.memory_space<vmem>>) semaphore(%run_scoped3A : memref<!tpu.dma_semaphore, #tpu.memory_space<semaphore_mem>>) {add = true}
        %dma_wait3A_72 = arith.constant 0 : i32
        %dma_wait3A_73 = tpu.memref_slice %arg8[%mul3A_39, %dma_wait3A_72] : memref<40x128xi32, #tpu.memory_space<vmem>> -> memref<1x128xi32, #tpu.memory_space<vmem>>
        %dma_wait3A_74 = tpu.memref_squeeze %dma_wait3A_73 : memref<1x128xi32, #tpu.memory_space<vmem>> -> memref<128xi32, #tpu.memory_space<vmem>>
        %dma_wait3A_75 = arith.constant 0 : i32
        %dma_wait3A_76 = arith.constant 0 : i32
        %dma_wait3A_77 = tpu.memref_slice %arg11[%dma_wait3A_75, %dma_wait3A_76] : memref<10240x128xf32, #tpu.memory_space<vmem_shared>> -> memref<10240x128xf32, #tpu.memory_space<vmem_shared>>
        tpu.wait_indirect_dma semaphore(%run_scoped3A : memref<!tpu.dma_semaphore, #tpu.memory_space<semaphore_mem>>) src(%arg9 : memref<128x128xf32, #tpu.memory_space<vmem>>) dst(%dma_wait3A_77 : memref<10240x128xf32, #tpu.memory_space<vmem_shared>>)
        tpu.yield
      }) : () -> ()
      %dma_wait3A_58 = arith.constant 0 : i32
      %dma_wait3A_59 = tpu.memref_slice %arg7[%add3A_46, %dma_wait3A_58] : memref<40x128xi32, #tpu.memory_space<vmem>> -> memref<1x128xi32, #tpu.memory_space<vmem>>
      %dma_wait3A_60 = tpu.memref_squeeze %dma_wait3A_59 : memref<1x128xi32, #tpu.memory_space<vmem>> -> memref<128xi32, #tpu.memory_space<vmem>>
      %dma_wait3A_61 = arith.constant 0 : i32
      %dma_wait3A_62 = arith.constant 0 : i32
      %dma_wait3A_63 = tpu.memref_slice %arg2[%dma_wait3A_61, %dma_wait3A_62] : memref<10000x128xf32, #tpu.memory_space<hbm>> -> memref<10000x128xf32, #tpu.memory_space<hbm>>
      tpu.wait_indirect_dma semaphore(%arg13 : memref<!tpu.dma_semaphore, #tpu.memory_space<semaphore_mem>>) src(%dma_wait3A_63 : memref<10000x128xf32, #tpu.memory_space<hbm>>) dst(%arg10 : memref<128x128xf32, #tpu.memory_space<vmem>>)
      %add3A_64 = arith.constant 1 : i32
      %add3A_65 = arith.addi %mul3A_39, %add3A_64 : i32
      "tpu.region"() ({
        %run_scoped3A = tpu.sem_alloc : memref<!tpu.dma_semaphore, #tpu.memory_space<semaphore_mem>>
        %dma_start3A_66 = arith.constant 0 : i32
        %dma_start3A_67 = tpu.memref_slice %arg8[%add3A_65, %dma_start3A_66] : memref<40x128xi32, #tpu.memory_space<vmem>> -> memref<1x128xi32, #tpu.memory_space<vmem>>
        %dma_start3A_68 = tpu.memref_squeeze %dma_start3A_67 : memref<1x128xi32, #tpu.memory_space<vmem>> -> memref<128xi32, #tpu.memory_space<vmem>>
        %dma_start3A_69 = arith.constant 0 : i32
        %dma_start3A_70 = arith.constant 0 : i32
        %dma_start3A_71 = tpu.memref_slice %arg11[%dma_start3A_69, %dma_start3A_70] : memref<10240x128xf32, #tpu.memory_space<vmem_shared>> -> memref<10240x128xf32, #tpu.memory_space<vmem_shared>>
        tpu.enqueue_indirect_dma source(%arg10 : memref<128x128xf32, #tpu.memory_space<vmem>>) target(%dma_start3A_71 : memref<10240x128xf32, #tpu.memory_space<vmem_shared>>) offsets(%dma_start3A_68 : memref<128xi32, #tpu.memory_space<vmem>>) semaphore(%run_scoped3A : memref<!tpu.dma_semaphore, #tpu.memory_space<semaphore_mem>>) {add = true}
        %dma_wait3A_72 = arith.constant 0 : i32
        %dma_wait3A_73 = tpu.memref_slice %arg8[%add3A_65, %dma_wait3A_72] : memref<40x128xi32, #tpu.memory_space<vmem>> -> memref<1x128xi32, #tpu.memory_space<vmem>>
        %dma_wait3A_74 = tpu.memref_squeeze %dma_wait3A_73 : memref<1x128xi32, #tpu.memory_space<vmem>> -> memref<128xi32, #tpu.memory_space<vmem>>
        %dma_wait3A_75 = arith.constant 0 : i32
        %dma_wait3A_76 = arith.constant 0 : i32
        %dma_wait3A_77 = tpu.memref_slice %arg11[%dma_wait3A_75, %dma_wait3A_76] : memref<10240x128xf32, #tpu.memory_space<vmem_shared>> -> memref<10240x128xf32, #tpu.memory_space<vmem_shared>>
        tpu.wait_indirect_dma semaphore(%run_scoped3A : memref<!tpu.dma_semaphore, #tpu.memory_space<semaphore_mem>>) src(%arg10 : memref<128x128xf32, #tpu.memory_space<vmem>>) dst(%dma_wait3A_77 : memref<10240x128xf32, #tpu.memory_space<vmem_shared>>)
        tpu.yield
      }) : () -> ()
    }
    %scan3A_31 = arith.constant 20 : i32
    %barrier3A_32 = arith.constant 0 : index
    tpu.barrier barrier_id(%barrier3A_32)
    %mul3A_33 = arith.constant 640 : i32
    %mul3A_34 = arith.muli %arg1, %mul3A_33 : i32
    %mul3A_35 = arith.constant 640 : i32
    %mul3A_36 = arith.muli %arg1, %mul3A_35 : i32
    "tpu.region"() ({
      %run_scoped3A = tpu.sem_alloc : memref<!tpu.dma_semaphore, #tpu.memory_space<semaphore_mem>>
      %dma_start3A = arith.constant 0 : i32
      %dma_start3A_37 = tpu.memref_slice %arg6[%arg0, %mul3A_36, %dma_start3A] : memref<2x10240x128xf32, #tpu.memory_space<hbm>> -> memref<1x640x128xf32, #tpu.memory_space<hbm>>
      %dma_start3A_38 = tpu.memref_squeeze %dma_start3A_37 : memref<1x640x128xf32, #tpu.memory_space<hbm>> -> memref<640x128xf32, #tpu.memory_space<hbm>>
      %dma_start3A_39 = arith.constant 0 : i32
      %dma_start3A_40 = tpu.memref_slice %arg11[%mul3A_34, %dma_start3A_39] : memref<10240x128xf32, #tpu.memory_space<vmem_shared>> -> memref<640x128xf32, #tpu.memory_space<vmem_shared>>
      tpu.enqueue_dma source(%dma_start3A_40 : memref<640x128xf32, #tpu.memory_space<vmem_shared>>) target(%dma_start3A_38 : memref<640x128xf32, #tpu.memory_space<hbm>>) target_semaphore(%run_scoped3A : memref<!tpu.dma_semaphore, #tpu.memory_space<semaphore_mem>>)
      %dma_wait3A = arith.constant 0 : i32
      %dma_wait3A_41 = tpu.memref_slice %arg6[%arg0, %mul3A_36, %dma_wait3A] : memref<2x10240x128xf32, #tpu.memory_space<hbm>> -> memref<1x640x128xf32, #tpu.memory_space<hbm>>
      %dma_wait3A_42 = tpu.memref_squeeze %dma_wait3A_41 : memref<1x640x128xf32, #tpu.memory_space<hbm>> -> memref<640x128xf32, #tpu.memory_space<hbm>>
      %dma_wait3A_43 = arith.constant 0 : i32
      %dma_wait3A_44 = tpu.memref_slice %arg11[%mul3A_34, %dma_wait3A_43] : memref<10240x128xf32, #tpu.memory_space<vmem_shared>> -> memref<640x128xf32, #tpu.memory_space<vmem_shared>>
      tpu.wait_dma2 semaphore(%run_scoped3A : memref<!tpu.dma_semaphore, #tpu.memory_space<semaphore_mem>>) src(%dma_wait3A_44 : memref<640x128xf32, #tpu.memory_space<vmem_shared>>) dst(%dma_wait3A_42 : memref<640x128xf32, #tpu.memory_space<hbm>>)
      tpu.yield
    }) : () -> ()
    return
  }
}

#map = affine_map<(d0, d1) -> (0, 0)>
#map1 = affine_map<(d0, d1) -> (0, 0, 0)>
module attributes {stable_mosaic.version = 14 : i64} {
  func.func @_seg_sum_body(%arg0: i32, %arg1: i32, %arg2: memref<10000x128xf32, #tpu.memory_space<hbm>>, %arg3: memref<64x40x128xi32, #tpu.memory_space<hbm>>, %arg4: memref<64x40x128xi32, #tpu.memory_space<hbm>>, %arg5: memref<10240x128xf32, #tpu.memory_space<hbm>>, %arg6: memref<2x10240x128xf32, #tpu.memory_space<hbm>>, %arg7: memref<40x128xi32, #tpu.memory_space<vmem>>, %arg8: memref<40x128xi32, #tpu.memory_space<vmem>>, %arg9: memref<128x128xf32, #tpu.memory_space<vmem>>, %arg10: memref<128x128xf32, #tpu.memory_space<vmem>>, %arg11: memref<10240x128xf32, #tpu.memory_space<vmem_shared>>, %arg12: memref<!tpu.dma_semaphore, #tpu.memory_space<semaphore_mem>>, %arg13: memref<!tpu.dma_semaphore, #tpu.memory_space<semaphore_mem>>) attributes {dimension_semantics = [#tpu.dimension_semantics<core_parallel>, #tpu.dimension_semantics<subcore_parallel>], iteration_bounds = array<i64: 2, 16>, scalar_prefetch = 0 : i64, scratch_operands = 7 : i64, tpu.core_type = #tpu.core_type<sc_vector_subcore>, window_params = [{transform_indices = #map}, {transform_indices = #map1}, {transform_indices = #map1}, {transform_indices = #map}, {transform_indices = #map1}]} {
    %mul3A = arith.constant 16 : i32
    %mul3A_0 = arith.muli %arg0, %mul3A : i32
    %add3A = arith.addi %mul3A_0, %arg1 : i32
    %mul3A_1 = arith.constant 640 : i32
    %mul3A_2 = arith.muli %arg1, %mul3A_1 : i32
    %mul3A_3 = arith.constant 640 : i32
    %mul3A_4 = arith.muli %arg1, %mul3A_3 : i32
    "tpu.region"() ({
      %run_scoped3A = tpu.sem_alloc : memref<!tpu.dma_semaphore, #tpu.memory_space<semaphore_mem>>
      %dma_start3A = arith.constant 0 : i32
      %dma_start3A_37 = tpu.memref_slice %arg11[%mul3A_4, %dma_start3A] : memref<10240x128xf32, #tpu.memory_space<vmem_shared>> -> memref<640x128xf32, #tpu.memory_space<vmem_shared>>
      %dma_start3A_38 = arith.constant 0 : i32
      %dma_start3A_39 = tpu.memref_slice %arg5[%mul3A_2, %dma_start3A_38] : memref<10240x128xf32, #tpu.memory_space<hbm>> -> memref<640x128xf32, #tpu.memory_space<hbm>>
      tpu.enqueue_dma source(%dma_start3A_39 : memref<640x128xf32, #tpu.memory_space<hbm>>) target(%dma_start3A_37 : memref<640x128xf32, #tpu.memory_space<vmem_shared>>) target_semaphore(%run_scoped3A : memref<!tpu.dma_semaphore, #tpu.memory_space<semaphore_mem>>)
      %dma_wait3A = arith.constant 0 : i32
      %dma_wait3A_40 = tpu.memref_slice %arg11[%mul3A_4, %dma_wait3A] : memref<10240x128xf32, #tpu.memory_space<vmem_shared>> -> memref<640x128xf32, #tpu.memory_space<vmem_shared>>
      %dma_wait3A_41 = arith.constant 0 : i32
      %dma_wait3A_42 = tpu.memref_slice %arg5[%mul3A_2, %dma_wait3A_41] : memref<10240x128xf32, #tpu.memory_space<hbm>> -> memref<640x128xf32, #tpu.memory_space<hbm>>
      tpu.wait_dma2 semaphore(%run_scoped3A : memref<!tpu.dma_semaphore, #tpu.memory_space<semaphore_mem>>) src(%dma_wait3A_42 : memref<640x128xf32, #tpu.memory_space<hbm>>) dst(%dma_wait3A_40 : memref<640x128xf32, #tpu.memory_space<vmem_shared>>)
      tpu.yield
    }) : () -> ()
    %barrier3A = arith.constant 0 : index
    tpu.barrier barrier_id(%barrier3A)
    %mul3A_5 = arith.constant 2 : i32
    %mul3A_6 = arith.muli %mul3A_5, %add3A : i32
    %add3A_7 = arith.constant 0 : i32
    %add3A_8 = arith.addi %mul3A_6, %add3A_7 : i32
    "tpu.region"() ({
      %run_scoped3A = tpu.sem_alloc : memref<!tpu.dma_semaphore, #tpu.memory_space<semaphore_mem>>
      %dma_start3A = arith.constant 0 : i32
      %dma_start3A_37 = arith.constant 0 : i32
      %dma_start3A_38 = tpu.memref_slice %arg3[%add3A_8, %dma_start3A, %dma_start3A_37] : memref<64x40x128xi32, #tpu.memory_space<hbm>> -> memref<1x40x128xi32, #tpu.memory_space<hbm>>
      %dma_start3A_39 = tpu.memref_squeeze %dma_start3A_38 : memref<1x40x128xi32, #tpu.memory_space<hbm>> -> memref<40x128xi32, #tpu.memory_space<hbm>>
      %dma_start3A_40 = arith.constant 0 : i32
      %dma_start3A_41 = arith.constant 0 : i32
      %dma_start3A_42 = tpu.memref_slice %arg3[%add3A_8, %dma_start3A_40, %dma_start3A_41] : memref<64x40x128xi32, #tpu.memory_space<hbm>> -> memref<1x40x128xi32, #tpu.memory_space<hbm>>
      %dma_start3A_43 = tpu.memref_squeeze %dma_start3A_42 : memref<1x40x128xi32, #tpu.memory_space<hbm>> -> memref<40x128xi32, #tpu.memory_space<hbm>>
      tpu.enqueue_dma source(%dma_start3A_43 : memref<40x128xi32, #tpu.memory_space<hbm>>) target(%arg7 : memref<40x128xi32, #tpu.memory_space<vmem>>) target_semaphore(%run_scoped3A : memref<!tpu.dma_semaphore, #tpu.memory_space<semaphore_mem>>)
      %dma_wait3A = arith.constant 0 : i32
      %dma_wait3A_44 = arith.constant 0 : i32
      %dma_wait3A_45 = tpu.memref_slice %arg3[%add3A_8, %dma_wait3A, %dma_wait3A_44] : memref<64x40x128xi32, #tpu.memory_space<hbm>> -> memref<1x40x128xi32, #tpu.memory_space<hbm>>
      %dma_wait3A_46 = tpu.memref_squeeze %dma_wait3A_45 : memref<1x40x128xi32, #tpu.memory_space<hbm>> -> memref<40x128xi32, #tpu.memory_space<hbm>>
      %dma_wait3A_47 = arith.constant 0 : i32
      %dma_wait3A_48 = arith.constant 0 : i32
      %dma_wait3A_49 = tpu.memref_slice %arg3[%add3A_8, %dma_wait3A_47, %dma_wait3A_48] : memref<64x40x128xi32, #tpu.memory_space<hbm>> -> memref<1x40x128xi32, #tpu.memory_space<hbm>>
      %dma_wait3A_50 = tpu.memref_squeeze %dma_wait3A_49 : memref<1x40x128xi32, #tpu.memory_space<hbm>> -> memref<40x128xi32, #tpu.memory_space<hbm>>
      tpu.wait_dma2 semaphore(%run_scoped3A : memref<!tpu.dma_semaphore, #tpu.memory_space<semaphore_mem>>) src(%dma_wait3A_50 : memref<40x128xi32, #tpu.memory_space<hbm>>) dst(%arg7 : memref<40x128xi32, #tpu.memory_space<vmem>>)
      tpu.yield
    }) : () -> ()
    %mul3A_9 = arith.constant 2 : i32
    %mul3A_10 = arith.muli %mul3A_9, %add3A : i32
    %add3A_11 = arith.constant 0 : i32
    %add3A_12 = arith.addi %mul3A_10, %add3A_11 : i32
    "tpu.region"() ({
      %run_scoped3A = tpu.sem_alloc : memref<!tpu.dma_semaphore, #tpu.memory_space<semaphore_mem>>
      %dma_start3A = arith.constant 0 : i32
      %dma_start3A_37 = arith.constant 0 : i32
      %dma_start3A_38 = tpu.memref_slice %arg4[%add3A_12, %dma_start3A, %dma_start3A_37] : memref<64x40x128xi32, #tpu.memory_space<hbm>> -> memref<1x40x128xi32, #tpu.memory_space<hbm>>
      %dma_start3A_39 = tpu.memref_squeeze %dma_start3A_38 : memref<1x40x128xi32, #tpu.memory_space<hbm>> -> memref<40x128xi32, #tpu.memory_space<hbm>>
      %dma_start3A_40 = arith.constant 0 : i32
      %dma_start3A_41 = arith.constant 0 : i32
      %dma_start3A_42 = tpu.memref_slice %arg4[%add3A_12, %dma_start3A_40, %dma_start3A_41] : memref<64x40x128xi32, #tpu.memory_space<hbm>> -> memref<1x40x128xi32, #tpu.memory_space<hbm>>
      %dma_start3A_43 = tpu.memref_squeeze %dma_start3A_42 : memref<1x40x128xi32, #tpu.memory_space<hbm>> -> memref<40x128xi32, #tpu.memory_space<hbm>>
      tpu.enqueue_dma source(%dma_start3A_43 : memref<40x128xi32, #tpu.memory_space<hbm>>) target(%arg8 : memref<40x128xi32, #tpu.memory_space<vmem>>) target_semaphore(%run_scoped3A : memref<!tpu.dma_semaphore, #tpu.memory_space<semaphore_mem>>)
      %dma_wait3A = arith.constant 0 : i32
      %dma_wait3A_44 = arith.constant 0 : i32
      %dma_wait3A_45 = tpu.memref_slice %arg4[%add3A_12, %dma_wait3A, %dma_wait3A_44] : memref<64x40x128xi32, #tpu.memory_space<hbm>> -> memref<1x40x128xi32, #tpu.memory_space<hbm>>
      %dma_wait3A_46 = tpu.memref_squeeze %dma_wait3A_45 : memref<1x40x128xi32, #tpu.memory_space<hbm>> -> memref<40x128xi32, #tpu.memory_space<hbm>>
      %dma_wait3A_47 = arith.constant 0 : i32
      %dma_wait3A_48 = arith.constant 0 : i32
      %dma_wait3A_49 = tpu.memref_slice %arg4[%add3A_12, %dma_wait3A_47, %dma_wait3A_48] : memref<64x40x128xi32, #tpu.memory_space<hbm>> -> memref<1x40x128xi32, #tpu.memory_space<hbm>>
      %dma_wait3A_50 = tpu.memref_squeeze %dma_wait3A_49 : memref<1x40x128xi32, #tpu.memory_space<hbm>> -> memref<40x128xi32, #tpu.memory_space<hbm>>
      tpu.wait_dma2 semaphore(%run_scoped3A : memref<!tpu.dma_semaphore, #tpu.memory_space<semaphore_mem>>) src(%dma_wait3A_50 : memref<40x128xi32, #tpu.memory_space<hbm>>) dst(%arg8 : memref<40x128xi32, #tpu.memory_space<vmem>>)
      tpu.yield
    }) : () -> ()
    %scan3A = arith.constant 0 : i32
    %scan3A_13 = arith.constant 0 : i32
    %scan3A_14 = arith.constant 20 : i32
    %scan3A_15 = arith.addi %scan3A_13, %scan3A_14 : i32
    %scan3A_16 = arith.constant 1 : i32
    scf.for %scan3A_37 = %scan3A_13 to %scan3A_15 step %scan3A_16  : i32 {
      %mul3A_38 = arith.constant 2 : i32
      %mul3A_39 = arith.muli %mul3A_38, %scan3A_37 : i32
      %dma_start3A = arith.constant 0 : i32
      %dma_start3A_40 = tpu.memref_slice %arg7[%mul3A_39, %dma_start3A] : memref<40x128xi32, #tpu.memory_space<vmem>> -> memref<1x128xi32, #tpu.memory_space<vmem>>
      %dma_start3A_41 = tpu.memref_squeeze %dma_start3A_40 : memref<1x128xi32, #tpu.memory_space<vmem>> -> memref<128xi32, #tpu.memory_space<vmem>>
      %dma_start3A_42 = arith.constant 0 : i32
      %dma_start3A_43 = arith.constant 0 : i32
      %dma_start3A_44 = tpu.memref_slice %arg2[%dma_start3A_42, %dma_start3A_43] : memref<10000x128xf32, #tpu.memory_space<hbm>> -> memref<10000x128xf32, #tpu.memory_space<hbm>>
      tpu.enqueue_indirect_dma source(%dma_start3A_44 : memref<10000x128xf32, #tpu.memory_space<hbm>>) target(%arg9 : memref<128x128xf32, #tpu.memory_space<vmem>>) offsets(%dma_start3A_41 : memref<128xi32, #tpu.memory_space<vmem>>) semaphore(%arg12 : memref<!tpu.dma_semaphore, #tpu.memory_space<semaphore_mem>>)
      %add3A_45 = arith.constant 1 : i32
      %add3A_46 = arith.addi %mul3A_39, %add3A_45 : i32
      %dma_start3A_47 = arith.constant 0 : i32
      %dma_start3A_48 = tpu.memref_slice %arg7[%add3A_46, %dma_start3A_47] : memref<40x128xi32, #tpu.memory_space<vmem>> -> memref<1x128xi32, #tpu.memory_space<vmem>>
      %dma_start3A_49 = tpu.memref_squeeze %dma_start3A_48 : memref<1x128xi32, #tpu.memory_space<vmem>> -> memref<128xi32, #tpu.memory_space<vmem>>
      %dma_start3A_50 = arith.constant 0 : i32
      %dma_start3A_51 = arith.constant 0 : i32
      %dma_start3A_52 = tpu.memref_slice %arg2[%dma_start3A_50, %dma_start3A_51] : memref<10000x128xf32, #tpu.memory_space<hbm>> -> memref<10000x128xf32, #tpu.memory_space<hbm>>
      tpu.enqueue_indirect_dma source(%dma_start3A_52 : memref<10000x128xf32, #tpu.memory_space<hbm>>) target(%arg10 : memref<128x128xf32, #tpu.memory_space<vmem>>) offsets(%dma_start3A_49 : memref<128xi32, #tpu.memory_space<vmem>>) semaphore(%arg13 : memref<!tpu.dma_semaphore, #tpu.memory_space<semaphore_mem>>)
      %dma_wait3A = arith.constant 0 : i32
      %dma_wait3A_53 = tpu.memref_slice %arg7[%mul3A_39, %dma_wait3A] : memref<40x128xi32, #tpu.memory_space<vmem>> -> memref<1x128xi32, #tpu.memory_space<vmem>>
      %dma_wait3A_54 = tpu.memref_squeeze %dma_wait3A_53 : memref<1x128xi32, #tpu.memory_space<vmem>> -> memref<128xi32, #tpu.memory_space<vmem>>
      %dma_wait3A_55 = arith.constant 0 : i32
      %dma_wait3A_56 = arith.constant 0 : i32
      %dma_wait3A_57 = tpu.memref_slice %arg2[%dma_wait3A_55, %dma_wait3A_56] : memref<10000x128xf32, #tpu.memory_space<hbm>> -> memref<10000x128xf32, #tpu.memory_space<hbm>>
      tpu.wait_indirect_dma semaphore(%arg12 : memref<!tpu.dma_semaphore, #tpu.memory_space<semaphore_mem>>) src(%dma_wait3A_57 : memref<10000x128xf32, #tpu.memory_space<hbm>>) dst(%arg9 : memref<128x128xf32, #tpu.memory_space<vmem>>)
      "tpu.region"() ({
        %run_scoped3A = tpu.sem_alloc : memref<!tpu.dma_semaphore, #tpu.memory_space<semaphore_mem>>
        %dma_start3A_66 = arith.constant 0 : i32
        %dma_start3A_67 = tpu.memref_slice %arg8[%mul3A_39, %dma_start3A_66] : memref<40x128xi32, #tpu.memory_space<vmem>> -> memref<1x128xi32, #tpu.memory_space<vmem>>
        %dma_start3A_68 = tpu.memref_squeeze %dma_start3A_67 : memref<1x128xi32, #tpu.memory_space<vmem>> -> memref<128xi32, #tpu.memory_space<vmem>>
        %dma_start3A_69 = arith.constant 0 : i32
        %dma_start3A_70 = arith.constant 0 : i32
        %dma_start3A_71 = tpu.memref_slice %arg11[%dma_start3A_69, %dma_start3A_70] : memref<10240x128xf32, #tpu.memory_space<vmem_shared>> -> memref<10240x128xf32, #tpu.memory_space<vmem_shared>>
        tpu.enqueue_indirect_dma source(%arg9 : memref<128x128xf32, #tpu.memory_space<vmem>>) target(%dma_start3A_71 : memref<10240x128xf32, #tpu.memory_space<vmem_shared>>) offsets(%dma_start3A_68 : memref<128xi32, #tpu.memory_space<vmem>>) semaphore(%run_scoped3A : memref<!tpu.dma_semaphore, #tpu.memory_space<semaphore_mem>>) {add = true}
        %dma_wait3A_72 = arith.constant 0 : i32
        %dma_wait3A_73 = tpu.memref_slice %arg8[%mul3A_39, %dma_wait3A_72] : memref<40x128xi32, #tpu.memory_space<vmem>> -> memref<1x128xi32, #tpu.memory_space<vmem>>
        %dma_wait3A_74 = tpu.memref_squeeze %dma_wait3A_73 : memref<1x128xi32, #tpu.memory_space<vmem>> -> memref<128xi32, #tpu.memory_space<vmem>>
        %dma_wait3A_75 = arith.constant 0 : i32
        %dma_wait3A_76 = arith.constant 0 : i32
        %dma_wait3A_77 = tpu.memref_slice %arg11[%dma_wait3A_75, %dma_wait3A_76] : memref<10240x128xf32, #tpu.memory_space<vmem_shared>> -> memref<10240x128xf32, #tpu.memory_space<vmem_shared>>
        tpu.wait_indirect_dma semaphore(%run_scoped3A : memref<!tpu.dma_semaphore, #tpu.memory_space<semaphore_mem>>) src(%arg9 : memref<128x128xf32, #tpu.memory_space<vmem>>) dst(%dma_wait3A_77 : memref<10240x128xf32, #tpu.memory_space<vmem_shared>>)
        tpu.yield
      }) : () -> ()
      %dma_wait3A_58 = arith.constant 0 : i32
      %dma_wait3A_59 = tpu.memref_slice %arg7[%add3A_46, %dma_wait3A_58] : memref<40x128xi32, #tpu.memory_space<vmem>> -> memref<1x128xi32, #tpu.memory_space<vmem>>
      %dma_wait3A_60 = tpu.memref_squeeze %dma_wait3A_59 : memref<1x128xi32, #tpu.memory_space<vmem>> -> memref<128xi32, #tpu.memory_space<vmem>>
      %dma_wait3A_61 = arith.constant 0 : i32
      %dma_wait3A_62 = arith.constant 0 : i32
      %dma_wait3A_63 = tpu.memref_slice %arg2[%dma_wait3A_61, %dma_wait3A_62] : memref<10000x128xf32, #tpu.memory_space<hbm>> -> memref<10000x128xf32, #tpu.memory_space<hbm>>
      tpu.wait_indirect_dma semaphore(%arg13 : memref<!tpu.dma_semaphore, #tpu.memory_space<semaphore_mem>>) src(%dma_wait3A_63 : memref<10000x128xf32, #tpu.memory_space<hbm>>) dst(%arg10 : memref<128x128xf32, #tpu.memory_space<vmem>>)
      %add3A_64 = arith.constant 1 : i32
      %add3A_65 = arith.addi %mul3A_39, %add3A_64 : i32
      "tpu.region"() ({
        %run_scoped3A = tpu.sem_alloc : memref<!tpu.dma_semaphore, #tpu.memory_space<semaphore_mem>>
        %dma_start3A_66 = arith.constant 0 : i32
        %dma_start3A_67 = tpu.memref_slice %arg8[%add3A_65, %dma_start3A_66] : memref<40x128xi32, #tpu.memory_space<vmem>> -> memref<1x128xi32, #tpu.memory_space<vmem>>
        %dma_start3A_68 = tpu.memref_squeeze %dma_start3A_67 : memref<1x128xi32, #tpu.memory_space<vmem>> -> memref<128xi32, #tpu.memory_space<vmem>>
        %dma_start3A_69 = arith.constant 0 : i32
        %dma_start3A_70 = arith.constant 0 : i32
        %dma_start3A_71 = tpu.memref_slice %arg11[%dma_start3A_69, %dma_start3A_70] : memref<10240x128xf32, #tpu.memory_space<vmem_shared>> -> memref<10240x128xf32, #tpu.memory_space<vmem_shared>>
        tpu.enqueue_indirect_dma source(%arg10 : memref<128x128xf32, #tpu.memory_space<vmem>>) target(%dma_start3A_71 : memref<10240x128xf32, #tpu.memory_space<vmem_shared>>) offsets(%dma_start3A_68 : memref<128xi32, #tpu.memory_space<vmem>>) semaphore(%run_scoped3A : memref<!tpu.dma_semaphore, #tpu.memory_space<semaphore_mem>>) {add = true}
        %dma_wait3A_72 = arith.constant 0 : i32
        %dma_wait3A_73 = tpu.memref_slice %arg8[%add3A_65, %dma_wait3A_72] : memref<40x128xi32, #tpu.memory_space<vmem>> -> memref<1x128xi32, #tpu.memory_space<vmem>>
        %dma_wait3A_74 = tpu.memref_squeeze %dma_wait3A_73 : memref<1x128xi32, #tpu.memory_space<vmem>> -> memref<128xi32, #tpu.memory_space<vmem>>
        %dma_wait3A_75 = arith.constant 0 : i32
        %dma_wait3A_76 = arith.constant 0 : i32
        %dma_wait3A_77 = tpu.memref_slice %arg11[%dma_wait3A_75, %dma_wait3A_76] : memref<10240x128xf32, #tpu.memory_space<vmem_shared>> -> memref<10240x128xf32, #tpu.memory_space<vmem_shared>>
        tpu.wait_indirect_dma semaphore(%run_scoped3A : memref<!tpu.dma_semaphore, #tpu.memory_space<semaphore_mem>>) src(%arg10 : memref<128x128xf32, #tpu.memory_space<vmem>>) dst(%dma_wait3A_77 : memref<10240x128xf32, #tpu.memory_space<vmem_shared>>)
        tpu.yield
      }) : () -> ()
    }
    %scan3A_17 = arith.constant 20 : i32
    %mul3A_18 = arith.constant 2 : i32
    %mul3A_19 = arith.muli %mul3A_18, %add3A : i32
    %add3A_20 = arith.constant 1 : i32
    %add3A_21 = arith.addi %mul3A_19, %add3A_20 : i32
    "tpu.region"() ({
      %run_scoped3A = tpu.sem_alloc : memref<!tpu.dma_semaphore, #tpu.memory_space<semaphore_mem>>
      %dma_start3A = arith.constant 0 : i32
      %dma_start3A_37 = arith.constant 0 : i32
      %dma_start3A_38 = tpu.memref_slice %arg3[%add3A_21, %dma_start3A, %dma_start3A_37] : memref<64x40x128xi32, #tpu.memory_space<hbm>> -> memref<1x40x128xi32, #tpu.memory_space<hbm>>
      %dma_start3A_39 = tpu.memref_squeeze %dma_start3A_38 : memref<1x40x128xi32, #tpu.memory_space<hbm>> -> memref<40x128xi32, #tpu.memory_space<hbm>>
      %dma_start3A_40 = arith.constant 0 : i32
      %dma_start3A_41 = arith.constant 0 : i32
      %dma_start3A_42 = tpu.memref_slice %arg3[%add3A_21, %dma_start3A_40, %dma_start3A_41] : memref<64x40x128xi32, #tpu.memory_space<hbm>> -> memref<1x40x128xi32, #tpu.memory_space<hbm>>
      %dma_start3A_43 = tpu.memref_squeeze %dma_start3A_42 : memref<1x40x128xi32, #tpu.memory_space<hbm>> -> memref<40x128xi32, #tpu.memory_space<hbm>>
      tpu.enqueue_dma source(%dma_start3A_43 : memref<40x128xi32, #tpu.memory_space<hbm>>) target(%arg7 : memref<40x128xi32, #tpu.memory_space<vmem>>) target_semaphore(%run_scoped3A : memref<!tpu.dma_semaphore, #tpu.memory_space<semaphore_mem>>)
      %dma_wait3A = arith.constant 0 : i32
      %dma_wait3A_44 = arith.constant 0 : i32
      %dma_wait3A_45 = tpu.memref_slice %arg3[%add3A_21, %dma_wait3A, %dma_wait3A_44] : memref<64x40x128xi32, #tpu.memory_space<hbm>> -> memref<1x40x128xi32, #tpu.memory_space<hbm>>
      %dma_wait3A_46 = tpu.memref_squeeze %dma_wait3A_45 : memref<1x40x128xi32, #tpu.memory_space<hbm>> -> memref<40x128xi32, #tpu.memory_space<hbm>>
      %dma_wait3A_47 = arith.constant 0 : i32
      %dma_wait3A_48 = arith.constant 0 : i32
      %dma_wait3A_49 = tpu.memref_slice %arg3[%add3A_21, %dma_wait3A_47, %dma_wait3A_48] : memref<64x40x128xi32, #tpu.memory_space<hbm>> -> memref<1x40x128xi32, #tpu.memory_space<hbm>>
      %dma_wait3A_50 = tpu.memref_squeeze %dma_wait3A_49 : memref<1x40x128xi32, #tpu.memory_space<hbm>> -> memref<40x128xi32, #tpu.memory_space<hbm>>
      tpu.wait_dma2 semaphore(%run_scoped3A : memref<!tpu.dma_semaphore, #tpu.memory_space<semaphore_mem>>) src(%dma_wait3A_50 : memref<40x128xi32, #tpu.memory_space<hbm>>) dst(%arg7 : memref<40x128xi32, #tpu.memory_space<vmem>>)
      tpu.yield
    }) : () -> ()
    %mul3A_22 = arith.constant 2 : i32
    %mul3A_23 = arith.muli %mul3A_22, %add3A : i32
    %add3A_24 = arith.constant 1 : i32
    %add3A_25 = arith.addi %mul3A_23, %add3A_24 : i32
    "tpu.region"() ({
      %run_scoped3A = tpu.sem_alloc : memref<!tpu.dma_semaphore, #tpu.memory_space<semaphore_mem>>
      %dma_start3A = arith.constant 0 : i32
      %dma_start3A_37 = arith.constant 0 : i32
      %dma_start3A_38 = tpu.memref_slice %arg4[%add3A_25, %dma_start3A, %dma_start3A_37] : memref<64x40x128xi32, #tpu.memory_space<hbm>> -> memref<1x40x128xi32, #tpu.memory_space<hbm>>
      %dma_start3A_39 = tpu.memref_squeeze %dma_start3A_38 : memref<1x40x128xi32, #tpu.memory_space<hbm>> -> memref<40x128xi32, #tpu.memory_space<hbm>>
      %dma_start3A_40 = arith.constant 0 : i32
      %dma_start3A_41 = arith.constant 0 : i32
      %dma_start3A_42 = tpu.memref_slice %arg4[%add3A_25, %dma_start3A_40, %dma_start3A_41] : memref<64x40x128xi32, #tpu.memory_space<hbm>> -> memref<1x40x128xi32, #tpu.memory_space<hbm>>
      %dma_start3A_43 = tpu.memref_squeeze %dma_start3A_42 : memref<1x40x128xi32, #tpu.memory_space<hbm>> -> memref<40x128xi32, #tpu.memory_space<hbm>>
      tpu.enqueue_dma source(%dma_start3A_43 : memref<40x128xi32, #tpu.memory_space<hbm>>) target(%arg8 : memref<40x128xi32, #tpu.memory_space<vmem>>) target_semaphore(%run_scoped3A : memref<!tpu.dma_semaphore, #tpu.memory_space<semaphore_mem>>)
      %dma_wait3A = arith.constant 0 : i32
      %dma_wait3A_44 = arith.constant 0 : i32
      %dma_wait3A_45 = tpu.memref_slice %arg4[%add3A_25, %dma_wait3A, %dma_wait3A_44] : memref<64x40x128xi32, #tpu.memory_space<hbm>> -> memref<1x40x128xi32, #tpu.memory_space<hbm>>
      %dma_wait3A_46 = tpu.memref_squeeze %dma_wait3A_45 : memref<1x40x128xi32, #tpu.memory_space<hbm>> -> memref<40x128xi32, #tpu.memory_space<hbm>>
      %dma_wait3A_47 = arith.constant 0 : i32
      %dma_wait3A_48 = arith.constant 0 : i32
      %dma_wait3A_49 = tpu.memref_slice %arg4[%add3A_25, %dma_wait3A_47, %dma_wait3A_48] : memref<64x40x128xi32, #tpu.memory_space<hbm>> -> memref<1x40x128xi32, #tpu.memory_space<hbm>>
      %dma_wait3A_50 = tpu.memref_squeeze %dma_wait3A_49 : memref<1x40x128xi32, #tpu.memory_space<hbm>> -> memref<40x128xi32, #tpu.memory_space<hbm>>
      tpu.wait_dma2 semaphore(%run_scoped3A : memref<!tpu.dma_semaphore, #tpu.memory_space<semaphore_mem>>) src(%dma_wait3A_50 : memref<40x128xi32, #tpu.memory_space<hbm>>) dst(%arg8 : memref<40x128xi32, #tpu.memory_space<vmem>>)
      tpu.yield
    }) : () -> ()
    %scan3A_26 = arith.constant 0 : i32
    %scan3A_27 = arith.constant 0 : i32
    %scan3A_28 = arith.constant 20 : i32
    %scan3A_29 = arith.addi %scan3A_27, %scan3A_28 : i32
    %scan3A_30 = arith.constant 1 : i32
    scf.for %scan3A_37 = %scan3A_27 to %scan3A_29 step %scan3A_30  : i32 {
      %mul3A_38 = arith.constant 2 : i32
      %mul3A_39 = arith.muli %mul3A_38, %scan3A_37 : i32
      %dma_start3A = arith.constant 0 : i32
      %dma_start3A_40 = tpu.memref_slice %arg7[%mul3A_39, %dma_start3A] : memref<40x128xi32, #tpu.memory_space<vmem>> -> memref<1x128xi32, #tpu.memory_space<vmem>>
      %dma_start3A_41 = tpu.memref_squeeze %dma_start3A_40 : memref<1x128xi32, #tpu.memory_space<vmem>> -> memref<128xi32, #tpu.memory_space<vmem>>
      %dma_start3A_42 = arith.constant 0 : i32
      %dma_start3A_43 = arith.constant 0 : i32
      %dma_start3A_44 = tpu.memref_slice %arg2[%dma_start3A_42, %dma_start3A_43] : memref<10000x128xf32, #tpu.memory_space<hbm>> -> memref<10000x128xf32, #tpu.memory_space<hbm>>
      tpu.enqueue_indirect_dma source(%dma_start3A_44 : memref<10000x128xf32, #tpu.memory_space<hbm>>) target(%arg9 : memref<128x128xf32, #tpu.memory_space<vmem>>) offsets(%dma_start3A_41 : memref<128xi32, #tpu.memory_space<vmem>>) semaphore(%arg12 : memref<!tpu.dma_semaphore, #tpu.memory_space<semaphore_mem>>)
      %add3A_45 = arith.constant 1 : i32
      %add3A_46 = arith.addi %mul3A_39, %add3A_45 : i32
      %dma_start3A_47 = arith.constant 0 : i32
      %dma_start3A_48 = tpu.memref_slice %arg7[%add3A_46, %dma_start3A_47] : memref<40x128xi32, #tpu.memory_space<vmem>> -> memref<1x128xi32, #tpu.memory_space<vmem>>
      %dma_start3A_49 = tpu.memref_squeeze %dma_start3A_48 : memref<1x128xi32, #tpu.memory_space<vmem>> -> memref<128xi32, #tpu.memory_space<vmem>>
      %dma_start3A_50 = arith.constant 0 : i32
      %dma_start3A_51 = arith.constant 0 : i32
      %dma_start3A_52 = tpu.memref_slice %arg2[%dma_start3A_50, %dma_start3A_51] : memref<10000x128xf32, #tpu.memory_space<hbm>> -> memref<10000x128xf32, #tpu.memory_space<hbm>>
      tpu.enqueue_indirect_dma source(%dma_start3A_52 : memref<10000x128xf32, #tpu.memory_space<hbm>>) target(%arg10 : memref<128x128xf32, #tpu.memory_space<vmem>>) offsets(%dma_start3A_49 : memref<128xi32, #tpu.memory_space<vmem>>) semaphore(%arg13 : memref<!tpu.dma_semaphore, #tpu.memory_space<semaphore_mem>>)
      %dma_wait3A = arith.constant 0 : i32
      %dma_wait3A_53 = tpu.memref_slice %arg7[%mul3A_39, %dma_wait3A] : memref<40x128xi32, #tpu.memory_space<vmem>> -> memref<1x128xi32, #tpu.memory_space<vmem>>
      %dma_wait3A_54 = tpu.memref_squeeze %dma_wait3A_53 : memref<1x128xi32, #tpu.memory_space<vmem>> -> memref<128xi32, #tpu.memory_space<vmem>>
      %dma_wait3A_55 = arith.constant 0 : i32
      %dma_wait3A_56 = arith.constant 0 : i32
      %dma_wait3A_57 = tpu.memref_slice %arg2[%dma_wait3A_55, %dma_wait3A_56] : memref<10000x128xf32, #tpu.memory_space<hbm>> -> memref<10000x128xf32, #tpu.memory_space<hbm>>
      tpu.wait_indirect_dma semaphore(%arg12 : memref<!tpu.dma_semaphore, #tpu.memory_space<semaphore_mem>>) src(%dma_wait3A_57 : memref<10000x128xf32, #tpu.memory_space<hbm>>) dst(%arg9 : memref<128x128xf32, #tpu.memory_space<vmem>>)
      "tpu.region"() ({
        %run_scoped3A = tpu.sem_alloc : memref<!tpu.dma_semaphore, #tpu.memory_space<semaphore_mem>>
        %dma_start3A_66 = arith.constant 0 : i32
        %dma_start3A_67 = tpu.memref_slice %arg8[%mul3A_39, %dma_start3A_66] : memref<40x128xi32, #tpu.memory_space<vmem>> -> memref<1x128xi32, #tpu.memory_space<vmem>>
        %dma_start3A_68 = tpu.memref_squeeze %dma_start3A_67 : memref<1x128xi32, #tpu.memory_space<vmem>> -> memref<128xi32, #tpu.memory_space<vmem>>
        %dma_start3A_69 = arith.constant 0 : i32
        %dma_start3A_70 = arith.constant 0 : i32
        %dma_start3A_71 = tpu.memref_slice %arg11[%dma_start3A_69, %dma_start3A_70] : memref<10240x128xf32, #tpu.memory_space<vmem_shared>> -> memref<10240x128xf32, #tpu.memory_space<vmem_shared>>
        tpu.enqueue_indirect_dma source(%arg9 : memref<128x128xf32, #tpu.memory_space<vmem>>) target(%dma_start3A_71 : memref<10240x128xf32, #tpu.memory_space<vmem_shared>>) offsets(%dma_start3A_68 : memref<128xi32, #tpu.memory_space<vmem>>) semaphore(%run_scoped3A : memref<!tpu.dma_semaphore, #tpu.memory_space<semaphore_mem>>) {add = true}
        %dma_wait3A_72 = arith.constant 0 : i32
        %dma_wait3A_73 = tpu.memref_slice %arg8[%mul3A_39, %dma_wait3A_72] : memref<40x128xi32, #tpu.memory_space<vmem>> -> memref<1x128xi32, #tpu.memory_space<vmem>>
        %dma_wait3A_74 = tpu.memref_squeeze %dma_wait3A_73 : memref<1x128xi32, #tpu.memory_space<vmem>> -> memref<128xi32, #tpu.memory_space<vmem>>
        %dma_wait3A_75 = arith.constant 0 : i32
        %dma_wait3A_76 = arith.constant 0 : i32
        %dma_wait3A_77 = tpu.memref_slice %arg11[%dma_wait3A_75, %dma_wait3A_76] : memref<10240x128xf32, #tpu.memory_space<vmem_shared>> -> memref<10240x128xf32, #tpu.memory_space<vmem_shared>>
        tpu.wait_indirect_dma semaphore(%run_scoped3A : memref<!tpu.dma_semaphore, #tpu.memory_space<semaphore_mem>>) src(%arg9 : memref<128x128xf32, #tpu.memory_space<vmem>>) dst(%dma_wait3A_77 : memref<10240x128xf32, #tpu.memory_space<vmem_shared>>)
        tpu.yield
      }) : () -> ()
      %dma_wait3A_58 = arith.constant 0 : i32
      %dma_wait3A_59 = tpu.memref_slice %arg7[%add3A_46, %dma_wait3A_58] : memref<40x128xi32, #tpu.memory_space<vmem>> -> memref<1x128xi32, #tpu.memory_space<vmem>>
      %dma_wait3A_60 = tpu.memref_squeeze %dma_wait3A_59 : memref<1x128xi32, #tpu.memory_space<vmem>> -> memref<128xi32, #tpu.memory_space<vmem>>
      %dma_wait3A_61 = arith.constant 0 : i32
      %dma_wait3A_62 = arith.constant 0 : i32
      %dma_wait3A_63 = tpu.memref_slice %arg2[%dma_wait3A_61, %dma_wait3A_62] : memref<10000x128xf32, #tpu.memory_space<hbm>> -> memref<10000x128xf32, #tpu.memory_space<hbm>>
      tpu.wait_indirect_dma semaphore(%arg13 : memref<!tpu.dma_semaphore, #tpu.memory_space<semaphore_mem>>) src(%dma_wait3A_63 : memref<10000x128xf32, #tpu.memory_space<hbm>>) dst(%arg10 : memref<128x128xf32, #tpu.memory_space<vmem>>)
      %add3A_64 = arith.constant 1 : i32
      %add3A_65 = arith.addi %mul3A_39, %add3A_64 : i32
      "tpu.region"() ({
        %run_scoped3A = tpu.sem_alloc : memref<!tpu.dma_semaphore, #tpu.memory_space<semaphore_mem>>
        %dma_start3A_66 = arith.constant 0 : i32
        %dma_start3A_67 = tpu.memref_slice %arg8[%add3A_65, %dma_start3A_66] : memref<40x128xi32, #tpu.memory_space<vmem>> -> memref<1x128xi32, #tpu.memory_space<vmem>>
        %dma_start3A_68 = tpu.memref_squeeze %dma_start3A_67 : memref<1x128xi32, #tpu.memory_space<vmem>> -> memref<128xi32, #tpu.memory_space<vmem>>
        %dma_start3A_69 = arith.constant 0 : i32
        %dma_start3A_70 = arith.constant 0 : i32
        %dma_start3A_71 = tpu.memref_slice %arg11[%dma_start3A_69, %dma_start3A_70] : memref<10240x128xf32, #tpu.memory_space<vmem_shared>> -> memref<10240x128xf32, #tpu.memory_space<vmem_shared>>
        tpu.enqueue_indirect_dma source(%arg10 : memref<128x128xf32, #tpu.memory_space<vmem>>) target(%dma_start3A_71 : memref<10240x128xf32, #tpu.memory_space<vmem_shared>>) offsets(%dma_start3A_68 : memref<128xi32, #tpu.memory_space<vmem>>) semaphore(%run_scoped3A : memref<!tpu.dma_semaphore, #tpu.memory_space<semaphore_mem>>) {add = true}
        %dma_wait3A_72 = arith.constant 0 : i32
        %dma_wait3A_73 = tpu.memref_slice %arg8[%add3A_65, %dma_wait3A_72] : memref<40x128xi32, #tpu.memory_space<vmem>> -> memref<1x128xi32, #tpu.memory_space<vmem>>
        %dma_wait3A_74 = tpu.memref_squeeze %dma_wait3A_73 : memref<1x128xi32, #tpu.memory_space<vmem>> -> memref<128xi32, #tpu.memory_space<vmem>>
        %dma_wait3A_75 = arith.constant 0 : i32
        %dma_wait3A_76 = arith.constant 0 : i32
        %dma_wait3A_77 = tpu.memref_slice %arg11[%dma_wait3A_75, %dma_wait3A_76] : memref<10240x128xf32, #tpu.memory_space<vmem_shared>> -> memref<10240x128xf32, #tpu.memory_space<vmem_shared>>
        tpu.wait_indirect_dma semaphore(%run_scoped3A : memref<!tpu.dma_semaphore, #tpu.memory_space<semaphore_mem>>) src(%arg10 : memref<128x128xf32, #tpu.memory_space<vmem>>) dst(%dma_wait3A_77 : memref<10240x128xf32, #tpu.memory_space<vmem_shared>>)
        tpu.yield
      }) : () -> ()
    }
    %scan3A_31 = arith.constant 20 : i32
    %barrier3A_32 = arith.constant 0 : index
    tpu.barrier barrier_id(%barrier3A_32)
    %mul3A_33 = arith.constant 640 : i32
    %mul3A_34 = arith.muli %arg1, %mul3A_33 : i32
    %mul3A_35 = arith.constant 640 : i32
    %mul3A_36 = arith.muli %arg1, %mul3A_35 : i32
    "tpu.region"() ({
      %run_scoped3A = tpu.sem_alloc : memref<!tpu.dma_semaphore, #tpu.memory_space<semaphore_mem>>
      %dma_start3A = arith.constant 0 : i32
      %dma_start3A_37 = tpu.memref_slice %arg6[%arg0, %mul3A_36, %dma_start3A] : memref<2x10240x128xf32, #tpu.memory_space<hbm>> -> memref<1x640x128xf32, #tpu.memory_space<hbm>>
      %dma_start3A_38 = tpu.memref_squeeze %dma_start3A_37 : memref<1x640x128xf32, #tpu.memory_space<hbm>> -> memref<640x128xf32, #tpu.memory_space<hbm>>
      %dma_start3A_39 = arith.constant 0 : i32
      %dma_start3A_40 = tpu.memref_slice %arg11[%mul3A_34, %dma_start3A_39] : memref<10240x128xf32, #tpu.memory_space<vmem_shared>> -> memref<640x128xf32, #tpu.memory_space<vmem_shared>>
      tpu.enqueue_dma source(%dma_start3A_40 : memref<640x128xf32, #tpu.memory_space<vmem_shared>>) target(%dma_start3A_38 : memref<640x128xf32, #tpu.memory_space<hbm>>) target_semaphore(%run_scoped3A : memref<!tpu.dma_semaphore, #tpu.memory_space<semaphore_mem>>)
      %dma_wait3A = arith.constant 0 : i32
      %dma_wait3A_41 = tpu.memref_slice %arg6[%arg0, %mul3A_36, %dma_wait3A] : memref<2x10240x128xf32, #tpu.memory_space<hbm>> -> memref<1x640x128xf32, #tpu.memory_space<hbm>>
      %dma_wait3A_42 = tpu.memref_squeeze %dma_wait3A_41 : memref<1x640x128xf32, #tpu.memory_space<hbm>> -> memref<640x128xf32, #tpu.memory_space<hbm>>
      %dma_wait3A_43 = arith.constant 0 : i32
      %dma_wait3A_44 = tpu.memref_slice %arg11[%mul3A_34, %dma_wait3A_43] : memref<10240x128xf32, #tpu.memory_space<vmem_shared>> -> memref<640x128xf32, #tpu.memory_space<vmem_shared>>
      tpu.wait_dma2 semaphore(%run_scoped3A : memref<!tpu.dma_semaphore, #tpu.memory_space<semaphore_mem>>) src(%dma_wait3A_44 : memref<640x128xf32, #tpu.memory_space<vmem_shared>>) dst(%dma_wait3A_42 : memref<640x128xf32, #tpu.memory_space<hbm>>)
      tpu.yield
    }) : () -> ()
    return
  }
}

#map = affine_map<(d0, d1) -> (0, 0, 0)>
#map1 = affine_map<(d0, d1) -> (0, 0)>
module attributes {stable_mosaic.version = 14 : i64} {
  func.func @_count_body(%arg0: i32, %arg1: i32, %arg2: memref<32x80x128xi32, #tpu.memory_space<hbm>>, %arg3: memref<10240x128xf32, #tpu.memory_space<hbm>>, %arg4: memref<2x10240x128xf32, #tpu.memory_space<hbm>>, %arg5: memref<80x128xi32, #tpu.memory_space<vmem>>, %arg6: memref<128x128xf32, #tpu.memory_space<vmem>>, %arg7: memref<10240x128xf32, #tpu.memory_space<vmem_shared>>, %arg8: memref<!tpu.dma_semaphore, #tpu.memory_space<semaphore_mem>>) attributes {dimension_semantics = [#tpu.dimension_semantics<core_parallel>, #tpu.dimension_semantics<subcore_parallel>], iteration_bounds = array<i64: 2, 16>, scalar_prefetch = 0 : i64, scratch_operands = 4 : i64, tpu.core_type = #tpu.core_type<sc_vector_subcore>, window_params = [{transform_indices = #map}, {transform_indices = #map1}, {transform_indices = #map}]} {
    %mul3A = arith.constant 16 : i32
    %mul3A_0 = arith.muli %arg0, %mul3A : i32
    %add3A = arith.addi %mul3A_0, %arg1 : i32
    "tpu.region"() ({
      %run_scoped3A = tpu.sem_alloc : memref<!tpu.dma_semaphore, #tpu.memory_space<semaphore_mem>>
      %dma_start3A = arith.constant 0 : i32
      %dma_start3A_22 = arith.constant 0 : i32
      %dma_start3A_23 = tpu.memref_slice %arg2[%add3A, %dma_start3A, %dma_start3A_22] : memref<32x80x128xi32, #tpu.memory_space<hbm>> -> memref<1x80x128xi32, #tpu.memory_space<hbm>>
      %dma_start3A_24 = tpu.memref_squeeze %dma_start3A_23 : memref<1x80x128xi32, #tpu.memory_space<hbm>> -> memref<80x128xi32, #tpu.memory_space<hbm>>
      %dma_start3A_25 = arith.constant 0 : i32
      %dma_start3A_26 = arith.constant 0 : i32
      %dma_start3A_27 = tpu.memref_slice %arg2[%add3A, %dma_start3A_25, %dma_start3A_26] : memref<32x80x128xi32, #tpu.memory_space<hbm>> -> memref<1x80x128xi32, #tpu.memory_space<hbm>>
      %dma_start3A_28 = tpu.memref_squeeze %dma_start3A_27 : memref<1x80x128xi32, #tpu.memory_space<hbm>> -> memref<80x128xi32, #tpu.memory_space<hbm>>
      tpu.enqueue_dma source(%dma_start3A_28 : memref<80x128xi32, #tpu.memory_space<hbm>>) target(%arg5 : memref<80x128xi32, #tpu.memory_space<vmem>>) target_semaphore(%run_scoped3A : memref<!tpu.dma_semaphore, #tpu.memory_space<semaphore_mem>>)
      %dma_wait3A = arith.constant 0 : i32
      %dma_wait3A_29 = arith.constant 0 : i32
      %dma_wait3A_30 = tpu.memref_slice %arg2[%add3A, %dma_wait3A, %dma_wait3A_29] : memref<32x80x128xi32, #tpu.memory_space<hbm>> -> memref<1x80x128xi32, #tpu.memory_space<hbm>>
      %dma_wait3A_31 = tpu.memref_squeeze %dma_wait3A_30 : memref<1x80x128xi32, #tpu.memory_space<hbm>> -> memref<80x128xi32, #tpu.memory_space<hbm>>
      %dma_wait3A_32 = arith.constant 0 : i32
      %dma_wait3A_33 = arith.constant 0 : i32
      %dma_wait3A_34 = tpu.memref_slice %arg2[%add3A, %dma_wait3A_32, %dma_wait3A_33] : memref<32x80x128xi32, #tpu.memory_space<hbm>> -> memref<1x80x128xi32, #tpu.memory_space<hbm>>
      %dma_wait3A_35 = tpu.memref_squeeze %dma_wait3A_34 : memref<1x80x128xi32, #tpu.memory_space<hbm>> -> memref<80x128xi32, #tpu.memory_space<hbm>>
      tpu.wait_dma2 semaphore(%run_scoped3A : memref<!tpu.dma_semaphore, #tpu.memory_space<semaphore_mem>>) src(%dma_wait3A_35 : memref<80x128xi32, #tpu.memory_space<hbm>>) dst(%arg5 : memref<80x128xi32, #tpu.memory_space<vmem>>)
      tpu.yield
    }) : () -> ()
    %broadcast_in_dim3A = arith.constant 1.000000e+00 : f32
    %broadcast_in_dim3A_1 = vector.broadcast %broadcast_in_dim3A : f32 to vector<16xf32>
    %scan3A = arith.constant 0 : i32
    %scan3A_2 = arith.constant 0 : i32
    %scan3A_3 = arith.constant 128 : i32
    %scan3A_4 = arith.addi %scan3A_2, %scan3A_3 : i32
    %scan3A_5 = arith.constant 1 : i32
    scf.for %scan3A_22 = %scan3A_2 to %scan3A_4 step %scan3A_5  : i32 {
      %swap3A = arith.index_cast %scan3A_22 : i32 to index
      %swap3A_23 = arith.constant 0 : index
      %swap3A_24 = tpu.vector_load %arg6[%swap3A, %swap3A_23] {strides = array<i32>} : memref<128x128xf32, #tpu.memory_space<vmem>>, vector<1x16xf32>,
      %swap3A_25 = vector.shape_cast %swap3A_24 : vector<1x16xf32> to vector<16xf32>
      %swap3A_26 = vector.shape_cast %broadcast_in_dim3A_1 : vector<16xf32> to vector<1x16xf32>
      tpu.vector_store %arg6[%swap3A, %swap3A_23], %swap3A_26 {strides = array<i32>} : memref<128x128xf32, #tpu.memory_space<vmem>>, vector<1x16xf32>,
      %swap3A_27 = arith.index_cast %scan3A_22 : i32 to index
      %swap3A_28 = arith.constant 16 : index
      %swap3A_29 = tpu.vector_load %arg6[%swap3A_27, %swap3A_28] {strides = array<i32>} : memref<128x128xf32, #tpu.memory_space<vmem>>, vector<1x16xf32>,
      %swap3A_30 = vector.shape_cast %swap3A_29 : vector<1x16xf32> to vector<16xf32>
      %swap3A_31 = vector.shape_cast %broadcast_in_dim3A_1 : vector<16xf32> to vector<1x16xf32>
      tpu.vector_store %arg6[%swap3A_27, %swap3A_28], %swap3A_31 {strides = array<i32>} : memref<128x128xf32, #tpu.memory_space<vmem>>, vector<1x16xf32>,
      %swap3A_32 = arith.index_cast %scan3A_22 : i32 to index
      %swap3A_33 = arith.constant 32 : index
      %swap3A_34 = tpu.vector_load %arg6[%swap3A_32, %swap3A_33] {strides = array<i32>} : memref<128x128xf32, #tpu.memory_space<vmem>>, vector<1x16xf32>,
      %swap3A_35 = vector.shape_cast %swap3A_34 : vector<1x16xf32> to vector<16xf32>
      %swap3A_36 = vector.shape_cast %broadcast_in_dim3A_1 : vector<16xf32> to vector<1x16xf32>
      tpu.vector_store %arg6[%swap3A_32, %swap3A_33], %swap3A_36 {strides = array<i32>} : memref<128x128xf32, #tpu.memory_space<vmem>>, vector<1x16xf32>,
      %swap3A_37 = arith.index_cast %scan3A_22 : i32 to index
      %swap3A_38 = arith.constant 48 : index
      %swap3A_39 = tpu.vector_load %arg6[%swap3A_37, %swap3A_38] {strides = array<i32>} : memref<128x128xf32, #tpu.memory_space<vmem>>, vector<1x16xf32>,
      %swap3A_40 = vector.shape_cast %swap3A_39 : vector<1x16xf32> to vector<16xf32>
      %swap3A_41 = vector.shape_cast %broadcast_in_dim3A_1 : vector<16xf32> to vector<1x16xf32>
      tpu.vector_store %arg6[%swap3A_37, %swap3A_38], %swap3A_41 {strides = array<i32>} : memref<128x128xf32, #tpu.memory_space<vmem>>, vector<1x16xf32>,
      %swap3A_42 = arith.index_cast %scan3A_22 : i32 to index
      %swap3A_43 = arith.constant 64 : index
      %swap3A_44 = tpu.vector_load %arg6[%swap3A_42, %swap3A_43] {strides = array<i32>} : memref<128x128xf32, #tpu.memory_space<vmem>>, vector<1x16xf32>,
      %swap3A_45 = vector.shape_cast %swap3A_44 : vector<1x16xf32> to vector<16xf32>
      %swap3A_46 = vector.shape_cast %broadcast_in_dim3A_1 : vector<16xf32> to vector<1x16xf32>
      tpu.vector_store %arg6[%swap3A_42, %swap3A_43], %swap3A_46 {strides = array<i32>} : memref<128x128xf32, #tpu.memory_space<vmem>>, vector<1x16xf32>,
      %swap3A_47 = arith.index_cast %scan3A_22 : i32 to index
      %swap3A_48 = arith.constant 80 : index
      %swap3A_49 = tpu.vector_load %arg6[%swap3A_47, %swap3A_48] {strides = array<i32>} : memref<128x128xf32, #tpu.memory_space<vmem>>, vector<1x16xf32>,
      %swap3A_50 = vector.shape_cast %swap3A_49 : vector<1x16xf32> to vector<16xf32>
      %swap3A_51 = vector.shape_cast %broadcast_in_dim3A_1 : vector<16xf32> to vector<1x16xf32>
      tpu.vector_store %arg6[%swap3A_47, %swap3A_48], %swap3A_51 {strides = array<i32>} : memref<128x128xf32, #tpu.memory_space<vmem>>, vector<1x16xf32>,
      %swap3A_52 = arith.index_cast %scan3A_22 : i32 to index
      %swap3A_53 = arith.constant 96 : index
      %swap3A_54 = tpu.vector_load %arg6[%swap3A_52, %swap3A_53] {strides = array<i32>} : memref<128x128xf32, #tpu.memory_space<vmem>>, vector<1x16xf32>,
      %swap3A_55 = vector.shape_cast %swap3A_54 : vector<1x16xf32> to vector<16xf32>
      %swap3A_56 = vector.shape_cast %broadcast_in_dim3A_1 : vector<16xf32> to vector<1x16xf32>
      tpu.vector_store %arg6[%swap3A_52, %swap3A_53], %swap3A_56 {strides = array<i32>} : memref<128x128xf32, #tpu.memory_space<vmem>>, vector<1x16xf32>,
      %swap3A_57 = arith.index_cast %scan3A_22 : i32 to index
      %swap3A_58 = arith.constant 112 : index
      %swap3A_59 = tpu.vector_load %arg6[%swap3A_57, %swap3A_58] {strides = array<i32>} : memref<128x128xf32, #tpu.memory_space<vmem>>, vector<1x16xf32>,
      %swap3A_60 = vector.shape_cast %swap3A_59 : vector<1x16xf32> to vector<16xf32>
      %swap3A_61 = vector.shape_cast %broadcast_in_dim3A_1 : vector<16xf32> to vector<1x16xf32>
      tpu.vector_store %arg6[%swap3A_57, %swap3A_58], %swap3A_61 {strides = array<i32>} : memref<128x128xf32, #tpu.memory_space<vmem>>, vector<1x16xf32>,
    }
    %scan3A_6 = arith.constant 128 : i32
    %mul3A_7 = arith.constant 640 : i32
    %mul3A_8 = arith.muli %arg1, %mul3A_7 : i32
    %mul3A_9 = arith.constant 640 : i32
    %mul3A_10 = arith.muli %arg1, %mul3A_9 : i32
    "tpu.region"() ({
      %run_scoped3A = tpu.sem_alloc : memref<!tpu.dma_semaphore, #tpu.memory_space<semaphore_mem>>
      %dma_start3A = arith.constant 0 : i32
      %dma_start3A_22 = tpu.memref_slice %arg7[%mul3A_10, %dma_start3A] : memref<10240x128xf32, #tpu.memory_space<vmem_shared>> -> memref<640x128xf32, #tpu.memory_space<vmem_shared>>
      %dma_start3A_23 = arith.constant 0 : i32
      %dma_start3A_24 = tpu.memref_slice %arg3[%mul3A_8, %dma_start3A_23] : memref<10240x128xf32, #tpu.memory_space<hbm>> -> memref<640x128xf32, #tpu.memory_space<hbm>>
      tpu.enqueue_dma source(%dma_start3A_24 : memref<640x128xf32, #tpu.memory_space<hbm>>) target(%dma_start3A_22 : memref<640x128xf32, #tpu.memory_space<vmem_shared>>) target_semaphore(%run_scoped3A : memref<!tpu.dma_semaphore, #tpu.memory_space<semaphore_mem>>)
      %dma_wait3A = arith.constant 0 : i32
      %dma_wait3A_25 = tpu.memref_slice %arg7[%mul3A_10, %dma_wait3A] : memref<10240x128xf32, #tpu.memory_space<vmem_shared>> -> memref<640x128xf32, #tpu.memory_space<vmem_shared>>
      %dma_wait3A_26 = arith.constant 0 : i32
      %dma_wait3A_27 = tpu.memref_slice %arg3[%mul3A_8, %dma_wait3A_26] : memref<10240x128xf32, #tpu.memory_space<hbm>> -> memref<640x128xf32, #tpu.memory_space<hbm>>
      tpu.wait_dma2 semaphore(%run_scoped3A : memref<!tpu.dma_semaphore, #tpu.memory_space<semaphore_mem>>) src(%dma_wait3A_27 : memref<640x128xf32, #tpu.memory_space<hbm>>) dst(%dma_wait3A_25 : memref<640x128xf32, #tpu.memory_space<vmem_shared>>)
      tpu.yield
    }) : () -> ()
    %barrier3A = arith.constant 0 : index
    tpu.barrier barrier_id(%barrier3A)
    %scan3A_11 = arith.constant 0 : i32
    %scan3A_12 = arith.constant 0 : i32
    %scan3A_13 = arith.constant 80 : i32
    %scan3A_14 = arith.addi %scan3A_12, %scan3A_13 : i32
    %scan3A_15 = arith.constant 1 : i32
    scf.for %scan3A_22 = %scan3A_12 to %scan3A_14 step %scan3A_15  : i32 {
      "tpu.region"() ({
        %run_scoped3A = tpu.sem_alloc : memref<!tpu.dma_semaphore, #tpu.memory_space<semaphore_mem>>
        %dma_start3A = arith.constant 0 : i32
        %dma_start3A_23 = tpu.memref_slice %arg5[%scan3A_22, %dma_start3A] : memref<80x128xi32, #tpu.memory_space<vmem>> -> memref<1x128xi32, #tpu.memory_space<vmem>>
        %dma_start3A_24 = tpu.memref_squeeze %dma_start3A_23 : memref<1x128xi32, #tpu.memory_space<vmem>> -> memref<128xi32, #tpu.memory_space<vmem>>
        %dma_start3A_25 = arith.constant 0 : i32
        %dma_start3A_26 = arith.constant 0 : i32
        %dma_start3A_27 = tpu.memref_slice %arg7[%dma_start3A_25, %dma_start3A_26] : memref<10240x128xf32, #tpu.memory_space<vmem_shared>> -> memref<10240x128xf32, #tpu.memory_space<vmem_shared>>
        tpu.enqueue_indirect_dma source(%arg6 : memref<128x128xf32, #tpu.memory_space<vmem>>) target(%dma_start3A_27 : memref<10240x128xf32, #tpu.memory_space<vmem_shared>>) offsets(%dma_start3A_24 : memref<128xi32, #tpu.memory_space<vmem>>) semaphore(%run_scoped3A : memref<!tpu.dma_semaphore, #tpu.memory_space<semaphore_mem>>) {add = true}
        %dma_wait3A = arith.constant 0 : i32
        %dma_wait3A_28 = tpu.memref_slice %arg5[%scan3A_22, %dma_wait3A] : memref<80x128xi32, #tpu.memory_space<vmem>> -> memref<1x128xi32, #tpu.memory_space<vmem>>
        %dma_wait3A_29 = tpu.memref_squeeze %dma_wait3A_28 : memref<1x128xi32, #tpu.memory_space<vmem>> -> memref<128xi32, #tpu.memory_space<vmem>>
        %dma_wait3A_30 = arith.constant 0 : i32
        %dma_wait3A_31 = arith.constant 0 : i32
        %dma_wait3A_32 = tpu.memref_slice %arg7[%dma_wait3A_30, %dma_wait3A_31] : memref<10240x128xf32, #tpu.memory_space<vmem_shared>> -> memref<10240x128xf32, #tpu.memory_space<vmem_shared>>
        tpu.wait_indirect_dma semaphore(%run_scoped3A : memref<!tpu.dma_semaphore, #tpu.memory_space<semaphore_mem>>) src(%arg6 : memref<128x128xf32, #tpu.memory_space<vmem>>) dst(%dma_wait3A_32 : memref<10240x128xf32, #tpu.memory_space<vmem_shared>>)
        tpu.yield
      }) : () -> ()
    }
    %scan3A_16 = arith.constant 80 : i32
    %barrier3A_17 = arith.constant 0 : index
    tpu.barrier barrier_id(%barrier3A_17)
    %mul3A_18 = arith.constant 640 : i32
    %mul3A_19 = arith.muli %arg1, %mul3A_18 : i32
    %mul3A_20 = arith.constant 640 : i32
    %mul3A_21 = arith.muli %arg1, %mul3A_20 : i32
    "tpu.region"() ({
      %run_scoped3A = tpu.sem_alloc : memref<!tpu.dma_semaphore, #tpu.memory_space<semaphore_mem>>
      %dma_start3A = arith.constant 0 : i32
      %dma_start3A_22 = tpu.memref_slice %arg4[%arg0, %mul3A_21, %dma_start3A] : memref<2x10240x128xf32, #tpu.memory_space<hbm>> -> memref<1x640x128xf32, #tpu.memory_space<hbm>>
      %dma_start3A_23 = tpu.memref_squeeze %dma_start3A_22 : memref<1x640x128xf32, #tpu.memory_space<hbm>> -> memref<640x128xf32, #tpu.memory_space<hbm>>
      %dma_start3A_24 = arith.constant 0 : i32
      %dma_start3A_25 = tpu.memref_slice %arg7[%mul3A_19, %dma_start3A_24] : memref<10240x128xf32, #tpu.memory_space<vmem_shared>> -> memref<640x128xf32, #tpu.memory_space<vmem_shared>>
      tpu.enqueue_dma source(%dma_start3A_25 : memref<640x128xf32, #tpu.memory_space<vmem_shared>>) target(%dma_start3A_23 : memref<640x128xf32, #tpu.memory_space<hbm>>) target_semaphore(%run_scoped3A : memref<!tpu.dma_semaphore, #tpu.memory_space<semaphore_mem>>)
      %dma_wait3A = arith.constant 0 : i32
      %dma_wait3A_26 = tpu.memref_slice %arg4[%arg0, %mul3A_21, %dma_wait3A] : memref<2x10240x128xf32, #tpu.memory_space<hbm>> -> memref<1x640x128xf32, #tpu.memory_space<hbm>>
      %dma_wait3A_27 = tpu.memref_squeeze %dma_wait3A_26 : memref<1x640x128xf32, #tpu.memory_space<hbm>> -> memref<640x128xf32, #tpu.memory_space<hbm>>
      %dma_wait3A_28 = arith.constant 0 : i32
      %dma_wait3A_29 = tpu.memref_slice %arg7[%mul3A_19, %dma_wait3A_28] : memref<10240x128xf32, #tpu.memory_space<vmem_shared>> -> memref<640x128xf32, #tpu.memory_space<vmem_shared>>
      tpu.wait_dma2 semaphore(%run_scoped3A : memref<!tpu.dma_semaphore, #tpu.memory_space<semaphore_mem>>) src(%dma_wait3A_29 : memref<640x128xf32, #tpu.memory_space<vmem_shared>>) dst(%dma_wait3A_27 : memref<640x128xf32, #tpu.memory_space<hbm>>)
      tpu.yield
    }) : () -> ()
    return
  }
}

#map = affine_map<(d0, d1) -> (0, 0)>
#map1 = affine_map<(d0, d1) -> (0, 0, 0)>
module attributes {stable_mosaic.version = 14 : i64} {
  func.func @_seg_sum_body(%arg0: i32, %arg1: i32, %arg2: memref<10000x128xf32, #tpu.memory_space<hbm>>, %arg3: memref<64x40x128xi32, #tpu.memory_space<hbm>>, %arg4: memref<64x40x128xi32, #tpu.memory_space<hbm>>, %arg5: memref<10240x128xf32, #tpu.memory_space<hbm>>, %arg6: memref<2x10240x128xf32, #tpu.memory_space<hbm>>, %arg7: memref<40x128xi32, #tpu.memory_space<vmem>>, %arg8: memref<40x128xi32, #tpu.memory_space<vmem>>, %arg9: memref<128x128xf32, #tpu.memory_space<vmem>>, %arg10: memref<128x128xf32, #tpu.memory_space<vmem>>, %arg11: memref<10240x128xf32, #tpu.memory_space<vmem_shared>>, %arg12: memref<!tpu.dma_semaphore, #tpu.memory_space<semaphore_mem>>, %arg13: memref<!tpu.dma_semaphore, #tpu.memory_space<semaphore_mem>>) attributes {dimension_semantics = [#tpu.dimension_semantics<core_parallel>, #tpu.dimension_semantics<subcore_parallel>], iteration_bounds = array<i64: 2, 16>, scalar_prefetch = 0 : i64, scratch_operands = 7 : i64, tpu.core_type = #tpu.core_type<sc_vector_subcore>, window_params = [{transform_indices = #map}, {transform_indices = #map1}, {transform_indices = #map1}, {transform_indices = #map}, {transform_indices = #map1}]} {
    %mul3A = arith.constant 16 : i32
    %mul3A_0 = arith.muli %arg0, %mul3A : i32
    %add3A = arith.addi %mul3A_0, %arg1 : i32
    %mul3A_1 = arith.constant 640 : i32
    %mul3A_2 = arith.muli %arg1, %mul3A_1 : i32
    %mul3A_3 = arith.constant 640 : i32
    %mul3A_4 = arith.muli %arg1, %mul3A_3 : i32
    "tpu.region"() ({
      %run_scoped3A = tpu.sem_alloc : memref<!tpu.dma_semaphore, #tpu.memory_space<semaphore_mem>>
      %dma_start3A = arith.constant 0 : i32
      %dma_start3A_37 = tpu.memref_slice %arg11[%mul3A_4, %dma_start3A] : memref<10240x128xf32, #tpu.memory_space<vmem_shared>> -> memref<640x128xf32, #tpu.memory_space<vmem_shared>>
      %dma_start3A_38 = arith.constant 0 : i32
      %dma_start3A_39 = tpu.memref_slice %arg5[%mul3A_2, %dma_start3A_38] : memref<10240x128xf32, #tpu.memory_space<hbm>> -> memref<640x128xf32, #tpu.memory_space<hbm>>
      tpu.enqueue_dma source(%dma_start3A_39 : memref<640x128xf32, #tpu.memory_space<hbm>>) target(%dma_start3A_37 : memref<640x128xf32, #tpu.memory_space<vmem_shared>>) target_semaphore(%run_scoped3A : memref<!tpu.dma_semaphore, #tpu.memory_space<semaphore_mem>>)
      %dma_wait3A = arith.constant 0 : i32
      %dma_wait3A_40 = tpu.memref_slice %arg11[%mul3A_4, %dma_wait3A] : memref<10240x128xf32, #tpu.memory_space<vmem_shared>> -> memref<640x128xf32, #tpu.memory_space<vmem_shared>>
      %dma_wait3A_41 = arith.constant 0 : i32
      %dma_wait3A_42 = tpu.memref_slice %arg5[%mul3A_2, %dma_wait3A_41] : memref<10240x128xf32, #tpu.memory_space<hbm>> -> memref<640x128xf32, #tpu.memory_space<hbm>>
      tpu.wait_dma2 semaphore(%run_scoped3A : memref<!tpu.dma_semaphore, #tpu.memory_space<semaphore_mem>>) src(%dma_wait3A_42 : memref<640x128xf32, #tpu.memory_space<hbm>>) dst(%dma_wait3A_40 : memref<640x128xf32, #tpu.memory_space<vmem_shared>>)
      tpu.yield
    }) : () -> ()
    %barrier3A = arith.constant 0 : index
    tpu.barrier barrier_id(%barrier3A)
    %mul3A_5 = arith.constant 2 : i32
    %mul3A_6 = arith.muli %mul3A_5, %add3A : i32
    %add3A_7 = arith.constant 0 : i32
    %add3A_8 = arith.addi %mul3A_6, %add3A_7 : i32
    "tpu.region"() ({
      %run_scoped3A = tpu.sem_alloc : memref<!tpu.dma_semaphore, #tpu.memory_space<semaphore_mem>>
      %dma_start3A = arith.constant 0 : i32
      %dma_start3A_37 = arith.constant 0 : i32
      %dma_start3A_38 = tpu.memref_slice %arg3[%add3A_8, %dma_start3A, %dma_start3A_37] : memref<64x40x128xi32, #tpu.memory_space<hbm>> -> memref<1x40x128xi32, #tpu.memory_space<hbm>>
      %dma_start3A_39 = tpu.memref_squeeze %dma_start3A_38 : memref<1x40x128xi32, #tpu.memory_space<hbm>> -> memref<40x128xi32, #tpu.memory_space<hbm>>
      %dma_start3A_40 = arith.constant 0 : i32
      %dma_start3A_41 = arith.constant 0 : i32
      %dma_start3A_42 = tpu.memref_slice %arg3[%add3A_8, %dma_start3A_40, %dma_start3A_41] : memref<64x40x128xi32, #tpu.memory_space<hbm>> -> memref<1x40x128xi32, #tpu.memory_space<hbm>>
      %dma_start3A_43 = tpu.memref_squeeze %dma_start3A_42 : memref<1x40x128xi32, #tpu.memory_space<hbm>> -> memref<40x128xi32, #tpu.memory_space<hbm>>
      tpu.enqueue_dma source(%dma_start3A_43 : memref<40x128xi32, #tpu.memory_space<hbm>>) target(%arg7 : memref<40x128xi32, #tpu.memory_space<vmem>>) target_semaphore(%run_scoped3A : memref<!tpu.dma_semaphore, #tpu.memory_space<semaphore_mem>>)
      %dma_wait3A = arith.constant 0 : i32
      %dma_wait3A_44 = arith.constant 0 : i32
      %dma_wait3A_45 = tpu.memref_slice %arg3[%add3A_8, %dma_wait3A, %dma_wait3A_44] : memref<64x40x128xi32, #tpu.memory_space<hbm>> -> memref<1x40x128xi32, #tpu.memory_space<hbm>>
      %dma_wait3A_46 = tpu.memref_squeeze %dma_wait3A_45 : memref<1x40x128xi32, #tpu.memory_space<hbm>> -> memref<40x128xi32, #tpu.memory_space<hbm>>
      %dma_wait3A_47 = arith.constant 0 : i32
      %dma_wait3A_48 = arith.constant 0 : i32
      %dma_wait3A_49 = tpu.memref_slice %arg3[%add3A_8, %dma_wait3A_47, %dma_wait3A_48] : memref<64x40x128xi32, #tpu.memory_space<hbm>> -> memref<1x40x128xi32, #tpu.memory_space<hbm>>
      %dma_wait3A_50 = tpu.memref_squeeze %dma_wait3A_49 : memref<1x40x128xi32, #tpu.memory_space<hbm>> -> memref<40x128xi32, #tpu.memory_space<hbm>>
      tpu.wait_dma2 semaphore(%run_scoped3A : memref<!tpu.dma_semaphore, #tpu.memory_space<semaphore_mem>>) src(%dma_wait3A_50 : memref<40x128xi32, #tpu.memory_space<hbm>>) dst(%arg7 : memref<40x128xi32, #tpu.memory_space<vmem>>)
      tpu.yield
    }) : () -> ()
    %mul3A_9 = arith.constant 2 : i32
    %mul3A_10 = arith.muli %mul3A_9, %add3A : i32
    %add3A_11 = arith.constant 0 : i32
    %add3A_12 = arith.addi %mul3A_10, %add3A_11 : i32
    "tpu.region"() ({
      %run_scoped3A = tpu.sem_alloc : memref<!tpu.dma_semaphore, #tpu.memory_space<semaphore_mem>>
      %dma_start3A = arith.constant 0 : i32
      %dma_start3A_37 = arith.constant 0 : i32
      %dma_start3A_38 = tpu.memref_slice %arg4[%add3A_12, %dma_start3A, %dma_start3A_37] : memref<64x40x128xi32, #tpu.memory_space<hbm>> -> memref<1x40x128xi32, #tpu.memory_space<hbm>>
      %dma_start3A_39 = tpu.memref_squeeze %dma_start3A_38 : memref<1x40x128xi32, #tpu.memory_space<hbm>> -> memref<40x128xi32, #tpu.memory_space<hbm>>
      %dma_start3A_40 = arith.constant 0 : i32
      %dma_start3A_41 = arith.constant 0 : i32
      %dma_start3A_42 = tpu.memref_slice %arg4[%add3A_12, %dma_start3A_40, %dma_start3A_41] : memref<64x40x128xi32, #tpu.memory_space<hbm>> -> memref<1x40x128xi32, #tpu.memory_space<hbm>>
      %dma_start3A_43 = tpu.memref_squeeze %dma_start3A_42 : memref<1x40x128xi32, #tpu.memory_space<hbm>> -> memref<40x128xi32, #tpu.memory_space<hbm>>
      tpu.enqueue_dma source(%dma_start3A_43 : memref<40x128xi32, #tpu.memory_space<hbm>>) target(%arg8 : memref<40x128xi32, #tpu.memory_space<vmem>>) target_semaphore(%run_scoped3A : memref<!tpu.dma_semaphore, #tpu.memory_space<semaphore_mem>>)
      %dma_wait3A = arith.constant 0 : i32
      %dma_wait3A_44 = arith.constant 0 : i32
      %dma_wait3A_45 = tpu.memref_slice %arg4[%add3A_12, %dma_wait3A, %dma_wait3A_44] : memref<64x40x128xi32, #tpu.memory_space<hbm>> -> memref<1x40x128xi32, #tpu.memory_space<hbm>>
      %dma_wait3A_46 = tpu.memref_squeeze %dma_wait3A_45 : memref<1x40x128xi32, #tpu.memory_space<hbm>> -> memref<40x128xi32, #tpu.memory_space<hbm>>
      %dma_wait3A_47 = arith.constant 0 : i32
      %dma_wait3A_48 = arith.constant 0 : i32
      %dma_wait3A_49 = tpu.memref_slice %arg4[%add3A_12, %dma_wait3A_47, %dma_wait3A_48] : memref<64x40x128xi32, #tpu.memory_space<hbm>> -> memref<1x40x128xi32, #tpu.memory_space<hbm>>
      %dma_wait3A_50 = tpu.memref_squeeze %dma_wait3A_49 : memref<1x40x128xi32, #tpu.memory_space<hbm>> -> memref<40x128xi32, #tpu.memory_space<hbm>>
      tpu.wait_dma2 semaphore(%run_scoped3A : memref<!tpu.dma_semaphore, #tpu.memory_space<semaphore_mem>>) src(%dma_wait3A_50 : memref<40x128xi32, #tpu.memory_space<hbm>>) dst(%arg8 : memref<40x128xi32, #tpu.memory_space<vmem>>)
      tpu.yield
    }) : () -> ()
    %scan3A = arith.constant 0 : i32
    %scan3A_13 = arith.constant 0 : i32
    %scan3A_14 = arith.constant 20 : i32
    %scan3A_15 = arith.addi %scan3A_13, %scan3A_14 : i32
    %scan3A_16 = arith.constant 1 : i32
    scf.for %scan3A_37 = %scan3A_13 to %scan3A_15 step %scan3A_16  : i32 {
      %mul3A_38 = arith.constant 2 : i32
      %mul3A_39 = arith.muli %mul3A_38, %scan3A_37 : i32
      %dma_start3A = arith.constant 0 : i32
      %dma_start3A_40 = tpu.memref_slice %arg7[%mul3A_39, %dma_start3A] : memref<40x128xi32, #tpu.memory_space<vmem>> -> memref<1x128xi32, #tpu.memory_space<vmem>>
      %dma_start3A_41 = tpu.memref_squeeze %dma_start3A_40 : memref<1x128xi32, #tpu.memory_space<vmem>> -> memref<128xi32, #tpu.memory_space<vmem>>
      %dma_start3A_42 = arith.constant 0 : i32
      %dma_start3A_43 = arith.constant 0 : i32
      %dma_start3A_44 = tpu.memref_slice %arg2[%dma_start3A_42, %dma_start3A_43] : memref<10000x128xf32, #tpu.memory_space<hbm>> -> memref<10000x128xf32, #tpu.memory_space<hbm>>
      tpu.enqueue_indirect_dma source(%dma_start3A_44 : memref<10000x128xf32, #tpu.memory_space<hbm>>) target(%arg9 : memref<128x128xf32, #tpu.memory_space<vmem>>) offsets(%dma_start3A_41 : memref<128xi32, #tpu.memory_space<vmem>>) semaphore(%arg12 : memref<!tpu.dma_semaphore, #tpu.memory_space<semaphore_mem>>)
      %add3A_45 = arith.constant 1 : i32
      %add3A_46 = arith.addi %mul3A_39, %add3A_45 : i32
      %dma_start3A_47 = arith.constant 0 : i32
      %dma_start3A_48 = tpu.memref_slice %arg7[%add3A_46, %dma_start3A_47] : memref<40x128xi32, #tpu.memory_space<vmem>> -> memref<1x128xi32, #tpu.memory_space<vmem>>
      %dma_start3A_49 = tpu.memref_squeeze %dma_start3A_48 : memref<1x128xi32, #tpu.memory_space<vmem>> -> memref<128xi32, #tpu.memory_space<vmem>>
      %dma_start3A_50 = arith.constant 0 : i32
      %dma_start3A_51 = arith.constant 0 : i32
      %dma_start3A_52 = tpu.memref_slice %arg2[%dma_start3A_50, %dma_start3A_51] : memref<10000x128xf32, #tpu.memory_space<hbm>> -> memref<10000x128xf32, #tpu.memory_space<hbm>>
      tpu.enqueue_indirect_dma source(%dma_start3A_52 : memref<10000x128xf32, #tpu.memory_space<hbm>>) target(%arg10 : memref<128x128xf32, #tpu.memory_space<vmem>>) offsets(%dma_start3A_49 : memref<128xi32, #tpu.memory_space<vmem>>) semaphore(%arg13 : memref<!tpu.dma_semaphore, #tpu.memory_space<semaphore_mem>>)
      %dma_wait3A = arith.constant 0 : i32
      %dma_wait3A_53 = tpu.memref_slice %arg7[%mul3A_39, %dma_wait3A] : memref<40x128xi32, #tpu.memory_space<vmem>> -> memref<1x128xi32, #tpu.memory_space<vmem>>
      %dma_wait3A_54 = tpu.memref_squeeze %dma_wait3A_53 : memref<1x128xi32, #tpu.memory_space<vmem>> -> memref<128xi32, #tpu.memory_space<vmem>>
      %dma_wait3A_55 = arith.constant 0 : i32
      %dma_wait3A_56 = arith.constant 0 : i32
      %dma_wait3A_57 = tpu.memref_slice %arg2[%dma_wait3A_55, %dma_wait3A_56] : memref<10000x128xf32, #tpu.memory_space<hbm>> -> memref<10000x128xf32, #tpu.memory_space<hbm>>
      tpu.wait_indirect_dma semaphore(%arg12 : memref<!tpu.dma_semaphore, #tpu.memory_space<semaphore_mem>>) src(%dma_wait3A_57 : memref<10000x128xf32, #tpu.memory_space<hbm>>) dst(%arg9 : memref<128x128xf32, #tpu.memory_space<vmem>>)
      "tpu.region"() ({
        %run_scoped3A = tpu.sem_alloc : memref<!tpu.dma_semaphore, #tpu.memory_space<semaphore_mem>>
        %dma_start3A_66 = arith.constant 0 : i32
        %dma_start3A_67 = tpu.memref_slice %arg8[%mul3A_39, %dma_start3A_66] : memref<40x128xi32, #tpu.memory_space<vmem>> -> memref<1x128xi32, #tpu.memory_space<vmem>>
        %dma_start3A_68 = tpu.memref_squeeze %dma_start3A_67 : memref<1x128xi32, #tpu.memory_space<vmem>> -> memref<128xi32, #tpu.memory_space<vmem>>
        %dma_start3A_69 = arith.constant 0 : i32
        %dma_start3A_70 = arith.constant 0 : i32
        %dma_start3A_71 = tpu.memref_slice %arg11[%dma_start3A_69, %dma_start3A_70] : memref<10240x128xf32, #tpu.memory_space<vmem_shared>> -> memref<10240x128xf32, #tpu.memory_space<vmem_shared>>
        tpu.enqueue_indirect_dma source(%arg9 : memref<128x128xf32, #tpu.memory_space<vmem>>) target(%dma_start3A_71 : memref<10240x128xf32, #tpu.memory_space<vmem_shared>>) offsets(%dma_start3A_68 : memref<128xi32, #tpu.memory_space<vmem>>) semaphore(%run_scoped3A : memref<!tpu.dma_semaphore, #tpu.memory_space<semaphore_mem>>) {add = true}
        %dma_wait3A_72 = arith.constant 0 : i32
        %dma_wait3A_73 = tpu.memref_slice %arg8[%mul3A_39, %dma_wait3A_72] : memref<40x128xi32, #tpu.memory_space<vmem>> -> memref<1x128xi32, #tpu.memory_space<vmem>>
        %dma_wait3A_74 = tpu.memref_squeeze %dma_wait3A_73 : memref<1x128xi32, #tpu.memory_space<vmem>> -> memref<128xi32, #tpu.memory_space<vmem>>
        %dma_wait3A_75 = arith.constant 0 : i32
        %dma_wait3A_76 = arith.constant 0 : i32
        %dma_wait3A_77 = tpu.memref_slice %arg11[%dma_wait3A_75, %dma_wait3A_76] : memref<10240x128xf32, #tpu.memory_space<vmem_shared>> -> memref<10240x128xf32, #tpu.memory_space<vmem_shared>>
        tpu.wait_indirect_dma semaphore(%run_scoped3A : memref<!tpu.dma_semaphore, #tpu.memory_space<semaphore_mem>>) src(%arg9 : memref<128x128xf32, #tpu.memory_space<vmem>>) dst(%dma_wait3A_77 : memref<10240x128xf32, #tpu.memory_space<vmem_shared>>)
        tpu.yield
      }) : () -> ()
      %dma_wait3A_58 = arith.constant 0 : i32
      %dma_wait3A_59 = tpu.memref_slice %arg7[%add3A_46, %dma_wait3A_58] : memref<40x128xi32, #tpu.memory_space<vmem>> -> memref<1x128xi32, #tpu.memory_space<vmem>>
      %dma_wait3A_60 = tpu.memref_squeeze %dma_wait3A_59 : memref<1x128xi32, #tpu.memory_space<vmem>> -> memref<128xi32, #tpu.memory_space<vmem>>
      %dma_wait3A_61 = arith.constant 0 : i32
      %dma_wait3A_62 = arith.constant 0 : i32
      %dma_wait3A_63 = tpu.memref_slice %arg2[%dma_wait3A_61, %dma_wait3A_62] : memref<10000x128xf32, #tpu.memory_space<hbm>> -> memref<10000x128xf32, #tpu.memory_space<hbm>>
      tpu.wait_indirect_dma semaphore(%arg13 : memref<!tpu.dma_semaphore, #tpu.memory_space<semaphore_mem>>) src(%dma_wait3A_63 : memref<10000x128xf32, #tpu.memory_space<hbm>>) dst(%arg10 : memref<128x128xf32, #tpu.memory_space<vmem>>)
      %add3A_64 = arith.constant 1 : i32
      %add3A_65 = arith.addi %mul3A_39, %add3A_64 : i32
      "tpu.region"() ({
        %run_scoped3A = tpu.sem_alloc : memref<!tpu.dma_semaphore, #tpu.memory_space<semaphore_mem>>
        %dma_start3A_66 = arith.constant 0 : i32
        %dma_start3A_67 = tpu.memref_slice %arg8[%add3A_65, %dma_start3A_66] : memref<40x128xi32, #tpu.memory_space<vmem>> -> memref<1x128xi32, #tpu.memory_space<vmem>>
        %dma_start3A_68 = tpu.memref_squeeze %dma_start3A_67 : memref<1x128xi32, #tpu.memory_space<vmem>> -> memref<128xi32, #tpu.memory_space<vmem>>
        %dma_start3A_69 = arith.constant 0 : i32
        %dma_start3A_70 = arith.constant 0 : i32
        %dma_start3A_71 = tpu.memref_slice %arg11[%dma_start3A_69, %dma_start3A_70] : memref<10240x128xf32, #tpu.memory_space<vmem_shared>> -> memref<10240x128xf32, #tpu.memory_space<vmem_shared>>
        tpu.enqueue_indirect_dma source(%arg10 : memref<128x128xf32, #tpu.memory_space<vmem>>) target(%dma_start3A_71 : memref<10240x128xf32, #tpu.memory_space<vmem_shared>>) offsets(%dma_start3A_68 : memref<128xi32, #tpu.memory_space<vmem>>) semaphore(%run_scoped3A : memref<!tpu.dma_semaphore, #tpu.memory_space<semaphore_mem>>) {add = true}
        %dma_wait3A_72 = arith.constant 0 : i32
        %dma_wait3A_73 = tpu.memref_slice %arg8[%add3A_65, %dma_wait3A_72] : memref<40x128xi32, #tpu.memory_space<vmem>> -> memref<1x128xi32, #tpu.memory_space<vmem>>
        %dma_wait3A_74 = tpu.memref_squeeze %dma_wait3A_73 : memref<1x128xi32, #tpu.memory_space<vmem>> -> memref<128xi32, #tpu.memory_space<vmem>>
        %dma_wait3A_75 = arith.constant 0 : i32
        %dma_wait3A_76 = arith.constant 0 : i32
        %dma_wait3A_77 = tpu.memref_slice %arg11[%dma_wait3A_75, %dma_wait3A_76] : memref<10240x128xf32, #tpu.memory_space<vmem_shared>> -> memref<10240x128xf32, #tpu.memory_space<vmem_shared>>
        tpu.wait_indirect_dma semaphore(%run_scoped3A : memref<!tpu.dma_semaphore, #tpu.memory_space<semaphore_mem>>) src(%arg10 : memref<128x128xf32, #tpu.memory_space<vmem>>) dst(%dma_wait3A_77 : memref<10240x128xf32, #tpu.memory_space<vmem_shared>>)
        tpu.yield
      }) : () -> ()
    }
    %scan3A_17 = arith.constant 20 : i32
    %mul3A_18 = arith.constant 2 : i32
    %mul3A_19 = arith.muli %mul3A_18, %add3A : i32
    %add3A_20 = arith.constant 1 : i32
    %add3A_21 = arith.addi %mul3A_19, %add3A_20 : i32
    "tpu.region"() ({
      %run_scoped3A = tpu.sem_alloc : memref<!tpu.dma_semaphore, #tpu.memory_space<semaphore_mem>>
      %dma_start3A = arith.constant 0 : i32
      %dma_start3A_37 = arith.constant 0 : i32
      %dma_start3A_38 = tpu.memref_slice %arg3[%add3A_21, %dma_start3A, %dma_start3A_37] : memref<64x40x128xi32, #tpu.memory_space<hbm>> -> memref<1x40x128xi32, #tpu.memory_space<hbm>>
      %dma_start3A_39 = tpu.memref_squeeze %dma_start3A_38 : memref<1x40x128xi32, #tpu.memory_space<hbm>> -> memref<40x128xi32, #tpu.memory_space<hbm>>
      %dma_start3A_40 = arith.constant 0 : i32
      %dma_start3A_41 = arith.constant 0 : i32
      %dma_start3A_42 = tpu.memref_slice %arg3[%add3A_21, %dma_start3A_40, %dma_start3A_41] : memref<64x40x128xi32, #tpu.memory_space<hbm>> -> memref<1x40x128xi32, #tpu.memory_space<hbm>>
      %dma_start3A_43 = tpu.memref_squeeze %dma_start3A_42 : memref<1x40x128xi32, #tpu.memory_space<hbm>> -> memref<40x128xi32, #tpu.memory_space<hbm>>
      tpu.enqueue_dma source(%dma_start3A_43 : memref<40x128xi32, #tpu.memory_space<hbm>>) target(%arg7 : memref<40x128xi32, #tpu.memory_space<vmem>>) target_semaphore(%run_scoped3A : memref<!tpu.dma_semaphore, #tpu.memory_space<semaphore_mem>>)
      %dma_wait3A = arith.constant 0 : i32
      %dma_wait3A_44 = arith.constant 0 : i32
      %dma_wait3A_45 = tpu.memref_slice %arg3[%add3A_21, %dma_wait3A, %dma_wait3A_44] : memref<64x40x128xi32, #tpu.memory_space<hbm>> -> memref<1x40x128xi32, #tpu.memory_space<hbm>>
      %dma_wait3A_46 = tpu.memref_squeeze %dma_wait3A_45 : memref<1x40x128xi32, #tpu.memory_space<hbm>> -> memref<40x128xi32, #tpu.memory_space<hbm>>
      %dma_wait3A_47 = arith.constant 0 : i32
      %dma_wait3A_48 = arith.constant 0 : i32
      %dma_wait3A_49 = tpu.memref_slice %arg3[%add3A_21, %dma_wait3A_47, %dma_wait3A_48] : memref<64x40x128xi32, #tpu.memory_space<hbm>> -> memref<1x40x128xi32, #tpu.memory_space<hbm>>
      %dma_wait3A_50 = tpu.memref_squeeze %dma_wait3A_49 : memref<1x40x128xi32, #tpu.memory_space<hbm>> -> memref<40x128xi32, #tpu.memory_space<hbm>>
      tpu.wait_dma2 semaphore(%run_scoped3A : memref<!tpu.dma_semaphore, #tpu.memory_space<semaphore_mem>>) src(%dma_wait3A_50 : memref<40x128xi32, #tpu.memory_space<hbm>>) dst(%arg7 : memref<40x128xi32, #tpu.memory_space<vmem>>)
      tpu.yield
    }) : () -> ()
    %mul3A_22 = arith.constant 2 : i32
    %mul3A_23 = arith.muli %mul3A_22, %add3A : i32
    %add3A_24 = arith.constant 1 : i32
    %add3A_25 = arith.addi %mul3A_23, %add3A_24 : i32
    "tpu.region"() ({
      %run_scoped3A = tpu.sem_alloc : memref<!tpu.dma_semaphore, #tpu.memory_space<semaphore_mem>>
      %dma_start3A = arith.constant 0 : i32
      %dma_start3A_37 = arith.constant 0 : i32
      %dma_start3A_38 = tpu.memref_slice %arg4[%add3A_25, %dma_start3A, %dma_start3A_37] : memref<64x40x128xi32, #tpu.memory_space<hbm>> -> memref<1x40x128xi32, #tpu.memory_space<hbm>>
      %dma_start3A_39 = tpu.memref_squeeze %dma_start3A_38 : memref<1x40x128xi32, #tpu.memory_space<hbm>> -> memref<40x128xi32, #tpu.memory_space<hbm>>
      %dma_start3A_40 = arith.constant 0 : i32
      %dma_start3A_41 = arith.constant 0 : i32
      %dma_start3A_42 = tpu.memref_slice %arg4[%add3A_25, %dma_start3A_40, %dma_start3A_41] : memref<64x40x128xi32, #tpu.memory_space<hbm>> -> memref<1x40x128xi32, #tpu.memory_space<hbm>>
      %dma_start3A_43 = tpu.memref_squeeze %dma_start3A_42 : memref<1x40x128xi32, #tpu.memory_space<hbm>> -> memref<40x128xi32, #tpu.memory_space<hbm>>
      tpu.enqueue_dma source(%dma_start3A_43 : memref<40x128xi32, #tpu.memory_space<hbm>>) target(%arg8 : memref<40x128xi32, #tpu.memory_space<vmem>>) target_semaphore(%run_scoped3A : memref<!tpu.dma_semaphore, #tpu.memory_space<semaphore_mem>>)
      %dma_wait3A = arith.constant 0 : i32
      %dma_wait3A_44 = arith.constant 0 : i32
      %dma_wait3A_45 = tpu.memref_slice %arg4[%add3A_25, %dma_wait3A, %dma_wait3A_44] : memref<64x40x128xi32, #tpu.memory_space<hbm>> -> memref<1x40x128xi32, #tpu.memory_space<hbm>>
      %dma_wait3A_46 = tpu.memref_squeeze %dma_wait3A_45 : memref<1x40x128xi32, #tpu.memory_space<hbm>> -> memref<40x128xi32, #tpu.memory_space<hbm>>
      %dma_wait3A_47 = arith.constant 0 : i32
      %dma_wait3A_48 = arith.constant 0 : i32
      %dma_wait3A_49 = tpu.memref_slice %arg4[%add3A_25, %dma_wait3A_47, %dma_wait3A_48] : memref<64x40x128xi32, #tpu.memory_space<hbm>> -> memref<1x40x128xi32, #tpu.memory_space<hbm>>
      %dma_wait3A_50 = tpu.memref_squeeze %dma_wait3A_49 : memref<1x40x128xi32, #tpu.memory_space<hbm>> -> memref<40x128xi32, #tpu.memory_space<hbm>>
      tpu.wait_dma2 semaphore(%run_scoped3A : memref<!tpu.dma_semaphore, #tpu.memory_space<semaphore_mem>>) src(%dma_wait3A_50 : memref<40x128xi32, #tpu.memory_space<hbm>>) dst(%arg8 : memref<40x128xi32, #tpu.memory_space<vmem>>)
      tpu.yield
    }) : () -> ()
    %scan3A_26 = arith.constant 0 : i32
    %scan3A_27 = arith.constant 0 : i32
    %scan3A_28 = arith.constant 20 : i32
    %scan3A_29 = arith.addi %scan3A_27, %scan3A_28 : i32
    %scan3A_30 = arith.constant 1 : i32
    scf.for %scan3A_37 = %scan3A_27 to %scan3A_29 step %scan3A_30  : i32 {
      %mul3A_38 = arith.constant 2 : i32
      %mul3A_39 = arith.muli %mul3A_38, %scan3A_37 : i32
      %dma_start3A = arith.constant 0 : i32
      %dma_start3A_40 = tpu.memref_slice %arg7[%mul3A_39, %dma_start3A] : memref<40x128xi32, #tpu.memory_space<vmem>> -> memref<1x128xi32, #tpu.memory_space<vmem>>
      %dma_start3A_41 = tpu.memref_squeeze %dma_start3A_40 : memref<1x128xi32, #tpu.memory_space<vmem>> -> memref<128xi32, #tpu.memory_space<vmem>>
      %dma_start3A_42 = arith.constant 0 : i32
      %dma_start3A_43 = arith.constant 0 : i32
      %dma_start3A_44 = tpu.memref_slice %arg2[%dma_start3A_42, %dma_start3A_43] : memref<10000x128xf32, #tpu.memory_space<hbm>> -> memref<10000x128xf32, #tpu.memory_space<hbm>>
      tpu.enqueue_indirect_dma source(%dma_start3A_44 : memref<10000x128xf32, #tpu.memory_space<hbm>>) target(%arg9 : memref<128x128xf32, #tpu.memory_space<vmem>>) offsets(%dma_start3A_41 : memref<128xi32, #tpu.memory_space<vmem>>) semaphore(%arg12 : memref<!tpu.dma_semaphore, #tpu.memory_space<semaphore_mem>>)
      %add3A_45 = arith.constant 1 : i32
      %add3A_46 = arith.addi %mul3A_39, %add3A_45 : i32
      %dma_start3A_47 = arith.constant 0 : i32
      %dma_start3A_48 = tpu.memref_slice %arg7[%add3A_46, %dma_start3A_47] : memref<40x128xi32, #tpu.memory_space<vmem>> -> memref<1x128xi32, #tpu.memory_space<vmem>>
      %dma_start3A_49 = tpu.memref_squeeze %dma_start3A_48 : memref<1x128xi32, #tpu.memory_space<vmem>> -> memref<128xi32, #tpu.memory_space<vmem>>
      %dma_start3A_50 = arith.constant 0 : i32
      %dma_start3A_51 = arith.constant 0 : i32
      %dma_start3A_52 = tpu.memref_slice %arg2[%dma_start3A_50, %dma_start3A_51] : memref<10000x128xf32, #tpu.memory_space<hbm>> -> memref<10000x128xf32, #tpu.memory_space<hbm>>
      tpu.enqueue_indirect_dma source(%dma_start3A_52 : memref<10000x128xf32, #tpu.memory_space<hbm>>) target(%arg10 : memref<128x128xf32, #tpu.memory_space<vmem>>) offsets(%dma_start3A_49 : memref<128xi32, #tpu.memory_space<vmem>>) semaphore(%arg13 : memref<!tpu.dma_semaphore, #tpu.memory_space<semaphore_mem>>)
      %dma_wait3A = arith.constant 0 : i32
      %dma_wait3A_53 = tpu.memref_slice %arg7[%mul3A_39, %dma_wait3A] : memref<40x128xi32, #tpu.memory_space<vmem>> -> memref<1x128xi32, #tpu.memory_space<vmem>>
      %dma_wait3A_54 = tpu.memref_squeeze %dma_wait3A_53 : memref<1x128xi32, #tpu.memory_space<vmem>> -> memref<128xi32, #tpu.memory_space<vmem>>
      %dma_wait3A_55 = arith.constant 0 : i32
      %dma_wait3A_56 = arith.constant 0 : i32
      %dma_wait3A_57 = tpu.memref_slice %arg2[%dma_wait3A_55, %dma_wait3A_56] : memref<10000x128xf32, #tpu.memory_space<hbm>> -> memref<10000x128xf32, #tpu.memory_space<hbm>>
      tpu.wait_indirect_dma semaphore(%arg12 : memref<!tpu.dma_semaphore, #tpu.memory_space<semaphore_mem>>) src(%dma_wait3A_57 : memref<10000x128xf32, #tpu.memory_space<hbm>>) dst(%arg9 : memref<128x128xf32, #tpu.memory_space<vmem>>)
      "tpu.region"() ({
        %run_scoped3A = tpu.sem_alloc : memref<!tpu.dma_semaphore, #tpu.memory_space<semaphore_mem>>
        %dma_start3A_66 = arith.constant 0 : i32
        %dma_start3A_67 = tpu.memref_slice %arg8[%mul3A_39, %dma_start3A_66] : memref<40x128xi32, #tpu.memory_space<vmem>> -> memref<1x128xi32, #tpu.memory_space<vmem>>
        %dma_start3A_68 = tpu.memref_squeeze %dma_start3A_67 : memref<1x128xi32, #tpu.memory_space<vmem>> -> memref<128xi32, #tpu.memory_space<vmem>>
        %dma_start3A_69 = arith.constant 0 : i32
        %dma_start3A_70 = arith.constant 0 : i32
        %dma_start3A_71 = tpu.memref_slice %arg11[%dma_start3A_69, %dma_start3A_70] : memref<10240x128xf32, #tpu.memory_space<vmem_shared>> -> memref<10240x128xf32, #tpu.memory_space<vmem_shared>>
        tpu.enqueue_indirect_dma source(%arg9 : memref<128x128xf32, #tpu.memory_space<vmem>>) target(%dma_start3A_71 : memref<10240x128xf32, #tpu.memory_space<vmem_shared>>) offsets(%dma_start3A_68 : memref<128xi32, #tpu.memory_space<vmem>>) semaphore(%run_scoped3A : memref<!tpu.dma_semaphore, #tpu.memory_space<semaphore_mem>>) {add = true}
        %dma_wait3A_72 = arith.constant 0 : i32
        %dma_wait3A_73 = tpu.memref_slice %arg8[%mul3A_39, %dma_wait3A_72] : memref<40x128xi32, #tpu.memory_space<vmem>> -> memref<1x128xi32, #tpu.memory_space<vmem>>
        %dma_wait3A_74 = tpu.memref_squeeze %dma_wait3A_73 : memref<1x128xi32, #tpu.memory_space<vmem>> -> memref<128xi32, #tpu.memory_space<vmem>>
        %dma_wait3A_75 = arith.constant 0 : i32
        %dma_wait3A_76 = arith.constant 0 : i32
        %dma_wait3A_77 = tpu.memref_slice %arg11[%dma_wait3A_75, %dma_wait3A_76] : memref<10240x128xf32, #tpu.memory_space<vmem_shared>> -> memref<10240x128xf32, #tpu.memory_space<vmem_shared>>
        tpu.wait_indirect_dma semaphore(%run_scoped3A : memref<!tpu.dma_semaphore, #tpu.memory_space<semaphore_mem>>) src(%arg9 : memref<128x128xf32, #tpu.memory_space<vmem>>) dst(%dma_wait3A_77 : memref<10240x128xf32, #tpu.memory_space<vmem_shared>>)
        tpu.yield
      }) : () -> ()
      %dma_wait3A_58 = arith.constant 0 : i32
      %dma_wait3A_59 = tpu.memref_slice %arg7[%add3A_46, %dma_wait3A_58] : memref<40x128xi32, #tpu.memory_space<vmem>> -> memref<1x128xi32, #tpu.memory_space<vmem>>
      %dma_wait3A_60 = tpu.memref_squeeze %dma_wait3A_59 : memref<1x128xi32, #tpu.memory_space<vmem>> -> memref<128xi32, #tpu.memory_space<vmem>>
      %dma_wait3A_61 = arith.constant 0 : i32
      %dma_wait3A_62 = arith.constant 0 : i32
      %dma_wait3A_63 = tpu.memref_slice %arg2[%dma_wait3A_61, %dma_wait3A_62] : memref<10000x128xf32, #tpu.memory_space<hbm>> -> memref<10000x128xf32, #tpu.memory_space<hbm>>
      tpu.wait_indirect_dma semaphore(%arg13 : memref<!tpu.dma_semaphore, #tpu.memory_space<semaphore_mem>>) src(%dma_wait3A_63 : memref<10000x128xf32, #tpu.memory_space<hbm>>) dst(%arg10 : memref<128x128xf32, #tpu.memory_space<vmem>>)
      %add3A_64 = arith.constant 1 : i32
      %add3A_65 = arith.addi %mul3A_39, %add3A_64 : i32
      "tpu.region"() ({
        %run_scoped3A = tpu.sem_alloc : memref<!tpu.dma_semaphore, #tpu.memory_space<semaphore_mem>>
        %dma_start3A_66 = arith.constant 0 : i32
        %dma_start3A_67 = tpu.memref_slice %arg8[%add3A_65, %dma_start3A_66] : memref<40x128xi32, #tpu.memory_space<vmem>> -> memref<1x128xi32, #tpu.memory_space<vmem>>
        %dma_start3A_68 = tpu.memref_squeeze %dma_start3A_67 : memref<1x128xi32, #tpu.memory_space<vmem>> -> memref<128xi32, #tpu.memory_space<vmem>>
        %dma_start3A_69 = arith.constant 0 : i32
        %dma_start3A_70 = arith.constant 0 : i32
        %dma_start3A_71 = tpu.memref_slice %arg11[%dma_start3A_69, %dma_start3A_70] : memref<10240x128xf32, #tpu.memory_space<vmem_shared>> -> memref<10240x128xf32, #tpu.memory_space<vmem_shared>>
        tpu.enqueue_indirect_dma source(%arg10 : memref<128x128xf32, #tpu.memory_space<vmem>>) target(%dma_start3A_71 : memref<10240x128xf32, #tpu.memory_space<vmem_shared>>) offsets(%dma_start3A_68 : memref<128xi32, #tpu.memory_space<vmem>>) semaphore(%run_scoped3A : memref<!tpu.dma_semaphore, #tpu.memory_space<semaphore_mem>>) {add = true}
        %dma_wait3A_72 = arith.constant 0 : i32
        %dma_wait3A_73 = tpu.memref_slice %arg8[%add3A_65, %dma_wait3A_72] : memref<40x128xi32, #tpu.memory_space<vmem>> -> memref<1x128xi32, #tpu.memory_space<vmem>>
        %dma_wait3A_74 = tpu.memref_squeeze %dma_wait3A_73 : memref<1x128xi32, #tpu.memory_space<vmem>> -> memref<128xi32, #tpu.memory_space<vmem>>
        %dma_wait3A_75 = arith.constant 0 : i32
        %dma_wait3A_76 = arith.constant 0 : i32
        %dma_wait3A_77 = tpu.memref_slice %arg11[%dma_wait3A_75, %dma_wait3A_76] : memref<10240x128xf32, #tpu.memory_space<vmem_shared>> -> memref<10240x128xf32, #tpu.memory_space<vmem_shared>>
        tpu.wait_indirect_dma semaphore(%run_scoped3A : memref<!tpu.dma_semaphore, #tpu.memory_space<semaphore_mem>>) src(%arg10 : memref<128x128xf32, #tpu.memory_space<vmem>>) dst(%dma_wait3A_77 : memref<10240x128xf32, #tpu.memory_space<vmem_shared>>)
        tpu.yield
      }) : () -> ()
    }
    %scan3A_31 = arith.constant 20 : i32
    %barrier3A_32 = arith.constant 0 : index
    tpu.barrier barrier_id(%barrier3A_32)
    %mul3A_33 = arith.constant 640 : i32
    %mul3A_34 = arith.muli %arg1, %mul3A_33 : i32
    %mul3A_35 = arith.constant 640 : i32
    %mul3A_36 = arith.muli %arg1, %mul3A_35 : i32
    "tpu.region"() ({
      %run_scoped3A = tpu.sem_alloc : memref<!tpu.dma_semaphore, #tpu.memory_space<semaphore_mem>>
      %dma_start3A = arith.constant 0 : i32
      %dma_start3A_37 = tpu.memref_slice %arg6[%arg0, %mul3A_36, %dma_start3A] : memref<2x10240x128xf32, #tpu.memory_space<hbm>> -> memref<1x640x128xf32, #tpu.memory_space<hbm>>
      %dma_start3A_38 = tpu.memref_squeeze %dma_start3A_37 : memref<1x640x128xf32, #tpu.memory_space<hbm>> -> memref<640x128xf32, #tpu.memory_space<hbm>>
      %dma_start3A_39 = arith.constant 0 : i32
      %dma_start3A_40 = tpu.memref_slice %arg11[%mul3A_34, %dma_start3A_39] : memref<10240x128xf32, #tpu.memory_space<vmem_shared>> -> memref<640x128xf32, #tpu.memory_space<vmem_shared>>
      tpu.enqueue_dma source(%dma_start3A_40 : memref<640x128xf32, #tpu.memory_space<vmem_shared>>) target(%dma_start3A_38 : memref<640x128xf32, #tpu.memory_space<hbm>>) target_semaphore(%run_scoped3A : memref<!tpu.dma_semaphore, #tpu.memory_space<semaphore_mem>>)
      %dma_wait3A = arith.constant 0 : i32
      %dma_wait3A_41 = tpu.memref_slice %arg6[%arg0, %mul3A_36, %dma_wait3A] : memref<2x10240x128xf32, #tpu.memory_space<hbm>> -> memref<1x640x128xf32, #tpu.memory_space<hbm>>
      %dma_wait3A_42 = tpu.memref_squeeze %dma_wait3A_41 : memref<1x640x128xf32, #tpu.memory_space<hbm>> -> memref<640x128xf32, #tpu.memory_space<hbm>>
      %dma_wait3A_43 = arith.constant 0 : i32
      %dma_wait3A_44 = tpu.memref_slice %arg11[%mul3A_34, %dma_wait3A_43] : memref<10240x128xf32, #tpu.memory_space<vmem_shared>> -> memref<640x128xf32, #tpu.memory_space<vmem_shared>>
      tpu.wait_dma2 semaphore(%run_scoped3A : memref<!tpu.dma_semaphore, #tpu.memory_space<semaphore_mem>>) src(%dma_wait3A_44 : memref<640x128xf32, #tpu.memory_space<vmem_shared>>) dst(%dma_wait3A_42 : memref<640x128xf32, #tpu.memory_space<hbm>>)
      tpu.yield
    }) : () -> ()
    return
  }
}

#map = affine_map<(d0, d1) -> (0, 0)>
#map1 = affine_map<(d0, d1) -> (0, 0, 0)>
module attributes {stable_mosaic.version = 14 : i64} {
  func.func @_seg_sum_body(%arg0: i32, %arg1: i32, %arg2: memref<10000x128xf32, #tpu.memory_space<hbm>>, %arg3: memref<64x40x128xi32, #tpu.memory_space<hbm>>, %arg4: memref<64x40x128xi32, #tpu.memory_space<hbm>>, %arg5: memref<10240x128xf32, #tpu.memory_space<hbm>>, %arg6: memref<2x10240x128xf32, #tpu.memory_space<hbm>>, %arg7: memref<40x128xi32, #tpu.memory_space<vmem>>, %arg8: memref<40x128xi32, #tpu.memory_space<vmem>>, %arg9: memref<128x128xf32, #tpu.memory_space<vmem>>, %arg10: memref<128x128xf32, #tpu.memory_space<vmem>>, %arg11: memref<10240x128xf32, #tpu.memory_space<vmem_shared>>, %arg12: memref<!tpu.dma_semaphore, #tpu.memory_space<semaphore_mem>>, %arg13: memref<!tpu.dma_semaphore, #tpu.memory_space<semaphore_mem>>) attributes {dimension_semantics = [#tpu.dimension_semantics<core_parallel>, #tpu.dimension_semantics<subcore_parallel>], iteration_bounds = array<i64: 2, 16>, scalar_prefetch = 0 : i64, scratch_operands = 7 : i64, tpu.core_type = #tpu.core_type<sc_vector_subcore>, window_params = [{transform_indices = #map}, {transform_indices = #map1}, {transform_indices = #map1}, {transform_indices = #map}, {transform_indices = #map1}]} {
    %mul3A = arith.constant 16 : i32
    %mul3A_0 = arith.muli %arg0, %mul3A : i32
    %add3A = arith.addi %mul3A_0, %arg1 : i32
    %mul3A_1 = arith.constant 640 : i32
    %mul3A_2 = arith.muli %arg1, %mul3A_1 : i32
    %mul3A_3 = arith.constant 640 : i32
    %mul3A_4 = arith.muli %arg1, %mul3A_3 : i32
    "tpu.region"() ({
      %run_scoped3A = tpu.sem_alloc : memref<!tpu.dma_semaphore, #tpu.memory_space<semaphore_mem>>
      %dma_start3A = arith.constant 0 : i32
      %dma_start3A_37 = tpu.memref_slice %arg11[%mul3A_4, %dma_start3A] : memref<10240x128xf32, #tpu.memory_space<vmem_shared>> -> memref<640x128xf32, #tpu.memory_space<vmem_shared>>
      %dma_start3A_38 = arith.constant 0 : i32
      %dma_start3A_39 = tpu.memref_slice %arg5[%mul3A_2, %dma_start3A_38] : memref<10240x128xf32, #tpu.memory_space<hbm>> -> memref<640x128xf32, #tpu.memory_space<hbm>>
      tpu.enqueue_dma source(%dma_start3A_39 : memref<640x128xf32, #tpu.memory_space<hbm>>) target(%dma_start3A_37 : memref<640x128xf32, #tpu.memory_space<vmem_shared>>) target_semaphore(%run_scoped3A : memref<!tpu.dma_semaphore, #tpu.memory_space<semaphore_mem>>)
      %dma_wait3A = arith.constant 0 : i32
      %dma_wait3A_40 = tpu.memref_slice %arg11[%mul3A_4, %dma_wait3A] : memref<10240x128xf32, #tpu.memory_space<vmem_shared>> -> memref<640x128xf32, #tpu.memory_space<vmem_shared>>
      %dma_wait3A_41 = arith.constant 0 : i32
      %dma_wait3A_42 = tpu.memref_slice %arg5[%mul3A_2, %dma_wait3A_41] : memref<10240x128xf32, #tpu.memory_space<hbm>> -> memref<640x128xf32, #tpu.memory_space<hbm>>
      tpu.wait_dma2 semaphore(%run_scoped3A : memref<!tpu.dma_semaphore, #tpu.memory_space<semaphore_mem>>) src(%dma_wait3A_42 : memref<640x128xf32, #tpu.memory_space<hbm>>) dst(%dma_wait3A_40 : memref<640x128xf32, #tpu.memory_space<vmem_shared>>)
      tpu.yield
    }) : () -> ()
    %barrier3A = arith.constant 0 : index
    tpu.barrier barrier_id(%barrier3A)
    %mul3A_5 = arith.constant 2 : i32
    %mul3A_6 = arith.muli %mul3A_5, %add3A : i32
    %add3A_7 = arith.constant 0 : i32
    %add3A_8 = arith.addi %mul3A_6, %add3A_7 : i32
    "tpu.region"() ({
      %run_scoped3A = tpu.sem_alloc : memref<!tpu.dma_semaphore, #tpu.memory_space<semaphore_mem>>
      %dma_start3A = arith.constant 0 : i32
      %dma_start3A_37 = arith.constant 0 : i32
      %dma_start3A_38 = tpu.memref_slice %arg3[%add3A_8, %dma_start3A, %dma_start3A_37] : memref<64x40x128xi32, #tpu.memory_space<hbm>> -> memref<1x40x128xi32, #tpu.memory_space<hbm>>
      %dma_start3A_39 = tpu.memref_squeeze %dma_start3A_38 : memref<1x40x128xi32, #tpu.memory_space<hbm>> -> memref<40x128xi32, #tpu.memory_space<hbm>>
      %dma_start3A_40 = arith.constant 0 : i32
      %dma_start3A_41 = arith.constant 0 : i32
      %dma_start3A_42 = tpu.memref_slice %arg3[%add3A_8, %dma_start3A_40, %dma_start3A_41] : memref<64x40x128xi32, #tpu.memory_space<hbm>> -> memref<1x40x128xi32, #tpu.memory_space<hbm>>
      %dma_start3A_43 = tpu.memref_squeeze %dma_start3A_42 : memref<1x40x128xi32, #tpu.memory_space<hbm>> -> memref<40x128xi32, #tpu.memory_space<hbm>>
      tpu.enqueue_dma source(%dma_start3A_43 : memref<40x128xi32, #tpu.memory_space<hbm>>) target(%arg7 : memref<40x128xi32, #tpu.memory_space<vmem>>) target_semaphore(%run_scoped3A : memref<!tpu.dma_semaphore, #tpu.memory_space<semaphore_mem>>)
      %dma_wait3A = arith.constant 0 : i32
      %dma_wait3A_44 = arith.constant 0 : i32
      %dma_wait3A_45 = tpu.memref_slice %arg3[%add3A_8, %dma_wait3A, %dma_wait3A_44] : memref<64x40x128xi32, #tpu.memory_space<hbm>> -> memref<1x40x128xi32, #tpu.memory_space<hbm>>
      %dma_wait3A_46 = tpu.memref_squeeze %dma_wait3A_45 : memref<1x40x128xi32, #tpu.memory_space<hbm>> -> memref<40x128xi32, #tpu.memory_space<hbm>>
      %dma_wait3A_47 = arith.constant 0 : i32
      %dma_wait3A_48 = arith.constant 0 : i32
      %dma_wait3A_49 = tpu.memref_slice %arg3[%add3A_8, %dma_wait3A_47, %dma_wait3A_48] : memref<64x40x128xi32, #tpu.memory_space<hbm>> -> memref<1x40x128xi32, #tpu.memory_space<hbm>>
      %dma_wait3A_50 = tpu.memref_squeeze %dma_wait3A_49 : memref<1x40x128xi32, #tpu.memory_space<hbm>> -> memref<40x128xi32, #tpu.memory_space<hbm>>
      tpu.wait_dma2 semaphore(%run_scoped3A : memref<!tpu.dma_semaphore, #tpu.memory_space<semaphore_mem>>) src(%dma_wait3A_50 : memref<40x128xi32, #tpu.memory_space<hbm>>) dst(%arg7 : memref<40x128xi32, #tpu.memory_space<vmem>>)
      tpu.yield
    }) : () -> ()
    %mul3A_9 = arith.constant 2 : i32
    %mul3A_10 = arith.muli %mul3A_9, %add3A : i32
    %add3A_11 = arith.constant 0 : i32
    %add3A_12 = arith.addi %mul3A_10, %add3A_11 : i32
    "tpu.region"() ({
      %run_scoped3A = tpu.sem_alloc : memref<!tpu.dma_semaphore, #tpu.memory_space<semaphore_mem>>
      %dma_start3A = arith.constant 0 : i32
      %dma_start3A_37 = arith.constant 0 : i32
      %dma_start3A_38 = tpu.memref_slice %arg4[%add3A_12, %dma_start3A, %dma_start3A_37] : memref<64x40x128xi32, #tpu.memory_space<hbm>> -> memref<1x40x128xi32, #tpu.memory_space<hbm>>
      %dma_start3A_39 = tpu.memref_squeeze %dma_start3A_38 : memref<1x40x128xi32, #tpu.memory_space<hbm>> -> memref<40x128xi32, #tpu.memory_space<hbm>>
      %dma_start3A_40 = arith.constant 0 : i32
      %dma_start3A_41 = arith.constant 0 : i32
      %dma_start3A_42 = tpu.memref_slice %arg4[%add3A_12, %dma_start3A_40, %dma_start3A_41] : memref<64x40x128xi32, #tpu.memory_space<hbm>> -> memref<1x40x128xi32, #tpu.memory_space<hbm>>
      %dma_start3A_43 = tpu.memref_squeeze %dma_start3A_42 : memref<1x40x128xi32, #tpu.memory_space<hbm>> -> memref<40x128xi32, #tpu.memory_space<hbm>>
      tpu.enqueue_dma source(%dma_start3A_43 : memref<40x128xi32, #tpu.memory_space<hbm>>) target(%arg8 : memref<40x128xi32, #tpu.memory_space<vmem>>) target_semaphore(%run_scoped3A : memref<!tpu.dma_semaphore, #tpu.memory_space<semaphore_mem>>)
      %dma_wait3A = arith.constant 0 : i32
      %dma_wait3A_44 = arith.constant 0 : i32
      %dma_wait3A_45 = tpu.memref_slice %arg4[%add3A_12, %dma_wait3A, %dma_wait3A_44] : memref<64x40x128xi32, #tpu.memory_space<hbm>> -> memref<1x40x128xi32, #tpu.memory_space<hbm>>
      %dma_wait3A_46 = tpu.memref_squeeze %dma_wait3A_45 : memref<1x40x128xi32, #tpu.memory_space<hbm>> -> memref<40x128xi32, #tpu.memory_space<hbm>>
      %dma_wait3A_47 = arith.constant 0 : i32
      %dma_wait3A_48 = arith.constant 0 : i32
      %dma_wait3A_49 = tpu.memref_slice %arg4[%add3A_12, %dma_wait3A_47, %dma_wait3A_48] : memref<64x40x128xi32, #tpu.memory_space<hbm>> -> memref<1x40x128xi32, #tpu.memory_space<hbm>>
      %dma_wait3A_50 = tpu.memref_squeeze %dma_wait3A_49 : memref<1x40x128xi32, #tpu.memory_space<hbm>> -> memref<40x128xi32, #tpu.memory_space<hbm>>
      tpu.wait_dma2 semaphore(%run_scoped3A : memref<!tpu.dma_semaphore, #tpu.memory_space<semaphore_mem>>) src(%dma_wait3A_50 : memref<40x128xi32, #tpu.memory_space<hbm>>) dst(%arg8 : memref<40x128xi32, #tpu.memory_space<vmem>>)
      tpu.yield
    }) : () -> ()
    %scan3A = arith.constant 0 : i32
    %scan3A_13 = arith.constant 0 : i32
    %scan3A_14 = arith.constant 20 : i32
    %scan3A_15 = arith.addi %scan3A_13, %scan3A_14 : i32
    %scan3A_16 = arith.constant 1 : i32
    scf.for %scan3A_37 = %scan3A_13 to %scan3A_15 step %scan3A_16  : i32 {
      %mul3A_38 = arith.constant 2 : i32
      %mul3A_39 = arith.muli %mul3A_38, %scan3A_37 : i32
      %dma_start3A = arith.constant 0 : i32
      %dma_start3A_40 = tpu.memref_slice %arg7[%mul3A_39, %dma_start3A] : memref<40x128xi32, #tpu.memory_space<vmem>> -> memref<1x128xi32, #tpu.memory_space<vmem>>
      %dma_start3A_41 = tpu.memref_squeeze %dma_start3A_40 : memref<1x128xi32, #tpu.memory_space<vmem>> -> memref<128xi32, #tpu.memory_space<vmem>>
      %dma_start3A_42 = arith.constant 0 : i32
      %dma_start3A_43 = arith.constant 0 : i32
      %dma_start3A_44 = tpu.memref_slice %arg2[%dma_start3A_42, %dma_start3A_43] : memref<10000x128xf32, #tpu.memory_space<hbm>> -> memref<10000x128xf32, #tpu.memory_space<hbm>>
      tpu.enqueue_indirect_dma source(%dma_start3A_44 : memref<10000x128xf32, #tpu.memory_space<hbm>>) target(%arg9 : memref<128x128xf32, #tpu.memory_space<vmem>>) offsets(%dma_start3A_41 : memref<128xi32, #tpu.memory_space<vmem>>) semaphore(%arg12 : memref<!tpu.dma_semaphore, #tpu.memory_space<semaphore_mem>>)
      %add3A_45 = arith.constant 1 : i32
      %add3A_46 = arith.addi %mul3A_39, %add3A_45 : i32
      %dma_start3A_47 = arith.constant 0 : i32
      %dma_start3A_48 = tpu.memref_slice %arg7[%add3A_46, %dma_start3A_47] : memref<40x128xi32, #tpu.memory_space<vmem>> -> memref<1x128xi32, #tpu.memory_space<vmem>>
      %dma_start3A_49 = tpu.memref_squeeze %dma_start3A_48 : memref<1x128xi32, #tpu.memory_space<vmem>> -> memref<128xi32, #tpu.memory_space<vmem>>
      %dma_start3A_50 = arith.constant 0 : i32
      %dma_start3A_51 = arith.constant 0 : i32
      %dma_start3A_52 = tpu.memref_slice %arg2[%dma_start3A_50, %dma_start3A_51] : memref<10000x128xf32, #tpu.memory_space<hbm>> -> memref<10000x128xf32, #tpu.memory_space<hbm>>
      tpu.enqueue_indirect_dma source(%dma_start3A_52 : memref<10000x128xf32, #tpu.memory_space<hbm>>) target(%arg10 : memref<128x128xf32, #tpu.memory_space<vmem>>) offsets(%dma_start3A_49 : memref<128xi32, #tpu.memory_space<vmem>>) semaphore(%arg13 : memref<!tpu.dma_semaphore, #tpu.memory_space<semaphore_mem>>)
      %dma_wait3A = arith.constant 0 : i32
      %dma_wait3A_53 = tpu.memref_slice %arg7[%mul3A_39, %dma_wait3A] : memref<40x128xi32, #tpu.memory_space<vmem>> -> memref<1x128xi32, #tpu.memory_space<vmem>>
      %dma_wait3A_54 = tpu.memref_squeeze %dma_wait3A_53 : memref<1x128xi32, #tpu.memory_space<vmem>> -> memref<128xi32, #tpu.memory_space<vmem>>
      %dma_wait3A_55 = arith.constant 0 : i32
      %dma_wait3A_56 = arith.constant 0 : i32
      %dma_wait3A_57 = tpu.memref_slice %arg2[%dma_wait3A_55, %dma_wait3A_56] : memref<10000x128xf32, #tpu.memory_space<hbm>> -> memref<10000x128xf32, #tpu.memory_space<hbm>>
      tpu.wait_indirect_dma semaphore(%arg12 : memref<!tpu.dma_semaphore, #tpu.memory_space<semaphore_mem>>) src(%dma_wait3A_57 : memref<10000x128xf32, #tpu.memory_space<hbm>>) dst(%arg9 : memref<128x128xf32, #tpu.memory_space<vmem>>)
      "tpu.region"() ({
        %run_scoped3A = tpu.sem_alloc : memref<!tpu.dma_semaphore, #tpu.memory_space<semaphore_mem>>
        %dma_start3A_66 = arith.constant 0 : i32
        %dma_start3A_67 = tpu.memref_slice %arg8[%mul3A_39, %dma_start3A_66] : memref<40x128xi32, #tpu.memory_space<vmem>> -> memref<1x128xi32, #tpu.memory_space<vmem>>
        %dma_start3A_68 = tpu.memref_squeeze %dma_start3A_67 : memref<1x128xi32, #tpu.memory_space<vmem>> -> memref<128xi32, #tpu.memory_space<vmem>>
        %dma_start3A_69 = arith.constant 0 : i32
        %dma_start3A_70 = arith.constant 0 : i32
        %dma_start3A_71 = tpu.memref_slice %arg11[%dma_start3A_69, %dma_start3A_70] : memref<10240x128xf32, #tpu.memory_space<vmem_shared>> -> memref<10240x128xf32, #tpu.memory_space<vmem_shared>>
        tpu.enqueue_indirect_dma source(%arg9 : memref<128x128xf32, #tpu.memory_space<vmem>>) target(%dma_start3A_71 : memref<10240x128xf32, #tpu.memory_space<vmem_shared>>) offsets(%dma_start3A_68 : memref<128xi32, #tpu.memory_space<vmem>>) semaphore(%run_scoped3A : memref<!tpu.dma_semaphore, #tpu.memory_space<semaphore_mem>>) {add = true}
        %dma_wait3A_72 = arith.constant 0 : i32
        %dma_wait3A_73 = tpu.memref_slice %arg8[%mul3A_39, %dma_wait3A_72] : memref<40x128xi32, #tpu.memory_space<vmem>> -> memref<1x128xi32, #tpu.memory_space<vmem>>
        %dma_wait3A_74 = tpu.memref_squeeze %dma_wait3A_73 : memref<1x128xi32, #tpu.memory_space<vmem>> -> memref<128xi32, #tpu.memory_space<vmem>>
        %dma_wait3A_75 = arith.constant 0 : i32
        %dma_wait3A_76 = arith.constant 0 : i32
        %dma_wait3A_77 = tpu.memref_slice %arg11[%dma_wait3A_75, %dma_wait3A_76] : memref<10240x128xf32, #tpu.memory_space<vmem_shared>> -> memref<10240x128xf32, #tpu.memory_space<vmem_shared>>
        tpu.wait_indirect_dma semaphore(%run_scoped3A : memref<!tpu.dma_semaphore, #tpu.memory_space<semaphore_mem>>) src(%arg9 : memref<128x128xf32, #tpu.memory_space<vmem>>) dst(%dma_wait3A_77 : memref<10240x128xf32, #tpu.memory_space<vmem_shared>>)
        tpu.yield
      }) : () -> ()
      %dma_wait3A_58 = arith.constant 0 : i32
      %dma_wait3A_59 = tpu.memref_slice %arg7[%add3A_46, %dma_wait3A_58] : memref<40x128xi32, #tpu.memory_space<vmem>> -> memref<1x128xi32, #tpu.memory_space<vmem>>
      %dma_wait3A_60 = tpu.memref_squeeze %dma_wait3A_59 : memref<1x128xi32, #tpu.memory_space<vmem>> -> memref<128xi32, #tpu.memory_space<vmem>>
      %dma_wait3A_61 = arith.constant 0 : i32
      %dma_wait3A_62 = arith.constant 0 : i32
      %dma_wait3A_63 = tpu.memref_slice %arg2[%dma_wait3A_61, %dma_wait3A_62] : memref<10000x128xf32, #tpu.memory_space<hbm>> -> memref<10000x128xf32, #tpu.memory_space<hbm>>
      tpu.wait_indirect_dma semaphore(%arg13 : memref<!tpu.dma_semaphore, #tpu.memory_space<semaphore_mem>>) src(%dma_wait3A_63 : memref<10000x128xf32, #tpu.memory_space<hbm>>) dst(%arg10 : memref<128x128xf32, #tpu.memory_space<vmem>>)
      %add3A_64 = arith.constant 1 : i32
      %add3A_65 = arith.addi %mul3A_39, %add3A_64 : i32
      "tpu.region"() ({
        %run_scoped3A = tpu.sem_alloc : memref<!tpu.dma_semaphore, #tpu.memory_space<semaphore_mem>>
        %dma_start3A_66 = arith.constant 0 : i32
        %dma_start3A_67 = tpu.memref_slice %arg8[%add3A_65, %dma_start3A_66] : memref<40x128xi32, #tpu.memory_space<vmem>> -> memref<1x128xi32, #tpu.memory_space<vmem>>
        %dma_start3A_68 = tpu.memref_squeeze %dma_start3A_67 : memref<1x128xi32, #tpu.memory_space<vmem>> -> memref<128xi32, #tpu.memory_space<vmem>>
        %dma_start3A_69 = arith.constant 0 : i32
        %dma_start3A_70 = arith.constant 0 : i32
        %dma_start3A_71 = tpu.memref_slice %arg11[%dma_start3A_69, %dma_start3A_70] : memref<10240x128xf32, #tpu.memory_space<vmem_shared>> -> memref<10240x128xf32, #tpu.memory_space<vmem_shared>>
        tpu.enqueue_indirect_dma source(%arg10 : memref<128x128xf32, #tpu.memory_space<vmem>>) target(%dma_start3A_71 : memref<10240x128xf32, #tpu.memory_space<vmem_shared>>) offsets(%dma_start3A_68 : memref<128xi32, #tpu.memory_space<vmem>>) semaphore(%run_scoped3A : memref<!tpu.dma_semaphore, #tpu.memory_space<semaphore_mem>>) {add = true}
        %dma_wait3A_72 = arith.constant 0 : i32
        %dma_wait3A_73 = tpu.memref_slice %arg8[%add3A_65, %dma_wait3A_72] : memref<40x128xi32, #tpu.memory_space<vmem>> -> memref<1x128xi32, #tpu.memory_space<vmem>>
        %dma_wait3A_74 = tpu.memref_squeeze %dma_wait3A_73 : memref<1x128xi32, #tpu.memory_space<vmem>> -> memref<128xi32, #tpu.memory_space<vmem>>
        %dma_wait3A_75 = arith.constant 0 : i32
        %dma_wait3A_76 = arith.constant 0 : i32
        %dma_wait3A_77 = tpu.memref_slice %arg11[%dma_wait3A_75, %dma_wait3A_76] : memref<10240x128xf32, #tpu.memory_space<vmem_shared>> -> memref<10240x128xf32, #tpu.memory_space<vmem_shared>>
        tpu.wait_indirect_dma semaphore(%run_scoped3A : memref<!tpu.dma_semaphore, #tpu.memory_space<semaphore_mem>>) src(%arg10 : memref<128x128xf32, #tpu.memory_space<vmem>>) dst(%dma_wait3A_77 : memref<10240x128xf32, #tpu.memory_space<vmem_shared>>)
        tpu.yield
      }) : () -> ()
    }
    %scan3A_17 = arith.constant 20 : i32
    %mul3A_18 = arith.constant 2 : i32
    %mul3A_19 = arith.muli %mul3A_18, %add3A : i32
    %add3A_20 = arith.constant 1 : i32
    %add3A_21 = arith.addi %mul3A_19, %add3A_20 : i32
    "tpu.region"() ({
      %run_scoped3A = tpu.sem_alloc : memref<!tpu.dma_semaphore, #tpu.memory_space<semaphore_mem>>
      %dma_start3A = arith.constant 0 : i32
      %dma_start3A_37 = arith.constant 0 : i32
      %dma_start3A_38 = tpu.memref_slice %arg3[%add3A_21, %dma_start3A, %dma_start3A_37] : memref<64x40x128xi32, #tpu.memory_space<hbm>> -> memref<1x40x128xi32, #tpu.memory_space<hbm>>
      %dma_start3A_39 = tpu.memref_squeeze %dma_start3A_38 : memref<1x40x128xi32, #tpu.memory_space<hbm>> -> memref<40x128xi32, #tpu.memory_space<hbm>>
      %dma_start3A_40 = arith.constant 0 : i32
      %dma_start3A_41 = arith.constant 0 : i32
      %dma_start3A_42 = tpu.memref_slice %arg3[%add3A_21, %dma_start3A_40, %dma_start3A_41] : memref<64x40x128xi32, #tpu.memory_space<hbm>> -> memref<1x40x128xi32, #tpu.memory_space<hbm>>
      %dma_start3A_43 = tpu.memref_squeeze %dma_start3A_42 : memref<1x40x128xi32, #tpu.memory_space<hbm>> -> memref<40x128xi32, #tpu.memory_space<hbm>>
      tpu.enqueue_dma source(%dma_start3A_43 : memref<40x128xi32, #tpu.memory_space<hbm>>) target(%arg7 : memref<40x128xi32, #tpu.memory_space<vmem>>) target_semaphore(%run_scoped3A : memref<!tpu.dma_semaphore, #tpu.memory_space<semaphore_mem>>)
      %dma_wait3A = arith.constant 0 : i32
      %dma_wait3A_44 = arith.constant 0 : i32
      %dma_wait3A_45 = tpu.memref_slice %arg3[%add3A_21, %dma_wait3A, %dma_wait3A_44] : memref<64x40x128xi32, #tpu.memory_space<hbm>> -> memref<1x40x128xi32, #tpu.memory_space<hbm>>
      %dma_wait3A_46 = tpu.memref_squeeze %dma_wait3A_45 : memref<1x40x128xi32, #tpu.memory_space<hbm>> -> memref<40x128xi32, #tpu.memory_space<hbm>>
      %dma_wait3A_47 = arith.constant 0 : i32
      %dma_wait3A_48 = arith.constant 0 : i32
      %dma_wait3A_49 = tpu.memref_slice %arg3[%add3A_21, %dma_wait3A_47, %dma_wait3A_48] : memref<64x40x128xi32, #tpu.memory_space<hbm>> -> memref<1x40x128xi32, #tpu.memory_space<hbm>>
      %dma_wait3A_50 = tpu.memref_squeeze %dma_wait3A_49 : memref<1x40x128xi32, #tpu.memory_space<hbm>> -> memref<40x128xi32, #tpu.memory_space<hbm>>
      tpu.wait_dma2 semaphore(%run_scoped3A : memref<!tpu.dma_semaphore, #tpu.memory_space<semaphore_mem>>) src(%dma_wait3A_50 : memref<40x128xi32, #tpu.memory_space<hbm>>) dst(%arg7 : memref<40x128xi32, #tpu.memory_space<vmem>>)
      tpu.yield
    }) : () -> ()
    %mul3A_22 = arith.constant 2 : i32
    %mul3A_23 = arith.muli %mul3A_22, %add3A : i32
    %add3A_24 = arith.constant 1 : i32
    %add3A_25 = arith.addi %mul3A_23, %add3A_24 : i32
    "tpu.region"() ({
      %run_scoped3A = tpu.sem_alloc : memref<!tpu.dma_semaphore, #tpu.memory_space<semaphore_mem>>
      %dma_start3A = arith.constant 0 : i32
      %dma_start3A_37 = arith.constant 0 : i32
      %dma_start3A_38 = tpu.memref_slice %arg4[%add3A_25, %dma_start3A, %dma_start3A_37] : memref<64x40x128xi32, #tpu.memory_space<hbm>> -> memref<1x40x128xi32, #tpu.memory_space<hbm>>
      %dma_start3A_39 = tpu.memref_squeeze %dma_start3A_38 : memref<1x40x128xi32, #tpu.memory_space<hbm>> -> memref<40x128xi32, #tpu.memory_space<hbm>>
      %dma_start3A_40 = arith.constant 0 : i32
      %dma_start3A_41 = arith.constant 0 : i32
      %dma_start3A_42 = tpu.memref_slice %arg4[%add3A_25, %dma_start3A_40, %dma_start3A_41] : memref<64x40x128xi32, #tpu.memory_space<hbm>> -> memref<1x40x128xi32, #tpu.memory_space<hbm>>
      %dma_start3A_43 = tpu.memref_squeeze %dma_start3A_42 : memref<1x40x128xi32, #tpu.memory_space<hbm>> -> memref<40x128xi32, #tpu.memory_space<hbm>>
      tpu.enqueue_dma source(%dma_start3A_43 : memref<40x128xi32, #tpu.memory_space<hbm>>) target(%arg8 : memref<40x128xi32, #tpu.memory_space<vmem>>) target_semaphore(%run_scoped3A : memref<!tpu.dma_semaphore, #tpu.memory_space<semaphore_mem>>)
      %dma_wait3A = arith.constant 0 : i32
      %dma_wait3A_44 = arith.constant 0 : i32
      %dma_wait3A_45 = tpu.memref_slice %arg4[%add3A_25, %dma_wait3A, %dma_wait3A_44] : memref<64x40x128xi32, #tpu.memory_space<hbm>> -> memref<1x40x128xi32, #tpu.memory_space<hbm>>
      %dma_wait3A_46 = tpu.memref_squeeze %dma_wait3A_45 : memref<1x40x128xi32, #tpu.memory_space<hbm>> -> memref<40x128xi32, #tpu.memory_space<hbm>>
      %dma_wait3A_47 = arith.constant 0 : i32
      %dma_wait3A_48 = arith.constant 0 : i32
      %dma_wait3A_49 = tpu.memref_slice %arg4[%add3A_25, %dma_wait3A_47, %dma_wait3A_48] : memref<64x40x128xi32, #tpu.memory_space<hbm>> -> memref<1x40x128xi32, #tpu.memory_space<hbm>>
      %dma_wait3A_50 = tpu.memref_squeeze %dma_wait3A_49 : memref<1x40x128xi32, #tpu.memory_space<hbm>> -> memref<40x128xi32, #tpu.memory_space<hbm>>
      tpu.wait_dma2 semaphore(%run_scoped3A : memref<!tpu.dma_semaphore, #tpu.memory_space<semaphore_mem>>) src(%dma_wait3A_50 : memref<40x128xi32, #tpu.memory_space<hbm>>) dst(%arg8 : memref<40x128xi32, #tpu.memory_space<vmem>>)
      tpu.yield
    }) : () -> ()
    %scan3A_26 = arith.constant 0 : i32
    %scan3A_27 = arith.constant 0 : i32
    %scan3A_28 = arith.constant 20 : i32
    %scan3A_29 = arith.addi %scan3A_27, %scan3A_28 : i32
    %scan3A_30 = arith.constant 1 : i32
    scf.for %scan3A_37 = %scan3A_27 to %scan3A_29 step %scan3A_30  : i32 {
      %mul3A_38 = arith.constant 2 : i32
      %mul3A_39 = arith.muli %mul3A_38, %scan3A_37 : i32
      %dma_start3A = arith.constant 0 : i32
      %dma_start3A_40 = tpu.memref_slice %arg7[%mul3A_39, %dma_start3A] : memref<40x128xi32, #tpu.memory_space<vmem>> -> memref<1x128xi32, #tpu.memory_space<vmem>>
      %dma_start3A_41 = tpu.memref_squeeze %dma_start3A_40 : memref<1x128xi32, #tpu.memory_space<vmem>> -> memref<128xi32, #tpu.memory_space<vmem>>
      %dma_start3A_42 = arith.constant 0 : i32
      %dma_start3A_43 = arith.constant 0 : i32
      %dma_start3A_44 = tpu.memref_slice %arg2[%dma_start3A_42, %dma_start3A_43] : memref<10000x128xf32, #tpu.memory_space<hbm>> -> memref<10000x128xf32, #tpu.memory_space<hbm>>
      tpu.enqueue_indirect_dma source(%dma_start3A_44 : memref<10000x128xf32, #tpu.memory_space<hbm>>) target(%arg9 : memref<128x128xf32, #tpu.memory_space<vmem>>) offsets(%dma_start3A_41 : memref<128xi32, #tpu.memory_space<vmem>>) semaphore(%arg12 : memref<!tpu.dma_semaphore, #tpu.memory_space<semaphore_mem>>)
      %add3A_45 = arith.constant 1 : i32
      %add3A_46 = arith.addi %mul3A_39, %add3A_45 : i32
      %dma_start3A_47 = arith.constant 0 : i32
      %dma_start3A_48 = tpu.memref_slice %arg7[%add3A_46, %dma_start3A_47] : memref<40x128xi32, #tpu.memory_space<vmem>> -> memref<1x128xi32, #tpu.memory_space<vmem>>
      %dma_start3A_49 = tpu.memref_squeeze %dma_start3A_48 : memref<1x128xi32, #tpu.memory_space<vmem>> -> memref<128xi32, #tpu.memory_space<vmem>>
      %dma_start3A_50 = arith.constant 0 : i32
      %dma_start3A_51 = arith.constant 0 : i32
      %dma_start3A_52 = tpu.memref_slice %arg2[%dma_start3A_50, %dma_start3A_51] : memref<10000x128xf32, #tpu.memory_space<hbm>> -> memref<10000x128xf32, #tpu.memory_space<hbm>>
      tpu.enqueue_indirect_dma source(%dma_start3A_52 : memref<10000x128xf32, #tpu.memory_space<hbm>>) target(%arg10 : memref<128x128xf32, #tpu.memory_space<vmem>>) offsets(%dma_start3A_49 : memref<128xi32, #tpu.memory_space<vmem>>) semaphore(%arg13 : memref<!tpu.dma_semaphore, #tpu.memory_space<semaphore_mem>>)
      %dma_wait3A = arith.constant 0 : i32
      %dma_wait3A_53 = tpu.memref_slice %arg7[%mul3A_39, %dma_wait3A] : memref<40x128xi32, #tpu.memory_space<vmem>> -> memref<1x128xi32, #tpu.memory_space<vmem>>
      %dma_wait3A_54 = tpu.memref_squeeze %dma_wait3A_53 : memref<1x128xi32, #tpu.memory_space<vmem>> -> memref<128xi32, #tpu.memory_space<vmem>>
      %dma_wait3A_55 = arith.constant 0 : i32
      %dma_wait3A_56 = arith.constant 0 : i32
      %dma_wait3A_57 = tpu.memref_slice %arg2[%dma_wait3A_55, %dma_wait3A_56] : memref<10000x128xf32, #tpu.memory_space<hbm>> -> memref<10000x128xf32, #tpu.memory_space<hbm>>
      tpu.wait_indirect_dma semaphore(%arg12 : memref<!tpu.dma_semaphore, #tpu.memory_space<semaphore_mem>>) src(%dma_wait3A_57 : memref<10000x128xf32, #tpu.memory_space<hbm>>) dst(%arg9 : memref<128x128xf32, #tpu.memory_space<vmem>>)
      "tpu.region"() ({
        %run_scoped3A = tpu.sem_alloc : memref<!tpu.dma_semaphore, #tpu.memory_space<semaphore_mem>>
        %dma_start3A_66 = arith.constant 0 : i32
        %dma_start3A_67 = tpu.memref_slice %arg8[%mul3A_39, %dma_start3A_66] : memref<40x128xi32, #tpu.memory_space<vmem>> -> memref<1x128xi32, #tpu.memory_space<vmem>>
        %dma_start3A_68 = tpu.memref_squeeze %dma_start3A_67 : memref<1x128xi32, #tpu.memory_space<vmem>> -> memref<128xi32, #tpu.memory_space<vmem>>
        %dma_start3A_69 = arith.constant 0 : i32
        %dma_start3A_70 = arith.constant 0 : i32
        %dma_start3A_71 = tpu.memref_slice %arg11[%dma_start3A_69, %dma_start3A_70] : memref<10240x128xf32, #tpu.memory_space<vmem_shared>> -> memref<10240x128xf32, #tpu.memory_space<vmem_shared>>
        tpu.enqueue_indirect_dma source(%arg9 : memref<128x128xf32, #tpu.memory_space<vmem>>) target(%dma_start3A_71 : memref<10240x128xf32, #tpu.memory_space<vmem_shared>>) offsets(%dma_start3A_68 : memref<128xi32, #tpu.memory_space<vmem>>) semaphore(%run_scoped3A : memref<!tpu.dma_semaphore, #tpu.memory_space<semaphore_mem>>) {add = true}
        %dma_wait3A_72 = arith.constant 0 : i32
        %dma_wait3A_73 = tpu.memref_slice %arg8[%mul3A_39, %dma_wait3A_72] : memref<40x128xi32, #tpu.memory_space<vmem>> -> memref<1x128xi32, #tpu.memory_space<vmem>>
        %dma_wait3A_74 = tpu.memref_squeeze %dma_wait3A_73 : memref<1x128xi32, #tpu.memory_space<vmem>> -> memref<128xi32, #tpu.memory_space<vmem>>
        %dma_wait3A_75 = arith.constant 0 : i32
        %dma_wait3A_76 = arith.constant 0 : i32
        %dma_wait3A_77 = tpu.memref_slice %arg11[%dma_wait3A_75, %dma_wait3A_76] : memref<10240x128xf32, #tpu.memory_space<vmem_shared>> -> memref<10240x128xf32, #tpu.memory_space<vmem_shared>>
        tpu.wait_indirect_dma semaphore(%run_scoped3A : memref<!tpu.dma_semaphore, #tpu.memory_space<semaphore_mem>>) src(%arg9 : memref<128x128xf32, #tpu.memory_space<vmem>>) dst(%dma_wait3A_77 : memref<10240x128xf32, #tpu.memory_space<vmem_shared>>)
        tpu.yield
      }) : () -> ()
      %dma_wait3A_58 = arith.constant 0 : i32
      %dma_wait3A_59 = tpu.memref_slice %arg7[%add3A_46, %dma_wait3A_58] : memref<40x128xi32, #tpu.memory_space<vmem>> -> memref<1x128xi32, #tpu.memory_space<vmem>>
      %dma_wait3A_60 = tpu.memref_squeeze %dma_wait3A_59 : memref<1x128xi32, #tpu.memory_space<vmem>> -> memref<128xi32, #tpu.memory_space<vmem>>
      %dma_wait3A_61 = arith.constant 0 : i32
      %dma_wait3A_62 = arith.constant 0 : i32
      %dma_wait3A_63 = tpu.memref_slice %arg2[%dma_wait3A_61, %dma_wait3A_62] : memref<10000x128xf32, #tpu.memory_space<hbm>> -> memref<10000x128xf32, #tpu.memory_space<hbm>>
      tpu.wait_indirect_dma semaphore(%arg13 : memref<!tpu.dma_semaphore, #tpu.memory_space<semaphore_mem>>) src(%dma_wait3A_63 : memref<10000x128xf32, #tpu.memory_space<hbm>>) dst(%arg10 : memref<128x128xf32, #tpu.memory_space<vmem>>)
      %add3A_64 = arith.constant 1 : i32
      %add3A_65 = arith.addi %mul3A_39, %add3A_64 : i32
      "tpu.region"() ({
        %run_scoped3A = tpu.sem_alloc : memref<!tpu.dma_semaphore, #tpu.memory_space<semaphore_mem>>
        %dma_start3A_66 = arith.constant 0 : i32
        %dma_start3A_67 = tpu.memref_slice %arg8[%add3A_65, %dma_start3A_66] : memref<40x128xi32, #tpu.memory_space<vmem>> -> memref<1x128xi32, #tpu.memory_space<vmem>>
        %dma_start3A_68 = tpu.memref_squeeze %dma_start3A_67 : memref<1x128xi32, #tpu.memory_space<vmem>> -> memref<128xi32, #tpu.memory_space<vmem>>
        %dma_start3A_69 = arith.constant 0 : i32
        %dma_start3A_70 = arith.constant 0 : i32
        %dma_start3A_71 = tpu.memref_slice %arg11[%dma_start3A_69, %dma_start3A_70] : memref<10240x128xf32, #tpu.memory_space<vmem_shared>> -> memref<10240x128xf32, #tpu.memory_space<vmem_shared>>
        tpu.enqueue_indirect_dma source(%arg10 : memref<128x128xf32, #tpu.memory_space<vmem>>) target(%dma_start3A_71 : memref<10240x128xf32, #tpu.memory_space<vmem_shared>>) offsets(%dma_start3A_68 : memref<128xi32, #tpu.memory_space<vmem>>) semaphore(%run_scoped3A : memref<!tpu.dma_semaphore, #tpu.memory_space<semaphore_mem>>) {add = true}
        %dma_wait3A_72 = arith.constant 0 : i32
        %dma_wait3A_73 = tpu.memref_slice %arg8[%add3A_65, %dma_wait3A_72] : memref<40x128xi32, #tpu.memory_space<vmem>> -> memref<1x128xi32, #tpu.memory_space<vmem>>
        %dma_wait3A_74 = tpu.memref_squeeze %dma_wait3A_73 : memref<1x128xi32, #tpu.memory_space<vmem>> -> memref<128xi32, #tpu.memory_space<vmem>>
        %dma_wait3A_75 = arith.constant 0 : i32
        %dma_wait3A_76 = arith.constant 0 : i32
        %dma_wait3A_77 = tpu.memref_slice %arg11[%dma_wait3A_75, %dma_wait3A_76] : memref<10240x128xf32, #tpu.memory_space<vmem_shared>> -> memref<10240x128xf32, #tpu.memory_space<vmem_shared>>
        tpu.wait_indirect_dma semaphore(%run_scoped3A : memref<!tpu.dma_semaphore, #tpu.memory_space<semaphore_mem>>) src(%arg10 : memref<128x128xf32, #tpu.memory_space<vmem>>) dst(%dma_wait3A_77 : memref<10240x128xf32, #tpu.memory_space<vmem_shared>>)
        tpu.yield
      }) : () -> ()
    }
    %scan3A_31 = arith.constant 20 : i32
    %barrier3A_32 = arith.constant 0 : index
    tpu.barrier barrier_id(%barrier3A_32)
    %mul3A_33 = arith.constant 640 : i32
    %mul3A_34 = arith.muli %arg1, %mul3A_33 : i32
    %mul3A_35 = arith.constant 640 : i32
    %mul3A_36 = arith.muli %arg1, %mul3A_35 : i32
    "tpu.region"() ({
      %run_scoped3A = tpu.sem_alloc : memref<!tpu.dma_semaphore, #tpu.memory_space<semaphore_mem>>
      %dma_start3A = arith.constant 0 : i32
      %dma_start3A_37 = tpu.memref_slice %arg6[%arg0, %mul3A_36, %dma_start3A] : memref<2x10240x128xf32, #tpu.memory_space<hbm>> -> memref<1x640x128xf32, #tpu.memory_space<hbm>>
      %dma_start3A_38 = tpu.memref_squeeze %dma_start3A_37 : memref<1x640x128xf32, #tpu.memory_space<hbm>> -> memref<640x128xf32, #tpu.memory_space<hbm>>
      %dma_start3A_39 = arith.constant 0 : i32
      %dma_start3A_40 = tpu.memref_slice %arg11[%mul3A_34, %dma_start3A_39] : memref<10240x128xf32, #tpu.memory_space<vmem_shared>> -> memref<640x128xf32, #tpu.memory_space<vmem_shared>>
      tpu.enqueue_dma source(%dma_start3A_40 : memref<640x128xf32, #tpu.memory_space<vmem_shared>>) target(%dma_start3A_38 : memref<640x128xf32, #tpu.memory_space<hbm>>) target_semaphore(%run_scoped3A : memref<!tpu.dma_semaphore, #tpu.memory_space<semaphore_mem>>)
      %dma_wait3A = arith.constant 0 : i32
      %dma_wait3A_41 = tpu.memref_slice %arg6[%arg0, %mul3A_36, %dma_wait3A] : memref<2x10240x128xf32, #tpu.memory_space<hbm>> -> memref<1x640x128xf32, #tpu.memory_space<hbm>>
      %dma_wait3A_42 = tpu.memref_squeeze %dma_wait3A_41 : memref<1x640x128xf32, #tpu.memory_space<hbm>> -> memref<640x128xf32, #tpu.memory_space<hbm>>
      %dma_wait3A_43 = arith.constant 0 : i32
      %dma_wait3A_44 = tpu.memref_slice %arg11[%mul3A_34, %dma_wait3A_43] : memref<10240x128xf32, #tpu.memory_space<vmem_shared>> -> memref<640x128xf32, #tpu.memory_space<vmem_shared>>
      tpu.wait_dma2 semaphore(%run_scoped3A : memref<!tpu.dma_semaphore, #tpu.memory_space<semaphore_mem>>) src(%dma_wait3A_44 : memref<640x128xf32, #tpu.memory_space<vmem_shared>>) dst(%dma_wait3A_42 : memref<640x128xf32, #tpu.memory_space<hbm>>)
      tpu.yield
    }) : () -> ()
    return
  }
}

#map = affine_map<(d0, d1) -> (0, 0)>
#map1 = affine_map<(d0, d1) -> (0, 0, 0)>
module attributes {stable_mosaic.version = 14 : i64} {
  func.func @_seg_sum_body(%arg0: i32, %arg1: i32, %arg2: memref<10000x128xf32, #tpu.memory_space<hbm>>, %arg3: memref<64x40x128xi32, #tpu.memory_space<hbm>>, %arg4: memref<64x40x128xi32, #tpu.memory_space<hbm>>, %arg5: memref<10240x128xf32, #tpu.memory_space<hbm>>, %arg6: memref<2x10240x128xf32, #tpu.memory_space<hbm>>, %arg7: memref<40x128xi32, #tpu.memory_space<vmem>>, %arg8: memref<40x128xi32, #tpu.memory_space<vmem>>, %arg9: memref<128x128xf32, #tpu.memory_space<vmem>>, %arg10: memref<128x128xf32, #tpu.memory_space<vmem>>, %arg11: memref<10240x128xf32, #tpu.memory_space<vmem_shared>>, %arg12: memref<!tpu.dma_semaphore, #tpu.memory_space<semaphore_mem>>, %arg13: memref<!tpu.dma_semaphore, #tpu.memory_space<semaphore_mem>>) attributes {dimension_semantics = [#tpu.dimension_semantics<core_parallel>, #tpu.dimension_semantics<subcore_parallel>], iteration_bounds = array<i64: 2, 16>, scalar_prefetch = 0 : i64, scratch_operands = 7 : i64, tpu.core_type = #tpu.core_type<sc_vector_subcore>, window_params = [{transform_indices = #map}, {transform_indices = #map1}, {transform_indices = #map1}, {transform_indices = #map}, {transform_indices = #map1}]} {
    %mul3A = arith.constant 16 : i32
    %mul3A_0 = arith.muli %arg0, %mul3A : i32
    %add3A = arith.addi %mul3A_0, %arg1 : i32
    %mul3A_1 = arith.constant 640 : i32
    %mul3A_2 = arith.muli %arg1, %mul3A_1 : i32
    %mul3A_3 = arith.constant 640 : i32
    %mul3A_4 = arith.muli %arg1, %mul3A_3 : i32
    "tpu.region"() ({
      %run_scoped3A = tpu.sem_alloc : memref<!tpu.dma_semaphore, #tpu.memory_space<semaphore_mem>>
      %dma_start3A = arith.constant 0 : i32
      %dma_start3A_37 = tpu.memref_slice %arg11[%mul3A_4, %dma_start3A] : memref<10240x128xf32, #tpu.memory_space<vmem_shared>> -> memref<640x128xf32, #tpu.memory_space<vmem_shared>>
      %dma_start3A_38 = arith.constant 0 : i32
      %dma_start3A_39 = tpu.memref_slice %arg5[%mul3A_2, %dma_start3A_38] : memref<10240x128xf32, #tpu.memory_space<hbm>> -> memref<640x128xf32, #tpu.memory_space<hbm>>
      tpu.enqueue_dma source(%dma_start3A_39 : memref<640x128xf32, #tpu.memory_space<hbm>>) target(%dma_start3A_37 : memref<640x128xf32, #tpu.memory_space<vmem_shared>>) target_semaphore(%run_scoped3A : memref<!tpu.dma_semaphore, #tpu.memory_space<semaphore_mem>>)
      %dma_wait3A = arith.constant 0 : i32
      %dma_wait3A_40 = tpu.memref_slice %arg11[%mul3A_4, %dma_wait3A] : memref<10240x128xf32, #tpu.memory_space<vmem_shared>> -> memref<640x128xf32, #tpu.memory_space<vmem_shared>>
      %dma_wait3A_41 = arith.constant 0 : i32
      %dma_wait3A_42 = tpu.memref_slice %arg5[%mul3A_2, %dma_wait3A_41] : memref<10240x128xf32, #tpu.memory_space<hbm>> -> memref<640x128xf32, #tpu.memory_space<hbm>>
      tpu.wait_dma2 semaphore(%run_scoped3A : memref<!tpu.dma_semaphore, #tpu.memory_space<semaphore_mem>>) src(%dma_wait3A_42 : memref<640x128xf32, #tpu.memory_space<hbm>>) dst(%dma_wait3A_40 : memref<640x128xf32, #tpu.memory_space<vmem_shared>>)
      tpu.yield
    }) : () -> ()
    %barrier3A = arith.constant 0 : index
    tpu.barrier barrier_id(%barrier3A)
    %mul3A_5 = arith.constant 2 : i32
    %mul3A_6 = arith.muli %mul3A_5, %add3A : i32
    %add3A_7 = arith.constant 0 : i32
    %add3A_8 = arith.addi %mul3A_6, %add3A_7 : i32
    "tpu.region"() ({
      %run_scoped3A = tpu.sem_alloc : memref<!tpu.dma_semaphore, #tpu.memory_space<semaphore_mem>>
      %dma_start3A = arith.constant 0 : i32
      %dma_start3A_37 = arith.constant 0 : i32
      %dma_start3A_38 = tpu.memref_slice %arg3[%add3A_8, %dma_start3A, %dma_start3A_37] : memref<64x40x128xi32, #tpu.memory_space<hbm>> -> memref<1x40x128xi32, #tpu.memory_space<hbm>>
      %dma_start3A_39 = tpu.memref_squeeze %dma_start3A_38 : memref<1x40x128xi32, #tpu.memory_space<hbm>> -> memref<40x128xi32, #tpu.memory_space<hbm>>
      %dma_start3A_40 = arith.constant 0 : i32
      %dma_start3A_41 = arith.constant 0 : i32
      %dma_start3A_42 = tpu.memref_slice %arg3[%add3A_8, %dma_start3A_40, %dma_start3A_41] : memref<64x40x128xi32, #tpu.memory_space<hbm>> -> memref<1x40x128xi32, #tpu.memory_space<hbm>>
      %dma_start3A_43 = tpu.memref_squeeze %dma_start3A_42 : memref<1x40x128xi32, #tpu.memory_space<hbm>> -> memref<40x128xi32, #tpu.memory_space<hbm>>
      tpu.enqueue_dma source(%dma_start3A_43 : memref<40x128xi32, #tpu.memory_space<hbm>>) target(%arg7 : memref<40x128xi32, #tpu.memory_space<vmem>>) target_semaphore(%run_scoped3A : memref<!tpu.dma_semaphore, #tpu.memory_space<semaphore_mem>>)
      %dma_wait3A = arith.constant 0 : i32
      %dma_wait3A_44 = arith.constant 0 : i32
      %dma_wait3A_45 = tpu.memref_slice %arg3[%add3A_8, %dma_wait3A, %dma_wait3A_44] : memref<64x40x128xi32, #tpu.memory_space<hbm>> -> memref<1x40x128xi32, #tpu.memory_space<hbm>>
      %dma_wait3A_46 = tpu.memref_squeeze %dma_wait3A_45 : memref<1x40x128xi32, #tpu.memory_space<hbm>> -> memref<40x128xi32, #tpu.memory_space<hbm>>
      %dma_wait3A_47 = arith.constant 0 : i32
      %dma_wait3A_48 = arith.constant 0 : i32
      %dma_wait3A_49 = tpu.memref_slice %arg3[%add3A_8, %dma_wait3A_47, %dma_wait3A_48] : memref<64x40x128xi32, #tpu.memory_space<hbm>> -> memref<1x40x128xi32, #tpu.memory_space<hbm>>
      %dma_wait3A_50 = tpu.memref_squeeze %dma_wait3A_49 : memref<1x40x128xi32, #tpu.memory_space<hbm>> -> memref<40x128xi32, #tpu.memory_space<hbm>>
      tpu.wait_dma2 semaphore(%run_scoped3A : memref<!tpu.dma_semaphore, #tpu.memory_space<semaphore_mem>>) src(%dma_wait3A_50 : memref<40x128xi32, #tpu.memory_space<hbm>>) dst(%arg7 : memref<40x128xi32, #tpu.memory_space<vmem>>)
      tpu.yield
    }) : () -> ()
    %mul3A_9 = arith.constant 2 : i32
    %mul3A_10 = arith.muli %mul3A_9, %add3A : i32
    %add3A_11 = arith.constant 0 : i32
    %add3A_12 = arith.addi %mul3A_10, %add3A_11 : i32
    "tpu.region"() ({
      %run_scoped3A = tpu.sem_alloc : memref<!tpu.dma_semaphore, #tpu.memory_space<semaphore_mem>>
      %dma_start3A = arith.constant 0 : i32
      %dma_start3A_37 = arith.constant 0 : i32
      %dma_start3A_38 = tpu.memref_slice %arg4[%add3A_12, %dma_start3A, %dma_start3A_37] : memref<64x40x128xi32, #tpu.memory_space<hbm>> -> memref<1x40x128xi32, #tpu.memory_space<hbm>>
      %dma_start3A_39 = tpu.memref_squeeze %dma_start3A_38 : memref<1x40x128xi32, #tpu.memory_space<hbm>> -> memref<40x128xi32, #tpu.memory_space<hbm>>
      %dma_start3A_40 = arith.constant 0 : i32
      %dma_start3A_41 = arith.constant 0 : i32
      %dma_start3A_42 = tpu.memref_slice %arg4[%add3A_12, %dma_start3A_40, %dma_start3A_41] : memref<64x40x128xi32, #tpu.memory_space<hbm>> -> memref<1x40x128xi32, #tpu.memory_space<hbm>>
      %dma_start3A_43 = tpu.memref_squeeze %dma_start3A_42 : memref<1x40x128xi32, #tpu.memory_space<hbm>> -> memref<40x128xi32, #tpu.memory_space<hbm>>
      tpu.enqueue_dma source(%dma_start3A_43 : memref<40x128xi32, #tpu.memory_space<hbm>>) target(%arg8 : memref<40x128xi32, #tpu.memory_space<vmem>>) target_semaphore(%run_scoped3A : memref<!tpu.dma_semaphore, #tpu.memory_space<semaphore_mem>>)
      %dma_wait3A = arith.constant 0 : i32
      %dma_wait3A_44 = arith.constant 0 : i32
      %dma_wait3A_45 = tpu.memref_slice %arg4[%add3A_12, %dma_wait3A, %dma_wait3A_44] : memref<64x40x128xi32, #tpu.memory_space<hbm>> -> memref<1x40x128xi32, #tpu.memory_space<hbm>>
      %dma_wait3A_46 = tpu.memref_squeeze %dma_wait3A_45 : memref<1x40x128xi32, #tpu.memory_space<hbm>> -> memref<40x128xi32, #tpu.memory_space<hbm>>
      %dma_wait3A_47 = arith.constant 0 : i32
      %dma_wait3A_48 = arith.constant 0 : i32
      %dma_wait3A_49 = tpu.memref_slice %arg4[%add3A_12, %dma_wait3A_47, %dma_wait3A_48] : memref<64x40x128xi32, #tpu.memory_space<hbm>> -> memref<1x40x128xi32, #tpu.memory_space<hbm>>
      %dma_wait3A_50 = tpu.memref_squeeze %dma_wait3A_49 : memref<1x40x128xi32, #tpu.memory_space<hbm>> -> memref<40x128xi32, #tpu.memory_space<hbm>>
      tpu.wait_dma2 semaphore(%run_scoped3A : memref<!tpu.dma_semaphore, #tpu.memory_space<semaphore_mem>>) src(%dma_wait3A_50 : memref<40x128xi32, #tpu.memory_space<hbm>>) dst(%arg8 : memref<40x128xi32, #tpu.memory_space<vmem>>)
      tpu.yield
    }) : () -> ()
    %scan3A = arith.constant 0 : i32
    %scan3A_13 = arith.constant 0 : i32
    %scan3A_14 = arith.constant 20 : i32
    %scan3A_15 = arith.addi %scan3A_13, %scan3A_14 : i32
    %scan3A_16 = arith.constant 1 : i32
    scf.for %scan3A_37 = %scan3A_13 to %scan3A_15 step %scan3A_16  : i32 {
      %mul3A_38 = arith.constant 2 : i32
      %mul3A_39 = arith.muli %mul3A_38, %scan3A_37 : i32
      %dma_start3A = arith.constant 0 : i32
      %dma_start3A_40 = tpu.memref_slice %arg7[%mul3A_39, %dma_start3A] : memref<40x128xi32, #tpu.memory_space<vmem>> -> memref<1x128xi32, #tpu.memory_space<vmem>>
      %dma_start3A_41 = tpu.memref_squeeze %dma_start3A_40 : memref<1x128xi32, #tpu.memory_space<vmem>> -> memref<128xi32, #tpu.memory_space<vmem>>
      %dma_start3A_42 = arith.constant 0 : i32
      %dma_start3A_43 = arith.constant 0 : i32
      %dma_start3A_44 = tpu.memref_slice %arg2[%dma_start3A_42, %dma_start3A_43] : memref<10000x128xf32, #tpu.memory_space<hbm>> -> memref<10000x128xf32, #tpu.memory_space<hbm>>
      tpu.enqueue_indirect_dma source(%dma_start3A_44 : memref<10000x128xf32, #tpu.memory_space<hbm>>) target(%arg9 : memref<128x128xf32, #tpu.memory_space<vmem>>) offsets(%dma_start3A_41 : memref<128xi32, #tpu.memory_space<vmem>>) semaphore(%arg12 : memref<!tpu.dma_semaphore, #tpu.memory_space<semaphore_mem>>)
      %add3A_45 = arith.constant 1 : i32
      %add3A_46 = arith.addi %mul3A_39, %add3A_45 : i32
      %dma_start3A_47 = arith.constant 0 : i32
      %dma_start3A_48 = tpu.memref_slice %arg7[%add3A_46, %dma_start3A_47] : memref<40x128xi32, #tpu.memory_space<vmem>> -> memref<1x128xi32, #tpu.memory_space<vmem>>
      %dma_start3A_49 = tpu.memref_squeeze %dma_start3A_48 : memref<1x128xi32, #tpu.memory_space<vmem>> -> memref<128xi32, #tpu.memory_space<vmem>>
      %dma_start3A_50 = arith.constant 0 : i32
      %dma_start3A_51 = arith.constant 0 : i32
      %dma_start3A_52 = tpu.memref_slice %arg2[%dma_start3A_50, %dma_start3A_51] : memref<10000x128xf32, #tpu.memory_space<hbm>> -> memref<10000x128xf32, #tpu.memory_space<hbm>>
      tpu.enqueue_indirect_dma source(%dma_start3A_52 : memref<10000x128xf32, #tpu.memory_space<hbm>>) target(%arg10 : memref<128x128xf32, #tpu.memory_space<vmem>>) offsets(%dma_start3A_49 : memref<128xi32, #tpu.memory_space<vmem>>) semaphore(%arg13 : memref<!tpu.dma_semaphore, #tpu.memory_space<semaphore_mem>>)
      %dma_wait3A = arith.constant 0 : i32
      %dma_wait3A_53 = tpu.memref_slice %arg7[%mul3A_39, %dma_wait3A] : memref<40x128xi32, #tpu.memory_space<vmem>> -> memref<1x128xi32, #tpu.memory_space<vmem>>
      %dma_wait3A_54 = tpu.memref_squeeze %dma_wait3A_53 : memref<1x128xi32, #tpu.memory_space<vmem>> -> memref<128xi32, #tpu.memory_space<vmem>>
      %dma_wait3A_55 = arith.constant 0 : i32
      %dma_wait3A_56 = arith.constant 0 : i32
      %dma_wait3A_57 = tpu.memref_slice %arg2[%dma_wait3A_55, %dma_wait3A_56] : memref<10000x128xf32, #tpu.memory_space<hbm>> -> memref<10000x128xf32, #tpu.memory_space<hbm>>
      tpu.wait_indirect_dma semaphore(%arg12 : memref<!tpu.dma_semaphore, #tpu.memory_space<semaphore_mem>>) src(%dma_wait3A_57 : memref<10000x128xf32, #tpu.memory_space<hbm>>) dst(%arg9 : memref<128x128xf32, #tpu.memory_space<vmem>>)
      "tpu.region"() ({
        %run_scoped3A = tpu.sem_alloc : memref<!tpu.dma_semaphore, #tpu.memory_space<semaphore_mem>>
        %dma_start3A_66 = arith.constant 0 : i32
        %dma_start3A_67 = tpu.memref_slice %arg8[%mul3A_39, %dma_start3A_66] : memref<40x128xi32, #tpu.memory_space<vmem>> -> memref<1x128xi32, #tpu.memory_space<vmem>>
        %dma_start3A_68 = tpu.memref_squeeze %dma_start3A_67 : memref<1x128xi32, #tpu.memory_space<vmem>> -> memref<128xi32, #tpu.memory_space<vmem>>
        %dma_start3A_69 = arith.constant 0 : i32
        %dma_start3A_70 = arith.constant 0 : i32
        %dma_start3A_71 = tpu.memref_slice %arg11[%dma_start3A_69, %dma_start3A_70] : memref<10240x128xf32, #tpu.memory_space<vmem_shared>> -> memref<10240x128xf32, #tpu.memory_space<vmem_shared>>
        tpu.enqueue_indirect_dma source(%arg9 : memref<128x128xf32, #tpu.memory_space<vmem>>) target(%dma_start3A_71 : memref<10240x128xf32, #tpu.memory_space<vmem_shared>>) offsets(%dma_start3A_68 : memref<128xi32, #tpu.memory_space<vmem>>) semaphore(%run_scoped3A : memref<!tpu.dma_semaphore, #tpu.memory_space<semaphore_mem>>) {add = true}
        %dma_wait3A_72 = arith.constant 0 : i32
        %dma_wait3A_73 = tpu.memref_slice %arg8[%mul3A_39, %dma_wait3A_72] : memref<40x128xi32, #tpu.memory_space<vmem>> -> memref<1x128xi32, #tpu.memory_space<vmem>>
        %dma_wait3A_74 = tpu.memref_squeeze %dma_wait3A_73 : memref<1x128xi32, #tpu.memory_space<vmem>> -> memref<128xi32, #tpu.memory_space<vmem>>
        %dma_wait3A_75 = arith.constant 0 : i32
        %dma_wait3A_76 = arith.constant 0 : i32
        %dma_wait3A_77 = tpu.memref_slice %arg11[%dma_wait3A_75, %dma_wait3A_76] : memref<10240x128xf32, #tpu.memory_space<vmem_shared>> -> memref<10240x128xf32, #tpu.memory_space<vmem_shared>>
        tpu.wait_indirect_dma semaphore(%run_scoped3A : memref<!tpu.dma_semaphore, #tpu.memory_space<semaphore_mem>>) src(%arg9 : memref<128x128xf32, #tpu.memory_space<vmem>>) dst(%dma_wait3A_77 : memref<10240x128xf32, #tpu.memory_space<vmem_shared>>)
        tpu.yield
      }) : () -> ()
      %dma_wait3A_58 = arith.constant 0 : i32
      %dma_wait3A_59 = tpu.memref_slice %arg7[%add3A_46, %dma_wait3A_58] : memref<40x128xi32, #tpu.memory_space<vmem>> -> memref<1x128xi32, #tpu.memory_space<vmem>>
      %dma_wait3A_60 = tpu.memref_squeeze %dma_wait3A_59 : memref<1x128xi32, #tpu.memory_space<vmem>> -> memref<128xi32, #tpu.memory_space<vmem>>
      %dma_wait3A_61 = arith.constant 0 : i32
      %dma_wait3A_62 = arith.constant 0 : i32
      %dma_wait3A_63 = tpu.memref_slice %arg2[%dma_wait3A_61, %dma_wait3A_62] : memref<10000x128xf32, #tpu.memory_space<hbm>> -> memref<10000x128xf32, #tpu.memory_space<hbm>>
      tpu.wait_indirect_dma semaphore(%arg13 : memref<!tpu.dma_semaphore, #tpu.memory_space<semaphore_mem>>) src(%dma_wait3A_63 : memref<10000x128xf32, #tpu.memory_space<hbm>>) dst(%arg10 : memref<128x128xf32, #tpu.memory_space<vmem>>)
      %add3A_64 = arith.constant 1 : i32
      %add3A_65 = arith.addi %mul3A_39, %add3A_64 : i32
      "tpu.region"() ({
        %run_scoped3A = tpu.sem_alloc : memref<!tpu.dma_semaphore, #tpu.memory_space<semaphore_mem>>
        %dma_start3A_66 = arith.constant 0 : i32
        %dma_start3A_67 = tpu.memref_slice %arg8[%add3A_65, %dma_start3A_66] : memref<40x128xi32, #tpu.memory_space<vmem>> -> memref<1x128xi32, #tpu.memory_space<vmem>>
        %dma_start3A_68 = tpu.memref_squeeze %dma_start3A_67 : memref<1x128xi32, #tpu.memory_space<vmem>> -> memref<128xi32, #tpu.memory_space<vmem>>
        %dma_start3A_69 = arith.constant 0 : i32
        %dma_start3A_70 = arith.constant 0 : i32
        %dma_start3A_71 = tpu.memref_slice %arg11[%dma_start3A_69, %dma_start3A_70] : memref<10240x128xf32, #tpu.memory_space<vmem_shared>> -> memref<10240x128xf32, #tpu.memory_space<vmem_shared>>
        tpu.enqueue_indirect_dma source(%arg10 : memref<128x128xf32, #tpu.memory_space<vmem>>) target(%dma_start3A_71 : memref<10240x128xf32, #tpu.memory_space<vmem_shared>>) offsets(%dma_start3A_68 : memref<128xi32, #tpu.memory_space<vmem>>) semaphore(%run_scoped3A : memref<!tpu.dma_semaphore, #tpu.memory_space<semaphore_mem>>) {add = true}
        %dma_wait3A_72 = arith.constant 0 : i32
        %dma_wait3A_73 = tpu.memref_slice %arg8[%add3A_65, %dma_wait3A_72] : memref<40x128xi32, #tpu.memory_space<vmem>> -> memref<1x128xi32, #tpu.memory_space<vmem>>
        %dma_wait3A_74 = tpu.memref_squeeze %dma_wait3A_73 : memref<1x128xi32, #tpu.memory_space<vmem>> -> memref<128xi32, #tpu.memory_space<vmem>>
        %dma_wait3A_75 = arith.constant 0 : i32
        %dma_wait3A_76 = arith.constant 0 : i32
        %dma_wait3A_77 = tpu.memref_slice %arg11[%dma_wait3A_75, %dma_wait3A_76] : memref<10240x128xf32, #tpu.memory_space<vmem_shared>> -> memref<10240x128xf32, #tpu.memory_space<vmem_shared>>
        tpu.wait_indirect_dma semaphore(%run_scoped3A : memref<!tpu.dma_semaphore, #tpu.memory_space<semaphore_mem>>) src(%arg10 : memref<128x128xf32, #tpu.memory_space<vmem>>) dst(%dma_wait3A_77 : memref<10240x128xf32, #tpu.memory_space<vmem_shared>>)
        tpu.yield
      }) : () -> ()
    }
    %scan3A_17 = arith.constant 20 : i32
    %mul3A_18 = arith.constant 2 : i32
    %mul3A_19 = arith.muli %mul3A_18, %add3A : i32
    %add3A_20 = arith.constant 1 : i32
    %add3A_21 = arith.addi %mul3A_19, %add3A_20 : i32
    "tpu.region"() ({
      %run_scoped3A = tpu.sem_alloc : memref<!tpu.dma_semaphore, #tpu.memory_space<semaphore_mem>>
      %dma_start3A = arith.constant 0 : i32
      %dma_start3A_37 = arith.constant 0 : i32
      %dma_start3A_38 = tpu.memref_slice %arg3[%add3A_21, %dma_start3A, %dma_start3A_37] : memref<64x40x128xi32, #tpu.memory_space<hbm>> -> memref<1x40x128xi32, #tpu.memory_space<hbm>>
      %dma_start3A_39 = tpu.memref_squeeze %dma_start3A_38 : memref<1x40x128xi32, #tpu.memory_space<hbm>> -> memref<40x128xi32, #tpu.memory_space<hbm>>
      %dma_start3A_40 = arith.constant 0 : i32
      %dma_start3A_41 = arith.constant 0 : i32
      %dma_start3A_42 = tpu.memref_slice %arg3[%add3A_21, %dma_start3A_40, %dma_start3A_41] : memref<64x40x128xi32, #tpu.memory_space<hbm>> -> memref<1x40x128xi32, #tpu.memory_space<hbm>>
      %dma_start3A_43 = tpu.memref_squeeze %dma_start3A_42 : memref<1x40x128xi32, #tpu.memory_space<hbm>> -> memref<40x128xi32, #tpu.memory_space<hbm>>
      tpu.enqueue_dma source(%dma_start3A_43 : memref<40x128xi32, #tpu.memory_space<hbm>>) target(%arg7 : memref<40x128xi32, #tpu.memory_space<vmem>>) target_semaphore(%run_scoped3A : memref<!tpu.dma_semaphore, #tpu.memory_space<semaphore_mem>>)
      %dma_wait3A = arith.constant 0 : i32
      %dma_wait3A_44 = arith.constant 0 : i32
      %dma_wait3A_45 = tpu.memref_slice %arg3[%add3A_21, %dma_wait3A, %dma_wait3A_44] : memref<64x40x128xi32, #tpu.memory_space<hbm>> -> memref<1x40x128xi32, #tpu.memory_space<hbm>>
      %dma_wait3A_46 = tpu.memref_squeeze %dma_wait3A_45 : memref<1x40x128xi32, #tpu.memory_space<hbm>> -> memref<40x128xi32, #tpu.memory_space<hbm>>
      %dma_wait3A_47 = arith.constant 0 : i32
      %dma_wait3A_48 = arith.constant 0 : i32
      %dma_wait3A_49 = tpu.memref_slice %arg3[%add3A_21, %dma_wait3A_47, %dma_wait3A_48] : memref<64x40x128xi32, #tpu.memory_space<hbm>> -> memref<1x40x128xi32, #tpu.memory_space<hbm>>
      %dma_wait3A_50 = tpu.memref_squeeze %dma_wait3A_49 : memref<1x40x128xi32, #tpu.memory_space<hbm>> -> memref<40x128xi32, #tpu.memory_space<hbm>>
      tpu.wait_dma2 semaphore(%run_scoped3A : memref<!tpu.dma_semaphore, #tpu.memory_space<semaphore_mem>>) src(%dma_wait3A_50 : memref<40x128xi32, #tpu.memory_space<hbm>>) dst(%arg7 : memref<40x128xi32, #tpu.memory_space<vmem>>)
      tpu.yield
    }) : () -> ()
    %mul3A_22 = arith.constant 2 : i32
    %mul3A_23 = arith.muli %mul3A_22, %add3A : i32
    %add3A_24 = arith.constant 1 : i32
    %add3A_25 = arith.addi %mul3A_23, %add3A_24 : i32
    "tpu.region"() ({
      %run_scoped3A = tpu.sem_alloc : memref<!tpu.dma_semaphore, #tpu.memory_space<semaphore_mem>>
      %dma_start3A = arith.constant 0 : i32
      %dma_start3A_37 = arith.constant 0 : i32
      %dma_start3A_38 = tpu.memref_slice %arg4[%add3A_25, %dma_start3A, %dma_start3A_37] : memref<64x40x128xi32, #tpu.memory_space<hbm>> -> memref<1x40x128xi32, #tpu.memory_space<hbm>>
      %dma_start3A_39 = tpu.memref_squeeze %dma_start3A_38 : memref<1x40x128xi32, #tpu.memory_space<hbm>> -> memref<40x128xi32, #tpu.memory_space<hbm>>
      %dma_start3A_40 = arith.constant 0 : i32
      %dma_start3A_41 = arith.constant 0 : i32
      %dma_start3A_42 = tpu.memref_slice %arg4[%add3A_25, %dma_start3A_40, %dma_start3A_41] : memref<64x40x128xi32, #tpu.memory_space<hbm>> -> memref<1x40x128xi32, #tpu.memory_space<hbm>>
      %dma_start3A_43 = tpu.memref_squeeze %dma_start3A_42 : memref<1x40x128xi32, #tpu.memory_space<hbm>> -> memref<40x128xi32, #tpu.memory_space<hbm>>
      tpu.enqueue_dma source(%dma_start3A_43 : memref<40x128xi32, #tpu.memory_space<hbm>>) target(%arg8 : memref<40x128xi32, #tpu.memory_space<vmem>>) target_semaphore(%run_scoped3A : memref<!tpu.dma_semaphore, #tpu.memory_space<semaphore_mem>>)
      %dma_wait3A = arith.constant 0 : i32
      %dma_wait3A_44 = arith.constant 0 : i32
      %dma_wait3A_45 = tpu.memref_slice %arg4[%add3A_25, %dma_wait3A, %dma_wait3A_44] : memref<64x40x128xi32, #tpu.memory_space<hbm>> -> memref<1x40x128xi32, #tpu.memory_space<hbm>>
      %dma_wait3A_46 = tpu.memref_squeeze %dma_wait3A_45 : memref<1x40x128xi32, #tpu.memory_space<hbm>> -> memref<40x128xi32, #tpu.memory_space<hbm>>
      %dma_wait3A_47 = arith.constant 0 : i32
      %dma_wait3A_48 = arith.constant 0 : i32
      %dma_wait3A_49 = tpu.memref_slice %arg4[%add3A_25, %dma_wait3A_47, %dma_wait3A_48] : memref<64x40x128xi32, #tpu.memory_space<hbm>> -> memref<1x40x128xi32, #tpu.memory_space<hbm>>
      %dma_wait3A_50 = tpu.memref_squeeze %dma_wait3A_49 : memref<1x40x128xi32, #tpu.memory_space<hbm>> -> memref<40x128xi32, #tpu.memory_space<hbm>>
      tpu.wait_dma2 semaphore(%run_scoped3A : memref<!tpu.dma_semaphore, #tpu.memory_space<semaphore_mem>>) src(%dma_wait3A_50 : memref<40x128xi32, #tpu.memory_space<hbm>>) dst(%arg8 : memref<40x128xi32, #tpu.memory_space<vmem>>)
      tpu.yield
    }) : () -> ()
    %scan3A_26 = arith.constant 0 : i32
    %scan3A_27 = arith.constant 0 : i32
    %scan3A_28 = arith.constant 20 : i32
    %scan3A_29 = arith.addi %scan3A_27, %scan3A_28 : i32
    %scan3A_30 = arith.constant 1 : i32
    scf.for %scan3A_37 = %scan3A_27 to %scan3A_29 step %scan3A_30  : i32 {
      %mul3A_38 = arith.constant 2 : i32
      %mul3A_39 = arith.muli %mul3A_38, %scan3A_37 : i32
      %dma_start3A = arith.constant 0 : i32
      %dma_start3A_40 = tpu.memref_slice %arg7[%mul3A_39, %dma_start3A] : memref<40x128xi32, #tpu.memory_space<vmem>> -> memref<1x128xi32, #tpu.memory_space<vmem>>
      %dma_start3A_41 = tpu.memref_squeeze %dma_start3A_40 : memref<1x128xi32, #tpu.memory_space<vmem>> -> memref<128xi32, #tpu.memory_space<vmem>>
      %dma_start3A_42 = arith.constant 0 : i32
      %dma_start3A_43 = arith.constant 0 : i32
      %dma_start3A_44 = tpu.memref_slice %arg2[%dma_start3A_42, %dma_start3A_43] : memref<10000x128xf32, #tpu.memory_space<hbm>> -> memref<10000x128xf32, #tpu.memory_space<hbm>>
      tpu.enqueue_indirect_dma source(%dma_start3A_44 : memref<10000x128xf32, #tpu.memory_space<hbm>>) target(%arg9 : memref<128x128xf32, #tpu.memory_space<vmem>>) offsets(%dma_start3A_41 : memref<128xi32, #tpu.memory_space<vmem>>) semaphore(%arg12 : memref<!tpu.dma_semaphore, #tpu.memory_space<semaphore_mem>>)
      %add3A_45 = arith.constant 1 : i32
      %add3A_46 = arith.addi %mul3A_39, %add3A_45 : i32
      %dma_start3A_47 = arith.constant 0 : i32
      %dma_start3A_48 = tpu.memref_slice %arg7[%add3A_46, %dma_start3A_47] : memref<40x128xi32, #tpu.memory_space<vmem>> -> memref<1x128xi32, #tpu.memory_space<vmem>>
      %dma_start3A_49 = tpu.memref_squeeze %dma_start3A_48 : memref<1x128xi32, #tpu.memory_space<vmem>> -> memref<128xi32, #tpu.memory_space<vmem>>
      %dma_start3A_50 = arith.constant 0 : i32
      %dma_start3A_51 = arith.constant 0 : i32
      %dma_start3A_52 = tpu.memref_slice %arg2[%dma_start3A_50, %dma_start3A_51] : memref<10000x128xf32, #tpu.memory_space<hbm>> -> memref<10000x128xf32, #tpu.memory_space<hbm>>
      tpu.enqueue_indirect_dma source(%dma_start3A_52 : memref<10000x128xf32, #tpu.memory_space<hbm>>) target(%arg10 : memref<128x128xf32, #tpu.memory_space<vmem>>) offsets(%dma_start3A_49 : memref<128xi32, #tpu.memory_space<vmem>>) semaphore(%arg13 : memref<!tpu.dma_semaphore, #tpu.memory_space<semaphore_mem>>)
      %dma_wait3A = arith.constant 0 : i32
      %dma_wait3A_53 = tpu.memref_slice %arg7[%mul3A_39, %dma_wait3A] : memref<40x128xi32, #tpu.memory_space<vmem>> -> memref<1x128xi32, #tpu.memory_space<vmem>>
      %dma_wait3A_54 = tpu.memref_squeeze %dma_wait3A_53 : memref<1x128xi32, #tpu.memory_space<vmem>> -> memref<128xi32, #tpu.memory_space<vmem>>
      %dma_wait3A_55 = arith.constant 0 : i32
      %dma_wait3A_56 = arith.constant 0 : i32
      %dma_wait3A_57 = tpu.memref_slice %arg2[%dma_wait3A_55, %dma_wait3A_56] : memref<10000x128xf32, #tpu.memory_space<hbm>> -> memref<10000x128xf32, #tpu.memory_space<hbm>>
      tpu.wait_indirect_dma semaphore(%arg12 : memref<!tpu.dma_semaphore, #tpu.memory_space<semaphore_mem>>) src(%dma_wait3A_57 : memref<10000x128xf32, #tpu.memory_space<hbm>>) dst(%arg9 : memref<128x128xf32, #tpu.memory_space<vmem>>)
      "tpu.region"() ({
        %run_scoped3A = tpu.sem_alloc : memref<!tpu.dma_semaphore, #tpu.memory_space<semaphore_mem>>
        %dma_start3A_66 = arith.constant 0 : i32
        %dma_start3A_67 = tpu.memref_slice %arg8[%mul3A_39, %dma_start3A_66] : memref<40x128xi32, #tpu.memory_space<vmem>> -> memref<1x128xi32, #tpu.memory_space<vmem>>
        %dma_start3A_68 = tpu.memref_squeeze %dma_start3A_67 : memref<1x128xi32, #tpu.memory_space<vmem>> -> memref<128xi32, #tpu.memory_space<vmem>>
        %dma_start3A_69 = arith.constant 0 : i32
        %dma_start3A_70 = arith.constant 0 : i32
        %dma_start3A_71 = tpu.memref_slice %arg11[%dma_start3A_69, %dma_start3A_70] : memref<10240x128xf32, #tpu.memory_space<vmem_shared>> -> memref<10240x128xf32, #tpu.memory_space<vmem_shared>>
        tpu.enqueue_indirect_dma source(%arg9 : memref<128x128xf32, #tpu.memory_space<vmem>>) target(%dma_start3A_71 : memref<10240x128xf32, #tpu.memory_space<vmem_shared>>) offsets(%dma_start3A_68 : memref<128xi32, #tpu.memory_space<vmem>>) semaphore(%run_scoped3A : memref<!tpu.dma_semaphore, #tpu.memory_space<semaphore_mem>>) {add = true}
        %dma_wait3A_72 = arith.constant 0 : i32
        %dma_wait3A_73 = tpu.memref_slice %arg8[%mul3A_39, %dma_wait3A_72] : memref<40x128xi32, #tpu.memory_space<vmem>> -> memref<1x128xi32, #tpu.memory_space<vmem>>
        %dma_wait3A_74 = tpu.memref_squeeze %dma_wait3A_73 : memref<1x128xi32, #tpu.memory_space<vmem>> -> memref<128xi32, #tpu.memory_space<vmem>>
        %dma_wait3A_75 = arith.constant 0 : i32
        %dma_wait3A_76 = arith.constant 0 : i32
        %dma_wait3A_77 = tpu.memref_slice %arg11[%dma_wait3A_75, %dma_wait3A_76] : memref<10240x128xf32, #tpu.memory_space<vmem_shared>> -> memref<10240x128xf32, #tpu.memory_space<vmem_shared>>
        tpu.wait_indirect_dma semaphore(%run_scoped3A : memref<!tpu.dma_semaphore, #tpu.memory_space<semaphore_mem>>) src(%arg9 : memref<128x128xf32, #tpu.memory_space<vmem>>) dst(%dma_wait3A_77 : memref<10240x128xf32, #tpu.memory_space<vmem_shared>>)
        tpu.yield
      }) : () -> ()
      %dma_wait3A_58 = arith.constant 0 : i32
      %dma_wait3A_59 = tpu.memref_slice %arg7[%add3A_46, %dma_wait3A_58] : memref<40x128xi32, #tpu.memory_space<vmem>> -> memref<1x128xi32, #tpu.memory_space<vmem>>
      %dma_wait3A_60 = tpu.memref_squeeze %dma_wait3A_59 : memref<1x128xi32, #tpu.memory_space<vmem>> -> memref<128xi32, #tpu.memory_space<vmem>>
      %dma_wait3A_61 = arith.constant 0 : i32
      %dma_wait3A_62 = arith.constant 0 : i32
      %dma_wait3A_63 = tpu.memref_slice %arg2[%dma_wait3A_61, %dma_wait3A_62] : memref<10000x128xf32, #tpu.memory_space<hbm>> -> memref<10000x128xf32, #tpu.memory_space<hbm>>
      tpu.wait_indirect_dma semaphore(%arg13 : memref<!tpu.dma_semaphore, #tpu.memory_space<semaphore_mem>>) src(%dma_wait3A_63 : memref<10000x128xf32, #tpu.memory_space<hbm>>) dst(%arg10 : memref<128x128xf32, #tpu.memory_space<vmem>>)
      %add3A_64 = arith.constant 1 : i32
      %add3A_65 = arith.addi %mul3A_39, %add3A_64 : i32
      "tpu.region"() ({
        %run_scoped3A = tpu.sem_alloc : memref<!tpu.dma_semaphore, #tpu.memory_space<semaphore_mem>>
        %dma_start3A_66 = arith.constant 0 : i32
        %dma_start3A_67 = tpu.memref_slice %arg8[%add3A_65, %dma_start3A_66] : memref<40x128xi32, #tpu.memory_space<vmem>> -> memref<1x128xi32, #tpu.memory_space<vmem>>
        %dma_start3A_68 = tpu.memref_squeeze %dma_start3A_67 : memref<1x128xi32, #tpu.memory_space<vmem>> -> memref<128xi32, #tpu.memory_space<vmem>>
        %dma_start3A_69 = arith.constant 0 : i32
        %dma_start3A_70 = arith.constant 0 : i32
        %dma_start3A_71 = tpu.memref_slice %arg11[%dma_start3A_69, %dma_start3A_70] : memref<10240x128xf32, #tpu.memory_space<vmem_shared>> -> memref<10240x128xf32, #tpu.memory_space<vmem_shared>>
        tpu.enqueue_indirect_dma source(%arg10 : memref<128x128xf32, #tpu.memory_space<vmem>>) target(%dma_start3A_71 : memref<10240x128xf32, #tpu.memory_space<vmem_shared>>) offsets(%dma_start3A_68 : memref<128xi32, #tpu.memory_space<vmem>>) semaphore(%run_scoped3A : memref<!tpu.dma_semaphore, #tpu.memory_space<semaphore_mem>>) {add = true}
        %dma_wait3A_72 = arith.constant 0 : i32
        %dma_wait3A_73 = tpu.memref_slice %arg8[%add3A_65, %dma_wait3A_72] : memref<40x128xi32, #tpu.memory_space<vmem>> -> memref<1x128xi32, #tpu.memory_space<vmem>>
        %dma_wait3A_74 = tpu.memref_squeeze %dma_wait3A_73 : memref<1x128xi32, #tpu.memory_space<vmem>> -> memref<128xi32, #tpu.memory_space<vmem>>
        %dma_wait3A_75 = arith.constant 0 : i32
        %dma_wait3A_76 = arith.constant 0 : i32
        %dma_wait3A_77 = tpu.memref_slice %arg11[%dma_wait3A_75, %dma_wait3A_76] : memref<10240x128xf32, #tpu.memory_space<vmem_shared>> -> memref<10240x128xf32, #tpu.memory_space<vmem_shared>>
        tpu.wait_indirect_dma semaphore(%run_scoped3A : memref<!tpu.dma_semaphore, #tpu.memory_space<semaphore_mem>>) src(%arg10 : memref<128x128xf32, #tpu.memory_space<vmem>>) dst(%dma_wait3A_77 : memref<10240x128xf32, #tpu.memory_space<vmem_shared>>)
        tpu.yield
      }) : () -> ()
    }
    %scan3A_31 = arith.constant 20 : i32
    %barrier3A_32 = arith.constant 0 : index
    tpu.barrier barrier_id(%barrier3A_32)
    %mul3A_33 = arith.constant 640 : i32
    %mul3A_34 = arith.muli %arg1, %mul3A_33 : i32
    %mul3A_35 = arith.constant 640 : i32
    %mul3A_36 = arith.muli %arg1, %mul3A_35 : i32
    "tpu.region"() ({
      %run_scoped3A = tpu.sem_alloc : memref<!tpu.dma_semaphore, #tpu.memory_space<semaphore_mem>>
      %dma_start3A = arith.constant 0 : i32
      %dma_start3A_37 = tpu.memref_slice %arg6[%arg0, %mul3A_36, %dma_start3A] : memref<2x10240x128xf32, #tpu.memory_space<hbm>> -> memref<1x640x128xf32, #tpu.memory_space<hbm>>
      %dma_start3A_38 = tpu.memref_squeeze %dma_start3A_37 : memref<1x640x128xf32, #tpu.memory_space<hbm>> -> memref<640x128xf32, #tpu.memory_space<hbm>>
      %dma_start3A_39 = arith.constant 0 : i32
      %dma_start3A_40 = tpu.memref_slice %arg11[%mul3A_34, %dma_start3A_39] : memref<10240x128xf32, #tpu.memory_space<vmem_shared>> -> memref<640x128xf32, #tpu.memory_space<vmem_shared>>
      tpu.enqueue_dma source(%dma_start3A_40 : memref<640x128xf32, #tpu.memory_space<vmem_shared>>) target(%dma_start3A_38 : memref<640x128xf32, #tpu.memory_space<hbm>>) target_semaphore(%run_scoped3A : memref<!tpu.dma_semaphore, #tpu.memory_space<semaphore_mem>>)
      %dma_wait3A = arith.constant 0 : i32
      %dma_wait3A_41 = tpu.memref_slice %arg6[%arg0, %mul3A_36, %dma_wait3A] : memref<2x10240x128xf32, #tpu.memory_space<hbm>> -> memref<1x640x128xf32, #tpu.memory_space<hbm>>
      %dma_wait3A_42 = tpu.memref_squeeze %dma_wait3A_41 : memref<1x640x128xf32, #tpu.memory_space<hbm>> -> memref<640x128xf32, #tpu.memory_space<hbm>>
      %dma_wait3A_43 = arith.constant 0 : i32
      %dma_wait3A_44 = tpu.memref_slice %arg11[%mul3A_34, %dma_wait3A_43] : memref<10240x128xf32, #tpu.memory_space<vmem_shared>> -> memref<640x128xf32, #tpu.memory_space<vmem_shared>>
      tpu.wait_dma2 semaphore(%run_scoped3A : memref<!tpu.dma_semaphore, #tpu.memory_space<semaphore_mem>>) src(%dma_wait3A_44 : memref<640x128xf32, #tpu.memory_space<vmem_shared>>) dst(%dma_wait3A_42 : memref<640x128xf32, #tpu.memory_space<hbm>>)
      tpu.yield
    }) : () -> ()
    return
  }
}

module attributes {stable_mosaic.version = 14 : i64} {
  func.func @_tc_tanh_body(%arg0: i32, %arg1: memref<1000x128xf32, #tpu.memory_space<vmem>>, %arg2: memref<128x128xf32, #tpu.memory_space<vmem>>, %arg3: memref<1000x128xf32, #tpu.memory_space<vmem>>) attributes {dimension_semantics = [#tpu.dimension_semantics<arbitrary>], iteration_bounds = array<i64: 10>, scalar_prefetch = 0 : i64, scratch_operands = 0 : i64, tpu.core_type = #tpu.core_type<tc>, window_params = [{transform_indices = @transform_0, window_bounds = array<i64: 1000, 128>}, {pipeline_mode = #tpu.pipeline_mode<synchronous>, transform_indices = @transform_1, window_bounds = array<i64: 128, 128>}, {transform_indices = @transform_2, window_bounds = array<i64: 1000, 128>}]} {
    %get3A = arith.constant 0 : index
    %get3A_0 = arith.constant 0 : index
    %get3A_1 = vector.load %arg1[%get3A, %get3A_0] : memref<1000x128xf32, #tpu.memory_space<vmem>>, vector<1000x128xf32>
    %get3A_2 = arith.constant 0 : index
    %get3A_3 = arith.constant 0 : index
    %get3A_4 = vector.load %arg2[%get3A_2, %get3A_3] : memref<128x128xf32, #tpu.memory_space<vmem>>, vector<128x128xf32>
    %dot_general3A = arith.constant dense<0.000000e+00> : vector<1000x128xf32>
    %dot_general3A_5 = tpu.matmul %get3A_1, %get3A_4, %dot_general3A {dimension_numbers = #tpu.dot_dimension_numbers<[1], [0], [0], [1], [0, 0, 1, 1], [], []>, precision = #tpu.contract_precision<fp32>, transpose_lhs_hint = false} : vector<1000x128xf32>, vector<128x128xf32>, vector<1000x128xf32> -> vector<1000x128xf32>
    %tanh3A = math.tanh %dot_general3A_5 : vector<1000x128xf32>
    %swap3A = arith.constant 0 : index
    %swap3A_6 = arith.constant 0 : index
    %swap3A_7 = vector.load %arg3[%swap3A, %swap3A_6] : memref<1000x128xf32, #tpu.memory_space<vmem>>, vector<1000x128xf32>
    tpu.vector_store %arg3[%swap3A, %swap3A_6], %tanh3A {strides = array<i32>} : memref<1000x128xf32, #tpu.memory_space<vmem>>, vector<1000x128xf32>,
    return
  }
  func.func @transform_0(%arg0: i32) -> (i32, i32) {
    %c0_i32 = arith.constant 0 : i32
    %c0_i32_0 = arith.constant 0 : i32
    return %arg0, %c0_i32 : i32, i32
  }
  func.func @transform_1(%arg0: i32) -> (i32, i32) {
    %c0_i32 = arith.constant 0 : i32
    %c0_i32_0 = arith.constant 0 : i32
    %c0_i32_1 = arith.constant 0 : i32
    return %c0_i32, %c0_i32_0 : i32, i32
  }
  func.func @transform_2(%arg0: i32) -> (i32, i32) {
    %c0_i32 = arith.constant 0 : i32
    %c0_i32_0 = arith.constant 0 : i32
    return %arg0, %c0_i32 : i32, i32
  }
}

module attributes {stable_mosaic.version = 14 : i64} {
  func.func @_tc_update_body(%arg0: i32, %arg1: memref<2x1000x128xf32, #tpu.memory_space<vmem>>, %arg2: memref<2x1000x128xf32, #tpu.memory_space<vmem>>, %arg3: memref<1000x128xf32, #tpu.memory_space<vmem>>, %arg4: memref<128x128xf32, #tpu.memory_space<vmem>>, %arg5: memref<128x128xf32, #tpu.memory_space<vmem>>, %arg6: memref<1000x128xf32, #tpu.memory_space<vmem>>) attributes {dimension_semantics = [#tpu.dimension_semantics<arbitrary>], iteration_bounds = array<i64: 10>, scalar_prefetch = 0 : i64, scratch_operands = 0 : i64, tpu.core_type = #tpu.core_type<tc>, window_params = [{transform_indices = @transform_0, window_bounds = array<i64: 2, 1000, 128>}, {transform_indices = @transform_1, window_bounds = array<i64: 2, 1000, 128>}, {transform_indices = @transform_2, window_bounds = array<i64: 1000, 128>}, {pipeline_mode = #tpu.pipeline_mode<synchronous>, transform_indices = @transform_3, window_bounds = array<i64: 128, 128>}, {pipeline_mode = #tpu.pipeline_mode<synchronous>, transform_indices = @transform_4, window_bounds = array<i64: 128, 128>}, {transform_indices = @transform_5, window_bounds = array<i64: 1000, 128>}]} {
    %get3A = arith.constant 0 : index
    %get3A_0 = arith.constant 0 : index
    %get3A_1 = arith.constant 0 : index
    %get3A_2 = vector.load %arg1[%get3A, %get3A_0, %get3A_1] : memref<2x1000x128xf32, #tpu.memory_space<vmem>>, vector<1x1000x128xf32>
    %get3A_3 = vector.shape_cast %get3A_2 : vector<1x1000x128xf32> to vector<1000x128xf32>
    %get3A_4 = arith.constant 1 : index
    %get3A_5 = arith.constant 0 : index
    %get3A_6 = arith.constant 0 : index
    %get3A_7 = vector.load %arg1[%get3A_4, %get3A_5, %get3A_6] : memref<2x1000x128xf32, #tpu.memory_space<vmem>>, vector<1x1000x128xf32>
    %get3A_8 = vector.shape_cast %get3A_7 : vector<1x1000x128xf32> to vector<1000x128xf32>
    %add3A = arith.addf %get3A_3, %get3A_8 : vector<1000x128xf32>
    %get3A_9 = arith.constant 0 : index
    %get3A_10 = arith.constant 0 : index
    %get3A_11 = arith.constant 0 : index
    %get3A_12 = vector.load %arg2[%get3A_9, %get3A_10, %get3A_11] : memref<2x1000x128xf32, #tpu.memory_space<vmem>>, vector<1x1000x128xf32>
    %get3A_13 = vector.shape_cast %get3A_12 : vector<1x1000x128xf32> to vector<1000x128xf32>
    %slice3A = vector.extract_strided_slice %get3A_13 {offsets = [0, 0], sizes = [1000, 1], strides = [1, 1]} : vector<1000x128xf32> to vector<1000x1xf32>
    %get3A_14 = arith.constant 1 : index
    %get3A_15 = arith.constant 0 : index
    %get3A_16 = arith.constant 0 : index
    %get3A_17 = vector.load %arg2[%get3A_14, %get3A_15, %get3A_16] : memref<2x1000x128xf32, #tpu.memory_space<vmem>>, vector<1x1000x128xf32>
    %get3A_18 = vector.shape_cast %get3A_17 : vector<1x1000x128xf32> to vector<1000x128xf32>
    %slice3A_19 = vector.extract_strided_slice %get3A_18 {offsets = [0, 0], sizes = [1000, 1], strides = [1, 1]} : vector<1000x128xf32> to vector<1000x1xf32>
    %add3A_20 = arith.addf %slice3A, %slice3A_19 : vector<1000x1xf32>
    %max3A = arith.constant 1.000000e+00 : f32
    %max3A_21 = vector.broadcast %max3A : f32 to vector<1000x1xf32>
    %max3A_22 = arith.maximumf %add3A_20, %max3A_21 : vector<1000x1xf32>
    %div3A = vector.broadcast %max3A_22 : vector<1000x1xf32> to vector<1000x128xf32>
    %div3A_23 = arith.divf %add3A, %div3A : vector<1000x128xf32>
    %get3A_24 = arith.constant 0 : index
    %get3A_25 = arith.constant 0 : index
    %get3A_26 = vector.load %arg4[%get3A_24, %get3A_25] : memref<128x128xf32, #tpu.memory_space<vmem>>, vector<128x128xf32>
    %dot_general3A = arith.constant dense<0.000000e+00> : vector<1000x128xf32>
    %dot_general3A_27 = tpu.matmul %div3A_23, %get3A_26, %dot_general3A {dimension_numbers = #tpu.dot_dimension_numbers<[1], [0], [0], [1], [0, 0, 1, 1], [], []>, precision = #tpu.contract_precision<fp32>, transpose_lhs_hint = false} : vector<1000x128xf32>, vector<128x128xf32>, vector<1000x128xf32> -> vector<1000x128xf32>
    %get3A_28 = arith.constant 0 : index
    %get3A_29 = arith.constant 0 : index
    %get3A_30 = vector.load %arg3[%get3A_28, %get3A_29] : memref<1000x128xf32, #tpu.memory_space<vmem>>, vector<1000x128xf32>
    %get3A_31 = arith.constant 0 : index
    %get3A_32 = arith.constant 0 : index
    %get3A_33 = vector.load %arg5[%get3A_31, %get3A_32] : memref<128x128xf32, #tpu.memory_space<vmem>>, vector<128x128xf32>
    %dot_general3A_34 = arith.constant dense<0.000000e+00> : vector<1000x128xf32>
    %dot_general3A_35 = tpu.matmul %get3A_30, %get3A_33, %dot_general3A_34 {dimension_numbers = #tpu.dot_dimension_numbers<[1], [0], [0], [1], [0, 0, 1, 1], [], []>, precision = #tpu.contract_precision<fp32>, transpose_lhs_hint = false} : vector<1000x128xf32>, vector<128x128xf32>, vector<1000x128xf32> -> vector<1000x128xf32>
    %add3A_36 = arith.addf %dot_general3A_27, %dot_general3A_35 : vector<1000x128xf32>
    %max3A_37 = arith.constant 0.000000e+00 : f32
    %max3A_38 = vector.broadcast %max3A_37 : f32 to vector<1000x128xf32>
    %max3A_39 = arith.maximumf %add3A_36, %max3A_38 : vector<1000x128xf32>
    %swap3A = arith.constant 0 : index
    %swap3A_40 = arith.constant 0 : index
    %swap3A_41 = vector.load %arg6[%swap3A, %swap3A_40] : memref<1000x128xf32, #tpu.memory_space<vmem>>, vector<1000x128xf32>
    tpu.vector_store %arg6[%swap3A, %swap3A_40], %max3A_39 {strides = array<i32>} : memref<1000x128xf32, #tpu.memory_space<vmem>>, vector<1000x128xf32>,
    return
  }
  func.func @transform_0(%arg0: i32) -> (i32, i32, i32) {
    %c0_i32 = arith.constant 0 : i32
    %c0_i32_0 = arith.constant 0 : i32
    %c0_i32_1 = arith.constant 0 : i32
    return %c0_i32, %arg0, %c0_i32_0 : i32, i32, i32
  }
  func.func @transform_1(%arg0: i32) -> (i32, i32, i32) {
    %c0_i32 = arith.constant 0 : i32
    %c0_i32_0 = arith.constant 0 : i32
    %c0_i32_1 = arith.constant 0 : i32
    return %c0_i32, %arg0, %c0_i32_0 : i32, i32, i32
  }
  func.func @transform_2(%arg0: i32) -> (i32, i32) {
    %c0_i32 = arith.constant 0 : i32
    %c0_i32_0 = arith.constant 0 : i32
    return %arg0, %c0_i32 : i32, i32
  }
  func.func @transform_3(%arg0: i32) -> (i32, i32) {
    %c0_i32 = arith.constant 0 : i32
    %c0_i32_0 = arith.constant 0 : i32
    %c0_i32_1 = arith.constant 0 : i32
    return %c0_i32, %c0_i32_0 : i32, i32
  }
  func.func @transform_4(%arg0: i32) -> (i32, i32) {
    %c0_i32 = arith.constant 0 : i32
    %c0_i32_0 = arith.constant 0 : i32
    %c0_i32_1 = arith.constant 0 : i32
    return %c0_i32, %c0_i32_0 : i32, i32
  }
  func.func @transform_5(%arg0: i32) -> (i32, i32) {
    %c0_i32 = arith.constant 0 : i32
    %c0_i32_0 = arith.constant 0 : i32
    return %arg0, %c0_i32 : i32, i32
  }
}

</mosaic_0001>

<sc_bundles>
// kernel: kernel.19.cloned.1.call-start
scs
__scs_entry_jumppad:
0x0: {  	(pc) =	sbr.rel $0x88, $3  }
0x1: {  	(tag) =	ssettag $0x0;
	lr =	simm.s32 $0x1  }
0x2: {  	[smem:$0x3F95] =	sst lr;
	_ =	strace $0xD0000000  }
0x3: {  	_ = 	snop  }
0x4: {  	_ = 	snop  }
0x5: {  	_ = 	snop  }
0x6: {  	_ = 	snop  }
0x7: {  	_ = 	snop  }
__scs_overlays_trampoline_lowered:
0x8: {  	[smem:$0x3FA4] =	sst s0  }
0x9: {  	[smem:$0x3FA5] =	sst s1  }
0xa: {  	[smem:$0x3FA6] =	sst s2  }
0xb: {  	[smem:$0x3FA7] =	sst s3  }
0xc: {  	[smem:$0x3FA8] =	sst s4  }
0xd: {  	[smem:$0x3FA9] =	sst s5  }
0xe: {  	[smem:$0x3FAA] =	sst s6  }
0xf: {  	[smem:$0x3FAB] =	sst s7  }
0x10: {  	[smem:$0x3FAC] =	sst s8  }
0x11: {  	[smem:$0x3FAD] =	sst s9;
	s0 =	simm.s32 @!p0 $0x0  }
0x12: {  	s1 =	sld [smem:$0x3F93];
	s0 =	simm.s32 @p0 $0x1  }
0x13: {  	[smem:$0x3FAE] =	sst s0;
	s0 =	simm.s32 @!p1 $0x0  }
0x14: {  	s2 =	sld [smem:$0x3F92];
	s0 =	simm.s32 @p1 $0x1  }
0x15: {  	[smem:$0x3FAF] =	sst s0;
	s0 =	simm.s32 @!p2 $0x0  }
0x16: {  	s3 =	sld [smem:$0x3FDB];
	s0 =	simm.s32 @p2 $0x1  }
0x17: {  	s4 =	simm.s32 $0x1BF5;
	[smem:$0x3FB1] =	sst s0  }
0x18: {  	s0 =	sld [smem:$0x3F94];
	_ =	swait.ge [sflag:s4], $0x0  }
0x19: {  	s7 =	sld [smem:$0x3F95]  }
0x1a: {  	s8 =	sadd.s32 $0xFFFFE003, lr  }
0x1b: {  	s9 =	sadd.s32 $0xFFFFFEF7, lr;
	s5 =	simm.s32 $0xFFFFFFFF;
	p2 =	slt.u32 s8, $0xFFFFF086  }
0x1c: {  	p1 =	slt.u32 s9, $0xF7A;
	s5 =	simm.s32 @!p2 $0x0  }
0x1d: {  	s5 =	simm.s32 @p1 $0x1;
	p0 =	seq.s32 s7, s2  }
0x1e: {  	s7 =	smul.u32 @!p0 $0xF7A, s2;
	p2 =	seq.s32 @!p0 s5, $0x0  }
0x1f: {  	s9 =	smul.u32 $0xF7A, s1;
	s8 =	simm.s32 @!p0 $0x1BF5;
	p2 =	por !p2, p0  }
0x20: {  	[sflag:s8] =	ssyncset.s32 @!p0 $0xFFFFF086;
	s6 =	sadd.s32 @!p0 s3, s7;
	s7 =	simm.s32 @!p0 $0x108  }
0x21: {  	s3 =	sadd.s32 s3, s9;
	s6 =	sadd.s32 @!p0 $0x88, s6;
	s7 =	simm.s32 @p2 $0x1082  }
0x22: {  	[simem:s7], [sflag:s8] =	dma.local @!p0 [hbm:s6], $0xF7A  }
0x23: {  	s9 =	sor.u32 $0xD0000000, s2;
	s6 =	simm.s32 $0x108;
	_ =	swait.ge @!p0 [sflag:s8], $0x0  }
0x24: {  	s3 =	sadd.s32 $0x88, s3;
	s6 =	simm.s32 @!p1 $0x1082;
	[sflag:s4] =	ssyncset.s32 $0xFFFFF086  }
0x25: {  	[simem:s6], [sflag:s4] =	dma.local [hbm:s3], $0xF7A  }
0x26: {  	[smem:$0x3F95] =	sst s1;
	(tag) =	ssettag s2;
	_ =	strace s9  }
0x27: {  	s1 =	sld [smem:$0x3FA5]  }
0x28: {  	s2 =	sld [smem:$0x3FA6]  }
0x29: {  	s4 =	sld [smem:$0x3FA8]  }
0x2a: {  	p0 =	seq.s32 s5, $0x0;
	s5 =	sld [smem:$0x3FA9]  }
0x2b: {  	s6 =	sld [smem:$0x3FAA]  }
0x2c: {  	s7 =	sld [smem:$0x3FAB]  }
0x2d: {  	s3 =	simm.s32 $0x108;
	s8 =	sld [smem:$0x3FAC]  }
0x2e: {  	s3 =	simm.s32 @!p0 $0x1082;
	s9 =	sld [smem:$0x3FAD]  }
0x2f: {  	lr =	sadd.s32 s0, s3;
	s0 =	sld [smem:$0x3FA4]  }
0x30: {  	s3 =	sld [smem:$0x3FA7]  }
0x31: {  	[smem:$0x3FB0] =	sst s10  }
0x32: {  	s10 =	sld [smem:$0x3FAE];
	_ =	sdelay $0x3  }
0x33: {  	p0 =	seq.s32 s10, $0x1;
	s10 =	sld [smem:$0x3FB0];
	_ =	sdelay $0x3  }
0x34: {  	[smem:$0x3FB0] =	sst s10  }
0x35: {  	s10 =	sld [smem:$0x3FAF];
	_ =	sdelay $0x3  }
0x36: {  	p1 =	seq.s32 s10, $0x1;
	s10 =	sld [smem:$0x3FB0];
	_ =	sdelay $0x3  }
0x37: {  	[smem:$0x3FB0] =	sst s10  }
0x38: {  	s10 =	sld [smem:$0x3FB1]  }
0x39: {  	_ = 	snop;
	(pc) =	sbr.ind lr, $3  }
0x3a: {  	_ = 	snop  }
0x3b: {  	_ = 	snop  }
0x3c: {  	p2 =	seq.s32 s10, $0x1;
	s10 =	sld [smem:$0x3FB0]  }
0x3d: {  	_ =	shalt  }
0x3e: {  	_ =	shalt  }
0x3f: {  	_ =	shalt  }
0x40: {  	_ =	shalt  }
0x41: {  	_ =	shalt  }
0x42: {  	_ =	shalt  }
0x43: {  	_ =	shalt  }
0x44: {  	_ =	shalt  }
0x45: {  	_ =	shalt  }
0x46: {  	_ =	shalt  }
0x47: {  	_ =	shalt  }
0x48: {  	_ =	shalt  }
0x49: {  	_ =	shalt  }
0x4a: {  	_ =	shalt  }
0x4b: {  	_ =	shalt  }
0x4c: {  	_ =	shalt  }
0x4d: {  	_ =	shalt  }
0x4e: {  	_ =	shalt  }
0x4f: {  	_ =	shalt  }
0x50: {  	_ =	shalt  }
0x51: {  	_ =	shalt  }
0x52: {  	_ =	shalt  }
0x53: {  	_ =	shalt  }
0x54: {  	_ =	shalt  }
0x55: {  	_ =	shalt  }
0x56: {  	_ =	shalt  }
0x57: {  	_ =	shalt  }
0x58: {  	_ =	shalt  }
0x59: {  	_ =	shalt  }
0x5a: {  	_ =	shalt  }
0x5b: {  	_ =	shalt  }
0x5c: {  	_ =	shalt  }
0x5d: {  	_ =	shalt  }
0x5e: {  	_ =	shalt  }
0x5f: {  	_ =	shalt  }
0x60: {  	_ =	shalt  }
0x61: {  	_ =	shalt  }
0x62: {  	_ =	shalt  }
0x63: {  	_ =	shalt  }
0x64: {  	_ =	shalt  }
0x65: {  	_ =	shalt  }
0x66: {  	_ =	shalt  }
0x67: {  	_ =	shalt  }
0x68: {  	_ =	shalt  }
0x69: {  	_ =	shalt  }
0x6a: {  	_ =	shalt  }
0x6b: {  	_ =	shalt  }
0x6c: {  	_ =	shalt  }
0x6d: {  	_ =	shalt  }
0x6e: {  	_ =	shalt  }
0x6f: {  	_ =	shalt  }
0x70: {  	_ =	shalt  }
0x71: {  	_ =	shalt  }
0x72: {  	_ =	shalt  }
0x73: {  	_ =	shalt  }
0x74: {  	_ =	shalt  }
0x75: {  	_ =	shalt  }
0x76: {  	_ =	shalt  }
0x77: {  	_ =	shalt  }
0x78: {  	_ =	shalt  }
0x79: {  	_ =	shalt  }
0x7a: {  	_ =	shalt  }
0x7b: {  	_ =	shalt  }
0x7c: {  	_ =	shalt  }
0x7d: {  	_ =	shalt  }
0x7e: {  	_ =	shalt  }
0x7f: {  	_ =	shalt  }
0x80: {  	_ =	shalt  }
0x81: {  	_ =	shalt  }
0x82: {  	_ =	shalt  }
0x83: {  	_ =	shalt  }
0x84: {  	_ =	shalt  }
0x85: {  	_ =	shalt  }
0x86: {  	_ =	shalt  }
0x87: {  	_ =	shalt  }
.Lfunc_end0:
.L_simem_size_0:
called_computation_lowered:
.L_overlay_start_0:
0x88: {  	s2 =	sld [smem:$0x3FD9]  }
0x89: {  	s3 =	sld [smem:$0x3FFE];
	_ =	sdelay $0x1  }
0x8a: {  	s1 =	srdreg.scid  }
0x8b: {  	s0 =	sand.u32 $0x1, s1  }
0x8c: {  	s17 =	sshll.u32 s0, $0xA;
	s2 =	sadd.s32 s3, s2  }
0x8d: {  	s2 =	sadd.s32 s2, s17  }
0x8e: {  	[smem:$0x3FBC] =	sst s2  }
0x8f: {  	_ = 	snop  }
0x90: {  	(tm) =	ssettm $0x1  }
0x91: {  	s18 =	sld [smem:$0x3FFB];
	_ =	sdelay $0x3  }
0x92: {  	_ =	strace s18  }
0x93: {  	s2 =	sld [smem:$0x3FFC];
	_ =	sdelay $0x3  }
0x94: {  	_ =	strace s2  }
0x95: {  	s2 =	sld [smem:$0x3FFD];
	_ =	sdelay $0x3  }
0x96: {  	_ =	strace s2  }
0x97: {  	_ =	strace $0x8FFFFFFF  }
0x98: {  	s19 =	sld [smem:$0x3FDB];
	_ =	sdelay $0x1  }
0x99: {  	s20 =	simm.s32 $_scs_section_size  }
0x9a: {  	s4 =	simm.s32 $_size__tile_overlayer_lowered;
	s5 =	simm.s32 $_tile_overlayer_lowered  }
0x9b: {  	s6 =	simm.s32 $0x1BFF;
	s21 =	sshll.u32 s5, $0x1;
	s3 =	sadd.s32 s20, s19  }
0x9c: {  	s22 =	simm.s32 $0x0;
	s4 =	sshll.u32 s4, $0x1;
	s5 =	sadd.s32 s21, s3  }
0x9d: {  	[timem:s22], [sflag:s6] =	dma.local [hbm:s5], s4  }
0x9e: {  	_ =	swait.ge [sflag:s6], s4  }
0x9f: {  	s4 =	ssub.s32 $0x0, s4;
	[sflag:s6] =	ssyncset.done $0x0  }
0xa0: {  	[sflag:s6] =	ssyncadd.s32 s4;
	_ =	sdelay $0x1  }
0xa1: {  	s23 =	simm.s32 $0x1B8B  }
0xa2: {  	_ =	swait.ge [sflag:s23], $0x1  }
0xa3: {  	[sflag:s23] =	ssyncset.done $0x0  }
0xa4: {  	[sflag:s23] =	ssyncadd.s32 $0xFFFFFFFF  }
0xa5: {  	s4 =	sld [smem:$0x0]  }
0xa6: {  	s5 =	sand.u32 $0xFFFFFFFE, s1  }
0xa7: {  	p0 =	sne.s32 s1, s5  }
0xa8: {  	s5 =	sshll.u32 @p0 s5, $0xE  }
0xa9: {  	s5 =	sadd.s32 @p0 $0x11B8D, s5;
	s6 =	sshll.u32 @p0 s4, $0x11  }
0xaa: {  	s5 =	sor.u32 @p0 s6, s5  }
0xab: {  	[sflag:s5] =	ssyncadd.remote.s32 @p0 $0x1;
	_ =	sdelay $0x1  }
0xac: {  	s5 =	simm.s32 @p0 $0x1B8D  }
0xad: {  	_ =	swait.eq @p0 [sflag:s5], $0x1  }
0xae: {  	[sflag:s5] =	ssyncadd.s32 @p0 $0xFFFFFFFF  }
0xaf: {  	s6 =	sshll.u32 @!p0 s1, $0xE  }
0xb0: {  	s6 =	sor.u32 @!p0 $0x4000, s6;
	s5 =	simm.s32 @!p0 $0x1B8D  }
0xb1: {  	s4 =	sshll.u32 @!p0 s4, $0x11;
	s6 =	sadd.s32 @!p0 $0x11B8D, s6;
	_ =	swait.eq @!p0 [sflag:s5], $0x1  }
0xb2: {  	s4 =	sor.u32 @!p0 s4, s6;
	[sflag:s5] =	ssyncadd.s32 @!p0 $0xFFFFFFFF  }
0xb3: {  	s25 =	simm.s32 $0x1B8E;
	s24 =	sld [smem:$0x3FFE];
	[sflag:s4] =	ssyncadd.remote.s32 @!p0 $0x1  }
0xb4: {  	s26 =	simm.s32 $execute0_lowered;
	[smem:$0x3FD2] =	sst s25  }
0xb5: {  	s5 =	sshll.u32 s26, $0x1;
	_ =	strace $0x80000049;
	[dreg:$0x1] =	wrdreg $0xFFFFFFFF  }
0xb6: {  	s28 =	simm.s32 $_size_execute0_lowered;
	s3 =	sadd.s32 s3, s5;
	[dreg:$0x0] =	wrdreg $0x0  }
0xb7: {  	s5 =	sshll.u32 s28, $0x1;
	[dreg:$0x2] =	wrdreg s3  }
0xb8: {  	[dreg:$0x3] =	wrdreg s5  }
0xb9: {  	[dreg:$0x4] =	wrdreg $0xC0  }
0xba: {  	_ =	task [dreg:s22], $0x5FFFF  }
0xbb: {  	[dreg:$0x1] =	wrdreg $0xFFFFFFFF  }
0xbc: {  	[dreg:$0x0] =	wrdreg $0x60  }
0xbd: {  	[dreg:$0x2] =	wrdreg s24  }
0xbe: {  	[dreg:$0x3] =	wrdreg $0x68000  }
0xbf: {  	[dreg:$0x4] =	wrdreg $0x9  }
0xc0: {  	_ =	task.clear_ibuf [dreg:s22], $0x5FFFF;
	_ =	strace $0x90000049  }
0xc1: {  	s29 =	simm.s32 $0x9;
	_ =	strace $0x8000004B  }
0xc2: {  	_ =	swait.ge [sflag:s29], $0x1  }
0xc3: {  	[sflag:s29] =	ssyncadd.s32 $0xFFFFFFFF  }
0xc4: {  	_ =	strace $0x9000004B  }
0xc5: {  	_ =	sfence  }
0xc6: {  	s30 =	sld [smem:$0x0];
	_ =	sdelay $0x2  }
0xc7: {  	s31 =	sshll.u32 s1, $0xD;
	s1 =	sshrl.u32 s1, $0x2  }
0xc8: {  	s4 =	sand.u32 $0x4000, s31;
	s1 =	sadd.s32 s1, s30  }
0xc9: {  	s0 =	sor.u32 s4, s0;
	s1 =	sshll.u32 s1, $0x11  }
0xca: {  	s0 =	sor.u32 s1, s0  }
0xcb: {  	s0 =	sadd.s32 $0x8F2B, s0  }
0xcc: {  	[sflag:s0] =	ssyncadd.remote.s32 $0x1  }
0xcd: {  	_ =	sfence.sel $0xFFFF  }
0xce: {  	[dreg:$0x0] =	wrdreg $0xFFFFFFFF;
	(pc) =	sbr.abs _section_cstart, $3  }
0xcf: {  	[dreg:$0x1] =	wrdreg $0xFFFFFFFF  }
0xd0: {  	_ =	task.clear_ibuf [dreg:s22], $0x2FFFF;
	_ =	strace $0x9FFFFFFF  }
0xd1: {  	(tm) =	ssettm $0x7FFFFFFF  }
tec
execute0_lowered:
.L_overlay_start_1:
0x0: {  	(tag) =	ssettag $0x1  }
0x1: {  	s5 =	rddreg [dreg:$0x0]  }
0x2: {  	s0 =	srdreg.scid;
	s2 =	rddreg [dreg:$0x1];
	s3 =	simm.s32 $0x0  }
0x3: {  	s12 =	simm.s32 $0x2800;
	s4 =	sand.u32 $0x1, s0;
	s0 =	stileid.u32  }
0x4: {  	s13 =	simm.s32 $0x0;
	[smem:$0x7FF] =	sst s3;
	s7 =	smul.u32 $0x14000, s0  }
0x5: {  	s1 =	sshll.u32 s4, $0x4;
	s8 =	smul.u32 $0x140000, s4;
	s4 =	ssub.s32 $0x2, s4  }
0x6: {  	s29 =	smul.u32 $0x50000, s0;
	s31 =	sshll.u32 s0, $0x6;
	s1 =	sor.u32 s0, s1  }
0x7: {  	s10 =	sshrl.u32 s4, $0x1;
	s6 =	smul.u32 $0x500, s1;
	s1 =	rddreg [dreg:$0x2]  }
0x8: {  	_ =	strace $0x8000004A;
	s9 =	sshrl.u32 s7, $0x3;
	s7 =	sadd.s32 s7, s8  }
0x9: {  	s10 =	ssub.s32 s4, s10;
	s30 =	sshrl.u32 s29, $0x2;
	s8 =	simm.s32 $0x1  }
0xa: {  	s9 =	sadd.s32 s9, s5;
	s7 =	sshrl.u32 s7, $0x3;
	s11 =	sadd.s32 s30, s2  }
0xb: {  	s6 =	sadd.s32 s6, s5;
	s7 =	sadd.s32 s7, s5;
	s5 =	sadd.s32 $0x6A000, s9  }
0xc: {  	s9 =	sor.u32 $0x1C01, s31;
	s4 =	sadd.s32 $0x2E000, s6;
	s6 =	sadd.s32 $0xE2000, s7  }
0xd: {  	v0 =	vimm.f32 $1.000000000e+00;
	s7 =	smax.u32 s10, $0x1;
	s10 =	sshrl.u32 s11, $0x3;
	s11 =	simm.s32 $0x80  }
.LBB2_1:
0xe: {  	[tilespmem:s3], [sflag:$0x1] =	stream.linear.gather [hbm4b:s4+s3], $0x2800, $0x38;
	[tilespmem:$0x1A800] =	vst v63  }
0xf: {  	_ =	swait.ge [sflag:s8], $0x2800  }
0x10: {  	[sflag:s8] =	ssyncset.done $0x0  }
0x11: {  	s14 =	simm.s32 $0x0;
	s15 =	simm.s32 $0x200;
	[sflag:s8] =	ssyncadd.s32 $0xFFFFD800  }
.LBB2_2:
0x12: {  	p0 =	sne.s32 s15, $0xFE00;
	[tilespmem:s14+$0x2870] =	vst v0  }
0x13: {  	[tilespmem:s14+$0x2800] =	vst v0  }
0x14: {  	[tilespmem:s14+$0x2810] =	vst v0  }
.Ltmp0:
0x15: {  	[tilespmem:s14+$0x2820] =	vst v0;
	(pc) =	sbr.rel @p0 .LBB2_2-.Ltmp0, $4  }
0x16: {  	[tilespmem:s14+$0x2830] =	vst v0  }
0x17: {  	[tilespmem:s14+$0x2840] =	vst v0  }
0x18: {  	[tilespmem:s14+$0x2850] =	vst v0  }
0x19: {  	[tilespmem:s14+$0x2860] =	vst v0;
	s14 =	sshra.s32 s15, $0x2;
	s15 =	sadd.s32 $0x200, s15  }
0x1a: {  	[tilespmem:s14+$0x2870] =	vst v0  }
0x1b: {  	[tilespmem:s14+$0x2800] =	vst v0  }
0x1c: {  	[tilespmem:s14+$0x2810] =	vst v0  }
0x1d: {  	[tilespmem:s14+$0x2820] =	vst v0  }
0x1e: {  	[tilespmem:s14+$0x2830] =	vst v0  }
0x1f: {  	[tilespmem:s14+$0x2840] =	vst v0  }
0x20: {  	[tilespmem:s14+$0x2850] =	vst v0  }
0x21: {  	[tilespmem:s14+$0x2860] =	vst v0  }
0x22: {  	[spmem:s10], [sflag:s9] =	dma.local [hbm:s5], $0x2800  }
0x23: {  	_ =	swait.ge [sflag:s8], $0x2800  }
0x24: {  	[sflag:s8] =	ssyncset.done $0x0  }
0x25: {  	[sflag:s8] =	ssyncadd.s32 $0xFFFFD800  }
0x26: {  	s31 =	simm.s32 $0x0;
	[bflag:$0x0] =	sbarrier.arrive $0xFFFF  }
0x27: {  	[spmem:s2] =	stream.indirect.scatter.add.f32 [tilespmem:s12], [sflag:$0x1], $0x80, s31, s11, $0xb8;
	[tilespmem:$0x1A800] =	vst v63  }
0x28: {  	_ =	swait.ge [sflag:s8], $0x4000  }
0x29: {  	s14 =	simm.s32 $0x200;
	[sflag:s8] =	ssyncset.done $0x0  }
.LBB2_4:
0x2a: {  	s15 =	sshra.s32 s14, $0x2;
	[sflag:s8] =	ssyncadd.s32 $0xFFFFC000;
	p0 =	sne.s32 s14, $0x9E00  }
0x2b: {  	[spmem:s2] =	stream.indirect.scatter.add.f32 [tilespmem:s12], [sflag:$0x1], $0x80, s15, s11, $0xb8;
	[tilespmem:$0x1A800] =	vst v63  }
.Ltmp1:
0x2c: {  	_ = 	snop;
	(pc) =	sbr.rel @p0 .LBB2_4-.Ltmp1, $4  }
0x2d: {  	_ = 	snop  }
0x2e: {  	s14 =	sadd.s32 $0x200, s14  }
0x2f: {  	_ =	swait.ge [sflag:s8], $0x4000  }
0x30: {  	[sflag:s8] =	ssyncset.done $0x0  }
0x31: {  	s13 =	sadd.s32 $0x1, s13  }
0x32: {  	[sflag:s8] =	ssyncadd.s32 $0xFFFFC000;
	p0 =	sne.s32 s13, s7  }
.Ltmp2:
0x33: {  	[bflag:$0x0] =	sbarrier.arrive $0xFFFF;
	(pc) =	sbr.rel @p0 .LBB2_1-.Ltmp2, $4  }
0x34: {  	[hbm:s6], [sflag:s9] =	dma.local [spmem:s10], $0x2800  }
0x35: {  	_ =	swait.ge [sflag:s8], $0x2800  }
0x36: {  	[sflag:s8] =	ssyncset.done $0x0  }
0x37: {  	[sflag:s8] =	ssyncadd.s32 $0xFFFFD800  }
0x38: {  	_ =	sfence.sel $0x180000  }
0x39: {  	[bflag:$0x0] =	sbarrier.arrive $0xFFFF  }
0x3a: {  	p0 =	sne.s32 s0, $0x0;
	_ =	strace $0x9000004A  }
0x3b: {  	s0 =	sadd.s32 @!p0 $0x100000, s1;
	[bflag:$0x2] =	sbarrier.arrive $0xFFFF  }
0x3c: {  	[sflag:s0] =	ssyncadd.tile.s32 @!p0 $0x1;
	_ =	shalt  }
.Lfunc_end2:
_tile_overlayer_lowered:
.L_overlay_start_2:
0x3d: {  	(tag) =	ssettag $0x2  }
0x3e: {  	s0 =	rddreg [dreg:$0x0];
	s2 =	stileid.u32  }
0x3f: {  	s1 =	rddreg [dreg:$0x1];
	p0 =	sne.s32 s2, $0x0  }
0x40: {  	s3 =	rddreg [dreg:$0x2];
	[bflag:$0x3] =	sbarrier.arrive $0xFFFF;
	s2 =	simm.s32 @!p0 $0x1C01  }
0x41: {  	[timem:s3], [sflag:s2] =	dma.local @!p0 [hbm:s0], s1  }
0x42: {  	s0 =	simm.s32 @!p0 $0x1  }
0x43: {  	_ =	swait.ge @!p0 [sflag:s0], s1  }
0x44: {  	s1 =	ssub.s32 @!p0 $0x0, s1;
	[sflag:s0] =	ssyncset.done @!p0 $0x0  }
0x45: {  	[sflag:s0] =	ssyncadd.s32 @!p0 s1  }
0x46: {  	[bflag:$0x3] =	sbarrier.arrive $0xFFFF  }
0x47: {  	_ =	shalt  }

// kernel: kernel.22.cloned.1.call-start
scs
__scs_entry_jumppad:
0x0: {  	(pc) =	sbr.rel $0x88, $3  }
0x1: {  	(tag) =	ssettag $0x0;
	lr =	simm.s32 $0x1  }
0x2: {  	[smem:$0x3F95] =	sst lr;
	_ =	strace $0xD0000000  }
0x3: {  	_ = 	snop  }
0x4: {  	_ = 	snop  }
0x5: {  	_ = 	snop  }
0x6: {  	_ = 	snop  }
0x7: {  	_ = 	snop  }
__scs_overlays_trampoline_lowered:
0x8: {  	[smem:$0x3FA4] =	sst s0  }
0x9: {  	[smem:$0x3FA5] =	sst s1  }
0xa: {  	[smem:$0x3FA6] =	sst s2  }
0xb: {  	[smem:$0x3FA7] =	sst s3  }
0xc: {  	[smem:$0x3FA8] =	sst s4  }
0xd: {  	[smem:$0x3FA9] =	sst s5  }
0xe: {  	[smem:$0x3FAA] =	sst s6  }
0xf: {  	[smem:$0x3FAB] =	sst s7  }
0x10: {  	[smem:$0x3FAC] =	sst s8  }
0x11: {  	[smem:$0x3FAD] =	sst s9;
	s0 =	simm.s32 @!p0 $0x0  }
0x12: {  	s1 =	sld [smem:$0x3F93];
	s0 =	simm.s32 @p0 $0x1  }
0x13: {  	[smem:$0x3FAE] =	sst s0;
	s0 =	simm.s32 @!p1 $0x0  }
0x14: {  	s2 =	sld [smem:$0x3F92];
	s0 =	simm.s32 @p1 $0x1  }
0x15: {  	[smem:$0x3FAF] =	sst s0;
	s0 =	simm.s32 @!p2 $0x0  }
0x16: {  	s3 =	sld [smem:$0x3FDB];
	s0 =	simm.s32 @p2 $0x1  }
0x17: {  	s4 =	simm.s32 $0x1BF5;
	[smem:$0x3FB1] =	sst s0  }
0x18: {  	s0 =	sld [smem:$0x3F94];
	_ =	swait.ge [sflag:s4], $0x0  }
0x19: {  	s7 =	sld [smem:$0x3F95]  }
0x1a: {  	s8 =	sadd.s32 $0xFFFFE003, lr  }
0x1b: {  	s9 =	sadd.s32 $0xFFFFFEF7, lr;
	s5 =	simm.s32 $0xFFFFFFFF;
	p2 =	slt.u32 s8, $0xFFFFF086  }
0x1c: {  	p1 =	slt.u32 s9, $0xF7A;
	s5 =	simm.s32 @!p2 $0x0  }
0x1d: {  	s5 =	simm.s32 @p1 $0x1;
	p0 =	seq.s32 s7, s2  }
0x1e: {  	s7 =	smul.u32 @!p0 $0xF7A, s2;
	p2 =	seq.s32 @!p0 s5, $0x0  }
0x1f: {  	s9 =	smul.u32 $0xF7A, s1;
	s8 =	simm.s32 @!p0 $0x1BF5;
	p2 =	por !p2, p0  }
0x20: {  	[sflag:s8] =	ssyncset.s32 @!p0 $0xFFFFF086;
	s6 =	sadd.s32 @!p0 s3, s7;
	s7 =	simm.s32 @!p0 $0x108  }
0x21: {  	s3 =	sadd.s32 s3, s9;
	s6 =	sadd.s32 @!p0 $0x88, s6;
	s7 =	simm.s32 @p2 $0x1082  }
0x22: {  	[simem:s7], [sflag:s8] =	dma.local @!p0 [hbm:s6], $0xF7A  }
0x23: {  	s9 =	sor.u32 $0xD0000000, s2;
	s6 =	simm.s32 $0x108;
	_ =	swait.ge @!p0 [sflag:s8], $0x0  }
0x24: {  	s3 =	sadd.s32 $0x88, s3;
	s6 =	simm.s32 @!p1 $0x1082;
	[sflag:s4] =	ssyncset.s32 $0xFFFFF086  }
0x25: {  	[simem:s6], [sflag:s4] =	dma.local [hbm:s3], $0xF7A  }
0x26: {  	[smem:$0x3F95] =	sst s1;
	(tag) =	ssettag s2;
	_ =	strace s9  }
0x27: {  	s1 =	sld [smem:$0x3FA5]  }
0x28: {  	s2 =	sld [smem:$0x3FA6]  }
0x29: {  	s4 =	sld [smem:$0x3FA8]  }
0x2a: {  	p0 =	seq.s32 s5, $0x0;
	s5 =	sld [smem:$0x3FA9]  }
0x2b: {  	s6 =	sld [smem:$0x3FAA]  }
0x2c: {  	s7 =	sld [smem:$0x3FAB]  }
0x2d: {  	s3 =	simm.s32 $0x108;
	s8 =	sld [smem:$0x3FAC]  }
0x2e: {  	s3 =	simm.s32 @!p0 $0x1082;
	s9 =	sld [smem:$0x3FAD]  }
0x2f: {  	lr =	sadd.s32 s0, s3;
	s0 =	sld [smem:$0x3FA4]  }
0x30: {  	s3 =	sld [smem:$0x3FA7]  }
0x31: {  	[smem:$0x3FB0] =	sst s10  }
0x32: {  	s10 =	sld [smem:$0x3FAE];
	_ =	sdelay $0x3  }
0x33: {  	p0 =	seq.s32 s10, $0x1;
	s10 =	sld [smem:$0x3FB0];
	_ =	sdelay $0x3  }
0x34: {  	[smem:$0x3FB0] =	sst s10  }
0x35: {  	s10 =	sld [smem:$0x3FAF];
	_ =	sdelay $0x3  }
0x36: {  	p1 =	seq.s32 s10, $0x1;
	s10 =	sld [smem:$0x3FB0];
	_ =	sdelay $0x3  }
0x37: {  	[smem:$0x3FB0] =	sst s10  }
0x38: {  	s10 =	sld [smem:$0x3FB1]  }
0x39: {  	_ = 	snop;
	(pc) =	sbr.ind lr, $3  }
0x3a: {  	_ = 	snop  }
0x3b: {  	_ = 	snop  }
0x3c: {  	p2 =	seq.s32 s10, $0x1;
	s10 =	sld [smem:$0x3FB0]  }
0x3d: {  	_ =	shalt  }
0x3e: {  	_ =	shalt  }
0x3f: {  	_ =	shalt  }
0x40: {  	_ =	shalt  }
0x41: {  	_ =	shalt  }
0x42: {  	_ =	shalt  }
0x43: {  	_ =	shalt  }
0x44: {  	_ =	shalt  }
0x45: {  	_ =	shalt  }
0x46: {  	_ =	shalt  }
0x47: {  	_ =	shalt  }
0x48: {  	_ =	shalt  }
0x49: {  	_ =	shalt  }
0x4a: {  	_ =	shalt  }
0x4b: {  	_ =	shalt  }
0x4c: {  	_ =	shalt  }
0x4d: {  	_ =	shalt  }
0x4e: {  	_ =	shalt  }
0x4f: {  	_ =	shalt  }
0x50: {  	_ =	shalt  }
0x51: {  	_ =	shalt  }
0x52: {  	_ =	shalt  }
0x53: {  	_ =	shalt  }
0x54: {  	_ =	shalt  }
0x55: {  	_ =	shalt  }
0x56: {  	_ =	shalt  }
0x57: {  	_ =	shalt  }
0x58: {  	_ =	shalt  }
0x59: {  	_ =	shalt  }
0x5a: {  	_ =	shalt  }
0x5b: {  	_ =	shalt  }
0x5c: {  	_ =	shalt  }
0x5d: {  	_ =	shalt  }
0x5e: {  	_ =	shalt  }
0x5f: {  	_ =	shalt  }
0x60: {  	_ =	shalt  }
0x61: {  	_ =	shalt  }
0x62: {  	_ =	shalt  }
0x63: {  	_ =	shalt  }
0x64: {  	_ =	shalt  }
0x65: {  	_ =	shalt  }
0x66: {  	_ =	shalt  }
0x67: {  	_ =	shalt  }
0x68: {  	_ =	shalt  }
0x69: {  	_ =	shalt  }
0x6a: {  	_ =	shalt  }
0x6b: {  	_ =	shalt  }
0x6c: {  	_ =	shalt  }
0x6d: {  	_ =	shalt  }
0x6e: {  	_ =	shalt  }
0x6f: {  	_ =	shalt  }
0x70: {  	_ =	shalt  }
0x71: {  	_ =	shalt  }
0x72: {  	_ =	shalt  }
0x73: {  	_ =	shalt  }
0x74: {  	_ =	shalt  }
0x75: {  	_ =	shalt  }
0x76: {  	_ =	shalt  }
0x77: {  	_ =	shalt  }
0x78: {  	_ =	shalt  }
0x79: {  	_ =	shalt  }
0x7a: {  	_ =	shalt  }
0x7b: {  	_ =	shalt  }
0x7c: {  	_ =	shalt  }
0x7d: {  	_ =	shalt  }
0x7e: {  	_ =	shalt  }
0x7f: {  	_ =	shalt  }
0x80: {  	_ =	shalt  }
0x81: {  	_ =	shalt  }
0x82: {  	_ =	shalt  }
0x83: {  	_ =	shalt  }
0x84: {  	_ =	shalt  }
0x85: {  	_ =	shalt  }
0x86: {  	_ =	shalt  }
0x87: {  	_ =	shalt  }
.Lfunc_end0:
.L_simem_size_0:
called_computation.1_lowered:
.L_overlay_start_0:
0x88: {  	s2 =	sld [smem:$0x3FD9]  }
0x89: {  	s3 =	sld [smem:$0x3FFE];
	_ =	sdelay $0x1  }
0x8a: {  	s1 =	srdreg.scid  }
0x8b: {  	s0 =	sand.u32 $0x1, s1  }
0x8c: {  	s17 =	sshll.u32 s0, $0xA;
	s2 =	sadd.s32 s3, s2  }
0x8d: {  	s2 =	sadd.s32 s2, s17  }
0x8e: {  	[smem:$0x3FBC] =	sst s2  }
0x8f: {  	_ = 	snop  }
0x90: {  	(tm) =	ssettm $0x1  }
0x91: {  	s18 =	sld [smem:$0x3FFB];
	_ =	sdelay $0x3  }
0x92: {  	_ =	strace s18  }
0x93: {  	s2 =	sld [smem:$0x3FFC];
	_ =	sdelay $0x3  }
0x94: {  	_ =	strace s2  }
0x95: {  	s2 =	sld [smem:$0x3FFD];
	_ =	sdelay $0x3  }
0x96: {  	_ =	strace s2  }
0x97: {  	_ =	strace $0x8FFFFFFF  }
0x98: {  	s19 =	sld [smem:$0x3FDB];
	_ =	sdelay $0x1  }
0x99: {  	s20 =	simm.s32 $_scs_section_size  }
0x9a: {  	s4 =	simm.s32 $_size__tile_overlayer_lowered;
	s5 =	simm.s32 $_tile_overlayer_lowered  }
0x9b: {  	s6 =	simm.s32 $0x1BFF;
	s21 =	sshll.u32 s5, $0x1;
	s3 =	sadd.s32 s20, s19  }
0x9c: {  	s22 =	simm.s32 $0x0;
	s4 =	sshll.u32 s4, $0x1;
	s5 =	sadd.s32 s21, s3  }
0x9d: {  	[timem:s22], [sflag:s6] =	dma.local [hbm:s5], s4  }
0x9e: {  	_ =	swait.ge [sflag:s6], s4  }
0x9f: {  	s4 =	ssub.s32 $0x0, s4;
	[sflag:s6] =	ssyncset.done $0x0  }
0xa0: {  	[sflag:s6] =	ssyncadd.s32 s4;
	_ =	sdelay $0x1  }
0xa1: {  	s23 =	simm.s32 $0x1B8B  }
0xa2: {  	_ =	swait.ge [sflag:s23], $0x1  }
0xa3: {  	[sflag:s23] =	ssyncset.done $0x0  }
0xa4: {  	[sflag:s23] =	ssyncadd.s32 $0xFFFFFFFF  }
0xa5: {  	s4 =	sld [smem:$0x0]  }
0xa6: {  	s5 =	sand.u32 $0xFFFFFFFE, s1  }
0xa7: {  	p0 =	sne.s32 s1, s5  }
0xa8: {  	s5 =	sshll.u32 @p0 s5, $0xE  }
0xa9: {  	s5 =	sadd.s32 @p0 $0x11B8D, s5;
	s6 =	sshll.u32 @p0 s4, $0x11  }
0xaa: {  	s5 =	sor.u32 @p0 s6, s5  }
0xab: {  	[sflag:s5] =	ssyncadd.remote.s32 @p0 $0x1;
	_ =	sdelay $0x1  }
0xac: {  	s5 =	simm.s32 @p0 $0x1B8D  }
0xad: {  	_ =	swait.eq @p0 [sflag:s5], $0x1  }
0xae: {  	[sflag:s5] =	ssyncadd.s32 @p0 $0xFFFFFFFF  }
0xaf: {  	s6 =	sshll.u32 @!p0 s1, $0xE  }
0xb0: {  	s6 =	sor.u32 @!p0 $0x4000, s6;
	s5 =	simm.s32 @!p0 $0x1B8D  }
0xb1: {  	s4 =	sshll.u32 @!p0 s4, $0x11;
	s6 =	sadd.s32 @!p0 $0x11B8D, s6;
	_ =	swait.eq @!p0 [sflag:s5], $0x1  }
0xb2: {  	s4 =	sor.u32 @!p0 s4, s6;
	[sflag:s5] =	ssyncadd.s32 @!p0 $0xFFFFFFFF  }
0xb3: {  	s25 =	simm.s32 $0x1B8E;
	s24 =	sld [smem:$0x3FFE];
	[sflag:s4] =	ssyncadd.remote.s32 @!p0 $0x1  }
0xb4: {  	s26 =	simm.s32 $execute0_lowered;
	[smem:$0x3FD2] =	sst s25  }
0xb5: {  	s5 =	sshll.u32 s26, $0x1;
	_ =	strace $0x80000055;
	[dreg:$0x1] =	wrdreg $0xFFFFFFFF  }
0xb6: {  	s28 =	simm.s32 $_size_execute0_lowered;
	s3 =	sadd.s32 s3, s5;
	[dreg:$0x0] =	wrdreg $0x0  }
0xb7: {  	s5 =	sshll.u32 s28, $0x1;
	[dreg:$0x2] =	wrdreg s3  }
0xb8: {  	[dreg:$0x3] =	wrdreg s5  }
0xb9: {  	[dreg:$0x4] =	wrdreg $0xC0  }
0xba: {  	_ =	task [dreg:s22], $0x5FFFF  }
0xbb: {  	[dreg:$0x1] =	wrdreg $0xFFFFFFFF  }
0xbc: {  	[dreg:$0x0] =	wrdreg $0x60  }
0xbd: {  	[dreg:$0x2] =	wrdreg s24  }
0xbe: {  	[dreg:$0x3] =	wrdreg $0x68000  }
0xbf: {  	[dreg:$0x4] =	wrdreg $0x9  }
0xc0: {  	_ =	task.clear_ibuf [dreg:s22], $0x5FFFF;
	_ =	strace $0x90000055  }
0xc1: {  	s29 =	simm.s32 $0x9;
	_ =	strace $0x80000057  }
0xc2: {  	_ =	swait.ge [sflag:s29], $0x1  }
0xc3: {  	[sflag:s29] =	ssyncadd.s32 $0xFFFFFFFF  }
0xc4: {  	_ =	strace $0x90000057  }
0xc5: {  	_ =	sfence  }
0xc6: {  	s30 =	sld [smem:$0x0];
	_ =	sdelay $0x2  }
0xc7: {  	s31 =	sshll.u32 s1, $0xD;
	s1 =	sshrl.u32 s1, $0x2  }
0xc8: {  	s4 =	sand.u32 $0x4000, s31;
	s1 =	sadd.s32 s1, s30  }
0xc9: {  	s0 =	sor.u32 s4, s0;
	s1 =	sshll.u32 s1, $0x11  }
0xca: {  	s0 =	sor.u32 s1, s0  }
0xcb: {  	s0 =	sadd.s32 $0x8F2B, s0  }
0xcc: {  	[sflag:s0] =	ssyncadd.remote.s32 $0x1  }
0xcd: {  	_ =	sfence.sel $0xFFFF  }
0xce: {  	[dreg:$0x0] =	wrdreg $0xFFFFFFFF;
	(pc) =	sbr.abs _section_cstart, $3  }
0xcf: {  	[dreg:$0x1] =	wrdreg $0xFFFFFFFF  }
0xd0: {  	_ =	task.clear_ibuf [dreg:s22], $0x2FFFF;
	_ =	strace $0x9FFFFFFF  }
0xd1: {  	(tm) =	ssettm $0x7FFFFFFF  }
tec
execute0_lowered:
.L_overlay_start_1:
0x0: {  	(tag) =	ssettag $0x1  }
0x1: {  	s5 =	rddreg [dreg:$0x0]  }
0x2: {  	s0 =	srdreg.scid;
	s2 =	rddreg [dreg:$0x1];
	s3 =	simm.s32 $0x0  }
0x3: {  	s12 =	simm.s32 $0x2800;
	s4 =	sand.u32 $0x1, s0;
	s0 =	stileid.u32  }
0x4: {  	s13 =	simm.s32 $0x0;
	[smem:$0x7FF] =	sst s3;
	s7 =	smul.u32 $0x14000, s0  }
0x5: {  	s1 =	sshll.u32 s4, $0x4;
	s8 =	smul.u32 $0x140000, s4;
	s4 =	ssub.s32 $0x2, s4  }
0x6: {  	s29 =	smul.u32 $0x50000, s0;
	s31 =	sshll.u32 s0, $0x6;
	s1 =	sor.u32 s0, s1  }
0x7: {  	s10 =	sshrl.u32 s4, $0x1;
	s6 =	smul.u32 $0x500, s1;
	s1 =	rddreg [dreg:$0x2]  }
0x8: {  	_ =	strace $0x80000056;
	s9 =	sshrl.u32 s7, $0x3;
	s7 =	sadd.s32 s7, s8  }
0x9: {  	s10 =	ssub.s32 s4, s10;
	s30 =	sshrl.u32 s29, $0x2;
	s8 =	simm.s32 $0x1  }
0xa: {  	s9 =	sadd.s32 s9, s5;
	s7 =	sshrl.u32 s7, $0x3;
	s11 =	sadd.s32 s30, s2  }
0xb: {  	s6 =	sadd.s32 s6, s5;
	s7 =	sadd.s32 s7, s5;
	s5 =	sadd.s32 $0x6A000, s9  }
0xc: {  	s9 =	sor.u32 $0x1C01, s31;
	s4 =	sadd.s32 $0x4C000, s6;
	s6 =	sadd.s32 $0x1F9200, s7  }
0xd: {  	v0 =	vimm.f32 $1.000000000e+00;
	s7 =	smax.u32 s10, $0x1;
	s10 =	sshrl.u32 s11, $0x3;
	s11 =	simm.s32 $0x80  }
.LBB2_1:
0xe: {  	[tilespmem:s3], [sflag:$0x1] =	stream.linear.gather [hbm4b:s4+s3], $0x2800, $0x38;
	[tilespmem:$0x1A800] =	vst v63  }
0xf: {  	_ =	swait.ge [sflag:s8], $0x2800  }
0x10: {  	[sflag:s8] =	ssyncset.done $0x0  }
0x11: {  	s14 =	simm.s32 $0x0;
	s15 =	simm.s32 $0x200;
	[sflag:s8] =	ssyncadd.s32 $0xFFFFD800  }
.LBB2_2:
0x12: {  	p0 =	sne.s32 s15, $0xFE00;
	[tilespmem:s14+$0x2870] =	vst v0  }
0x13: {  	[tilespmem:s14+$0x2800] =	vst v0  }
0x14: {  	[tilespmem:s14+$0x2810] =	vst v0  }
.Ltmp0:
0x15: {  	[tilespmem:s14+$0x2820] =	vst v0;
	(pc) =	sbr.rel @p0 .LBB2_2-.Ltmp0, $4  }
0x16: {  	[tilespmem:s14+$0x2830] =	vst v0  }
0x17: {  	[tilespmem:s14+$0x2840] =	vst v0  }
0x18: {  	[tilespmem:s14+$0x2850] =	vst v0  }
0x19: {  	[tilespmem:s14+$0x2860] =	vst v0;
	s14 =	sshra.s32 s15, $0x2;
	s15 =	sadd.s32 $0x200, s15  }
0x1a: {  	[tilespmem:s14+$0x2870] =	vst v0  }
0x1b: {  	[tilespmem:s14+$0x2800] =	vst v0  }
0x1c: {  	[tilespmem:s14+$0x2810] =	vst v0  }
0x1d: {  	[tilespmem:s14+$0x2820] =	vst v0  }
0x1e: {  	[tilespmem:s14+$0x2830] =	vst v0  }
0x1f: {  	[tilespmem:s14+$0x2840] =	vst v0  }
0x20: {  	[tilespmem:s14+$0x2850] =	vst v0  }
0x21: {  	[tilespmem:s14+$0x2860] =	vst v0  }
0x22: {  	[spmem:s10], [sflag:s9] =	dma.local [hbm:s5], $0x2800  }
0x23: {  	_ =	swait.ge [sflag:s8], $0x2800  }
0x24: {  	[sflag:s8] =	ssyncset.done $0x0  }
0x25: {  	[sflag:s8] =	ssyncadd.s32 $0xFFFFD800  }
0x26: {  	s31 =	simm.s32 $0x0;
	[bflag:$0x0] =	sbarrier.arrive $0xFFFF  }
0x27: {  	[spmem:s2] =	stream.indirect.scatter.add.f32 [tilespmem:s12], [sflag:$0x1], $0x80, s31, s11, $0xb8;
	[tilespmem:$0x1A800] =	vst v63  }
0x28: {  	_ =	swait.ge [sflag:s8], $0x4000  }
0x29: {  	s14 =	simm.s32 $0x200;
	[sflag:s8] =	ssyncset.done $0x0  }
.LBB2_4:
0x2a: {  	s15 =	sshra.s32 s14, $0x2;
	[sflag:s8] =	ssyncadd.s32 $0xFFFFC000;
	p0 =	sne.s32 s14, $0x9E00  }
0x2b: {  	[spmem:s2] =	stream.indirect.scatter.add.f32 [tilespmem:s12], [sflag:$0x1], $0x80, s15, s11, $0xb8;
	[tilespmem:$0x1A800] =	vst v63  }
.Ltmp1:
0x2c: {  	_ = 	snop;
	(pc) =	sbr.rel @p0 .LBB2_4-.Ltmp1, $4  }
0x2d: {  	_ = 	snop  }
0x2e: {  	s14 =	sadd.s32 $0x200, s14  }
0x2f: {  	_ =	swait.ge [sflag:s8], $0x4000  }
0x30: {  	[sflag:s8] =	ssyncset.done $0x0  }
0x31: {  	s13 =	sadd.s32 $0x1, s13  }
0x32: {  	[sflag:s8] =	ssyncadd.s32 $0xFFFFC000;
	p0 =	sne.s32 s13, s7  }
.Ltmp2:
0x33: {  	[bflag:$0x0] =	sbarrier.arrive $0xFFFF;
	(pc) =	sbr.rel @p0 .LBB2_1-.Ltmp2, $4  }
0x34: {  	[hbm:s6], [sflag:s9] =	dma.local [spmem:s10], $0x2800  }
0x35: {  	_ =	swait.ge [sflag:s8], $0x2800  }
0x36: {  	[sflag:s8] =	ssyncset.done $0x0  }
0x37: {  	[sflag:s8] =	ssyncadd.s32 $0xFFFFD800  }
0x38: {  	_ =	sfence.sel $0x180000  }
0x39: {  	[bflag:$0x0] =	sbarrier.arrive $0xFFFF  }
0x3a: {  	p0 =	sne.s32 s0, $0x0;
	_ =	strace $0x90000056  }
0x3b: {  	s0 =	sadd.s32 @!p0 $0x100000, s1;
	[bflag:$0x2] =	sbarrier.arrive $0xFFFF  }
0x3c: {  	[sflag:s0] =	ssyncadd.tile.s32 @!p0 $0x1;
	_ =	shalt  }
.Lfunc_end2:
_tile_overlayer_lowered:
.L_overlay_start_2:
0x3d: {  	(tag) =	ssettag $0x2  }
0x3e: {  	s0 =	rddreg [dreg:$0x0];
	s2 =	stileid.u32  }
0x3f: {  	s1 =	rddreg [dreg:$0x1];
	p0 =	sne.s32 s2, $0x0  }
0x40: {  	s3 =	rddreg [dreg:$0x2];
	[bflag:$0x3] =	sbarrier.arrive $0xFFFF;
	s2 =	simm.s32 @!p0 $0x1C01  }
0x41: {  	[timem:s3], [sflag:s2] =	dma.local @!p0 [hbm:s0], s1  }
0x42: {  	s0 =	simm.s32 @!p0 $0x1  }
0x43: {  	_ =	swait.ge @!p0 [sflag:s0], s1  }
0x44: {  	s1 =	ssub.s32 @!p0 $0x0, s1;
	[sflag:s0] =	ssyncset.done @!p0 $0x0  }
0x45: {  	[sflag:s0] =	ssyncadd.s32 @!p0 s1  }
0x46: {  	[bflag:$0x3] =	sbarrier.arrive $0xFFFF  }
0x47: {  	_ =	shalt  }

// kernel: kernel.25.cloned.1.call-start
scs
__scs_entry_jumppad:
0x0: {  	(pc) =	sbr.rel $0x88, $3  }
0x1: {  	(tag) =	ssettag $0x0;
	lr =	simm.s32 $0x1  }
0x2: {  	[smem:$0x3F95] =	sst lr;
	_ =	strace $0xD0000000  }
0x3: {  	_ = 	snop  }
0x4: {  	_ = 	snop  }
0x5: {  	_ = 	snop  }
0x6: {  	_ = 	snop  }
0x7: {  	_ = 	snop  }
__scs_overlays_trampoline_lowered:
0x8: {  	[smem:$0x3FA4] =	sst s0  }
0x9: {  	[smem:$0x3FA5] =	sst s1  }
0xa: {  	[smem:$0x3FA6] =	sst s2  }
0xb: {  	[smem:$0x3FA7] =	sst s3  }
0xc: {  	[smem:$0x3FA8] =	sst s4  }
0xd: {  	[smem:$0x3FA9] =	sst s5  }
0xe: {  	[smem:$0x3FAA] =	sst s6  }
0xf: {  	[smem:$0x3FAB] =	sst s7  }
0x10: {  	[smem:$0x3FAC] =	sst s8  }
0x11: {  	[smem:$0x3FAD] =	sst s9;
	s0 =	simm.s32 @!p0 $0x0  }
0x12: {  	s1 =	sld [smem:$0x3F93];
	s0 =	simm.s32 @p0 $0x1  }
0x13: {  	[smem:$0x3FAE] =	sst s0;
	s0 =	simm.s32 @!p1 $0x0  }
0x14: {  	s2 =	sld [smem:$0x3F92];
	s0 =	simm.s32 @p1 $0x1  }
0x15: {  	[smem:$0x3FAF] =	sst s0;
	s0 =	simm.s32 @!p2 $0x0  }
0x16: {  	s3 =	sld [smem:$0x3FDB];
	s0 =	simm.s32 @p2 $0x1  }
0x17: {  	s4 =	simm.s32 $0x1BF5;
	[smem:$0x3FB1] =	sst s0  }
0x18: {  	s0 =	sld [smem:$0x3F94];
	_ =	swait.ge [sflag:s4], $0x0  }
0x19: {  	s7 =	sld [smem:$0x3F95]  }
0x1a: {  	s8 =	sadd.s32 $0xFFFFE003, lr  }
0x1b: {  	s9 =	sadd.s32 $0xFFFFFEF7, lr;
	s5 =	simm.s32 $0xFFFFFFFF;
	p2 =	slt.u32 s8, $0xFFFFF086  }
0x1c: {  	p1 =	slt.u32 s9, $0xF7A;
	s5 =	simm.s32 @!p2 $0x0  }
0x1d: {  	s5 =	simm.s32 @p1 $0x1;
	p0 =	seq.s32 s7, s2  }
0x1e: {  	s7 =	smul.u32 @!p0 $0xF7A, s2;
	p2 =	seq.s32 @!p0 s5, $0x0  }
0x1f: {  	s9 =	smul.u32 $0xF7A, s1;
	s8 =	simm.s32 @!p0 $0x1BF5;
	p2 =	por !p2, p0  }
0x20: {  	[sflag:s8] =	ssyncset.s32 @!p0 $0xFFFFF086;
	s6 =	sadd.s32 @!p0 s3, s7;
	s7 =	simm.s32 @!p0 $0x108  }
0x21: {  	s3 =	sadd.s32 s3, s9;
	s6 =	sadd.s32 @!p0 $0x88, s6;
	s7 =	simm.s32 @p2 $0x1082  }
0x22: {  	[simem:s7], [sflag:s8] =	dma.local @!p0 [hbm:s6], $0xF7A  }
0x23: {  	s9 =	sor.u32 $0xD0000000, s2;
	s6 =	simm.s32 $0x108;
	_ =	swait.ge @!p0 [sflag:s8], $0x0  }
0x24: {  	s3 =	sadd.s32 $0x88, s3;
	s6 =	simm.s32 @!p1 $0x1082;
	[sflag:s4] =	ssyncset.s32 $0xFFFFF086  }
0x25: {  	[simem:s6], [sflag:s4] =	dma.local [hbm:s3], $0xF7A  }
0x26: {  	[smem:$0x3F95] =	sst s1;
	(tag) =	ssettag s2;
	_ =	strace s9  }
0x27: {  	s1 =	sld [smem:$0x3FA5]  }
0x28: {  	s2 =	sld [smem:$0x3FA6]  }
0x29: {  	s4 =	sld [smem:$0x3FA8]  }
0x2a: {  	p0 =	seq.s32 s5, $0x0;
	s5 =	sld [smem:$0x3FA9]  }
0x2b: {  	s6 =	sld [smem:$0x3FAA]  }
0x2c: {  	s7 =	sld [smem:$0x3FAB]  }
0x2d: {  	s3 =	simm.s32 $0x108;
	s8 =	sld [smem:$0x3FAC]  }
0x2e: {  	s3 =	simm.s32 @!p0 $0x1082;
	s9 =	sld [smem:$0x3FAD]  }
0x2f: {  	lr =	sadd.s32 s0, s3;
	s0 =	sld [smem:$0x3FA4]  }
0x30: {  	s3 =	sld [smem:$0x3FA7]  }
0x31: {  	[smem:$0x3FB0] =	sst s10  }
0x32: {  	s10 =	sld [smem:$0x3FAE];
	_ =	sdelay $0x3  }
0x33: {  	p0 =	seq.s32 s10, $0x1;
	s10 =	sld [smem:$0x3FB0];
	_ =	sdelay $0x3  }
0x34: {  	[smem:$0x3FB0] =	sst s10  }
0x35: {  	s10 =	sld [smem:$0x3FAF];
	_ =	sdelay $0x3  }
0x36: {  	p1 =	seq.s32 s10, $0x1;
	s10 =	sld [smem:$0x3FB0];
	_ =	sdelay $0x3  }
0x37: {  	[smem:$0x3FB0] =	sst s10  }
0x38: {  	s10 =	sld [smem:$0x3FB1]  }
0x39: {  	_ = 	snop;
	(pc) =	sbr.ind lr, $3  }
0x3a: {  	_ = 	snop  }
0x3b: {  	_ = 	snop  }
0x3c: {  	p2 =	seq.s32 s10, $0x1;
	s10 =	sld [smem:$0x3FB0]  }
0x3d: {  	_ =	shalt  }
0x3e: {  	_ =	shalt  }
0x3f: {  	_ =	shalt  }
0x40: {  	_ =	shalt  }
0x41: {  	_ =	shalt  }
0x42: {  	_ =	shalt  }
0x43: {  	_ =	shalt  }
0x44: {  	_ =	shalt  }
0x45: {  	_ =	shalt  }
0x46: {  	_ =	shalt  }
0x47: {  	_ =	shalt  }
0x48: {  	_ =	shalt  }
0x49: {  	_ =	shalt  }
0x4a: {  	_ =	shalt  }
0x4b: {  	_ =	shalt  }
0x4c: {  	_ =	shalt  }
0x4d: {  	_ =	shalt  }
0x4e: {  	_ =	shalt  }
0x4f: {  	_ =	shalt  }
0x50: {  	_ =	shalt  }
0x51: {  	_ =	shalt  }
0x52: {  	_ =	shalt  }
0x53: {  	_ =	shalt  }
0x54: {  	_ =	shalt  }
0x55: {  	_ =	shalt  }
0x56: {  	_ =	shalt  }
0x57: {  	_ =	shalt  }
0x58: {  	_ =	shalt  }
0x59: {  	_ =	shalt  }
0x5a: {  	_ =	shalt  }
0x5b: {  	_ =	shalt  }
0x5c: {  	_ =	shalt  }
0x5d: {  	_ =	shalt  }
0x5e: {  	_ =	shalt  }
0x5f: {  	_ =	shalt  }
0x60: {  	_ =	shalt  }
0x61: {  	_ =	shalt  }
0x62: {  	_ =	shalt  }
0x63: {  	_ =	shalt  }
0x64: {  	_ =	shalt  }
0x65: {  	_ =	shalt  }
0x66: {  	_ =	shalt  }
0x67: {  	_ =	shalt  }
0x68: {  	_ =	shalt  }
0x69: {  	_ =	shalt  }
0x6a: {  	_ =	shalt  }
0x6b: {  	_ =	shalt  }
0x6c: {  	_ =	shalt  }
0x6d: {  	_ =	shalt  }
0x6e: {  	_ =	shalt  }
0x6f: {  	_ =	shalt  }
0x70: {  	_ =	shalt  }
0x71: {  	_ =	shalt  }
0x72: {  	_ =	shalt  }
0x73: {  	_ =	shalt  }
0x74: {  	_ =	shalt  }
0x75: {  	_ =	shalt  }
0x76: {  	_ =	shalt  }
0x77: {  	_ =	shalt  }
0x78: {  	_ =	shalt  }
0x79: {  	_ =	shalt  }
0x7a: {  	_ =	shalt  }
0x7b: {  	_ =	shalt  }
0x7c: {  	_ =	shalt  }
0x7d: {  	_ =	shalt  }
0x7e: {  	_ =	shalt  }
0x7f: {  	_ =	shalt  }
0x80: {  	_ =	shalt  }
0x81: {  	_ =	shalt  }
0x82: {  	_ =	shalt  }
0x83: {  	_ =	shalt  }
0x84: {  	_ =	shalt  }
0x85: {  	_ =	shalt  }
0x86: {  	_ =	shalt  }
0x87: {  	_ =	shalt  }
.Lfunc_end0:
.L_simem_size_0:
called_computation.2_lowered:
.L_overlay_start_0:
0x88: {  	s2 =	sld [smem:$0x3FD9]  }
0x89: {  	s3 =	sld [smem:$0x3FFE];
	_ =	sdelay $0x1  }
0x8a: {  	s1 =	srdreg.scid  }
0x8b: {  	s0 =	sand.u32 $0x1, s1  }
0x8c: {  	s17 =	sshll.u32 s0, $0xA;
	s2 =	sadd.s32 s3, s2  }
0x8d: {  	s2 =	sadd.s32 s2, s17  }
0x8e: {  	[smem:$0x3FBC] =	sst s2  }
0x8f: {  	_ = 	snop  }
0x90: {  	(tm) =	ssettm $0x1  }
0x91: {  	s18 =	sld [smem:$0x3FFB];
	_ =	sdelay $0x3  }
0x92: {  	_ =	strace s18  }
0x93: {  	s2 =	sld [smem:$0x3FFC];
	_ =	sdelay $0x3  }
0x94: {  	_ =	strace s2  }
0x95: {  	s2 =	sld [smem:$0x3FFD];
	_ =	sdelay $0x3  }
0x96: {  	_ =	strace s2  }
0x97: {  	_ =	strace $0x8FFFFFFF  }
0x98: {  	s19 =	sld [smem:$0x3FDB];
	_ =	sdelay $0x1  }
0x99: {  	s20 =	simm.s32 $_scs_section_size  }
0x9a: {  	s4 =	simm.s32 $_size__tile_overlayer_lowered;
	s5 =	simm.s32 $_tile_overlayer_lowered  }
0x9b: {  	s6 =	simm.s32 $0x1BFF;
	s21 =	sshll.u32 s5, $0x1;
	s3 =	sadd.s32 s20, s19  }
0x9c: {  	s22 =	simm.s32 $0x0;
	s4 =	sshll.u32 s4, $0x1;
	s5 =	sadd.s32 s21, s3  }
0x9d: {  	[timem:s22], [sflag:s6] =	dma.local [hbm:s5], s4  }
0x9e: {  	_ =	swait.ge [sflag:s6], s4  }
0x9f: {  	s4 =	ssub.s32 $0x0, s4;
	[sflag:s6] =	ssyncset.done $0x0  }
0xa0: {  	[sflag:s6] =	ssyncadd.s32 s4;
	_ =	sdelay $0x1  }
0xa1: {  	s23 =	simm.s32 $0x1B8B  }
0xa2: {  	_ =	swait.ge [sflag:s23], $0x1  }
0xa3: {  	[sflag:s23] =	ssyncset.done $0x0  }
0xa4: {  	[sflag:s23] =	ssyncadd.s32 $0xFFFFFFFF  }
0xa5: {  	s4 =	sld [smem:$0x0]  }
0xa6: {  	s5 =	sand.u32 $0xFFFFFFFE, s1  }
0xa7: {  	p0 =	sne.s32 s1, s5  }
0xa8: {  	s5 =	sshll.u32 @p0 s5, $0xE  }
0xa9: {  	s5 =	sadd.s32 @p0 $0x11B8D, s5;
	s6 =	sshll.u32 @p0 s4, $0x11  }
0xaa: {  	s5 =	sor.u32 @p0 s6, s5  }
0xab: {  	[sflag:s5] =	ssyncadd.remote.s32 @p0 $0x1;
	_ =	sdelay $0x1  }
0xac: {  	s5 =	simm.s32 @p0 $0x1B8D  }
0xad: {  	_ =	swait.eq @p0 [sflag:s5], $0x1  }
0xae: {  	[sflag:s5] =	ssyncadd.s32 @p0 $0xFFFFFFFF  }
0xaf: {  	s6 =	sshll.u32 @!p0 s1, $0xE  }
0xb0: {  	s6 =	sor.u32 @!p0 $0x4000, s6;
	s5 =	simm.s32 @!p0 $0x1B8D  }
0xb1: {  	s4 =	sshll.u32 @!p0 s4, $0x11;
	s6 =	sadd.s32 @!p0 $0x11B8D, s6;
	_ =	swait.eq @!p0 [sflag:s5], $0x1  }
0xb2: {  	s4 =	sor.u32 @!p0 s4, s6;
	[sflag:s5] =	ssyncadd.s32 @!p0 $0xFFFFFFFF  }
0xb3: {  	s25 =	simm.s32 $0x1B8E;
	s24 =	sld [smem:$0x3FFE];
	[sflag:s4] =	ssyncadd.remote.s32 @!p0 $0x1  }
0xb4: {  	s26 =	simm.s32 $execute0_lowered;
	[smem:$0x3FD2] =	sst s25  }
0xb5: {  	s5 =	sshll.u32 s26, $0x1;
	_ =	strace $0x8000004F;
	[dreg:$0x1] =	wrdreg $0xFFFFFFFF  }
0xb6: {  	s28 =	simm.s32 $_size_execute0_lowered;
	s3 =	sadd.s32 s3, s5;
	[dreg:$0x0] =	wrdreg $0x0  }
0xb7: {  	s5 =	sshll.u32 s28, $0x1;
	[dreg:$0x2] =	wrdreg s3  }
0xb8: {  	[dreg:$0x3] =	wrdreg s5  }
0xb9: {  	[dreg:$0x4] =	wrdreg $0xC0  }
0xba: {  	_ =	task [dreg:s22], $0x5FFFF  }
0xbb: {  	[dreg:$0x1] =	wrdreg $0xFFFFFFFF  }
0xbc: {  	[dreg:$0x0] =	wrdreg $0x60  }
0xbd: {  	[dreg:$0x2] =	wrdreg s24  }
0xbe: {  	[dreg:$0x3] =	wrdreg $0x68000  }
0xbf: {  	[dreg:$0x4] =	wrdreg $0xA  }
0xc0: {  	_ =	task.clear_ibuf [dreg:s22], $0x5FFFF;
	_ =	strace $0x9000004F  }
0xc1: {  	s29 =	simm.s32 $0xA;
	_ =	strace $0x80000051  }
0xc2: {  	_ =	swait.ge [sflag:s29], $0x1  }
0xc3: {  	[sflag:s29] =	ssyncadd.s32 $0xFFFFFFFF  }
0xc4: {  	_ =	strace $0x90000051  }
0xc5: {  	_ =	sfence  }
0xc6: {  	s30 =	sld [smem:$0x0];
	_ =	sdelay $0x2  }
0xc7: {  	s31 =	sshll.u32 s1, $0xD;
	s1 =	sshrl.u32 s1, $0x2  }
0xc8: {  	s4 =	sand.u32 $0x4000, s31;
	s1 =	sadd.s32 s1, s30  }
0xc9: {  	s0 =	sor.u32 s4, s0;
	s1 =	sshll.u32 s1, $0x11  }
0xca: {  	s0 =	sor.u32 s1, s0  }
0xcb: {  	s0 =	sadd.s32 $0x8F2B, s0  }
0xcc: {  	[sflag:s0] =	ssyncadd.remote.s32 $0x1  }
0xcd: {  	_ =	sfence.sel $0xFFFF  }
0xce: {  	[dreg:$0x0] =	wrdreg $0xFFFFFFFF;
	(pc) =	sbr.abs _section_cstart, $3  }
0xcf: {  	[dreg:$0x1] =	wrdreg $0xFFFFFFFF  }
0xd0: {  	_ =	task.clear_ibuf [dreg:s22], $0x2FFFF;
	_ =	strace $0x9FFFFFFF  }
0xd1: {  	(tm) =	ssettm $0x7FFFFFFF  }
tec
execute0_lowered:
.L_overlay_start_1:
0x0: {  	(tag) =	ssettag $0x1  }
0x1: {  	s5 =	rddreg [dreg:$0x0]  }
0x2: {  	s0 =	srdreg.scid;
	s2 =	rddreg [dreg:$0x1];
	s3 =	simm.s32 $0x0  }
0x3: {  	s12 =	simm.s32 $0x2800;
	s4 =	sand.u32 $0x1, s0;
	s0 =	stileid.u32  }
0x4: {  	s13 =	simm.s32 $0x0;
	[smem:$0x7FF] =	sst s3;
	s7 =	smul.u32 $0x14000, s0  }
0x5: {  	s1 =	sshll.u32 s4, $0x4;
	s8 =	smul.u32 $0x140000, s4;
	s4 =	ssub.s32 $0x2, s4  }
0x6: {  	s29 =	smul.u32 $0x50000, s0;
	s31 =	sshll.u32 s0, $0x6;
	s1 =	sor.u32 s0, s1  }
0x7: {  	s10 =	sshrl.u32 s4, $0x1;
	s6 =	smul.u32 $0x500, s1;
	s1 =	rddreg [dreg:$0x2]  }
0x8: {  	_ =	strace $0x80000050;
	s9 =	sshrl.u32 s7, $0x3;
	s7 =	sadd.s32 s7, s8  }
0x9: {  	s10 =	ssub.s32 s4, s10;
	s30 =	sshrl.u32 s29, $0x2;
	s8 =	simm.s32 $0x1  }
0xa: {  	s9 =	sadd.s32 s9, s5;
	s7 =	sshrl.u32 s7, $0x3;
	s11 =	sadd.s32 s30, s2  }
0xb: {  	s6 =	sadd.s32 s6, s5;
	s7 =	sadd.s32 s7, s5;
	s5 =	sadd.s32 $0x6A000, s9  }
0xc: {  	s9 =	sor.u32 $0x1C01, s31;
	s4 =	sadd.s32 $0x56000, s6;
	s6 =	sadd.s32 $0x159200, s7  }
0xd: {  	v0 =	vimm.f32 $1.000000000e+00;
	s7 =	smax.u32 s10, $0x1;
	s10 =	sshrl.u32 s11, $0x3;
	s11 =	simm.s32 $0x80  }
.LBB2_1:
0xe: {  	[tilespmem:s3], [sflag:$0x1] =	stream.linear.gather [hbm4b:s4+s3], $0x2800, $0x38;
	[tilespmem:$0x1A800] =	vst v63  }
0xf: {  	_ =	swait.ge [sflag:s8], $0x2800  }
0x10: {  	[sflag:s8] =	ssyncset.done $0x0  }
0x11: {  	s14 =	simm.s32 $0x0;
	s15 =	simm.s32 $0x200;
	[sflag:s8] =	ssyncadd.s32 $0xFFFFD800  }
.LBB2_2:
0x12: {  	p0 =	sne.s32 s15, $0xFE00;
	[tilespmem:s14+$0x2870] =	vst v0  }
0x13: {  	[tilespmem:s14+$0x2800] =	vst v0  }
0x14: {  	[tilespmem:s14+$0x2810] =	vst v0  }
.Ltmp0:
0x15: {  	[tilespmem:s14+$0x2820] =	vst v0;
	(pc) =	sbr.rel @p0 .LBB2_2-.Ltmp0, $4  }
0x16: {  	[tilespmem:s14+$0x2830] =	vst v0  }
0x17: {  	[tilespmem:s14+$0x2840] =	vst v0  }
0x18: {  	[tilespmem:s14+$0x2850] =	vst v0  }
0x19: {  	[tilespmem:s14+$0x2860] =	vst v0;
	s14 =	sshra.s32 s15, $0x2;
	s15 =	sadd.s32 $0x200, s15  }
0x1a: {  	[tilespmem:s14+$0x2870] =	vst v0  }
0x1b: {  	[tilespmem:s14+$0x2800] =	vst v0  }
0x1c: {  	[tilespmem:s14+$0x2810] =	vst v0  }
0x1d: {  	[tilespmem:s14+$0x2820] =	vst v0  }
0x1e: {  	[tilespmem:s14+$0x2830] =	vst v0  }
0x1f: {  	[tilespmem:s14+$0x2840] =	vst v0  }
0x20: {  	[tilespmem:s14+$0x2850] =	vst v0  }
0x21: {  	[tilespmem:s14+$0x2860] =	vst v0  }
0x22: {  	[spmem:s10], [sflag:s9] =	dma.local [hbm:s5], $0x2800  }
0x23: {  	_ =	swait.ge [sflag:s8], $0x2800  }
0x24: {  	[sflag:s8] =	ssyncset.done $0x0  }
0x25: {  	[sflag:s8] =	ssyncadd.s32 $0xFFFFD800  }
0x26: {  	s31 =	simm.s32 $0x0;
	[bflag:$0x0] =	sbarrier.arrive $0xFFFF  }
0x27: {  	[spmem:s2] =	stream.indirect.scatter.add.f32 [tilespmem:s12], [sflag:$0x1], $0x80, s31, s11, $0xb8;
	[tilespmem:$0x1A800] =	vst v63  }
0x28: {  	_ =	swait.ge [sflag:s8], $0x4000  }
0x29: {  	s14 =	simm.s32 $0x200;
	[sflag:s8] =	ssyncset.done $0x0  }
.LBB2_4:
0x2a: {  	s15 =	sshra.s32 s14, $0x2;
	[sflag:s8] =	ssyncadd.s32 $0xFFFFC000;
	p0 =	sne.s32 s14, $0x9E00  }
0x2b: {  	[spmem:s2] =	stream.indirect.scatter.add.f32 [tilespmem:s12], [sflag:$0x1], $0x80, s15, s11, $0xb8;
	[tilespmem:$0x1A800] =	vst v63  }
.Ltmp1:
0x2c: {  	_ = 	snop;
	(pc) =	sbr.rel @p0 .LBB2_4-.Ltmp1, $4  }
0x2d: {  	_ = 	snop  }
0x2e: {  	s14 =	sadd.s32 $0x200, s14  }
0x2f: {  	_ =	swait.ge [sflag:s8], $0x4000  }
0x30: {  	[sflag:s8] =	ssyncset.done $0x0  }
0x31: {  	s13 =	sadd.s32 $0x1, s13  }
0x32: {  	[sflag:s8] =	ssyncadd.s32 $0xFFFFC000;
	p0 =	sne.s32 s13, s7  }
.Ltmp2:
0x33: {  	[bflag:$0x0] =	sbarrier.arrive $0xFFFF;
	(pc) =	sbr.rel @p0 .LBB2_1-.Ltmp2, $4  }
0x34: {  	[hbm:s6], [sflag:s9] =	dma.local [spmem:s10], $0x2800  }
0x35: {  	_ =	swait.ge [sflag:s8], $0x2800  }
0x36: {  	[sflag:s8] =	ssyncset.done $0x0  }
0x37: {  	[sflag:s8] =	ssyncadd.s32 $0xFFFFD800  }
0x38: {  	_ =	sfence.sel $0x180000  }
0x39: {  	[bflag:$0x0] =	sbarrier.arrive $0xFFFF  }
0x3a: {  	p0 =	sne.s32 s0, $0x0;
	_ =	strace $0x90000050  }
0x3b: {  	s0 =	sadd.s32 @!p0 $0x100000, s1;
	[bflag:$0x2] =	sbarrier.arrive $0xFFFF  }
0x3c: {  	[sflag:s0] =	ssyncadd.tile.s32 @!p0 $0x1;
	_ =	shalt  }
.Lfunc_end2:
_tile_overlayer_lowered:
.L_overlay_start_2:
0x3d: {  	(tag) =	ssettag $0x2  }
0x3e: {  	s0 =	rddreg [dreg:$0x0];
	s2 =	stileid.u32  }
0x3f: {  	s1 =	rddreg [dreg:$0x1];
	p0 =	sne.s32 s2, $0x0  }
0x40: {  	s3 =	rddreg [dreg:$0x2];
	[bflag:$0x3] =	sbarrier.arrive $0xFFFF;
	s2 =	simm.s32 @!p0 $0x1C01  }
0x41: {  	[timem:s3], [sflag:s2] =	dma.local @!p0 [hbm:s0], s1  }
0x42: {  	s0 =	simm.s32 @!p0 $0x1  }
0x43: {  	_ =	swait.ge @!p0 [sflag:s0], s1  }
0x44: {  	s1 =	ssub.s32 @!p0 $0x0, s1;
	[sflag:s0] =	ssyncset.done @!p0 $0x0  }
0x45: {  	[sflag:s0] =	ssyncadd.s32 @!p0 s1  }
0x46: {  	[bflag:$0x3] =	sbarrier.arrive $0xFFFF  }
0x47: {  	_ =	shalt  }

// kernel: kernel.28.cloned.1.call-start
scs
__scs_entry_jumppad:
0x0: {  	(pc) =	sbr.rel $0x88, $3  }
0x1: {  	(tag) =	ssettag $0x0;
	lr =	simm.s32 $0x1  }
0x2: {  	[smem:$0x3F95] =	sst lr;
	_ =	strace $0xD0000000  }
0x3: {  	_ = 	snop  }
0x4: {  	_ = 	snop  }
0x5: {  	_ = 	snop  }
0x6: {  	_ = 	snop  }
0x7: {  	_ = 	snop  }
__scs_overlays_trampoline_lowered:
0x8: {  	[smem:$0x3FA4] =	sst s0  }
0x9: {  	[smem:$0x3FA5] =	sst s1  }
0xa: {  	[smem:$0x3FA6] =	sst s2  }
0xb: {  	[smem:$0x3FA7] =	sst s3  }
0xc: {  	[smem:$0x3FA8] =	sst s4  }
0xd: {  	[smem:$0x3FA9] =	sst s5  }
0xe: {  	[smem:$0x3FAA] =	sst s6  }
0xf: {  	[smem:$0x3FAB] =	sst s7  }
0x10: {  	[smem:$0x3FAC] =	sst s8  }
0x11: {  	[smem:$0x3FAD] =	sst s9;
	s0 =	simm.s32 @!p0 $0x0  }
0x12: {  	s1 =	sld [smem:$0x3F93];
	s0 =	simm.s32 @p0 $0x1  }
0x13: {  	[smem:$0x3FAE] =	sst s0;
	s0 =	simm.s32 @!p1 $0x0  }
0x14: {  	s2 =	sld [smem:$0x3F92];
	s0 =	simm.s32 @p1 $0x1  }
0x15: {  	[smem:$0x3FAF] =	sst s0;
	s0 =	simm.s32 @!p2 $0x0  }
0x16: {  	s3 =	sld [smem:$0x3FDB];
	s0 =	simm.s32 @p2 $0x1  }
0x17: {  	s4 =	simm.s32 $0x1BF5;
	[smem:$0x3FB1] =	sst s0  }
0x18: {  	s0 =	sld [smem:$0x3F94];
	_ =	swait.ge [sflag:s4], $0x0  }
0x19: {  	s7 =	sld [smem:$0x3F95]  }
0x1a: {  	s8 =	sadd.s32 $0xFFFFE003, lr  }
0x1b: {  	s9 =	sadd.s32 $0xFFFFFEF7, lr;
	s5 =	simm.s32 $0xFFFFFFFF;
	p2 =	slt.u32 s8, $0xFFFFF086  }
0x1c: {  	p1 =	slt.u32 s9, $0xF7A;
	s5 =	simm.s32 @!p2 $0x0  }
0x1d: {  	s5 =	simm.s32 @p1 $0x1;
	p0 =	seq.s32 s7, s2  }
0x1e: {  	s7 =	smul.u32 @!p0 $0xF7A, s2;
	p2 =	seq.s32 @!p0 s5, $0x0  }
0x1f: {  	s9 =	smul.u32 $0xF7A, s1;
	s8 =	simm.s32 @!p0 $0x1BF5;
	p2 =	por !p2, p0  }
0x20: {  	[sflag:s8] =	ssyncset.s32 @!p0 $0xFFFFF086;
	s6 =	sadd.s32 @!p0 s3, s7;
	s7 =	simm.s32 @!p0 $0x108  }
0x21: {  	s3 =	sadd.s32 s3, s9;
	s6 =	sadd.s32 @!p0 $0x88, s6;
	s7 =	simm.s32 @p2 $0x1082  }
0x22: {  	[simem:s7], [sflag:s8] =	dma.local @!p0 [hbm:s6], $0xF7A  }
0x23: {  	s9 =	sor.u32 $0xD0000000, s2;
	s6 =	simm.s32 $0x108;
	_ =	swait.ge @!p0 [sflag:s8], $0x0  }
0x24: {  	s3 =	sadd.s32 $0x88, s3;
	s6 =	simm.s32 @!p1 $0x1082;
	[sflag:s4] =	ssyncset.s32 $0xFFFFF086  }
0x25: {  	[simem:s6], [sflag:s4] =	dma.local [hbm:s3], $0xF7A  }
0x26: {  	[smem:$0x3F95] =	sst s1;
	(tag) =	ssettag s2;
	_ =	strace s9  }
0x27: {  	s1 =	sld [smem:$0x3FA5]  }
0x28: {  	s2 =	sld [smem:$0x3FA6]  }
0x29: {  	s4 =	sld [smem:$0x3FA8]  }
0x2a: {  	p0 =	seq.s32 s5, $0x0;
	s5 =	sld [smem:$0x3FA9]  }
0x2b: {  	s6 =	sld [smem:$0x3FAA]  }
0x2c: {  	s7 =	sld [smem:$0x3FAB]  }
0x2d: {  	s3 =	simm.s32 $0x108;
	s8 =	sld [smem:$0x3FAC]  }
0x2e: {  	s3 =	simm.s32 @!p0 $0x1082;
	s9 =	sld [smem:$0x3FAD]  }
0x2f: {  	lr =	sadd.s32 s0, s3;
	s0 =	sld [smem:$0x3FA4]  }
0x30: {  	s3 =	sld [smem:$0x3FA7]  }
0x31: {  	[smem:$0x3FB0] =	sst s10  }
0x32: {  	s10 =	sld [smem:$0x3FAE];
	_ =	sdelay $0x3  }
0x33: {  	p0 =	seq.s32 s10, $0x1;
	s10 =	sld [smem:$0x3FB0];
	_ =	sdelay $0x3  }
0x34: {  	[smem:$0x3FB0] =	sst s10  }
0x35: {  	s10 =	sld [smem:$0x3FAF];
	_ =	sdelay $0x3  }
0x36: {  	p1 =	seq.s32 s10, $0x1;
	s10 =	sld [smem:$0x3FB0];
	_ =	sdelay $0x3  }
0x37: {  	[smem:$0x3FB0] =	sst s10  }
0x38: {  	s10 =	sld [smem:$0x3FB1]  }
0x39: {  	_ = 	snop;
	(pc) =	sbr.ind lr, $3  }
0x3a: {  	_ = 	snop  }
0x3b: {  	_ = 	snop  }
0x3c: {  	p2 =	seq.s32 s10, $0x1;
	s10 =	sld [smem:$0x3FB0]  }
0x3d: {  	_ =	shalt  }
0x3e: {  	_ =	shalt  }
0x3f: {  	_ =	shalt  }
0x40: {  	_ =	shalt  }
0x41: {  	_ =	shalt  }
0x42: {  	_ =	shalt  }
0x43: {  	_ =	shalt  }
0x44: {  	_ =	shalt  }
0x45: {  	_ =	shalt  }
0x46: {  	_ =	shalt  }
0x47: {  	_ =	shalt  }
0x48: {  	_ =	shalt  }
0x49: {  	_ =	shalt  }
0x4a: {  	_ =	shalt  }
0x4b: {  	_ =	shalt  }
0x4c: {  	_ =	shalt  }
0x4d: {  	_ =	shalt  }
0x4e: {  	_ =	shalt  }
0x4f: {  	_ =	shalt  }
0x50: {  	_ =	shalt  }
0x51: {  	_ =	shalt  }
0x52: {  	_ =	shalt  }
0x53: {  	_ =	shalt  }
0x54: {  	_ =	shalt  }
0x55: {  	_ =	shalt  }
0x56: {  	_ =	shalt  }
0x57: {  	_ =	shalt  }
0x58: {  	_ =	shalt  }
0x59: {  	_ =	shalt  }
0x5a: {  	_ =	shalt  }
0x5b: {  	_ =	shalt  }
0x5c: {  	_ =	shalt  }
0x5d: {  	_ =	shalt  }
0x5e: {  	_ =	shalt  }
0x5f: {  	_ =	shalt  }
0x60: {  	_ =	shalt  }
0x61: {  	_ =	shalt  }
0x62: {  	_ =	shalt  }
0x63: {  	_ =	shalt  }
0x64: {  	_ =	shalt  }
0x65: {  	_ =	shalt  }
0x66: {  	_ =	shalt  }
0x67: {  	_ =	shalt  }
0x68: {  	_ =	shalt  }
0x69: {  	_ =	shalt  }
0x6a: {  	_ =	shalt  }
0x6b: {  	_ =	shalt  }
0x6c: {  	_ =	shalt  }
0x6d: {  	_ =	shalt  }
0x6e: {  	_ =	shalt  }
0x6f: {  	_ =	shalt  }
0x70: {  	_ =	shalt  }
0x71: {  	_ =	shalt  }
0x72: {  	_ =	shalt  }
0x73: {  	_ =	shalt  }
0x74: {  	_ =	shalt  }
0x75: {  	_ =	shalt  }
0x76: {  	_ =	shalt  }
0x77: {  	_ =	shalt  }
0x78: {  	_ =	shalt  }
0x79: {  	_ =	shalt  }
0x7a: {  	_ =	shalt  }
0x7b: {  	_ =	shalt  }
0x7c: {  	_ =	shalt  }
0x7d: {  	_ =	shalt  }
0x7e: {  	_ =	shalt  }
0x7f: {  	_ =	shalt  }
0x80: {  	_ =	shalt  }
0x81: {  	_ =	shalt  }
0x82: {  	_ =	shalt  }
0x83: {  	_ =	shalt  }
0x84: {  	_ =	shalt  }
0x85: {  	_ =	shalt  }
0x86: {  	_ =	shalt  }
0x87: {  	_ =	shalt  }
.Lfunc_end0:
.L_simem_size_0:
called_computation.3_lowered:
.L_overlay_start_0:
0x88: {  	s2 =	sld [smem:$0x3FD9]  }
0x89: {  	s3 =	sld [smem:$0x3FFE];
	_ =	sdelay $0x1  }
0x8a: {  	s1 =	srdreg.scid  }
0x8b: {  	s0 =	sand.u32 $0x1, s1  }
0x8c: {  	s16 =	sshll.u32 s0, $0xA;
	s2 =	sadd.s32 s3, s2  }
0x8d: {  	s2 =	sadd.s32 s2, s16  }
0x8e: {  	[smem:$0x3FBC] =	sst s2  }
0x8f: {  	_ = 	snop  }
0x90: {  	(tm) =	ssettm $0x1  }
0x91: {  	s17 =	sld [smem:$0x3FFB];
	_ =	sdelay $0x3  }
0x92: {  	_ =	strace s17  }
0x93: {  	s2 =	sld [smem:$0x3FFC];
	_ =	sdelay $0x3  }
0x94: {  	_ =	strace s2  }
0x95: {  	s2 =	sld [smem:$0x3FFD];
	_ =	sdelay $0x3  }
0x96: {  	_ =	strace s2  }
0x97: {  	_ =	strace $0x8FFFFFFF  }
0x98: {  	s18 =	sld [smem:$0x3FDB];
	_ =	sdelay $0x1  }
0x99: {  	s19 =	simm.s32 $_scs_section_size  }
0x9a: {  	s4 =	simm.s32 $_size__tile_overlayer_lowered;
	s5 =	simm.s32 $_tile_overlayer_lowered  }
0x9b: {  	s22 =	simm.s32 $0x1BFF;
	s21 =	sshll.u32 s5, $0x1;
	s2 =	sadd.s32 s19, s18  }
0x9c: {  	s6 =	simm.s32 $0x0;
	s20 =	sshll.u32 s4, $0x1;
	s4 =	sadd.s32 s21, s2  }
0x9d: {  	[timem:s6], [sflag:s22] =	dma.local [hbm:s4], s20  }
0x9e: {  	_ =	swait.ge [sflag:s22], s20  }
0x9f: {  	s3 =	ssub.s32 $0x0, s20;
	[sflag:s22] =	ssyncset.done $0x0  }
0xa0: {  	[sflag:s22] =	ssyncadd.s32 s3;
	_ =	sdelay $0x1  }
0xa1: {  	s23 =	simm.s32 $0x1B8B  }
0xa2: {  	_ =	swait.ge [sflag:s23], $0x1  }
0xa3: {  	[sflag:s23] =	ssyncset.done $0x0  }
0xa4: {  	s25 =	simm.s32 $0x1B8E;
	s24 =	sld [smem:$0x3FFE];
	[sflag:s23] =	ssyncadd.s32 $0xFFFFFFFF  }
0xa5: {  	s26 =	simm.s32 $execute0_lowered;
	[smem:$0x3FD2] =	sst s25  }
0xa6: {  	s4 =	sshll.u32 s26, $0x1;
	_ =	strace $0x80000046;
	[dreg:$0x1] =	wrdreg $0xFFFFFFFF  }
0xa7: {  	s28 =	simm.s32 $_size_execute0_lowered;
	s2 =	sadd.s32 s2, s4;
	[dreg:$0x0] =	wrdreg $0x0  }
0xa8: {  	s4 =	sshll.u32 s28, $0x1;
	[dreg:$0x2] =	wrdreg s2  }
0xa9: {  	[dreg:$0x3] =	wrdreg s4  }
0xaa: {  	[dreg:$0x4] =	wrdreg $0xC0  }
0xab: {  	_ =	task [dreg:s6], $0x5FFFF  }
0xac: {  	[dreg:$0x1] =	wrdreg $0xFFFFFFFF  }
0xad: {  	[dreg:$0x0] =	wrdreg $0x60  }
0xae: {  	[dreg:$0x2] =	wrdreg s24  }
0xaf: {  	[dreg:$0x3] =	wrdreg $0xA8000  }
0xb0: {  	[dreg:$0x4] =	wrdreg $0xB  }
0xb1: {  	_ =	task.clear_ibuf [dreg:s6], $0x5FFFF;
	_ =	strace $0x90000046  }
0xb2: {  	s29 =	simm.s32 $0xB;
	_ =	strace $0x80000048  }
0xb3: {  	_ =	swait.ge [sflag:s29], $0x1  }
0xb4: {  	[sflag:s29] =	ssyncadd.s32 $0xFFFFFFFF  }
0xb5: {  	_ =	strace $0x90000048  }
0xb6: {  	_ =	sfence  }
0xb7: {  	s30 =	sld [smem:$0x0];
	_ =	sdelay $0x2  }
0xb8: {  	s31 =	sshll.u32 s1, $0xD;
	s1 =	sshrl.u32 s1, $0x2  }
0xb9: {  	s3 =	sand.u32 $0x4000, s31;
	s1 =	sadd.s32 s1, s30  }
0xba: {  	s0 =	sor.u32 s3, s0;
	s1 =	sshll.u32 s1, $0x11  }
0xbb: {  	s0 =	sor.u32 s1, s0  }
0xbc: {  	s0 =	sadd.s32 $0x8F2B, s0  }
0xbd: {  	[sflag:s0] =	ssyncadd.remote.s32 $0x1  }
0xbe: {  	_ =	sfence.sel $0xFFFF  }
0xbf: {  	[dreg:$0x0] =	wrdreg $0xFFFFFFFF;
	(pc) =	sbr.abs _section_cstart, $3  }
0xc0: {  	[dreg:$0x1] =	wrdreg $0xFFFFFFFF  }
0xc1: {  	_ =	task.clear_ibuf [dreg:s6], $0x2FFFF;
	_ =	strace $0x9FFFFFFF  }
0xc2: {  	(tm) =	ssettm $0x7FFFFFFF  }
0xc3: {  	_ =	shalt  }
tec
execute0_lowered:
.L_overlay_start_1:
0x0: {  	(tag) =	ssettag $0x1  }
0x1: {  	s5 =	rddreg [dreg:$0x0]  }
0x2: {  	s2 =	rddreg [dreg:$0x1]  }
0x3: {  	s0 =	rddreg [dreg:$0x2];
	s3 =	simm.s32 $0x0;
	s1 =	stileid.u32  }
0x4: {  	s4 =	srdreg.scid;
	s17 =	simm.s32 $0x2800;
	s18 =	simm.s32 $0x6800  }
0x5: {  	s19 =	simm.s32 $0x1;
	s20 =	simm.s32 $0x2;
	s21 =	simm.s32 $0x0  }
0x6: {  	[smem:$0x7FF] =	sst s3;
	s6 =	smul.u32 $0x14000, s1;
	s7 =	sand.u32 $0x1, s4  }
0x7: {  	s4 =	sadd.s32 $0x6E00, s5;
	s9 =	sadd.s32 $0x38000, s5;
	s11 =	sadd.s32 $0x2E000, s5  }
0x8: {  	s25 =	smul.u32 $0x50000, s1;
	s13 =	sshll.u32 s1, $0x1;
	s28 =	sshll.u32 s1, $0x6  }
0x9: {  	_ =	strace $0x80000047;
	s8 =	smul.u32 $0x140000, s7;
	s12 =	sshll.u32 s7, $0x5  }
0xa: {  	s7 =	ssub.s32 $0x2, s7;
	s10 =	sshrl.u32 s6, $0x3;
	s12 =	sor.u32 s13, s12  }
0xb: {  	s26 =	sshrl.u32 s7, $0x1;
	s10 =	sadd.s32 s10, s5;
	s6 =	sadd.s32 s6, s8  }
0xc: {  	s8 =	sshrl.u32 s25, $0x2;
	s14 =	smul.u32 $0x1400, s12;
	s13 =	ssub.s32 s7, s26  }
0xd: {  	s29 =	smul.u32 $0x280, s12;
	s6 =	sshrl.u32 s6, $0x3;
	s16 =	sadd.s32 s8, s2  }
0xe: {  	s12 =	smax.u32 s13, $0x1;
	s15 =	sadd.s32 s6, s5;
	s30 =	sshrl.u32 s14, $0x3  }
0xf: {  	s5 =	sadd.s32 $0x6A000, s10;
	s6 =	sor.u32 $0x1C03, s28;
	s7 =	sadd.s32 s9, s29  }
0x10: {  	s8 =	sadd.s32 s11, s29;
	s13 =	sshrl.u32 s16, $0x3;
	s31 =	sadd.s32 $0x280, s30  }
0x11: {  	s14 =	simm.s32 $0x3;
	s16 =	simm.s32 $0x80;
	s9 =	sadd.s32 s9, s31  }
0x12: {  	s10 =	sadd.s32 s11, s31;
	s11 =	sadd.s32 $0x92000, s15;
	s15 =	simm.s32 $0x1400  }
.LBB2_1:
0x13: {  	[spmem:s13], [sflag:s6] =	dma.local [hbm:s5], $0x2800  }
0x14: {  	_ =	swait.ge [sflag:s14], $0x2800  }
0x15: {  	[sflag:s14] =	ssyncset.done $0x0  }
0x16: {  	[sflag:s14] =	ssyncadd.s32 $0xFFFFD800  }
0x17: {  	[bflag:$0x0] =	sbarrier.arrive $0xFFFF  }
0x18: {  	[tilespmem:s3], [sflag:$0x3] =	stream.linear.gather [hbm4b:s7+s3], $0x1400, $0x38;
	[tilespmem:$0x1E800] =	vst v63  }
0x19: {  	_ =	swait.ge [sflag:s14], $0x1400  }
0x1a: {  	[sflag:s14] =	ssyncset.done $0x0  }
0x1b: {  	[sflag:s14] =	ssyncadd.s32 $0xFFFFEC00  }
0x1c: {  	[tilespmem:s15], [sflag:$0x3] =	stream.linear.gather [hbm4b:s8+s3], $0x1400, $0x38;
	[tilespmem:$0x1E800] =	vst v63  }
0x1d: {  	_ =	swait.ge [sflag:s14], $0x1400  }
0x1e: {  	[sflag:s14] =	ssyncset.done $0x0  }
0x1f: {  	s22 =	simm.s32 $0x0;
	[sflag:s14] =	ssyncadd.s32 $0xFFFFEC00  }
0x20: {  	[tilespmem:s17], [sflag:$0x1] =	stream.indirect.gather [hbm4b:s4+s16], $0x80, s22, s16, $0xb8;
	[tilespmem:$0x1E800] =	vst v63  }
0x21: {  	s29 =	simm.s32 $0x80  }
0x22: {  	[tilespmem:s18], [sflag:$0x2] =	stream.indirect.gather [hbm4b:s4+s16], $0x80, s29, s16, $0xb8;
	[tilespmem:$0x1E800] =	vst v63  }
0x23: {  	_ =	swait.ge [sflag:s19], $0x4000  }
0x24: {  	[sflag:s19] =	ssyncset.done $0x0  }
0x25: {  	s30 =	simm.s32 $0x1400;
	[sflag:s19] =	ssyncadd.s32 $0xFFFFC000  }
0x26: {  	[spmem:s2] =	stream.indirect.scatter.add.f32 [tilespmem:s17], [sflag:$0x3], $0x80, s30, s16, $0xb8;
	[tilespmem:$0x1E800] =	vst v63  }
0x27: {  	_ =	swait.ge [sflag:s14], $0x4000  }
0x28: {  	[sflag:s14] =	ssyncset.done $0x0  }
0x29: {  	[sflag:s14] =	ssyncadd.s32 $0xFFFFC000  }
0x2a: {  	_ =	swait.ge [sflag:s20], $0x4000  }
0x2b: {  	[sflag:s20] =	ssyncset.done $0x0  }
0x2c: {  	s31 =	simm.s32 $0x1480;
	[sflag:s20] =	ssyncadd.s32 $0xFFFFC000  }
0x2d: {  	[spmem:s2] =	stream.indirect.scatter.add.f32 [tilespmem:s18], [sflag:$0x3], $0x80, s31, s16, $0xb8;
	[tilespmem:$0x1E800] =	vst v63  }
0x2e: {  	_ =	swait.ge [sflag:s14], $0x4000  }
0x2f: {  	s23 =	simm.s32 $0x800;
	s22 =	simm.s32 $0x400;
	[sflag:s14] =	ssyncset.done $0x0  }
.LBB2_2:
0x30: {  	s24 =	sshra.s32 s22, $0x2  }
0x31: {  	[sflag:s14] =	ssyncadd.s32 $0xFFFFC000;
	s22 =	smov.u32 s23;
	s25 =	sadd.s32 $0x400, s23  }
0x32: {  	[tilespmem:s17], [sflag:$0x1] =	stream.indirect.gather [hbm4b:s4+s16], $0x80, s24, s16, $0xb8;
	[tilespmem:$0x1E800] =	vst v63  }
0x33: {  	p0 =	sne.s32 s23, $0x4C00;
	s23 =	sadd.s32 $0x80, s24  }
0x34: {  	[tilespmem:s18], [sflag:$0x2] =	stream.indirect.gather [hbm4b:s4+s16], $0x80, s23, s16, $0xb8;
	[tilespmem:$0x1E800] =	vst v63  }
0x35: {  	_ =	swait.ge [sflag:s19], $0x4000  }
0x36: {  	[sflag:s19] =	ssyncset.done $0x0  }
0x37: {  	s23 =	sadd.s32 $0x1400, s24;
	[sflag:s19] =	ssyncadd.s32 $0xFFFFC000  }
0x38: {  	[spmem:s2] =	stream.indirect.scatter.add.f32 [tilespmem:s17], [sflag:$0x3], $0x80, s23, s16, $0xb8;
	[tilespmem:$0x1E800] =	vst v63  }
0x39: {  	_ =	swait.ge [sflag:s14], $0x4000  }
0x3a: {  	[sflag:s14] =	ssyncset.done $0x0  }
0x3b: {  	[sflag:s14] =	ssyncadd.s32 $0xFFFFC000  }
0x3c: {  	_ =	swait.ge [sflag:s20], $0x4000  }
.Ltmp0:
0x3d: {  	[sflag:s20] =	ssyncset.done $0x0;
	(pc) =	sbr.rel @p0 .LBB2_2-.Ltmp0, $4  }
0x3e: {  	s23 =	sadd.s32 $0x1480, s24;
	[sflag:s20] =	ssyncadd.s32 $0xFFFFC000  }
0x3f: {  	[spmem:s2] =	stream.indirect.scatter.add.f32 [tilespmem:s18], [sflag:$0x3], $0x80, s23, s16, $0xb8;
	[tilespmem:$0x1E800] =	vst v63  }
0x40: {  	_ =	swait.ge [sflag:s14], $0x4000  }
0x41: {  	s23 =	smov.u32 s25;
	[sflag:s14] =	ssyncset.done $0x0  }
0x42: {  	s22 =	sshra.s32 s22, $0x2;
	[sflag:s14] =	ssyncadd.s32 $0xFFFFC000  }
0x43: {  	[tilespmem:s17], [sflag:$0x1] =	stream.indirect.gather [hbm4b:s4+s16], $0x80, s22, s16, $0xb8;
	[tilespmem:$0x1E800] =	vst v63  }
0x44: {  	s23 =	sadd.s32 $0x80, s22  }
0x45: {  	[tilespmem:s18], [sflag:$0x2] =	stream.indirect.gather [hbm4b:s4+s16], $0x80, s23, s16, $0xb8;
	[tilespmem:$0x1E800] =	vst v63  }
0x46: {  	_ =	swait.ge [sflag:s19], $0x4000  }
0x47: {  	[sflag:s19] =	ssyncset.done $0x0  }
0x48: {  	s25 =	sadd.s32 $0x1400, s22;
	[sflag:s19] =	ssyncadd.s32 $0xFFFFC000  }
0x49: {  	[spmem:s2] =	stream.indirect.scatter.add.f32 [tilespmem:s17], [sflag:$0x3], $0x80, s25, s16, $0xb8;
	[tilespmem:$0x1E800] =	vst v63  }
0x4a: {  	_ =	swait.ge [sflag:s14], $0x4000  }
0x4b: {  	[sflag:s14] =	ssyncset.done $0x0  }
0x4c: {  	[sflag:s14] =	ssyncadd.s32 $0xFFFFC000  }
0x4d: {  	_ =	swait.ge [sflag:s20], $0x4000  }
0x4e: {  	[sflag:s20] =	ssyncset.done $0x0  }
0x4f: {  	s22 =	sadd.s32 $0x1480, s22;
	[sflag:s20] =	ssyncadd.s32 $0xFFFFC000  }
0x50: {  	[spmem:s2] =	stream.indirect.scatter.add.f32 [tilespmem:s18], [sflag:$0x3], $0x80, s22, s16, $0xb8;
	[tilespmem:$0x1E800] =	vst v63  }
0x51: {  	_ =	swait.ge [sflag:s14], $0x4000  }
0x52: {  	[sflag:s14] =	ssyncset.done $0x0  }
0x53: {  	s26 =	simm.s32 $0x0;
	[sflag:s14] =	ssyncadd.s32 $0xFFFFC000  }
0x54: {  	[tilespmem:s26], [sflag:$0x3] =	stream.linear.gather [hbm4b:s9+s26], $0x1400, $0x38;
	[tilespmem:$0x1E800] =	vst v63  }
0x55: {  	_ =	swait.ge [sflag:s14], $0x1400  }
0x56: {  	[sflag:s14] =	ssyncset.done $0x0  }
0x57: {  	[sflag:s14] =	ssyncadd.s32 $0xFFFFEC00  }
0x58: {  	[tilespmem:s15], [sflag:$0x3] =	stream.linear.gather [hbm4b:s10+s26], $0x1400, $0x38;
	[tilespmem:$0x1E800] =	vst v63  }
0x59: {  	_ =	swait.ge [sflag:s14], $0x1400  }
0x5a: {  	[sflag:s14] =	ssyncset.done $0x0  }
0x5b: {  	s28 =	simm.s32 $0x0;
	[sflag:s14] =	ssyncadd.s32 $0xFFFFEC00  }
0x5c: {  	[tilespmem:s17], [sflag:$0x1] =	stream.indirect.gather [hbm4b:s4+s16], $0x80, s28, s16, $0xb8;
	[tilespmem:$0x1E800] =	vst v63  }
0x5d: {  	s29 =	simm.s32 $0x80  }
0x5e: {  	[tilespmem:s18], [sflag:$0x2] =	stream.indirect.gather [hbm4b:s4+s16], $0x80, s29, s16, $0xb8;
	[tilespmem:$0x1E800] =	vst v63  }
0x5f: {  	_ =	swait.ge [sflag:s19], $0x4000  }
0x60: {  	[sflag:s19] =	ssyncset.done $0x0  }
0x61: {  	s30 =	simm.s32 $0x1400;
	[sflag:s19] =	ssyncadd.s32 $0xFFFFC000  }
0x62: {  	[spmem:s2] =	stream.indirect.scatter.add.f32 [tilespmem:s17], [sflag:$0x3], $0x80, s30, s16, $0xb8;
	[tilespmem:$0x1E800] =	vst v63  }
0x63: {  	_ =	swait.ge [sflag:s14], $0x4000  }
0x64: {  	[sflag:s14] =	ssyncset.done $0x0  }
0x65: {  	[sflag:s14] =	ssyncadd.s32 $0xFFFFC000  }
0x66: {  	_ =	swait.ge [sflag:s20], $0x4000  }
0x67: {  	[sflag:s20] =	ssyncset.done $0x0  }
0x68: {  	s31 =	simm.s32 $0x1480;
	[sflag:s20] =	ssyncadd.s32 $0xFFFFC000  }
0x69: {  	[spmem:s2] =	stream.indirect.scatter.add.f32 [tilespmem:s18], [sflag:$0x3], $0x80, s31, s16, $0xb8;
	[tilespmem:$0x1E800] =	vst v63  }
0x6a: {  	_ =	swait.ge [sflag:s14], $0x4000  }
0x6b: {  	s23 =	simm.s32 $0x800;
	s22 =	simm.s32 $0x400;
	[sflag:s14] =	ssyncset.done $0x0  }
.LBB2_4:
0x6c: {  	s24 =	sshra.s32 s22, $0x2  }
0x6d: {  	[sflag:s14] =	ssyncadd.s32 $0xFFFFC000;
	s22 =	smov.u32 s23;
	s25 =	sadd.s32 $0x400, s23  }
0x6e: {  	[tilespmem:s17], [sflag:$0x1] =	stream.indirect.gather [hbm4b:s4+s16], $0x80, s24, s16, $0xb8;
	[tilespmem:$0x1E800] =	vst v63  }
0x6f: {  	p0 =	sne.s32 s23, $0x4C00;
	s23 =	sadd.s32 $0x80, s24  }
0x70: {  	[tilespmem:s18], [sflag:$0x2] =	stream.indirect.gather [hbm4b:s4+s16], $0x80, s23, s16, $0xb8;
	[tilespmem:$0x1E800] =	vst v63  }
0x71: {  	_ =	swait.ge [sflag:s19], $0x4000  }
0x72: {  	[sflag:s19] =	ssyncset.done $0x0  }
0x73: {  	s23 =	sadd.s32 $0x1400, s24;
	[sflag:s19] =	ssyncadd.s32 $0xFFFFC000  }
0x74: {  	[spmem:s2] =	stream.indirect.scatter.add.f32 [tilespmem:s17], [sflag:$0x3], $0x80, s23, s16, $0xb8;
	[tilespmem:$0x1E800] =	vst v63  }
0x75: {  	_ =	swait.ge [sflag:s14], $0x4000  }
0x76: {  	[sflag:s14] =	ssyncset.done $0x0  }
0x77: {  	[sflag:s14] =	ssyncadd.s32 $0xFFFFC000  }
0x78: {  	_ =	swait.ge [sflag:s20], $0x4000  }
.Ltmp1:
0x79: {  	[sflag:s20] =	ssyncset.done $0x0;
	(pc) =	sbr.rel @p0 .LBB2_4-.Ltmp1, $4  }
0x7a: {  	s23 =	sadd.s32 $0x1480, s24;
	[sflag:s20] =	ssyncadd.s32 $0xFFFFC000  }
0x7b: {  	[spmem:s2] =	stream.indirect.scatter.add.f32 [tilespmem:s18], [sflag:$0x3], $0x80, s23, s16, $0xb8;
	[tilespmem:$0x1E800] =	vst v63  }
0x7c: {  	_ =	swait.ge [sflag:s14], $0x4000  }
0x7d: {  	s23 =	smov.u32 s25;
	[sflag:s14] =	ssyncset.done $0x0  }
0x7e: {  	s22 =	sshra.s32 s22, $0x2;
	[sflag:s14] =	ssyncadd.s32 $0xFFFFC000  }
0x7f: {  	[tilespmem:s17], [sflag:$0x1] =	stream.indirect.gather [hbm4b:s4+s16], $0x80, s22, s16, $0xb8;
	[tilespmem:$0x1E800] =	vst v63  }
0x80: {  	s23 =	sadd.s32 $0x80, s22  }
0x81: {  	[tilespmem:s18], [sflag:$0x2] =	stream.indirect.gather [hbm4b:s4+s16], $0x80, s23, s16, $0xb8;
	[tilespmem:$0x1E800] =	vst v63  }
0x82: {  	_ =	swait.ge [sflag:s19], $0x4000  }
0x83: {  	[sflag:s19] =	ssyncset.done $0x0  }
0x84: {  	s31 =	sadd.s32 $0x1400, s22;
	[sflag:s19] =	ssyncadd.s32 $0xFFFFC000  }
0x85: {  	[spmem:s2] =	stream.indirect.scatter.add.f32 [tilespmem:s17], [sflag:$0x3], $0x80, s31, s16, $0xb8;
	[tilespmem:$0x1E800] =	vst v63  }
0x86: {  	_ =	swait.ge [sflag:s14], $0x4000  }
0x87: {  	[sflag:s14] =	ssyncset.done $0x0  }
0x88: {  	[sflag:s14] =	ssyncadd.s32 $0xFFFFC000  }
0x89: {  	_ =	swait.ge [sflag:s20], $0x4000  }
0x8a: {  	[sflag:s20] =	ssyncset.done $0x0  }
0x8b: {  	s22 =	sadd.s32 $0x1480, s22;
	[sflag:s20] =	ssyncadd.s32 $0xFFFFC000  }
0x8c: {  	[spmem:s2] =	stream.indirect.scatter.add.f32 [tilespmem:s18], [sflag:$0x3], $0x80, s22, s16, $0xb8;
	[tilespmem:$0x1E800] =	vst v63  }
0x8d: {  	_ =	swait.ge [sflag:s14], $0x4000  }
0x8e: {  	s21 =	sadd.s32 $0x1, s21;
	[sflag:s14] =	ssyncset.done $0x0  }
0x8f: {  	p0 =	sne.s32 s21, s12;
	[sflag:s14] =	ssyncadd.s32 $0xFFFFC000  }
.Ltmp2:
0x90: {  	[bflag:$0x0] =	sbarrier.arrive $0xFFFF;
	(pc) =	sbr.rel @p0 .LBB2_1-.Ltmp2, $4  }
0x91: {  	[hbm:s11], [sflag:s6] =	dma.local [spmem:s13], $0x2800  }
0x92: {  	_ =	swait.ge [sflag:s14], $0x2800  }
0x93: {  	[sflag:s14] =	ssyncset.done $0x0  }
0x94: {  	[sflag:s14] =	ssyncadd.s32 $0xFFFFD800  }
0x95: {  	_ =	sfence.sel $0x180000  }
0x96: {  	[bflag:$0x0] =	sbarrier.arrive $0xFFFF  }
0x97: {  	p0 =	sne.s32 s1, $0x0;
	_ =	strace $0x90000047  }
0x98: {  	s0 =	sadd.s32 @!p0 $0x100000, s0;
	[bflag:$0x2] =	sbarrier.arrive $0xFFFF  }
0x99: {  	[sflag:s0] =	ssyncadd.tile.s32 @!p0 $0x1;
	_ =	shalt  }
.Lfunc_end2:
_tile_overlayer_lowered:
.L_overlay_start_2:
0x9a: {  	(tag) =	ssettag $0x2  }
0x9b: {  	s0 =	rddreg [dreg:$0x0];
	s2 =	stileid.u32  }
0x9c: {  	s1 =	rddreg [dreg:$0x1];
	p0 =	sne.s32 s2, $0x0  }
0x9d: {  	s3 =	rddreg [dreg:$0x2];
	[bflag:$0x3] =	sbarrier.arrive $0xFFFF;
	s2 =	simm.s32 @!p0 $0x1C03  }
0x9e: {  	[timem:s3], [sflag:s2] =	dma.local @!p0 [hbm:s0], s1  }
0x9f: {  	s0 =	simm.s32 @!p0 $0x3  }
0xa0: {  	_ =	swait.ge @!p0 [sflag:s0], s1  }
0xa1: {  	s1 =	ssub.s32 @!p0 $0x0, s1;
	[sflag:s0] =	ssyncset.done @!p0 $0x0  }
0xa2: {  	[sflag:s0] =	ssyncadd.s32 @!p0 s1  }
0xa3: {  	[bflag:$0x3] =	sbarrier.arrive $0xFFFF  }
0xa4: {  	_ =	shalt  }

// kernel: kernel.31.cloned.1.call-start
scs
__scs_entry_jumppad:
0x0: {  	(pc) =	sbr.rel $0x88, $3  }
0x1: {  	(tag) =	ssettag $0x0;
	lr =	simm.s32 $0x1  }
0x2: {  	[smem:$0x3F95] =	sst lr;
	_ =	strace $0xD0000000  }
0x3: {  	_ = 	snop  }
0x4: {  	_ = 	snop  }
0x5: {  	_ = 	snop  }
0x6: {  	_ = 	snop  }
0x7: {  	_ = 	snop  }
__scs_overlays_trampoline_lowered:
0x8: {  	[smem:$0x3FA4] =	sst s0  }
0x9: {  	[smem:$0x3FA5] =	sst s1  }
0xa: {  	[smem:$0x3FA6] =	sst s2  }
0xb: {  	[smem:$0x3FA7] =	sst s3  }
0xc: {  	[smem:$0x3FA8] =	sst s4  }
0xd: {  	[smem:$0x3FA9] =	sst s5  }
0xe: {  	[smem:$0x3FAA] =	sst s6  }
0xf: {  	[smem:$0x3FAB] =	sst s7  }
0x10: {  	[smem:$0x3FAC] =	sst s8  }
0x11: {  	[smem:$0x3FAD] =	sst s9;
	s0 =	simm.s32 @!p0 $0x0  }
0x12: {  	s1 =	sld [smem:$0x3F93];
	s0 =	simm.s32 @p0 $0x1  }
0x13: {  	[smem:$0x3FAE] =	sst s0;
	s0 =	simm.s32 @!p1 $0x0  }
0x14: {  	s2 =	sld [smem:$0x3F92];
	s0 =	simm.s32 @p1 $0x1  }
0x15: {  	[smem:$0x3FAF] =	sst s0;
	s0 =	simm.s32 @!p2 $0x0  }
0x16: {  	s3 =	sld [smem:$0x3FDB];
	s0 =	simm.s32 @p2 $0x1  }
0x17: {  	s4 =	simm.s32 $0x1BF5;
	[smem:$0x3FB1] =	sst s0  }
0x18: {  	s0 =	sld [smem:$0x3F94];
	_ =	swait.ge [sflag:s4], $0x0  }
0x19: {  	s7 =	sld [smem:$0x3F95]  }
0x1a: {  	s8 =	sadd.s32 $0xFFFFE003, lr  }
0x1b: {  	s9 =	sadd.s32 $0xFFFFFEF7, lr;
	s5 =	simm.s32 $0xFFFFFFFF;
	p2 =	slt.u32 s8, $0xFFFFF086  }
0x1c: {  	p1 =	slt.u32 s9, $0xF7A;
	s5 =	simm.s32 @!p2 $0x0  }
0x1d: {  	s5 =	simm.s32 @p1 $0x1;
	p0 =	seq.s32 s7, s2  }
0x1e: {  	s7 =	smul.u32 @!p0 $0xF7A, s2;
	p2 =	seq.s32 @!p0 s5, $0x0  }
0x1f: {  	s9 =	smul.u32 $0xF7A, s1;
	s8 =	simm.s32 @!p0 $0x1BF5;
	p2 =	por !p2, p0  }
0x20: {  	[sflag:s8] =	ssyncset.s32 @!p0 $0xFFFFF086;
	s6 =	sadd.s32 @!p0 s3, s7;
	s7 =	simm.s32 @!p0 $0x108  }
0x21: {  	s3 =	sadd.s32 s3, s9;
	s6 =	sadd.s32 @!p0 $0x88, s6;
	s7 =	simm.s32 @p2 $0x1082  }
0x22: {  	[simem:s7], [sflag:s8] =	dma.local @!p0 [hbm:s6], $0xF7A  }
0x23: {  	s9 =	sor.u32 $0xD0000000, s2;
	s6 =	simm.s32 $0x108;
	_ =	swait.ge @!p0 [sflag:s8], $0x0  }
0x24: {  	s3 =	sadd.s32 $0x88, s3;
	s6 =	simm.s32 @!p1 $0x1082;
	[sflag:s4] =	ssyncset.s32 $0xFFFFF086  }
0x25: {  	[simem:s6], [sflag:s4] =	dma.local [hbm:s3], $0xF7A  }
0x26: {  	[smem:$0x3F95] =	sst s1;
	(tag) =	ssettag s2;
	_ =	strace s9  }
0x27: {  	s1 =	sld [smem:$0x3FA5]  }
0x28: {  	s2 =	sld [smem:$0x3FA6]  }
0x29: {  	s4 =	sld [smem:$0x3FA8]  }
0x2a: {  	p0 =	seq.s32 s5, $0x0;
	s5 =	sld [smem:$0x3FA9]  }
0x2b: {  	s6 =	sld [smem:$0x3FAA]  }
0x2c: {  	s7 =	sld [smem:$0x3FAB]  }
0x2d: {  	s3 =	simm.s32 $0x108;
	s8 =	sld [smem:$0x3FAC]  }
0x2e: {  	s3 =	simm.s32 @!p0 $0x1082;
	s9 =	sld [smem:$0x3FAD]  }
0x2f: {  	lr =	sadd.s32 s0, s3;
	s0 =	sld [smem:$0x3FA4]  }
0x30: {  	s3 =	sld [smem:$0x3FA7]  }
0x31: {  	[smem:$0x3FB0] =	sst s10  }
0x32: {  	s10 =	sld [smem:$0x3FAE];
	_ =	sdelay $0x3  }
0x33: {  	p0 =	seq.s32 s10, $0x1;
	s10 =	sld [smem:$0x3FB0];
	_ =	sdelay $0x3  }
0x34: {  	[smem:$0x3FB0] =	sst s10  }
0x35: {  	s10 =	sld [smem:$0x3FAF];
	_ =	sdelay $0x3  }
0x36: {  	p1 =	seq.s32 s10, $0x1;
	s10 =	sld [smem:$0x3FB0];
	_ =	sdelay $0x3  }
0x37: {  	[smem:$0x3FB0] =	sst s10  }
0x38: {  	s10 =	sld [smem:$0x3FB1]  }
0x39: {  	_ = 	snop;
	(pc) =	sbr.ind lr, $3  }
0x3a: {  	_ = 	snop  }
0x3b: {  	_ = 	snop  }
0x3c: {  	p2 =	seq.s32 s10, $0x1;
	s10 =	sld [smem:$0x3FB0]  }
0x3d: {  	_ =	shalt  }
0x3e: {  	_ =	shalt  }
0x3f: {  	_ =	shalt  }
0x40: {  	_ =	shalt  }
0x41: {  	_ =	shalt  }
0x42: {  	_ =	shalt  }
0x43: {  	_ =	shalt  }
0x44: {  	_ =	shalt  }
0x45: {  	_ =	shalt  }
0x46: {  	_ =	shalt  }
0x47: {  	_ =	shalt  }
0x48: {  	_ =	shalt  }
0x49: {  	_ =	shalt  }
0x4a: {  	_ =	shalt  }
0x4b: {  	_ =	shalt  }
0x4c: {  	_ =	shalt  }
0x4d: {  	_ =	shalt  }
0x4e: {  	_ =	shalt  }
0x4f: {  	_ =	shalt  }
0x50: {  	_ =	shalt  }
0x51: {  	_ =	shalt  }
0x52: {  	_ =	shalt  }
0x53: {  	_ =	shalt  }
0x54: {  	_ =	shalt  }
0x55: {  	_ =	shalt  }
0x56: {  	_ =	shalt  }
0x57: {  	_ =	shalt  }
0x58: {  	_ =	shalt  }
0x59: {  	_ =	shalt  }
0x5a: {  	_ =	shalt  }
0x5b: {  	_ =	shalt  }
0x5c: {  	_ =	shalt  }
0x5d: {  	_ =	shalt  }
0x5e: {  	_ =	shalt  }
0x5f: {  	_ =	shalt  }
0x60: {  	_ =	shalt  }
0x61: {  	_ =	shalt  }
0x62: {  	_ =	shalt  }
0x63: {  	_ =	shalt  }
0x64: {  	_ =	shalt  }
0x65: {  	_ =	shalt  }
0x66: {  	_ =	shalt  }
0x67: {  	_ =	shalt  }
0x68: {  	_ =	shalt  }
0x69: {  	_ =	shalt  }
0x6a: {  	_ =	shalt  }
0x6b: {  	_ =	shalt  }
0x6c: {  	_ =	shalt  }
0x6d: {  	_ =	shalt  }
0x6e: {  	_ =	shalt  }
0x6f: {  	_ =	shalt  }
0x70: {  	_ =	shalt  }
0x71: {  	_ =	shalt  }
0x72: {  	_ =	shalt  }
0x73: {  	_ =	shalt  }
0x74: {  	_ =	shalt  }
0x75: {  	_ =	shalt  }
0x76: {  	_ =	shalt  }
0x77: {  	_ =	shalt  }
0x78: {  	_ =	shalt  }
0x79: {  	_ =	shalt  }
0x7a: {  	_ =	shalt  }
0x7b: {  	_ =	shalt  }
0x7c: {  	_ =	shalt  }
0x7d: {  	_ =	shalt  }
0x7e: {  	_ =	shalt  }
0x7f: {  	_ =	shalt  }
0x80: {  	_ =	shalt  }
0x81: {  	_ =	shalt  }
0x82: {  	_ =	shalt  }
0x83: {  	_ =	shalt  }
0x84: {  	_ =	shalt  }
0x85: {  	_ =	shalt  }
0x86: {  	_ =	shalt  }
0x87: {  	_ =	shalt  }
.Lfunc_end0:
.L_simem_size_0:
called_computation.4_lowered:
.L_overlay_start_0:
0x88: {  	s2 =	sld [smem:$0x3FD9]  }
0x89: {  	s3 =	sld [smem:$0x3FFE];
	_ =	sdelay $0x1  }
0x8a: {  	s1 =	srdreg.scid  }
0x8b: {  	s0 =	sand.u32 $0x1, s1  }
0x8c: {  	s17 =	sshll.u32 s0, $0xA;
	s2 =	sadd.s32 s3, s2  }
0x8d: {  	s2 =	sadd.s32 s2, s17  }
0x8e: {  	[smem:$0x3FBC] =	sst s2  }
0x8f: {  	_ = 	snop  }
0x90: {  	s18 =	sld [smem:$0x3FD0];
	(tm) =	ssettm $0x1  }
0x91: {  	s19 =	sld [smem:$0x3FFB];
	_ =	sdelay $0x3  }
0x92: {  	_ =	strace s19  }
0x93: {  	s2 =	sld [smem:$0x3FFC];
	_ =	sdelay $0x3  }
0x94: {  	_ =	strace s2  }
0x95: {  	s2 =	sld [smem:$0x3FFD];
	_ =	sdelay $0x3  }
0x96: {  	_ =	strace s2  }
0x97: {  	_ =	strace $0x8FFFFFFF  }
0x98: {  	s20 =	sld [smem:$0x3FDB];
	_ =	sdelay $0x1  }
0x99: {  	s4 =	simm.s32 $_scs_section_size  }
0x9a: {  	s5 =	simm.s32 $_size__tile_overlayer_lowered;
	s6 =	simm.s32 $_tile_overlayer_lowered  }
0x9b: {  	s7 =	simm.s32 $0x1BFF;
	s21 =	sshll.u32 s6, $0x1;
	s4 =	sadd.s32 s4, s20  }
0x9c: {  	s22 =	simm.s32 $0x0;
	s5 =	sshll.u32 s5, $0x1;
	s6 =	sadd.s32 s21, s4  }
0x9d: {  	[timem:s22], [sflag:s7] =	dma.local [hbm:s6], s5  }
0x9e: {  	_ =	swait.ge [sflag:s7], s5  }
0x9f: {  	s5 =	ssub.s32 $0x0, s5;
	[sflag:s7] =	ssyncset.done $0x0  }
0xa0: {  	[sflag:s7] =	ssyncadd.s32 s5;
	_ =	sdelay $0x1  }
0xa1: {  	s23 =	simm.s32 $0x1B8B  }
0xa2: {  	_ =	swait.ge [sflag:s23], $0x1  }
0xa3: {  	[sflag:s23] =	ssyncset.done $0x0  }
0xa4: {  	[sflag:s23] =	ssyncadd.s32 $0xFFFFFFFF  }
0xa5: {  	s5 =	sld [smem:$0x0]  }
0xa6: {  	s6 =	sand.u32 $0xFFFFFFFE, s1  }
0xa7: {  	p0 =	sne.s32 s1, s6  }
0xa8: {  	s6 =	sshll.u32 @p0 s6, $0xE  }
0xa9: {  	s6 =	sadd.s32 @p0 $0x11B8D, s6;
	s7 =	sshll.u32 @p0 s5, $0x11  }
0xaa: {  	s6 =	sor.u32 @p0 s7, s6  }
0xab: {  	[sflag:s6] =	ssyncadd.remote.s32 @p0 $0x1;
	_ =	sdelay $0x1  }
0xac: {  	s6 =	simm.s32 @p0 $0x1B8D  }
0xad: {  	_ =	swait.eq @p0 [sflag:s6], $0x1  }
0xae: {  	[sflag:s6] =	ssyncadd.s32 @p0 $0xFFFFFFFF  }
0xaf: {  	s7 =	sshll.u32 @!p0 s1, $0xE  }
0xb0: {  	s7 =	sor.u32 @!p0 $0x4000, s7;
	s6 =	simm.s32 @!p0 $0x1B8D  }
0xb1: {  	s5 =	sshll.u32 @!p0 s5, $0x11;
	s7 =	sadd.s32 @!p0 $0x11B8D, s7;
	_ =	swait.eq @!p0 [sflag:s6], $0x1  }
0xb2: {  	s5 =	sor.u32 @!p0 s5, s7;
	[sflag:s6] =	ssyncadd.s32 @!p0 $0xFFFFFFFF  }
0xb3: {  	s25 =	simm.s32 $0x1B8E;
	s24 =	sld [smem:$0x3FFE];
	[sflag:s5] =	ssyncadd.remote.s32 @!p0 $0x1  }
0xb4: {  	s26 =	simm.s32 $execute0_lowered;
	[smem:$0x3FD2] =	sst s25  }
0xb5: {  	s6 =	sshll.u32 s26, $0x1;
	_ =	strace $0x8000004C;
	[dreg:$0x1] =	wrdreg $0xFFFFFFFF  }
0xb6: {  	s28 =	simm.s32 $_size_execute0_lowered;
	s4 =	sadd.s32 s4, s6;
	[dreg:$0x0] =	wrdreg $0x0  }
0xb7: {  	s6 =	sshll.u32 s28, $0x1;
	[dreg:$0x2] =	wrdreg s4  }
0xb8: {  	[dreg:$0x3] =	wrdreg s6  }
0xb9: {  	[dreg:$0x4] =	wrdreg $0xC0  }
0xba: {  	_ =	task [dreg:s22], $0x5FFFF  }
0xbb: {  	[dreg:$0x1] =	wrdreg $0xFFFFFFFF  }
0xbc: {  	[dreg:$0x0] =	wrdreg $0x60  }
0xbd: {  	[dreg:$0x2] =	wrdreg s24  }
0xbe: {  	[dreg:$0x3] =	wrdreg s18  }
0xbf: {  	[dreg:$0x4] =	wrdreg $0xA8000  }
0xc0: {  	[dreg:$0x5] =	wrdreg $0xC  }
0xc1: {  	_ =	task.clear_ibuf [dreg:s22], $0x6FFFF;
	_ =	strace $0x9000004C  }
0xc2: {  	s29 =	simm.s32 $0xC;
	_ =	strace $0x8000004E  }
0xc3: {  	_ =	swait.ge [sflag:s29], $0x1  }
0xc4: {  	[sflag:s29] =	ssyncadd.s32 $0xFFFFFFFF  }
0xc5: {  	_ =	strace $0x9000004E  }
0xc6: {  	_ =	sfence  }
0xc7: {  	s30 =	sld [smem:$0x0];
	_ =	sdelay $0x2  }
0xc8: {  	s31 =	sshll.u32 s1, $0xD;
	s1 =	sshrl.u32 s1, $0x2  }
0xc9: {  	s4 =	sand.u32 $0x4000, s31;
	s1 =	sadd.s32 s1, s30  }
0xca: {  	s0 =	sor.u32 s4, s0;
	s1 =	sshll.u32 s1, $0x11  }
0xcb: {  	s0 =	sor.u32 s1, s0  }
0xcc: {  	s0 =	sadd.s32 $0x8F2B, s0  }
0xcd: {  	[sflag:s0] =	ssyncadd.remote.s32 $0x1  }
0xce: {  	_ =	sfence.sel $0xFFFF  }
0xcf: {  	[dreg:$0x0] =	wrdreg $0xFFFFFFFF;
	(pc) =	sbr.abs _section_cstart, $3  }
0xd0: {  	[dreg:$0x1] =	wrdreg $0xFFFFFFFF  }
0xd1: {  	_ =	task.clear_ibuf [dreg:s22], $0x2FFFF;
	_ =	strace $0x9FFFFFFF  }
0xd2: {  	(tm) =	ssettm $0x7FFFFFFF  }
0xd3: {  	_ =	shalt  }
tec
execute0_lowered:
.L_overlay_start_1:
0x0: {  	(tag) =	ssettag $0x1  }
0x1: {  	s5 =	rddreg [dreg:$0x0]  }
0x2: {  	s11 =	rddreg [dreg:$0x1]  }
0x3: {  	s1 =	rddreg [dreg:$0x2]  }
0x4: {  	s0 =	rddreg [dreg:$0x3];
	s3 =	simm.s32 $0x0  }
0x5: {  	s2 =	stileid.u32;
	s6 =	srdreg.scid;
	s17 =	simm.s32 $0x2800  }
0x6: {  	s18 =	simm.s32 $0x6800;
	s19 =	simm.s32 $0x1;
	s20 =	simm.s32 $0x2  }
0x7: {  	s21 =	simm.s32 $0x0;
	[smem:$0x7FF] =	sst s3;
	s4 =	sadd.s32 $0x132000, s5  }
0x8: {  	s8 =	smul.u32 $0x14000, s2;
	s9 =	sadd.s32 $0x60000, s5;
	s10 =	sadd.s32 $0x56000, s5  }
0x9: {  	s6 =	sand.u32 $0x1, s6;
	s13 =	sshll.u32 s2, $0x1;
	s15 =	smul.u32 $0x50000, s2  }
0xa: {  	s30 =	sshll.u32 s2, $0x6;
	_ =	strace $0x8000004D;
	s12 =	sshll.u32 s6, $0x5  }
0xb: {  	s14 =	ssub.s32 $0x2, s6;
	s16 =	smul.u32 $0x140000, s6;
	s6 =	sor.u32 $0x1C03, s30  }
0xc: {  	s7 =	sshrl.u32 s8, $0x3;
	s12 =	sor.u32 s13, s12;
	s28 =	sshrl.u32 s14, $0x1  }
0xd: {  	s29 =	sshrl.u32 s15, $0x2;
	s5 =	sadd.s32 s7, s5;
	s13 =	smul.u32 $0x280, s12  }
0xe: {  	s14 =	ssub.s32 s14, s28;
	s12 =	smul.u32 $0x1400, s12;
	s16 =	sadd.s32 s8, s16  }
0xf: {  	s15 =	sadd.s32 s29, s1;
	s5 =	sadd.s32 $0x6A000, s5;
	s31 =	sshrl.u32 s16, $0x3  }
0x10: {  	s16 =	simm.s32 $0x80;
	s12 =	sshrl.u32 s12, $0x3;
	s7 =	sadd.s32 s9, s13  }
0x11: {  	s8 =	sadd.s32 s10, s13;
	s11 =	sadd.s32 s11, s31;
	s12 =	sadd.s32 $0x280, s12  }
0x12: {  	s13 =	sshrl.u32 s15, $0x3;
	s15 =	simm.s32 $0x1400;
	s9 =	sadd.s32 s9, s12  }
0x13: {  	s10 =	sadd.s32 s10, s12;
	s12 =	smax.u32 s14, $0x1;
	s14 =	simm.s32 $0x3  }
.LBB2_1:
0x14: {  	[spmem:s13], [sflag:s6] =	dma.local [hbm:s5], $0x2800  }
0x15: {  	_ =	swait.ge [sflag:s14], $0x2800  }
0x16: {  	[sflag:s14] =	ssyncset.done $0x0  }
0x17: {  	[sflag:s14] =	ssyncadd.s32 $0xFFFFD800  }
0x18: {  	[bflag:$0x0] =	sbarrier.arrive $0xFFFF  }
0x19: {  	[tilespmem:s3], [sflag:$0x3] =	stream.linear.gather [hbm4b:s7+s3], $0x1400, $0x38;
	[tilespmem:$0x1E800] =	vst v63  }
0x1a: {  	_ =	swait.ge [sflag:s14], $0x1400  }
0x1b: {  	[sflag:s14] =	ssyncset.done $0x0  }
0x1c: {  	[sflag:s14] =	ssyncadd.s32 $0xFFFFEC00  }
0x1d: {  	[tilespmem:s15], [sflag:$0x3] =	stream.linear.gather [hbm4b:s8+s3], $0x1400, $0x38;
	[tilespmem:$0x1E800] =	vst v63  }
0x1e: {  	_ =	swait.ge [sflag:s14], $0x1400  }
0x1f: {  	[sflag:s14] =	ssyncset.done $0x0  }
0x20: {  	s22 =	simm.s32 $0x0;
	[sflag:s14] =	ssyncadd.s32 $0xFFFFEC00  }
0x21: {  	[tilespmem:s17], [sflag:$0x1] =	stream.indirect.gather [hbm4b:s4+s16], $0x80, s22, s16, $0xb8;
	[tilespmem:$0x1E800] =	vst v63  }
0x22: {  	s29 =	simm.s32 $0x80  }
0x23: {  	[tilespmem:s18], [sflag:$0x2] =	stream.indirect.gather [hbm4b:s4+s16], $0x80, s29, s16, $0xb8;
	[tilespmem:$0x1E800] =	vst v63  }
0x24: {  	_ =	swait.ge [sflag:s19], $0x4000  }
0x25: {  	[sflag:s19] =	ssyncset.done $0x0  }
0x26: {  	s30 =	simm.s32 $0x1400;
	[sflag:s19] =	ssyncadd.s32 $0xFFFFC000  }
0x27: {  	[spmem:s1] =	stream.indirect.scatter.add.f32 [tilespmem:s17], [sflag:$0x3], $0x80, s30, s16, $0xb8;
	[tilespmem:$0x1E800] =	vst v63  }
0x28: {  	_ =	swait.ge [sflag:s14], $0x4000  }
0x29: {  	[sflag:s14] =	ssyncset.done $0x0  }
0x2a: {  	[sflag:s14] =	ssyncadd.s32 $0xFFFFC000  }
0x2b: {  	_ =	swait.ge [sflag:s20], $0x4000  }
0x2c: {  	[sflag:s20] =	ssyncset.done $0x0  }
0x2d: {  	s31 =	simm.s32 $0x1480;
	[sflag:s20] =	ssyncadd.s32 $0xFFFFC000  }
0x2e: {  	[spmem:s1] =	stream.indirect.scatter.add.f32 [tilespmem:s18], [sflag:$0x3], $0x80, s31, s16, $0xb8;
	[tilespmem:$0x1E800] =	vst v63  }
0x2f: {  	_ =	swait.ge [sflag:s14], $0x4000  }
0x30: {  	s23 =	simm.s32 $0x800;
	s22 =	simm.s32 $0x400;
	[sflag:s14] =	ssyncset.done $0x0  }
.LBB2_2:
0x31: {  	s24 =	sshra.s32 s22, $0x2  }
0x32: {  	[sflag:s14] =	ssyncadd.s32 $0xFFFFC000;
	s22 =	smov.u32 s23;
	s25 =	sadd.s32 $0x400, s23  }
0x33: {  	[tilespmem:s17], [sflag:$0x1] =	stream.indirect.gather [hbm4b:s4+s16], $0x80, s24, s16, $0xb8;
	[tilespmem:$0x1E800] =	vst v63  }
0x34: {  	p0 =	sne.s32 s23, $0x4C00;
	s23 =	sadd.s32 $0x80, s24  }
0x35: {  	[tilespmem:s18], [sflag:$0x2] =	stream.indirect.gather [hbm4b:s4+s16], $0x80, s23, s16, $0xb8;
	[tilespmem:$0x1E800] =	vst v63  }
0x36: {  	_ =	swait.ge [sflag:s19], $0x4000  }
0x37: {  	[sflag:s19] =	ssyncset.done $0x0  }
0x38: {  	s23 =	sadd.s32 $0x1400, s24;
	[sflag:s19] =	ssyncadd.s32 $0xFFFFC000  }
0x39: {  	[spmem:s1] =	stream.indirect.scatter.add.f32 [tilespmem:s17], [sflag:$0x3], $0x80, s23, s16, $0xb8;
	[tilespmem:$0x1E800] =	vst v63  }
0x3a: {  	_ =	swait.ge [sflag:s14], $0x4000  }
0x3b: {  	[sflag:s14] =	ssyncset.done $0x0  }
0x3c: {  	[sflag:s14] =	ssyncadd.s32 $0xFFFFC000  }
0x3d: {  	_ =	swait.ge [sflag:s20], $0x4000  }
.Ltmp0:
0x3e: {  	[sflag:s20] =	ssyncset.done $0x0;
	(pc) =	sbr.rel @p0 .LBB2_2-.Ltmp0, $4  }
0x3f: {  	s23 =	sadd.s32 $0x1480, s24;
	[sflag:s20] =	ssyncadd.s32 $0xFFFFC000  }
0x40: {  	[spmem:s1] =	stream.indirect.scatter.add.f32 [tilespmem:s18], [sflag:$0x3], $0x80, s23, s16, $0xb8;
	[tilespmem:$0x1E800] =	vst v63  }
0x41: {  	_ =	swait.ge [sflag:s14], $0x4000  }
0x42: {  	s23 =	smov.u32 s25;
	[sflag:s14] =	ssyncset.done $0x0  }
0x43: {  	s22 =	sshra.s32 s22, $0x2;
	[sflag:s14] =	ssyncadd.s32 $0xFFFFC000  }
0x44: {  	[tilespmem:s17], [sflag:$0x1] =	stream.indirect.gather [hbm4b:s4+s16], $0x80, s22, s16, $0xb8;
	[tilespmem:$0x1E800] =	vst v63  }
0x45: {  	s23 =	sadd.s32 $0x80, s22  }
0x46: {  	[tilespmem:s18], [sflag:$0x2] =	stream.indirect.gather [hbm4b:s4+s16], $0x80, s23, s16, $0xb8;
	[tilespmem:$0x1E800] =	vst v63  }
0x47: {  	_ =	swait.ge [sflag:s19], $0x4000  }
0x48: {  	[sflag:s19] =	ssyncset.done $0x0  }
0x49: {  	s25 =	sadd.s32 $0x1400, s22;
	[sflag:s19] =	ssyncadd.s32 $0xFFFFC000  }
0x4a: {  	[spmem:s1] =	stream.indirect.scatter.add.f32 [tilespmem:s17], [sflag:$0x3], $0x80, s25, s16, $0xb8;
	[tilespmem:$0x1E800] =	vst v63  }
0x4b: {  	_ =	swait.ge [sflag:s14], $0x4000  }
0x4c: {  	[sflag:s14] =	ssyncset.done $0x0  }
0x4d: {  	[sflag:s14] =	ssyncadd.s32 $0xFFFFC000  }
0x4e: {  	_ =	swait.ge [sflag:s20], $0x4000  }
0x4f: {  	[sflag:s20] =	ssyncset.done $0x0  }
0x50: {  	s22 =	sadd.s32 $0x1480, s22;
	[sflag:s20] =	ssyncadd.s32 $0xFFFFC000  }
0x51: {  	[spmem:s1] =	stream.indirect.scatter.add.f32 [tilespmem:s18], [sflag:$0x3], $0x80, s22, s16, $0xb8;
	[tilespmem:$0x1E800] =	vst v63  }
0x52: {  	_ =	swait.ge [sflag:s14], $0x4000  }
0x53: {  	[sflag:s14] =	ssyncset.done $0x0  }
0x54: {  	s26 =	simm.s32 $0x0;
	[sflag:s14] =	ssyncadd.s32 $0xFFFFC000  }
0x55: {  	[tilespmem:s26], [sflag:$0x3] =	stream.linear.gather [hbm4b:s9+s26], $0x1400, $0x38;
	[tilespmem:$0x1E800] =	vst v63  }
0x56: {  	_ =	swait.ge [sflag:s14], $0x1400  }
0x57: {  	[sflag:s14] =	ssyncset.done $0x0  }
0x58: {  	[sflag:s14] =	ssyncadd.s32 $0xFFFFEC00  }
0x59: {  	[tilespmem:s15], [sflag:$0x3] =	stream.linear.gather [hbm4b:s10+s26], $0x1400, $0x38;
	[tilespmem:$0x1E800] =	vst v63  }
0x5a: {  	_ =	swait.ge [sflag:s14], $0x1400  }
0x5b: {  	[sflag:s14] =	ssyncset.done $0x0  }
0x5c: {  	s28 =	simm.s32 $0x0;
	[sflag:s14] =	ssyncadd.s32 $0xFFFFEC00  }
0x5d: {  	[tilespmem:s17], [sflag:$0x1] =	stream.indirect.gather [hbm4b:s4+s16], $0x80, s28, s16, $0xb8;
	[tilespmem:$0x1E800] =	vst v63  }
0x5e: {  	s29 =	simm.s32 $0x80  }
0x5f: {  	[tilespmem:s18], [sflag:$0x2] =	stream.indirect.gather [hbm4b:s4+s16], $0x80, s29, s16, $0xb8;
	[tilespmem:$0x1E800] =	vst v63  }
0x60: {  	_ =	swait.ge [sflag:s19], $0x4000  }
0x61: {  	[sflag:s19] =	ssyncset.done $0x0  }
0x62: {  	s30 =	simm.s32 $0x1400;
	[sflag:s19] =	ssyncadd.s32 $0xFFFFC000  }
0x63: {  	[spmem:s1] =	stream.indirect.scatter.add.f32 [tilespmem:s17], [sflag:$0x3], $0x80, s30, s16, $0xb8;
	[tilespmem:$0x1E800] =	vst v63  }
0x64: {  	_ =	swait.ge [sflag:s14], $0x4000  }
0x65: {  	[sflag:s14] =	ssyncset.done $0x0  }
0x66: {  	[sflag:s14] =	ssyncadd.s32 $0xFFFFC000  }
0x67: {  	_ =	swait.ge [sflag:s20], $0x4000  }
0x68: {  	[sflag:s20] =	ssyncset.done $0x0  }
0x69: {  	s31 =	simm.s32 $0x1480;
	[sflag:s20] =	ssyncadd.s32 $0xFFFFC000  }
0x6a: {  	[spmem:s1] =	stream.indirect.scatter.add.f32 [tilespmem:s18], [sflag:$0x3], $0x80, s31, s16, $0xb8;
	[tilespmem:$0x1E800] =	vst v63  }
0x6b: {  	_ =	swait.ge [sflag:s14], $0x4000  }
0x6c: {  	s23 =	simm.s32 $0x800;
	s22 =	simm.s32 $0x400;
	[sflag:s14] =	ssyncset.done $0x0  }
.LBB2_4:
0x6d: {  	s24 =	sshra.s32 s22, $0x2  }
0x6e: {  	[sflag:s14] =	ssyncadd.s32 $0xFFFFC000;
	s22 =	smov.u32 s23;
	s25 =	sadd.s32 $0x400, s23  }
0x6f: {  	[tilespmem:s17], [sflag:$0x1] =	stream.indirect.gather [hbm4b:s4+s16], $0x80, s24, s16, $0xb8;
	[tilespmem:$0x1E800] =	vst v63  }
0x70: {  	p0 =	sne.s32 s23, $0x4C00;
	s23 =	sadd.s32 $0x80, s24  }
0x71: {  	[tilespmem:s18], [sflag:$0x2] =	stream.indirect.gather [hbm4b:s4+s16], $0x80, s23, s16, $0xb8;
	[tilespmem:$0x1E800] =	vst v63  }
0x72: {  	_ =	swait.ge [sflag:s19], $0x4000  }
0x73: {  	[sflag:s19] =	ssyncset.done $0x0  }
0x74: {  	s23 =	sadd.s32 $0x1400, s24;
	[sflag:s19] =	ssyncadd.s32 $0xFFFFC000  }
0x75: {  	[spmem:s1] =	stream.indirect.scatter.add.f32 [tilespmem:s17], [sflag:$0x3], $0x80, s23, s16, $0xb8;
	[tilespmem:$0x1E800] =	vst v63  }
0x76: {  	_ =	swait.ge [sflag:s14], $0x4000  }
0x77: {  	[sflag:s14] =	ssyncset.done $0x0  }
0x78: {  	[sflag:s14] =	ssyncadd.s32 $0xFFFFC000  }
0x79: {  	_ =	swait.ge [sflag:s20], $0x4000  }
.Ltmp1:
0x7a: {  	[sflag:s20] =	ssyncset.done $0x0;
	(pc) =	sbr.rel @p0 .LBB2_4-.Ltmp1, $4  }
0x7b: {  	s23 =	sadd.s32 $0x1480, s24;
	[sflag:s20] =	ssyncadd.s32 $0xFFFFC000  }
0x7c: {  	[spmem:s1] =	stream.indirect.scatter.add.f32 [tilespmem:s18], [sflag:$0x3], $0x80, s23, s16, $0xb8;
	[tilespmem:$0x1E800] =	vst v63  }
0x7d: {  	_ =	swait.ge [sflag:s14], $0x4000  }
0x7e: {  	s23 =	smov.u32 s25;
	[sflag:s14] =	ssyncset.done $0x0  }
0x7f: {  	s22 =	sshra.s32 s22, $0x2;
	[sflag:s14] =	ssyncadd.s32 $0xFFFFC000  }
0x80: {  	[tilespmem:s17], [sflag:$0x1] =	stream.indirect.gather [hbm4b:s4+s16], $0x80, s22, s16, $0xb8;
	[tilespmem:$0x1E800] =	vst v63  }
0x81: {  	s23 =	sadd.s32 $0x80, s22  }
0x82: {  	[tilespmem:s18], [sflag:$0x2] =	stream.indirect.gather [hbm4b:s4+s16], $0x80, s23, s16, $0xb8;
	[tilespmem:$0x1E800] =	vst v63  }
0x83: {  	_ =	swait.ge [sflag:s19], $0x4000  }
0x84: {  	[sflag:s19] =	ssyncset.done $0x0  }
0x85: {  	s31 =	sadd.s32 $0x1400, s22;
	[sflag:s19] =	ssyncadd.s32 $0xFFFFC000  }
0x86: {  	[spmem:s1] =	stream.indirect.scatter.add.f32 [tilespmem:s17], [sflag:$0x3], $0x80, s31, s16, $0xb8;
	[tilespmem:$0x1E800] =	vst v63  }
0x87: {  	_ =	swait.ge [sflag:s14], $0x4000  }
0x88: {  	[sflag:s14] =	ssyncset.done $0x0  }
0x89: {  	[sflag:s14] =	ssyncadd.s32 $0xFFFFC000  }
0x8a: {  	_ =	swait.ge [sflag:s20], $0x4000  }
0x8b: {  	[sflag:s20] =	ssyncset.done $0x0  }
0x8c: {  	s22 =	sadd.s32 $0x1480, s22;
	[sflag:s20] =	ssyncadd.s32 $0xFFFFC000  }
0x8d: {  	[spmem:s1] =	stream.indirect.scatter.add.f32 [tilespmem:s18], [sflag:$0x3], $0x80, s22, s16, $0xb8;
	[tilespmem:$0x1E800] =	vst v63  }
0x8e: {  	_ =	swait.ge [sflag:s14], $0x4000  }
0x8f: {  	s21 =	sadd.s32 $0x1, s21;
	[sflag:s14] =	ssyncset.done $0x0  }
0x90: {  	p0 =	sne.s32 s21, s12;
	[sflag:s14] =	ssyncadd.s32 $0xFFFFC000  }
.Ltmp2:
0x91: {  	[bflag:$0x0] =	sbarrier.arrive $0xFFFF;
	(pc) =	sbr.rel @p0 .LBB2_1-.Ltmp2, $4  }
0x92: {  	[hbm:s11], [sflag:s6] =	dma.local [spmem:s13], $0x2800  }
0x93: {  	_ =	swait.ge [sflag:s14], $0x2800  }
0x94: {  	[sflag:s14] =	ssyncset.done $0x0  }
0x95: {  	[sflag:s14] =	ssyncadd.s32 $0xFFFFD800  }
0x96: {  	_ =	sfence.sel $0x180000  }
0x97: {  	[bflag:$0x0] =	sbarrier.arrive $0xFFFF  }
0x98: {  	p0 =	sne.s32 s2, $0x0;
	_ =	strace $0x9000004D  }
0x99: {  	s0 =	sadd.s32 @!p0 $0x100000, s0;
	[bflag:$0x2] =	sbarrier.arrive $0xFFFF  }
0x9a: {  	[sflag:s0] =	ssyncadd.tile.s32 @!p0 $0x1;
	_ =	shalt  }
.Lfunc_end2:
_tile_overlayer_lowered:
.L_overlay_start_2:
0x9b: {  	(tag) =	ssettag $0x2  }
0x9c: {  	s0 =	rddreg [dreg:$0x0];
	s2 =	stileid.u32  }
0x9d: {  	s1 =	rddreg [dreg:$0x1];
	p0 =	sne.s32 s2, $0x0  }
0x9e: {  	s3 =	rddreg [dreg:$0x2];
	[bflag:$0x3] =	sbarrier.arrive $0xFFFF;
	s2 =	simm.s32 @!p0 $0x1C03  }
0x9f: {  	[timem:s3], [sflag:s2] =	dma.local @!p0 [hbm:s0], s1  }
0xa0: {  	s0 =	simm.s32 @!p0 $0x3  }
0xa1: {  	_ =	swait.ge @!p0 [sflag:s0], s1  }
0xa2: {  	s1 =	ssub.s32 @!p0 $0x0, s1;
	[sflag:s0] =	ssyncset.done @!p0 $0x0  }
0xa3: {  	[sflag:s0] =	ssyncadd.s32 @!p0 s1  }
0xa4: {  	[bflag:$0x3] =	sbarrier.arrive $0xFFFF  }
0xa5: {  	_ =	shalt  }

// kernel: kernel.34.cloned.1.call-start
scs
__scs_entry_jumppad:
0x0: {  	(pc) =	sbr.rel $0x88, $3  }
0x1: {  	(tag) =	ssettag $0x0;
	lr =	simm.s32 $0x1  }
0x2: {  	[smem:$0x3F95] =	sst lr;
	_ =	strace $0xD0000000  }
0x3: {  	_ = 	snop  }
0x4: {  	_ = 	snop  }
0x5: {  	_ = 	snop  }
0x6: {  	_ = 	snop  }
0x7: {  	_ = 	snop  }
__scs_overlays_trampoline_lowered:
0x8: {  	[smem:$0x3FA4] =	sst s0  }
0x9: {  	[smem:$0x3FA5] =	sst s1  }
0xa: {  	[smem:$0x3FA6] =	sst s2  }
0xb: {  	[smem:$0x3FA7] =	sst s3  }
0xc: {  	[smem:$0x3FA8] =	sst s4  }
0xd: {  	[smem:$0x3FA9] =	sst s5  }
0xe: {  	[smem:$0x3FAA] =	sst s6  }
0xf: {  	[smem:$0x3FAB] =	sst s7  }
0x10: {  	[smem:$0x3FAC] =	sst s8  }
0x11: {  	[smem:$0x3FAD] =	sst s9;
	s0 =	simm.s32 @!p0 $0x0  }
0x12: {  	s1 =	sld [smem:$0x3F93];
	s0 =	simm.s32 @p0 $0x1  }
0x13: {  	[smem:$0x3FAE] =	sst s0;
	s0 =	simm.s32 @!p1 $0x0  }
0x14: {  	s2 =	sld [smem:$0x3F92];
	s0 =	simm.s32 @p1 $0x1  }
0x15: {  	[smem:$0x3FAF] =	sst s0;
	s0 =	simm.s32 @!p2 $0x0  }
0x16: {  	s3 =	sld [smem:$0x3FDB];
	s0 =	simm.s32 @p2 $0x1  }
0x17: {  	s4 =	simm.s32 $0x1BF5;
	[smem:$0x3FB1] =	sst s0  }
0x18: {  	s0 =	sld [smem:$0x3F94];
	_ =	swait.ge [sflag:s4], $0x0  }
0x19: {  	s7 =	sld [smem:$0x3F95]  }
0x1a: {  	s8 =	sadd.s32 $0xFFFFE003, lr  }
0x1b: {  	s9 =	sadd.s32 $0xFFFFFEF7, lr;
	s5 =	simm.s32 $0xFFFFFFFF;
	p2 =	slt.u32 s8, $0xFFFFF086  }
0x1c: {  	p1 =	slt.u32 s9, $0xF7A;
	s5 =	simm.s32 @!p2 $0x0  }
0x1d: {  	s5 =	simm.s32 @p1 $0x1;
	p0 =	seq.s32 s7, s2  }
0x1e: {  	s7 =	smul.u32 @!p0 $0xF7A, s2;
	p2 =	seq.s32 @!p0 s5, $0x0  }
0x1f: {  	s9 =	smul.u32 $0xF7A, s1;
	s8 =	simm.s32 @!p0 $0x1BF5;
	p2 =	por !p2, p0  }
0x20: {  	[sflag:s8] =	ssyncset.s32 @!p0 $0xFFFFF086;
	s6 =	sadd.s32 @!p0 s3, s7;
	s7 =	simm.s32 @!p0 $0x108  }
0x21: {  	s3 =	sadd.s32 s3, s9;
	s6 =	sadd.s32 @!p0 $0x88, s6;
	s7 =	simm.s32 @p2 $0x1082  }
0x22: {  	[simem:s7], [sflag:s8] =	dma.local @!p0 [hbm:s6], $0xF7A  }
0x23: {  	s9 =	sor.u32 $0xD0000000, s2;
	s6 =	simm.s32 $0x108;
	_ =	swait.ge @!p0 [sflag:s8], $0x0  }
0x24: {  	s3 =	sadd.s32 $0x88, s3;
	s6 =	simm.s32 @!p1 $0x1082;
	[sflag:s4] =	ssyncset.s32 $0xFFFFF086  }
0x25: {  	[simem:s6], [sflag:s4] =	dma.local [hbm:s3], $0xF7A  }
0x26: {  	[smem:$0x3F95] =	sst s1;
	(tag) =	ssettag s2;
	_ =	strace s9  }
0x27: {  	s1 =	sld [smem:$0x3FA5]  }
0x28: {  	s2 =	sld [smem:$0x3FA6]  }
0x29: {  	s4 =	sld [smem:$0x3FA8]  }
0x2a: {  	p0 =	seq.s32 s5, $0x0;
	s5 =	sld [smem:$0x3FA9]  }
0x2b: {  	s6 =	sld [smem:$0x3FAA]  }
0x2c: {  	s7 =	sld [smem:$0x3FAB]  }
0x2d: {  	s3 =	simm.s32 $0x108;
	s8 =	sld [smem:$0x3FAC]  }
0x2e: {  	s3 =	simm.s32 @!p0 $0x1082;
	s9 =	sld [smem:$0x3FAD]  }
0x2f: {  	lr =	sadd.s32 s0, s3;
	s0 =	sld [smem:$0x3FA4]  }
0x30: {  	s3 =	sld [smem:$0x3FA7]  }
0x31: {  	[smem:$0x3FB0] =	sst s10  }
0x32: {  	s10 =	sld [smem:$0x3FAE];
	_ =	sdelay $0x3  }
0x33: {  	p0 =	seq.s32 s10, $0x1;
	s10 =	sld [smem:$0x3FB0];
	_ =	sdelay $0x3  }
0x34: {  	[smem:$0x3FB0] =	sst s10  }
0x35: {  	s10 =	sld [smem:$0x3FAF];
	_ =	sdelay $0x3  }
0x36: {  	p1 =	seq.s32 s10, $0x1;
	s10 =	sld [smem:$0x3FB0];
	_ =	sdelay $0x3  }
0x37: {  	[smem:$0x3FB0] =	sst s10  }
0x38: {  	s10 =	sld [smem:$0x3FB1]  }
0x39: {  	_ = 	snop;
	(pc) =	sbr.ind lr, $3  }
0x3a: {  	_ = 	snop  }
0x3b: {  	_ = 	snop  }
0x3c: {  	p2 =	seq.s32 s10, $0x1;
	s10 =	sld [smem:$0x3FB0]  }
0x3d: {  	_ =	shalt  }
0x3e: {  	_ =	shalt  }
0x3f: {  	_ =	shalt  }
0x40: {  	_ =	shalt  }
0x41: {  	_ =	shalt  }
0x42: {  	_ =	shalt  }
0x43: {  	_ =	shalt  }
0x44: {  	_ =	shalt  }
0x45: {  	_ =	shalt  }
0x46: {  	_ =	shalt  }
0x47: {  	_ =	shalt  }
0x48: {  	_ =	shalt  }
0x49: {  	_ =	shalt  }
0x4a: {  	_ =	shalt  }
0x4b: {  	_ =	shalt  }
0x4c: {  	_ =	shalt  }
0x4d: {  	_ =	shalt  }
0x4e: {  	_ =	shalt  }
0x4f: {  	_ =	shalt  }
0x50: {  	_ =	shalt  }
0x51: {  	_ =	shalt  }
0x52: {  	_ =	shalt  }
0x53: {  	_ =	shalt  }
0x54: {  	_ =	shalt  }
0x55: {  	_ =	shalt  }
0x56: {  	_ =	shalt  }
0x57: {  	_ =	shalt  }
0x58: {  	_ =	shalt  }
0x59: {  	_ =	shalt  }
0x5a: {  	_ =	shalt  }
0x5b: {  	_ =	shalt  }
0x5c: {  	_ =	shalt  }
0x5d: {  	_ =	shalt  }
0x5e: {  	_ =	shalt  }
0x5f: {  	_ =	shalt  }
0x60: {  	_ =	shalt  }
0x61: {  	_ =	shalt  }
0x62: {  	_ =	shalt  }
0x63: {  	_ =	shalt  }
0x64: {  	_ =	shalt  }
0x65: {  	_ =	shalt  }
0x66: {  	_ =	shalt  }
0x67: {  	_ =	shalt  }
0x68: {  	_ =	shalt  }
0x69: {  	_ =	shalt  }
0x6a: {  	_ =	shalt  }
0x6b: {  	_ =	shalt  }
0x6c: {  	_ =	shalt  }
0x6d: {  	_ =	shalt  }
0x6e: {  	_ =	shalt  }
0x6f: {  	_ =	shalt  }
0x70: {  	_ =	shalt  }
0x71: {  	_ =	shalt  }
0x72: {  	_ =	shalt  }
0x73: {  	_ =	shalt  }
0x74: {  	_ =	shalt  }
0x75: {  	_ =	shalt  }
0x76: {  	_ =	shalt  }
0x77: {  	_ =	shalt  }
0x78: {  	_ =	shalt  }
0x79: {  	_ =	shalt  }
0x7a: {  	_ =	shalt  }
0x7b: {  	_ =	shalt  }
0x7c: {  	_ =	shalt  }
0x7d: {  	_ =	shalt  }
0x7e: {  	_ =	shalt  }
0x7f: {  	_ =	shalt  }
0x80: {  	_ =	shalt  }
0x81: {  	_ =	shalt  }
0x82: {  	_ =	shalt  }
0x83: {  	_ =	shalt  }
0x84: {  	_ =	shalt  }
0x85: {  	_ =	shalt  }
0x86: {  	_ =	shalt  }
0x87: {  	_ =	shalt  }
.Lfunc_end0:
.L_simem_size_0:
called_computation.5_lowered:
.L_overlay_start_0:
0x88: {  	s2 =	sld [smem:$0x3FD9]  }
0x89: {  	s3 =	sld [smem:$0x3FFE];
	_ =	sdelay $0x1  }
0x8a: {  	s1 =	srdreg.scid  }
0x8b: {  	s0 =	sand.u32 $0x1, s1  }
0x8c: {  	s17 =	sshll.u32 s0, $0xA;
	s2 =	sadd.s32 s3, s2  }
0x8d: {  	s2 =	sadd.s32 s2, s17  }
0x8e: {  	[smem:$0x3FBC] =	sst s2  }
0x8f: {  	_ = 	snop  }
0x90: {  	s18 =	sld [smem:$0x3FD0];
	(tm) =	ssettm $0x1  }
0x91: {  	s19 =	sld [smem:$0x3FFB];
	_ =	sdelay $0x3  }
0x92: {  	_ =	strace s19  }
0x93: {  	s2 =	sld [smem:$0x3FFC];
	_ =	sdelay $0x3  }
0x94: {  	_ =	strace s2  }
0x95: {  	s2 =	sld [smem:$0x3FFD];
	_ =	sdelay $0x3  }
0x96: {  	_ =	strace s2  }
0x97: {  	_ =	strace $0x8FFFFFFF  }
0x98: {  	s20 =	sld [smem:$0x3FDB];
	_ =	sdelay $0x1  }
0x99: {  	s4 =	simm.s32 $_scs_section_size  }
0x9a: {  	s5 =	simm.s32 $_size__tile_overlayer_lowered;
	s6 =	simm.s32 $_tile_overlayer_lowered  }
0x9b: {  	s7 =	simm.s32 $0x1BFF;
	s21 =	sshll.u32 s6, $0x1;
	s4 =	sadd.s32 s4, s20  }
0x9c: {  	s22 =	simm.s32 $0x0;
	s5 =	sshll.u32 s5, $0x1;
	s6 =	sadd.s32 s21, s4  }
0x9d: {  	[timem:s22], [sflag:s7] =	dma.local [hbm:s6], s5  }
0x9e: {  	_ =	swait.ge [sflag:s7], s5  }
0x9f: {  	s5 =	ssub.s32 $0x0, s5;
	[sflag:s7] =	ssyncset.done $0x0  }
0xa0: {  	[sflag:s7] =	ssyncadd.s32 s5;
	_ =	sdelay $0x1  }
0xa1: {  	s23 =	simm.s32 $0x1B8B  }
0xa2: {  	_ =	swait.ge [sflag:s23], $0x1  }
0xa3: {  	[sflag:s23] =	ssyncset.done $0x0  }
0xa4: {  	[sflag:s23] =	ssyncadd.s32 $0xFFFFFFFF  }
0xa5: {  	s5 =	sld [smem:$0x0]  }
0xa6: {  	s6 =	sand.u32 $0xFFFFFFFE, s1  }
0xa7: {  	p0 =	sne.s32 s1, s6  }
0xa8: {  	s6 =	sshll.u32 @p0 s6, $0xE  }
0xa9: {  	s6 =	sadd.s32 @p0 $0x11B8D, s6;
	s7 =	sshll.u32 @p0 s5, $0x11  }
0xaa: {  	s6 =	sor.u32 @p0 s7, s6  }
0xab: {  	[sflag:s6] =	ssyncadd.remote.s32 @p0 $0x1;
	_ =	sdelay $0x1  }
0xac: {  	s6 =	simm.s32 @p0 $0x1B8D  }
0xad: {  	_ =	swait.eq @p0 [sflag:s6], $0x1  }
0xae: {  	[sflag:s6] =	ssyncadd.s32 @p0 $0xFFFFFFFF  }
0xaf: {  	s7 =	sshll.u32 @!p0 s1, $0xE  }
0xb0: {  	s7 =	sor.u32 @!p0 $0x4000, s7;
	s6 =	simm.s32 @!p0 $0x1B8D  }
0xb1: {  	s5 =	sshll.u32 @!p0 s5, $0x11;
	s7 =	sadd.s32 @!p0 $0x11B8D, s7;
	_ =	swait.eq @!p0 [sflag:s6], $0x1  }
0xb2: {  	s5 =	sor.u32 @!p0 s5, s7;
	[sflag:s6] =	ssyncadd.s32 @!p0 $0xFFFFFFFF  }
0xb3: {  	s25 =	simm.s32 $0x1B8E;
	s24 =	sld [smem:$0x3FFE];
	[sflag:s5] =	ssyncadd.remote.s32 @!p0 $0x1  }
0xb4: {  	s26 =	simm.s32 $execute0_lowered;
	[smem:$0x3FD2] =	sst s25  }
0xb5: {  	s6 =	sshll.u32 s26, $0x1;
	_ =	strace $0x80000058;
	[dreg:$0x1] =	wrdreg $0xFFFFFFFF  }
0xb6: {  	s28 =	simm.s32 $_size_execute0_lowered;
	s4 =	sadd.s32 s4, s6;
	[dreg:$0x0] =	wrdreg $0x0  }
0xb7: {  	s6 =	sshll.u32 s28, $0x1;
	[dreg:$0x2] =	wrdreg s4  }
0xb8: {  	[dreg:$0x3] =	wrdreg s6  }
0xb9: {  	[dreg:$0x4] =	wrdreg $0xC0  }
0xba: {  	_ =	task [dreg:s22], $0x5FFFF  }
0xbb: {  	[dreg:$0x1] =	wrdreg $0xFFFFFFFF  }
0xbc: {  	[dreg:$0x0] =	wrdreg $0x60  }
0xbd: {  	[dreg:$0x2] =	wrdreg s24  }
0xbe: {  	[dreg:$0x3] =	wrdreg s18  }
0xbf: {  	[dreg:$0x4] =	wrdreg $0xA8000  }
0xc0: {  	[dreg:$0x5] =	wrdreg $0xA  }
0xc1: {  	_ =	task.clear_ibuf [dreg:s22], $0x6FFFF;
	_ =	strace $0x90000058  }
0xc2: {  	s29 =	simm.s32 $0xA;
	_ =	strace $0x8000005A  }
0xc3: {  	_ =	swait.ge [sflag:s29], $0x1  }
0xc4: {  	[sflag:s29] =	ssyncadd.s32 $0xFFFFFFFF  }
0xc5: {  	_ =	strace $0x9000005A  }
0xc6: {  	_ =	sfence  }
0xc7: {  	s30 =	sld [smem:$0x0];
	_ =	sdelay $0x2  }
0xc8: {  	s31 =	sshll.u32 s1, $0xD;
	s1 =	sshrl.u32 s1, $0x2  }
0xc9: {  	s4 =	sand.u32 $0x4000, s31;
	s1 =	sadd.s32 s1, s30  }
0xca: {  	s0 =	sor.u32 s4, s0;
	s1 =	sshll.u32 s1, $0x11  }
0xcb: {  	s0 =	sor.u32 s1, s0  }
0xcc: {  	s0 =	sadd.s32 $0x8F2B, s0  }
0xcd: {  	[sflag:s0] =	ssyncadd.remote.s32 $0x1  }
0xce: {  	_ =	sfence.sel $0xFFFF  }
0xcf: {  	[dreg:$0x0] =	wrdreg $0xFFFFFFFF;
	(pc) =	sbr.abs _section_cstart, $3  }
0xd0: {  	[dreg:$0x1] =	wrdreg $0xFFFFFFFF  }
0xd1: {  	_ =	task.clear_ibuf [dreg:s22], $0x2FFFF;
	_ =	strace $0x9FFFFFFF  }
0xd2: {  	(tm) =	ssettm $0x7FFFFFFF  }
0xd3: {  	_ =	shalt  }
tec
execute0_lowered:
.L_overlay_start_1:
0x0: {  	(tag) =	ssettag $0x1  }
0x1: {  	s5 =	rddreg [dreg:$0x0]  }
0x2: {  	s11 =	rddreg [dreg:$0x1]  }
0x3: {  	s1 =	rddreg [dreg:$0x2]  }
0x4: {  	s0 =	rddreg [dreg:$0x3];
	s3 =	simm.s32 $0x0  }
0x5: {  	s2 =	stileid.u32;
	s6 =	srdreg.scid;
	s17 =	simm.s32 $0x2800  }
0x6: {  	s18 =	simm.s32 $0x6800;
	s19 =	simm.s32 $0x1;
	s20 =	simm.s32 $0x2  }
0x7: {  	s21 =	simm.s32 $0x0;
	[smem:$0x7FF] =	sst s3;
	s4 =	sadd.s32 $0x92000, s5  }
0x8: {  	s8 =	smul.u32 $0x14000, s2;
	s9 =	sadd.s32 $0x42000, s5;
	s10 =	sadd.s32 $0x4C000, s5  }
0x9: {  	s6 =	sand.u32 $0x1, s6;
	s13 =	sshll.u32 s2, $0x1;
	s15 =	smul.u32 $0x50000, s2  }
0xa: {  	s30 =	sshll.u32 s2, $0x6;
	_ =	strace $0x80000059;
	s12 =	sshll.u32 s6, $0x5  }
0xb: {  	s14 =	ssub.s32 $0x2, s6;
	s16 =	smul.u32 $0x140000, s6;
	s6 =	sor.u32 $0x1C03, s30  }
0xc: {  	s7 =	sshrl.u32 s8, $0x3;
	s12 =	sor.u32 s13, s12;
	s28 =	sshrl.u32 s14, $0x1  }
0xd: {  	s29 =	sshrl.u32 s15, $0x2;
	s5 =	sadd.s32 s7, s5;
	s13 =	smul.u32 $0x280, s12  }
0xe: {  	s14 =	ssub.s32 s14, s28;
	s12 =	smul.u32 $0x1400, s12;
	s16 =	sadd.s32 s8, s16  }
0xf: {  	s15 =	sadd.s32 s29, s1;
	s5 =	sadd.s32 $0x6A000, s5;
	s31 =	sshrl.u32 s16, $0x3  }
0x10: {  	s16 =	simm.s32 $0x80;
	s12 =	sshrl.u32 s12, $0x3;
	s7 =	sadd.s32 s9, s13  }
0x11: {  	s8 =	sadd.s32 s10, s13;
	s11 =	sadd.s32 s11, s31;
	s12 =	sadd.s32 $0x280, s12  }
0x12: {  	s13 =	sshrl.u32 s15, $0x3;
	s15 =	simm.s32 $0x1400;
	s9 =	sadd.s32 s9, s12  }
0x13: {  	s10 =	sadd.s32 s10, s12;
	s12 =	smax.u32 s14, $0x1;
	s14 =	simm.s32 $0x3  }
.LBB2_1:
0x14: {  	[spmem:s13], [sflag:s6] =	dma.local [hbm:s5], $0x2800  }
0x15: {  	_ =	swait.ge [sflag:s14], $0x2800  }
0x16: {  	[sflag:s14] =	ssyncset.done $0x0  }
0x17: {  	[sflag:s14] =	ssyncadd.s32 $0xFFFFD800  }
0x18: {  	[bflag:$0x0] =	sbarrier.arrive $0xFFFF  }
0x19: {  	[tilespmem:s3], [sflag:$0x3] =	stream.linear.gather [hbm4b:s7+s3], $0x1400, $0x38;
	[tilespmem:$0x1E800] =	vst v63  }
0x1a: {  	_ =	swait.ge [sflag:s14], $0x1400  }
0x1b: {  	[sflag:s14] =	ssyncset.done $0x0  }
0x1c: {  	[sflag:s14] =	ssyncadd.s32 $0xFFFFEC00  }
0x1d: {  	[tilespmem:s15], [sflag:$0x3] =	stream.linear.gather [hbm4b:s8+s3], $0x1400, $0x38;
	[tilespmem:$0x1E800] =	vst v63  }
0x1e: {  	_ =	swait.ge [sflag:s14], $0x1400  }
0x1f: {  	[sflag:s14] =	ssyncset.done $0x0  }
0x20: {  	s22 =	simm.s32 $0x0;
	[sflag:s14] =	ssyncadd.s32 $0xFFFFEC00  }
0x21: {  	[tilespmem:s17], [sflag:$0x1] =	stream.indirect.gather [hbm4b:s4+s16], $0x80, s22, s16, $0xb8;
	[tilespmem:$0x1E800] =	vst v63  }
0x22: {  	s29 =	simm.s32 $0x80  }
0x23: {  	[tilespmem:s18], [sflag:$0x2] =	stream.indirect.gather [hbm4b:s4+s16], $0x80, s29, s16, $0xb8;
	[tilespmem:$0x1E800] =	vst v63  }
0x24: {  	_ =	swait.ge [sflag:s19], $0x4000  }
0x25: {  	[sflag:s19] =	ssyncset.done $0x0  }
0x26: {  	s30 =	simm.s32 $0x1400;
	[sflag:s19] =	ssyncadd.s32 $0xFFFFC000  }
0x27: {  	[spmem:s1] =	stream.indirect.scatter.add.f32 [tilespmem:s17], [sflag:$0x3], $0x80, s30, s16, $0xb8;
	[tilespmem:$0x1E800] =	vst v63  }
0x28: {  	_ =	swait.ge [sflag:s14], $0x4000  }
0x29: {  	[sflag:s14] =	ssyncset.done $0x0  }
0x2a: {  	[sflag:s14] =	ssyncadd.s32 $0xFFFFC000  }
0x2b: {  	_ =	swait.ge [sflag:s20], $0x4000  }
0x2c: {  	[sflag:s20] =	ssyncset.done $0x0  }
0x2d: {  	s31 =	simm.s32 $0x1480;
	[sflag:s20] =	ssyncadd.s32 $0xFFFFC000  }
0x2e: {  	[spmem:s1] =	stream.indirect.scatter.add.f32 [tilespmem:s18], [sflag:$0x3], $0x80, s31, s16, $0xb8;
	[tilespmem:$0x1E800] =	vst v63  }
0x2f: {  	_ =	swait.ge [sflag:s14], $0x4000  }
0x30: {  	s23 =	simm.s32 $0x800;
	s22 =	simm.s32 $0x400;
	[sflag:s14] =	ssyncset.done $0x0  }
.LBB2_2:
0x31: {  	s24 =	sshra.s32 s22, $0x2  }
0x32: {  	[sflag:s14] =	ssyncadd.s32 $0xFFFFC000;
	s22 =	smov.u32 s23;
	s25 =	sadd.s32 $0x400, s23  }
0x33: {  	[tilespmem:s17], [sflag:$0x1] =	stream.indirect.gather [hbm4b:s4+s16], $0x80, s24, s16, $0xb8;
	[tilespmem:$0x1E800] =	vst v63  }
0x34: {  	p0 =	sne.s32 s23, $0x4C00;
	s23 =	sadd.s32 $0x80, s24  }
0x35: {  	[tilespmem:s18], [sflag:$0x2] =	stream.indirect.gather [hbm4b:s4+s16], $0x80, s23, s16, $0xb8;
	[tilespmem:$0x1E800] =	vst v63  }
0x36: {  	_ =	swait.ge [sflag:s19], $0x4000  }
0x37: {  	[sflag:s19] =	ssyncset.done $0x0  }
0x38: {  	s23 =	sadd.s32 $0x1400, s24;
	[sflag:s19] =	ssyncadd.s32 $0xFFFFC000  }
0x39: {  	[spmem:s1] =	stream.indirect.scatter.add.f32 [tilespmem:s17], [sflag:$0x3], $0x80, s23, s16, $0xb8;
	[tilespmem:$0x1E800] =	vst v63  }
0x3a: {  	_ =	swait.ge [sflag:s14], $0x4000  }
0x3b: {  	[sflag:s14] =	ssyncset.done $0x0  }
0x3c: {  	[sflag:s14] =	ssyncadd.s32 $0xFFFFC000  }
0x3d: {  	_ =	swait.ge [sflag:s20], $0x4000  }
.Ltmp0:
0x3e: {  	[sflag:s20] =	ssyncset.done $0x0;
	(pc) =	sbr.rel @p0 .LBB2_2-.Ltmp0, $4  }
0x3f: {  	s23 =	sadd.s32 $0x1480, s24;
	[sflag:s20] =	ssyncadd.s32 $0xFFFFC000  }
0x40: {  	[spmem:s1] =	stream.indirect.scatter.add.f32 [tilespmem:s18], [sflag:$0x3], $0x80, s23, s16, $0xb8;
	[tilespmem:$0x1E800] =	vst v63  }
0x41: {  	_ =	swait.ge [sflag:s14], $0x4000  }
0x42: {  	s23 =	smov.u32 s25;
	[sflag:s14] =	ssyncset.done $0x0  }
0x43: {  	s22 =	sshra.s32 s22, $0x2;
	[sflag:s14] =	ssyncadd.s32 $0xFFFFC000  }
0x44: {  	[tilespmem:s17], [sflag:$0x1] =	stream.indirect.gather [hbm4b:s4+s16], $0x80, s22, s16, $0xb8;
	[tilespmem:$0x1E800] =	vst v63  }
0x45: {  	s23 =	sadd.s32 $0x80, s22  }
0x46: {  	[tilespmem:s18], [sflag:$0x2] =	stream.indirect.gather [hbm4b:s4+s16], $0x80, s23, s16, $0xb8;
	[tilespmem:$0x1E800] =	vst v63  }
0x47: {  	_ =	swait.ge [sflag:s19], $0x4000  }
0x48: {  	[sflag:s19] =	ssyncset.done $0x0  }
0x49: {  	s25 =	sadd.s32 $0x1400, s22;
	[sflag:s19] =	ssyncadd.s32 $0xFFFFC000  }
0x4a: {  	[spmem:s1] =	stream.indirect.scatter.add.f32 [tilespmem:s17], [sflag:$0x3], $0x80, s25, s16, $0xb8;
	[tilespmem:$0x1E800] =	vst v63  }
0x4b: {  	_ =	swait.ge [sflag:s14], $0x4000  }
0x4c: {  	[sflag:s14] =	ssyncset.done $0x0  }
0x4d: {  	[sflag:s14] =	ssyncadd.s32 $0xFFFFC000  }
0x4e: {  	_ =	swait.ge [sflag:s20], $0x4000  }
0x4f: {  	[sflag:s20] =	ssyncset.done $0x0  }
0x50: {  	s22 =	sadd.s32 $0x1480, s22;
	[sflag:s20] =	ssyncadd.s32 $0xFFFFC000  }
0x51: {  	[spmem:s1] =	stream.indirect.scatter.add.f32 [tilespmem:s18], [sflag:$0x3], $0x80, s22, s16, $0xb8;
	[tilespmem:$0x1E800] =	vst v63  }
0x52: {  	_ =	swait.ge [sflag:s14], $0x4000  }
0x53: {  	[sflag:s14] =	ssyncset.done $0x0  }
0x54: {  	s26 =	simm.s32 $0x0;
	[sflag:s14] =	ssyncadd.s32 $0xFFFFC000  }
0x55: {  	[tilespmem:s26], [sflag:$0x3] =	stream.linear.gather [hbm4b:s9+s26], $0x1400, $0x38;
	[tilespmem:$0x1E800] =	vst v63  }
0x56: {  	_ =	swait.ge [sflag:s14], $0x1400  }
0x57: {  	[sflag:s14] =	ssyncset.done $0x0  }
0x58: {  	[sflag:s14] =	ssyncadd.s32 $0xFFFFEC00  }
0x59: {  	[tilespmem:s15], [sflag:$0x3] =	stream.linear.gather [hbm4b:s10+s26], $0x1400, $0x38;
	[tilespmem:$0x1E800] =	vst v63  }
0x5a: {  	_ =	swait.ge [sflag:s14], $0x1400  }
0x5b: {  	[sflag:s14] =	ssyncset.done $0x0  }
0x5c: {  	s28 =	simm.s32 $0x0;
	[sflag:s14] =	ssyncadd.s32 $0xFFFFEC00  }
0x5d: {  	[tilespmem:s17], [sflag:$0x1] =	stream.indirect.gather [hbm4b:s4+s16], $0x80, s28, s16, $0xb8;
	[tilespmem:$0x1E800] =	vst v63  }
0x5e: {  	s29 =	simm.s32 $0x80  }
0x5f: {  	[tilespmem:s18], [sflag:$0x2] =	stream.indirect.gather [hbm4b:s4+s16], $0x80, s29, s16, $0xb8;
	[tilespmem:$0x1E800] =	vst v63  }
0x60: {  	_ =	swait.ge [sflag:s19], $0x4000  }
0x61: {  	[sflag:s19] =	ssyncset.done $0x0  }
0x62: {  	s30 =	simm.s32 $0x1400;
	[sflag:s19] =	ssyncadd.s32 $0xFFFFC000  }
0x63: {  	[spmem:s1] =	stream.indirect.scatter.add.f32 [tilespmem:s17], [sflag:$0x3], $0x80, s30, s16, $0xb8;
	[tilespmem:$0x1E800] =	vst v63  }
0x64: {  	_ =	swait.ge [sflag:s14], $0x4000  }
0x65: {  	[sflag:s14] =	ssyncset.done $0x0  }
0x66: {  	[sflag:s14] =	ssyncadd.s32 $0xFFFFC000  }
0x67: {  	_ =	swait.ge [sflag:s20], $0x4000  }
0x68: {  	[sflag:s20] =	ssyncset.done $0x0  }
0x69: {  	s31 =	simm.s32 $0x1480;
	[sflag:s20] =	ssyncadd.s32 $0xFFFFC000  }
0x6a: {  	[spmem:s1] =	stream.indirect.scatter.add.f32 [tilespmem:s18], [sflag:$0x3], $0x80, s31, s16, $0xb8;
	[tilespmem:$0x1E800] =	vst v63  }
0x6b: {  	_ =	swait.ge [sflag:s14], $0x4000  }
0x6c: {  	s23 =	simm.s32 $0x800;
	s22 =	simm.s32 $0x400;
	[sflag:s14] =	ssyncset.done $0x0  }
.LBB2_4:
0x6d: {  	s24 =	sshra.s32 s22, $0x2  }
0x6e: {  	[sflag:s14] =	ssyncadd.s32 $0xFFFFC000;
	s22 =	smov.u32 s23;
	s25 =	sadd.s32 $0x400, s23  }
0x6f: {  	[tilespmem:s17], [sflag:$0x1] =	stream.indirect.gather [hbm4b:s4+s16], $0x80, s24, s16, $0xb8;
	[tilespmem:$0x1E800] =	vst v63  }
0x70: {  	p0 =	sne.s32 s23, $0x4C00;
	s23 =	sadd.s32 $0x80, s24  }
0x71: {  	[tilespmem:s18], [sflag:$0x2] =	stream.indirect.gather [hbm4b:s4+s16], $0x80, s23, s16, $0xb8;
	[tilespmem:$0x1E800] =	vst v63  }
0x72: {  	_ =	swait.ge [sflag:s19], $0x4000  }
0x73: {  	[sflag:s19] =	ssyncset.done $0x0  }
0x74: {  	s23 =	sadd.s32 $0x1400, s24;
	[sflag:s19] =	ssyncadd.s32 $0xFFFFC000  }
0x75: {  	[spmem:s1] =	stream.indirect.scatter.add.f32 [tilespmem:s17], [sflag:$0x3], $0x80, s23, s16, $0xb8;
	[tilespmem:$0x1E800] =	vst v63  }
0x76: {  	_ =	swait.ge [sflag:s14], $0x4000  }
0x77: {  	[sflag:s14] =	ssyncset.done $0x0  }
0x78: {  	[sflag:s14] =	ssyncadd.s32 $0xFFFFC000  }
0x79: {  	_ =	swait.ge [sflag:s20], $0x4000  }
.Ltmp1:
0x7a: {  	[sflag:s20] =	ssyncset.done $0x0;
	(pc) =	sbr.rel @p0 .LBB2_4-.Ltmp1, $4  }
0x7b: {  	s23 =	sadd.s32 $0x1480, s24;
	[sflag:s20] =	ssyncadd.s32 $0xFFFFC000  }
0x7c: {  	[spmem:s1] =	stream.indirect.scatter.add.f32 [tilespmem:s18], [sflag:$0x3], $0x80, s23, s16, $0xb8;
	[tilespmem:$0x1E800] =	vst v63  }
0x7d: {  	_ =	swait.ge [sflag:s14], $0x4000  }
0x7e: {  	s23 =	smov.u32 s25;
	[sflag:s14] =	ssyncset.done $0x0  }
0x7f: {  	s22 =	sshra.s32 s22, $0x2;
	[sflag:s14] =	ssyncadd.s32 $0xFFFFC000  }
0x80: {  	[tilespmem:s17], [sflag:$0x1] =	stream.indirect.gather [hbm4b:s4+s16], $0x80, s22, s16, $0xb8;
	[tilespmem:$0x1E800] =	vst v63  }
0x81: {  	s23 =	sadd.s32 $0x80, s22  }
0x82: {  	[tilespmem:s18], [sflag:$0x2] =	stream.indirect.gather [hbm4b:s4+s16], $0x80, s23, s16, $0xb8;
	[tilespmem:$0x1E800] =	vst v63  }
0x83: {  	_ =	swait.ge [sflag:s19], $0x4000  }
0x84: {  	[sflag:s19] =	ssyncset.done $0x0  }
0x85: {  	s31 =	sadd.s32 $0x1400, s22;
	[sflag:s19] =	ssyncadd.s32 $0xFFFFC000  }
0x86: {  	[spmem:s1] =	stream.indirect.scatter.add.f32 [tilespmem:s17], [sflag:$0x3], $0x80, s31, s16, $0xb8;
	[tilespmem:$0x1E800] =	vst v63  }
0x87: {  	_ =	swait.ge [sflag:s14], $0x4000  }
0x88: {  	[sflag:s14] =	ssyncset.done $0x0  }
0x89: {  	[sflag:s14] =	ssyncadd.s32 $0xFFFFC000  }
0x8a: {  	_ =	swait.ge [sflag:s20], $0x4000  }
0x8b: {  	[sflag:s20] =	ssyncset.done $0x0  }
0x8c: {  	s22 =	sadd.s32 $0x1480, s22;
	[sflag:s20] =	ssyncadd.s32 $0xFFFFC000  }
0x8d: {  	[spmem:s1] =	stream.indirect.scatter.add.f32 [tilespmem:s18], [sflag:$0x3], $0x80, s22, s16, $0xb8;
	[tilespmem:$0x1E800] =	vst v63  }
0x8e: {  	_ =	swait.ge [sflag:s14], $0x4000  }
0x8f: {  	s21 =	sadd.s32 $0x1, s21;
	[sflag:s14] =	ssyncset.done $0x0  }
0x90: {  	p0 =	sne.s32 s21, s12;
	[sflag:s14] =	ssyncadd.s32 $0xFFFFC000  }
.Ltmp2:
0x91: {  	[bflag:$0x0] =	sbarrier.arrive $0xFFFF;
	(pc) =	sbr.rel @p0 .LBB2_1-.Ltmp2, $4  }
0x92: {  	[hbm:s11], [sflag:s6] =	dma.local [spmem:s13], $0x2800  }
0x93: {  	_ =	swait.ge [sflag:s14], $0x2800  }
0x94: {  	[sflag:s14] =	ssyncset.done $0x0  }
0x95: {  	[sflag:s14] =	ssyncadd.s32 $0xFFFFD800  }
0x96: {  	_ =	sfence.sel $0x180000  }
0x97: {  	[bflag:$0x0] =	sbarrier.arrive $0xFFFF  }
0x98: {  	p0 =	sne.s32 s2, $0x0;
	_ =	strace $0x90000059  }
0x99: {  	s0 =	sadd.s32 @!p0 $0x100000, s0;
	[bflag:$0x2] =	sbarrier.arrive $0xFFFF  }
0x9a: {  	[sflag:s0] =	ssyncadd.tile.s32 @!p0 $0x1;
	_ =	shalt  }
.Lfunc_end2:
_tile_overlayer_lowered:
.L_overlay_start_2:
0x9b: {  	(tag) =	ssettag $0x2  }
0x9c: {  	s0 =	rddreg [dreg:$0x0];
	s2 =	stileid.u32  }
0x9d: {  	s1 =	rddreg [dreg:$0x1];
	p0 =	sne.s32 s2, $0x0  }
0x9e: {  	s3 =	rddreg [dreg:$0x2];
	[bflag:$0x3] =	sbarrier.arrive $0xFFFF;
	s2 =	simm.s32 @!p0 $0x1C03  }
0x9f: {  	[timem:s3], [sflag:s2] =	dma.local @!p0 [hbm:s0], s1  }
0xa0: {  	s0 =	simm.s32 @!p0 $0x3  }
0xa1: {  	_ =	swait.ge @!p0 [sflag:s0], s1  }
0xa2: {  	s1 =	ssub.s32 @!p0 $0x0, s1;
	[sflag:s0] =	ssyncset.done @!p0 $0x0  }
0xa3: {  	[sflag:s0] =	ssyncadd.s32 @!p0 s1  }
0xa4: {  	[bflag:$0x3] =	sbarrier.arrive $0xFFFF  }
0xa5: {  	_ =	shalt  }

// kernel: kernel.37.cloned.1.call-start
scs
__scs_entry_jumppad:
0x0: {  	(pc) =	sbr.rel $0x88, $3  }
0x1: {  	(tag) =	ssettag $0x0;
	lr =	simm.s32 $0x1  }
0x2: {  	[smem:$0x3F95] =	sst lr;
	_ =	strace $0xD0000000  }
0x3: {  	_ = 	snop  }
0x4: {  	_ = 	snop  }
0x5: {  	_ = 	snop  }
0x6: {  	_ = 	snop  }
0x7: {  	_ = 	snop  }
__scs_overlays_trampoline_lowered:
0x8: {  	[smem:$0x3FA4] =	sst s0  }
0x9: {  	[smem:$0x3FA5] =	sst s1  }
0xa: {  	[smem:$0x3FA6] =	sst s2  }
0xb: {  	[smem:$0x3FA7] =	sst s3  }
0xc: {  	[smem:$0x3FA8] =	sst s4  }
0xd: {  	[smem:$0x3FA9] =	sst s5  }
0xe: {  	[smem:$0x3FAA] =	sst s6  }
0xf: {  	[smem:$0x3FAB] =	sst s7  }
0x10: {  	[smem:$0x3FAC] =	sst s8  }
0x11: {  	[smem:$0x3FAD] =	sst s9;
	s0 =	simm.s32 @!p0 $0x0  }
0x12: {  	s1 =	sld [smem:$0x3F93];
	s0 =	simm.s32 @p0 $0x1  }
0x13: {  	[smem:$0x3FAE] =	sst s0;
	s0 =	simm.s32 @!p1 $0x0  }
0x14: {  	s2 =	sld [smem:$0x3F92];
	s0 =	simm.s32 @p1 $0x1  }
0x15: {  	[smem:$0x3FAF] =	sst s0;
	s0 =	simm.s32 @!p2 $0x0  }
0x16: {  	s3 =	sld [smem:$0x3FDB];
	s0 =	simm.s32 @p2 $0x1  }
0x17: {  	s4 =	simm.s32 $0x1BF5;
	[smem:$0x3FB1] =	sst s0  }
0x18: {  	s0 =	sld [smem:$0x3F94];
	_ =	swait.ge [sflag:s4], $0x0  }
0x19: {  	s7 =	sld [smem:$0x3F95]  }
0x1a: {  	s8 =	sadd.s32 $0xFFFFE003, lr  }
0x1b: {  	s9 =	sadd.s32 $0xFFFFFEF7, lr;
	s5 =	simm.s32 $0xFFFFFFFF;
	p2 =	slt.u32 s8, $0xFFFFF086  }
0x1c: {  	p1 =	slt.u32 s9, $0xF7A;
	s5 =	simm.s32 @!p2 $0x0  }
0x1d: {  	s5 =	simm.s32 @p1 $0x1;
	p0 =	seq.s32 s7, s2  }
0x1e: {  	s7 =	smul.u32 @!p0 $0xF7A, s2;
	p2 =	seq.s32 @!p0 s5, $0x0  }
0x1f: {  	s9 =	smul.u32 $0xF7A, s1;
	s8 =	simm.s32 @!p0 $0x1BF5;
	p2 =	por !p2, p0  }
0x20: {  	[sflag:s8] =	ssyncset.s32 @!p0 $0xFFFFF086;
	s6 =	sadd.s32 @!p0 s3, s7;
	s7 =	simm.s32 @!p0 $0x108  }
0x21: {  	s3 =	sadd.s32 s3, s9;
	s6 =	sadd.s32 @!p0 $0x88, s6;
	s7 =	simm.s32 @p2 $0x1082  }
0x22: {  	[simem:s7], [sflag:s8] =	dma.local @!p0 [hbm:s6], $0xF7A  }
0x23: {  	s9 =	sor.u32 $0xD0000000, s2;
	s6 =	simm.s32 $0x108;
	_ =	swait.ge @!p0 [sflag:s8], $0x0  }
0x24: {  	s3 =	sadd.s32 $0x88, s3;
	s6 =	simm.s32 @!p1 $0x1082;
	[sflag:s4] =	ssyncset.s32 $0xFFFFF086  }
0x25: {  	[simem:s6], [sflag:s4] =	dma.local [hbm:s3], $0xF7A  }
0x26: {  	[smem:$0x3F95] =	sst s1;
	(tag) =	ssettag s2;
	_ =	strace s9  }
0x27: {  	s1 =	sld [smem:$0x3FA5]  }
0x28: {  	s2 =	sld [smem:$0x3FA6]  }
0x29: {  	s4 =	sld [smem:$0x3FA8]  }
0x2a: {  	p0 =	seq.s32 s5, $0x0;
	s5 =	sld [smem:$0x3FA9]  }
0x2b: {  	s6 =	sld [smem:$0x3FAA]  }
0x2c: {  	s7 =	sld [smem:$0x3FAB]  }
0x2d: {  	s3 =	simm.s32 $0x108;
	s8 =	sld [smem:$0x3FAC]  }
0x2e: {  	s3 =	simm.s32 @!p0 $0x1082;
	s9 =	sld [smem:$0x3FAD]  }
0x2f: {  	lr =	sadd.s32 s0, s3;
	s0 =	sld [smem:$0x3FA4]  }
0x30: {  	s3 =	sld [smem:$0x3FA7]  }
0x31: {  	[smem:$0x3FB0] =	sst s10  }
0x32: {  	s10 =	sld [smem:$0x3FAE];
	_ =	sdelay $0x3  }
0x33: {  	p0 =	seq.s32 s10, $0x1;
	s10 =	sld [smem:$0x3FB0];
	_ =	sdelay $0x3  }
0x34: {  	[smem:$0x3FB0] =	sst s10  }
0x35: {  	s10 =	sld [smem:$0x3FAF];
	_ =	sdelay $0x3  }
0x36: {  	p1 =	seq.s32 s10, $0x1;
	s10 =	sld [smem:$0x3FB0];
	_ =	sdelay $0x3  }
0x37: {  	[smem:$0x3FB0] =	sst s10  }
0x38: {  	s10 =	sld [smem:$0x3FB1]  }
0x39: {  	_ = 	snop;
	(pc) =	sbr.ind lr, $3  }
0x3a: {  	_ = 	snop  }
0x3b: {  	_ = 	snop  }
0x3c: {  	p2 =	seq.s32 s10, $0x1;
	s10 =	sld [smem:$0x3FB0]  }
0x3d: {  	_ =	shalt  }
0x3e: {  	_ =	shalt  }
0x3f: {  	_ =	shalt  }
0x40: {  	_ =	shalt  }
0x41: {  	_ =	shalt  }
0x42: {  	_ =	shalt  }
0x43: {  	_ =	shalt  }
0x44: {  	_ =	shalt  }
0x45: {  	_ =	shalt  }
0x46: {  	_ =	shalt  }
0x47: {  	_ =	shalt  }
0x48: {  	_ =	shalt  }
0x49: {  	_ =	shalt  }
0x4a: {  	_ =	shalt  }
0x4b: {  	_ =	shalt  }
0x4c: {  	_ =	shalt  }
0x4d: {  	_ =	shalt  }
0x4e: {  	_ =	shalt  }
0x4f: {  	_ =	shalt  }
0x50: {  	_ =	shalt  }
0x51: {  	_ =	shalt  }
0x52: {  	_ =	shalt  }
0x53: {  	_ =	shalt  }
0x54: {  	_ =	shalt  }
0x55: {  	_ =	shalt  }
0x56: {  	_ =	shalt  }
0x57: {  	_ =	shalt  }
0x58: {  	_ =	shalt  }
0x59: {  	_ =	shalt  }
0x5a: {  	_ =	shalt  }
0x5b: {  	_ =	shalt  }
0x5c: {  	_ =	shalt  }
0x5d: {  	_ =	shalt  }
0x5e: {  	_ =	shalt  }
0x5f: {  	_ =	shalt  }
0x60: {  	_ =	shalt  }
0x61: {  	_ =	shalt  }
0x62: {  	_ =	shalt  }
0x63: {  	_ =	shalt  }
0x64: {  	_ =	shalt  }
0x65: {  	_ =	shalt  }
0x66: {  	_ =	shalt  }
0x67: {  	_ =	shalt  }
0x68: {  	_ =	shalt  }
0x69: {  	_ =	shalt  }
0x6a: {  	_ =	shalt  }
0x6b: {  	_ =	shalt  }
0x6c: {  	_ =	shalt  }
0x6d: {  	_ =	shalt  }
0x6e: {  	_ =	shalt  }
0x6f: {  	_ =	shalt  }
0x70: {  	_ =	shalt  }
0x71: {  	_ =	shalt  }
0x72: {  	_ =	shalt  }
0x73: {  	_ =	shalt  }
0x74: {  	_ =	shalt  }
0x75: {  	_ =	shalt  }
0x76: {  	_ =	shalt  }
0x77: {  	_ =	shalt  }
0x78: {  	_ =	shalt  }
0x79: {  	_ =	shalt  }
0x7a: {  	_ =	shalt  }
0x7b: {  	_ =	shalt  }
0x7c: {  	_ =	shalt  }
0x7d: {  	_ =	shalt  }
0x7e: {  	_ =	shalt  }
0x7f: {  	_ =	shalt  }
0x80: {  	_ =	shalt  }
0x81: {  	_ =	shalt  }
0x82: {  	_ =	shalt  }
0x83: {  	_ =	shalt  }
0x84: {  	_ =	shalt  }
0x85: {  	_ =	shalt  }
0x86: {  	_ =	shalt  }
0x87: {  	_ =	shalt  }
.Lfunc_end0:
.L_simem_size_0:
called_computation.6_lowered:
.L_overlay_start_0:
0x88: {  	s2 =	sld [smem:$0x3FD9]  }
0x89: {  	s3 =	sld [smem:$0x3FFE];
	_ =	sdelay $0x1  }
0x8a: {  	s1 =	srdreg.scid  }
0x8b: {  	s0 =	sand.u32 $0x1, s1  }
0x8c: {  	s16 =	sshll.u32 s0, $0xA;
	s2 =	sadd.s32 s3, s2  }
0x8d: {  	s2 =	sadd.s32 s2, s16  }
0x8e: {  	[smem:$0x3FBC] =	sst s2  }
0x8f: {  	_ = 	snop  }
0x90: {  	(tm) =	ssettm $0x1  }
0x91: {  	s17 =	sld [smem:$0x3FFB];
	_ =	sdelay $0x3  }
0x92: {  	_ =	strace s17  }
0x93: {  	s2 =	sld [smem:$0x3FFC];
	_ =	sdelay $0x3  }
0x94: {  	_ =	strace s2  }
0x95: {  	s2 =	sld [smem:$0x3FFD];
	_ =	sdelay $0x3  }
0x96: {  	_ =	strace s2  }
0x97: {  	_ =	strace $0x8FFFFFFF  }
0x98: {  	s18 =	sld [smem:$0x3FDB];
	_ =	sdelay $0x1  }
0x99: {  	s19 =	simm.s32 $_scs_section_size  }
0x9a: {  	s4 =	simm.s32 $_size__tile_overlayer_lowered;
	s5 =	simm.s32 $_tile_overlayer_lowered  }
0x9b: {  	s22 =	simm.s32 $0x1BFF;
	s21 =	sshll.u32 s5, $0x1;
	s2 =	sadd.s32 s19, s18  }
0x9c: {  	s6 =	simm.s32 $0x0;
	s20 =	sshll.u32 s4, $0x1;
	s4 =	sadd.s32 s21, s2  }
0x9d: {  	[timem:s6], [sflag:s22] =	dma.local [hbm:s4], s20  }
0x9e: {  	_ =	swait.ge [sflag:s22], s20  }
0x9f: {  	s3 =	ssub.s32 $0x0, s20;
	[sflag:s22] =	ssyncset.done $0x0  }
0xa0: {  	[sflag:s22] =	ssyncadd.s32 s3;
	_ =	sdelay $0x1  }
0xa1: {  	s23 =	simm.s32 $0x1B8B  }
0xa2: {  	_ =	swait.ge [sflag:s23], $0x1  }
0xa3: {  	[sflag:s23] =	ssyncset.done $0x0  }
0xa4: {  	s25 =	simm.s32 $0x1B8E;
	s24 =	sld [smem:$0x3FFE];
	[sflag:s23] =	ssyncadd.s32 $0xFFFFFFFF  }
0xa5: {  	s26 =	simm.s32 $execute0_lowered;
	[smem:$0x3FD2] =	sst s25  }
0xa6: {  	s4 =	sshll.u32 s26, $0x1;
	_ =	strace $0x80000052;
	[dreg:$0x1] =	wrdreg $0xFFFFFFFF  }
0xa7: {  	s28 =	simm.s32 $_size_execute0_lowered;
	s2 =	sadd.s32 s2, s4;
	[dreg:$0x0] =	wrdreg $0x0  }
0xa8: {  	s4 =	sshll.u32 s28, $0x1;
	[dreg:$0x2] =	wrdreg s2  }
0xa9: {  	[dreg:$0x3] =	wrdreg s4  }
0xaa: {  	[dreg:$0x4] =	wrdreg $0xC0  }
0xab: {  	_ =	task [dreg:s6], $0x5FFFF  }
0xac: {  	[dreg:$0x1] =	wrdreg $0xFFFFFFFF  }
0xad: {  	[dreg:$0x0] =	wrdreg $0x60  }
0xae: {  	[dreg:$0x2] =	wrdreg s24  }
0xaf: {  	[dreg:$0x3] =	wrdreg $0xA8000  }
0xb0: {  	[dreg:$0x4] =	wrdreg $0xB  }
0xb1: {  	_ =	task.clear_ibuf [dreg:s6], $0x5FFFF;
	_ =	strace $0x90000052  }
0xb2: {  	s29 =	simm.s32 $0xB;
	_ =	strace $0x80000054  }
0xb3: {  	_ =	swait.ge [sflag:s29], $0x1  }
0xb4: {  	[sflag:s29] =	ssyncadd.s32 $0xFFFFFFFF  }
0xb5: {  	_ =	strace $0x90000054  }
0xb6: {  	_ =	sfence  }
0xb7: {  	s30 =	sld [smem:$0x0];
	_ =	sdelay $0x2  }
0xb8: {  	s31 =	sshll.u32 s1, $0xD;
	s1 =	sshrl.u32 s1, $0x2  }
0xb9: {  	s3 =	sand.u32 $0x4000, s31;
	s1 =	sadd.s32 s1, s30  }
0xba: {  	s0 =	sor.u32 s3, s0;
	s1 =	sshll.u32 s1, $0x11  }
0xbb: {  	s0 =	sor.u32 s1, s0  }
0xbc: {  	s0 =	sadd.s32 $0x8F2B, s0  }
0xbd: {  	[sflag:s0] =	ssyncadd.remote.s32 $0x1  }
0xbe: {  	_ =	sfence.sel $0xFFFF  }
0xbf: {  	[dreg:$0x0] =	wrdreg $0xFFFFFFFF;
	(pc) =	sbr.abs _section_cstart, $3  }
0xc0: {  	[dreg:$0x1] =	wrdreg $0xFFFFFFFF  }
0xc1: {  	_ =	task.clear_ibuf [dreg:s6], $0x2FFFF;
	_ =	strace $0x9FFFFFFF  }
0xc2: {  	(tm) =	ssettm $0x7FFFFFFF  }
0xc3: {  	_ =	shalt  }
tec
execute0_lowered:
.L_overlay_start_1:
0x0: {  	(tag) =	ssettag $0x1  }
0x1: {  	s5 =	rddreg [dreg:$0x0]  }
0x2: {  	s2 =	rddreg [dreg:$0x1]  }
0x3: {  	s0 =	rddreg [dreg:$0x2];
	s3 =	simm.s32 $0x0;
	s1 =	stileid.u32  }
0x4: {  	s4 =	srdreg.scid;
	s17 =	simm.s32 $0x2800;
	s18 =	simm.s32 $0x6800  }
0x5: {  	s19 =	simm.s32 $0x1;
	s20 =	simm.s32 $0x2;
	s21 =	simm.s32 $0x0  }
0x6: {  	[smem:$0x7FF] =	sst s3;
	s6 =	smul.u32 $0x14000, s1;
	s7 =	sand.u32 $0x1, s4  }
0x7: {  	s4 =	sadd.s32 $0xB9200, s5;
	s9 =	sadd.s32 $0x38000, s5;
	s11 =	sadd.s32 $0x2E000, s5  }
0x8: {  	s25 =	smul.u32 $0x50000, s1;
	s13 =	sshll.u32 s1, $0x1;
	s28 =	sshll.u32 s1, $0x6  }
0x9: {  	_ =	strace $0x80000053;
	s8 =	smul.u32 $0x140000, s7;
	s12 =	sshll.u32 s7, $0x5  }
0xa: {  	s7 =	ssub.s32 $0x2, s7;
	s10 =	sshrl.u32 s6, $0x3;
	s12 =	sor.u32 s13, s12  }
0xb: {  	s26 =	sshrl.u32 s7, $0x1;
	s10 =	sadd.s32 s10, s5;
	s6 =	sadd.s32 s6, s8  }
0xc: {  	s8 =	sshrl.u32 s25, $0x2;
	s14 =	smul.u32 $0x1400, s12;
	s13 =	ssub.s32 s7, s26  }
0xd: {  	s29 =	smul.u32 $0x280, s12;
	s6 =	sshrl.u32 s6, $0x3;
	s16 =	sadd.s32 s8, s2  }
0xe: {  	s12 =	smax.u32 s13, $0x1;
	s15 =	sadd.s32 s6, s5;
	s30 =	sshrl.u32 s14, $0x3  }
0xf: {  	s5 =	sadd.s32 $0x6A000, s10;
	s6 =	sor.u32 $0x1C03, s28;
	s7 =	sadd.s32 s9, s29  }
0x10: {  	s8 =	sadd.s32 s11, s29;
	s13 =	sshrl.u32 s16, $0x3;
	s31 =	sadd.s32 $0x280, s30  }
0x11: {  	s14 =	simm.s32 $0x3;
	s16 =	simm.s32 $0x80;
	s9 =	sadd.s32 s9, s31  }
0x12: {  	s10 =	sadd.s32 s11, s31;
	s11 =	sadd.s32 $0x1A9200, s15;
	s15 =	simm.s32 $0x1400  }
.LBB2_1:
0x13: {  	[spmem:s13], [sflag:s6] =	dma.local [hbm:s5], $0x2800  }
0x14: {  	_ =	swait.ge [sflag:s14], $0x2800  }
0x15: {  	[sflag:s14] =	ssyncset.done $0x0  }
0x16: {  	[sflag:s14] =	ssyncadd.s32 $0xFFFFD800  }
0x17: {  	[bflag:$0x0] =	sbarrier.arrive $0xFFFF  }
0x18: {  	[tilespmem:s3], [sflag:$0x3] =	stream.linear.gather [hbm4b:s7+s3], $0x1400, $0x38;
	[tilespmem:$0x1E800] =	vst v63  }
0x19: {  	_ =	swait.ge [sflag:s14], $0x1400  }
0x1a: {  	[sflag:s14] =	ssyncset.done $0x0  }
0x1b: {  	[sflag:s14] =	ssyncadd.s32 $0xFFFFEC00  }
0x1c: {  	[tilespmem:s15], [sflag:$0x3] =	stream.linear.gather [hbm4b:s8+s3], $0x1400, $0x38;
	[tilespmem:$0x1E800] =	vst v63  }
0x1d: {  	_ =	swait.ge [sflag:s14], $0x1400  }
0x1e: {  	[sflag:s14] =	ssyncset.done $0x0  }
0x1f: {  	s22 =	simm.s32 $0x0;
	[sflag:s14] =	ssyncadd.s32 $0xFFFFEC00  }
0x20: {  	[tilespmem:s17], [sflag:$0x1] =	stream.indirect.gather [hbm4b:s4+s16], $0x80, s22, s16, $0xb8;
	[tilespmem:$0x1E800] =	vst v63  }
0x21: {  	s29 =	simm.s32 $0x80  }
0x22: {  	[tilespmem:s18], [sflag:$0x2] =	stream.indirect.gather [hbm4b:s4+s16], $0x80, s29, s16, $0xb8;
	[tilespmem:$0x1E800] =	vst v63  }
0x23: {  	_ =	swait.ge [sflag:s19], $0x4000  }
0x24: {  	[sflag:s19] =	ssyncset.done $0x0  }
0x25: {  	s30 =	simm.s32 $0x1400;
	[sflag:s19] =	ssyncadd.s32 $0xFFFFC000  }
0x26: {  	[spmem:s2] =	stream.indirect.scatter.add.f32 [tilespmem:s17], [sflag:$0x3], $0x80, s30, s16, $0xb8;
	[tilespmem:$0x1E800] =	vst v63  }
0x27: {  	_ =	swait.ge [sflag:s14], $0x4000  }
0x28: {  	[sflag:s14] =	ssyncset.done $0x0  }
0x29: {  	[sflag:s14] =	ssyncadd.s32 $0xFFFFC000  }
0x2a: {  	_ =	swait.ge [sflag:s20], $0x4000  }
0x2b: {  	[sflag:s20] =	ssyncset.done $0x0  }
0x2c: {  	s31 =	simm.s32 $0x1480;
	[sflag:s20] =	ssyncadd.s32 $0xFFFFC000  }
0x2d: {  	[spmem:s2] =	stream.indirect.scatter.add.f32 [tilespmem:s18], [sflag:$0x3], $0x80, s31, s16, $0xb8;
	[tilespmem:$0x1E800] =	vst v63  }
0x2e: {  	_ =	swait.ge [sflag:s14], $0x4000  }
0x2f: {  	s23 =	simm.s32 $0x800;
	s22 =	simm.s32 $0x400;
	[sflag:s14] =	ssyncset.done $0x0  }
.LBB2_2:
0x30: {  	s24 =	sshra.s32 s22, $0x2  }
0x31: {  	[sflag:s14] =	ssyncadd.s32 $0xFFFFC000;
	s22 =	smov.u32 s23;
	s25 =	sadd.s32 $0x400, s23  }
0x32: {  	[tilespmem:s17], [sflag:$0x1] =	stream.indirect.gather [hbm4b:s4+s16], $0x80, s24, s16, $0xb8;
	[tilespmem:$0x1E800] =	vst v63  }
0x33: {  	p0 =	sne.s32 s23, $0x4C00;
	s23 =	sadd.s32 $0x80, s24  }
0x34: {  	[tilespmem:s18], [sflag:$0x2] =	stream.indirect.gather [hbm4b:s4+s16], $0x80, s23, s16, $0xb8;
	[tilespmem:$0x1E800] =	vst v63  }
0x35: {  	_ =	swait.ge [sflag:s19], $0x4000  }
0x36: {  	[sflag:s19] =	ssyncset.done $0x0  }
0x37: {  	s23 =	sadd.s32 $0x1400, s24;
	[sflag:s19] =	ssyncadd.s32 $0xFFFFC000  }
0x38: {  	[spmem:s2] =	stream.indirect.scatter.add.f32 [tilespmem:s17], [sflag:$0x3], $0x80, s23, s16, $0xb8;
	[tilespmem:$0x1E800] =	vst v63  }
0x39: {  	_ =	swait.ge [sflag:s14], $0x4000  }
0x3a: {  	[sflag:s14] =	ssyncset.done $0x0  }
0x3b: {  	[sflag:s14] =	ssyncadd.s32 $0xFFFFC000  }
0x3c: {  	_ =	swait.ge [sflag:s20], $0x4000  }
.Ltmp0:
0x3d: {  	[sflag:s20] =	ssyncset.done $0x0;
	(pc) =	sbr.rel @p0 .LBB2_2-.Ltmp0, $4  }
0x3e: {  	s23 =	sadd.s32 $0x1480, s24;
	[sflag:s20] =	ssyncadd.s32 $0xFFFFC000  }
0x3f: {  	[spmem:s2] =	stream.indirect.scatter.add.f32 [tilespmem:s18], [sflag:$0x3], $0x80, s23, s16, $0xb8;
	[tilespmem:$0x1E800] =	vst v63  }
0x40: {  	_ =	swait.ge [sflag:s14], $0x4000  }
0x41: {  	s23 =	smov.u32 s25;
	[sflag:s14] =	ssyncset.done $0x0  }
0x42: {  	s22 =	sshra.s32 s22, $0x2;
	[sflag:s14] =	ssyncadd.s32 $0xFFFFC000  }
0x43: {  	[tilespmem:s17], [sflag:$0x1] =	stream.indirect.gather [hbm4b:s4+s16], $0x80, s22, s16, $0xb8;
	[tilespmem:$0x1E800] =	vst v63  }
0x44: {  	s23 =	sadd.s32 $0x80, s22  }
0x45: {  	[tilespmem:s18], [sflag:$0x2] =	stream.indirect.gather [hbm4b:s4+s16], $0x80, s23, s16, $0xb8;
	[tilespmem:$0x1E800] =	vst v63  }
0x46: {  	_ =	swait.ge [sflag:s19], $0x4000  }
0x47: {  	[sflag:s19] =	ssyncset.done $0x0  }
0x48: {  	s25 =	sadd.s32 $0x1400, s22;
	[sflag:s19] =	ssyncadd.s32 $0xFFFFC000  }
0x49: {  	[spmem:s2] =	stream.indirect.scatter.add.f32 [tilespmem:s17], [sflag:$0x3], $0x80, s25, s16, $0xb8;
	[tilespmem:$0x1E800] =	vst v63  }
0x4a: {  	_ =	swait.ge [sflag:s14], $0x4000  }
0x4b: {  	[sflag:s14] =	ssyncset.done $0x0  }
0x4c: {  	[sflag:s14] =	ssyncadd.s32 $0xFFFFC000  }
0x4d: {  	_ =	swait.ge [sflag:s20], $0x4000  }
0x4e: {  	[sflag:s20] =	ssyncset.done $0x0  }
0x4f: {  	s22 =	sadd.s32 $0x1480, s22;
	[sflag:s20] =	ssyncadd.s32 $0xFFFFC000  }
0x50: {  	[spmem:s2] =	stream.indirect.scatter.add.f32 [tilespmem:s18], [sflag:$0x3], $0x80, s22, s16, $0xb8;
	[tilespmem:$0x1E800] =	vst v63  }
0x51: {  	_ =	swait.ge [sflag:s14], $0x4000  }
0x52: {  	[sflag:s14] =	ssyncset.done $0x0  }
0x53: {  	s26 =	simm.s32 $0x0;
	[sflag:s14] =	ssyncadd.s32 $0xFFFFC000  }
0x54: {  	[tilespmem:s26], [sflag:$0x3] =	stream.linear.gather [hbm4b:s9+s26], $0x1400, $0x38;
	[tilespmem:$0x1E800] =	vst v63  }
0x55: {  	_ =	swait.ge [sflag:s14], $0x1400  }
0x56: {  	[sflag:s14] =	ssyncset.done $0x0  }
0x57: {  	[sflag:s14] =	ssyncadd.s32 $0xFFFFEC00  }
0x58: {  	[tilespmem:s15], [sflag:$0x3] =	stream.linear.gather [hbm4b:s10+s26], $0x1400, $0x38;
	[tilespmem:$0x1E800] =	vst v63  }
0x59: {  	_ =	swait.ge [sflag:s14], $0x1400  }
0x5a: {  	[sflag:s14] =	ssyncset.done $0x0  }
0x5b: {  	s28 =	simm.s32 $0x0;
	[sflag:s14] =	ssyncadd.s32 $0xFFFFEC00  }
0x5c: {  	[tilespmem:s17], [sflag:$0x1] =	stream.indirect.gather [hbm4b:s4+s16], $0x80, s28, s16, $0xb8;
	[tilespmem:$0x1E800] =	vst v63  }
0x5d: {  	s29 =	simm.s32 $0x80  }
0x5e: {  	[tilespmem:s18], [sflag:$0x2] =	stream.indirect.gather [hbm4b:s4+s16], $0x80, s29, s16, $0xb8;
	[tilespmem:$0x1E800] =	vst v63  }
0x5f: {  	_ =	swait.ge [sflag:s19], $0x4000  }
0x60: {  	[sflag:s19] =	ssyncset.done $0x0  }
0x61: {  	s30 =	simm.s32 $0x1400;
	[sflag:s19] =	ssyncadd.s32 $0xFFFFC000  }
0x62: {  	[spmem:s2] =	stream.indirect.scatter.add.f32 [tilespmem:s17], [sflag:$0x3], $0x80, s30, s16, $0xb8;
	[tilespmem:$0x1E800] =	vst v63  }
0x63: {  	_ =	swait.ge [sflag:s14], $0x4000  }
0x64: {  	[sflag:s14] =	ssyncset.done $0x0  }
0x65: {  	[sflag:s14] =	ssyncadd.s32 $0xFFFFC000  }
0x66: {  	_ =	swait.ge [sflag:s20], $0x4000  }
0x67: {  	[sflag:s20] =	ssyncset.done $0x0  }
0x68: {  	s31 =	simm.s32 $0x1480;
	[sflag:s20] =	ssyncadd.s32 $0xFFFFC000  }
0x69: {  	[spmem:s2] =	stream.indirect.scatter.add.f32 [tilespmem:s18], [sflag:$0x3], $0x80, s31, s16, $0xb8;
	[tilespmem:$0x1E800] =	vst v63  }
0x6a: {  	_ =	swait.ge [sflag:s14], $0x4000  }
0x6b: {  	s23 =	simm.s32 $0x800;
	s22 =	simm.s32 $0x400;
	[sflag:s14] =	ssyncset.done $0x0  }
.LBB2_4:
0x6c: {  	s24 =	sshra.s32 s22, $0x2  }
0x6d: {  	[sflag:s14] =	ssyncadd.s32 $0xFFFFC000;
	s22 =	smov.u32 s23;
	s25 =	sadd.s32 $0x400, s23  }
0x6e: {  	[tilespmem:s17], [sflag:$0x1] =	stream.indirect.gather [hbm4b:s4+s16], $0x80, s24, s16, $0xb8;
	[tilespmem:$0x1E800] =	vst v63  }
0x6f: {  	p0 =	sne.s32 s23, $0x4C00;
	s23 =	sadd.s32 $0x80, s24  }
0x70: {  	[tilespmem:s18], [sflag:$0x2] =	stream.indirect.gather [hbm4b:s4+s16], $0x80, s23, s16, $0xb8;
	[tilespmem:$0x1E800] =	vst v63  }
0x71: {  	_ =	swait.ge [sflag:s19], $0x4000  }
0x72: {  	[sflag:s19] =	ssyncset.done $0x0  }
0x73: {  	s23 =	sadd.s32 $0x1400, s24;
	[sflag:s19] =	ssyncadd.s32 $0xFFFFC000  }
0x74: {  	[spmem:s2] =	stream.indirect.scatter.add.f32 [tilespmem:s17], [sflag:$0x3], $0x80, s23, s16, $0xb8;
	[tilespmem:$0x1E800] =	vst v63  }
0x75: {  	_ =	swait.ge [sflag:s14], $0x4000  }
0x76: {  	[sflag:s14] =	ssyncset.done $0x0  }
0x77: {  	[sflag:s14] =	ssyncadd.s32 $0xFFFFC000  }
0x78: {  	_ =	swait.ge [sflag:s20], $0x4000  }
.Ltmp1:
0x79: {  	[sflag:s20] =	ssyncset.done $0x0;
	(pc) =	sbr.rel @p0 .LBB2_4-.Ltmp1, $4  }
0x7a: {  	s23 =	sadd.s32 $0x1480, s24;
	[sflag:s20] =	ssyncadd.s32 $0xFFFFC000  }
0x7b: {  	[spmem:s2] =	stream.indirect.scatter.add.f32 [tilespmem:s18], [sflag:$0x3], $0x80, s23, s16, $0xb8;
	[tilespmem:$0x1E800] =	vst v63  }
0x7c: {  	_ =	swait.ge [sflag:s14], $0x4000  }
0x7d: {  	s23 =	smov.u32 s25;
	[sflag:s14] =	ssyncset.done $0x0  }
0x7e: {  	s22 =	sshra.s32 s22, $0x2;
	[sflag:s14] =	ssyncadd.s32 $0xFFFFC000  }
0x7f: {  	[tilespmem:s17], [sflag:$0x1] =	stream.indirect.gather [hbm4b:s4+s16], $0x80, s22, s16, $0xb8;
	[tilespmem:$0x1E800] =	vst v63  }
0x80: {  	s23 =	sadd.s32 $0x80, s22  }
0x81: {  	[tilespmem:s18], [sflag:$0x2] =	stream.indirect.gather [hbm4b:s4+s16], $0x80, s23, s16, $0xb8;
	[tilespmem:$0x1E800] =	vst v63  }
0x82: {  	_ =	swait.ge [sflag:s19], $0x4000  }
0x83: {  	[sflag:s19] =	ssyncset.done $0x0  }
0x84: {  	s31 =	sadd.s32 $0x1400, s22;
	[sflag:s19] =	ssyncadd.s32 $0xFFFFC000  }
0x85: {  	[spmem:s2] =	stream.indirect.scatter.add.f32 [tilespmem:s17], [sflag:$0x3], $0x80, s31, s16, $0xb8;
	[tilespmem:$0x1E800] =	vst v63  }
0x86: {  	_ =	swait.ge [sflag:s14], $0x4000  }
0x87: {  	[sflag:s14] =	ssyncset.done $0x0  }
0x88: {  	[sflag:s14] =	ssyncadd.s32 $0xFFFFC000  }
0x89: {  	_ =	swait.ge [sflag:s20], $0x4000  }
0x8a: {  	[sflag:s20] =	ssyncset.done $0x0  }
0x8b: {  	s22 =	sadd.s32 $0x1480, s22;
	[sflag:s20] =	ssyncadd.s32 $0xFFFFC000  }
0x8c: {  	[spmem:s2] =	stream.indirect.scatter.add.f32 [tilespmem:s18], [sflag:$0x3], $0x80, s22, s16, $0xb8;
	[tilespmem:$0x1E800] =	vst v63  }
0x8d: {  	_ =	swait.ge [sflag:s14], $0x4000  }
0x8e: {  	s21 =	sadd.s32 $0x1, s21;
	[sflag:s14] =	ssyncset.done $0x0  }
0x8f: {  	p0 =	sne.s32 s21, s12;
	[sflag:s14] =	ssyncadd.s32 $0xFFFFC000  }
.Ltmp2:
0x90: {  	[bflag:$0x0] =	sbarrier.arrive $0xFFFF;
	(pc) =	sbr.rel @p0 .LBB2_1-.Ltmp2, $4  }
0x91: {  	[hbm:s11], [sflag:s6] =	dma.local [spmem:s13], $0x2800  }
0x92: {  	_ =	swait.ge [sflag:s14], $0x2800  }
0x93: {  	[sflag:s14] =	ssyncset.done $0x0  }
0x94: {  	[sflag:s14] =	ssyncadd.s32 $0xFFFFD800  }
0x95: {  	_ =	sfence.sel $0x180000  }
0x96: {  	[bflag:$0x0] =	sbarrier.arrive $0xFFFF  }
0x97: {  	p0 =	sne.s32 s1, $0x0;
	_ =	strace $0x90000053  }
0x98: {  	s0 =	sadd.s32 @!p0 $0x100000, s0;
	[bflag:$0x2] =	sbarrier.arrive $0xFFFF  }
0x99: {  	[sflag:s0] =	ssyncadd.tile.s32 @!p0 $0x1;
	_ =	shalt  }
.Lfunc_end2:
_tile_overlayer_lowered:
.L_overlay_start_2:
0x9a: {  	(tag) =	ssettag $0x2  }
0x9b: {  	s0 =	rddreg [dreg:$0x0];
	s2 =	stileid.u32  }
0x9c: {  	s1 =	rddreg [dreg:$0x1];
	p0 =	sne.s32 s2, $0x0  }
0x9d: {  	s3 =	rddreg [dreg:$0x2];
	[bflag:$0x3] =	sbarrier.arrive $0xFFFF;
	s2 =	simm.s32 @!p0 $0x1C03  }
0x9e: {  	[timem:s3], [sflag:s2] =	dma.local @!p0 [hbm:s0], s1  }
0x9f: {  	s0 =	simm.s32 @!p0 $0x3  }
0xa0: {  	_ =	swait.ge @!p0 [sflag:s0], s1  }
0xa1: {  	s1 =	ssub.s32 @!p0 $0x0, s1;
	[sflag:s0] =	ssyncset.done @!p0 $0x0  }
0xa2: {  	[sflag:s0] =	ssyncadd.s32 @!p0 s1  }
0xa3: {  	[bflag:$0x3] =	sbarrier.arrive $0xFFFF  }
0xa4: {  	_ =	shalt  }

// kernel: kernel.40.cloned.1.call-start
scs
__scs_entry_jumppad:
0x0: {  	(pc) =	sbr.rel $0x88, $3  }
0x1: {  	(tag) =	ssettag $0x0;
	lr =	simm.s32 $0x1  }
0x2: {  	[smem:$0x3F95] =	sst lr;
	_ =	strace $0xD0000000  }
0x3: {  	_ = 	snop  }
0x4: {  	_ = 	snop  }
0x5: {  	_ = 	snop  }
0x6: {  	_ = 	snop  }
0x7: {  	_ = 	snop  }
__scs_overlays_trampoline_lowered:
0x8: {  	[smem:$0x3FA4] =	sst s0  }
0x9: {  	[smem:$0x3FA5] =	sst s1  }
0xa: {  	[smem:$0x3FA6] =	sst s2  }
0xb: {  	[smem:$0x3FA7] =	sst s3  }
0xc: {  	[smem:$0x3FA8] =	sst s4  }
0xd: {  	[smem:$0x3FA9] =	sst s5  }
0xe: {  	[smem:$0x3FAA] =	sst s6  }
0xf: {  	[smem:$0x3FAB] =	sst s7  }
0x10: {  	[smem:$0x3FAC] =	sst s8  }
0x11: {  	[smem:$0x3FAD] =	sst s9;
	s0 =	simm.s32 @!p0 $0x0  }
0x12: {  	s1 =	sld [smem:$0x3F93];
	s0 =	simm.s32 @p0 $0x1  }
0x13: {  	[smem:$0x3FAE] =	sst s0;
	s0 =	simm.s32 @!p1 $0x0  }
0x14: {  	s2 =	sld [smem:$0x3F92];
	s0 =	simm.s32 @p1 $0x1  }
0x15: {  	[smem:$0x3FAF] =	sst s0;
	s0 =	simm.s32 @!p2 $0x0  }
0x16: {  	s3 =	sld [smem:$0x3FDB];
	s0 =	simm.s32 @p2 $0x1  }
0x17: {  	s4 =	simm.s32 $0x1BF5;
	[smem:$0x3FB1] =	sst s0  }
0x18: {  	s0 =	sld [smem:$0x3F94];
	_ =	swait.ge [sflag:s4], $0x0  }
0x19: {  	s7 =	sld [smem:$0x3F95]  }
0x1a: {  	s8 =	sadd.s32 $0xFFFFE003, lr  }
0x1b: {  	s9 =	sadd.s32 $0xFFFFFEF7, lr;
	s5 =	simm.s32 $0xFFFFFFFF;
	p2 =	slt.u32 s8, $0xFFFFF086  }
0x1c: {  	p1 =	slt.u32 s9, $0xF7A;
	s5 =	simm.s32 @!p2 $0x0  }
0x1d: {  	s5 =	simm.s32 @p1 $0x1;
	p0 =	seq.s32 s7, s2  }
0x1e: {  	s7 =	smul.u32 @!p0 $0xF7A, s2;
	p2 =	seq.s32 @!p0 s5, $0x0  }
0x1f: {  	s9 =	smul.u32 $0xF7A, s1;
	s8 =	simm.s32 @!p0 $0x1BF5;
	p2 =	por !p2, p0  }
0x20: {  	[sflag:s8] =	ssyncset.s32 @!p0 $0xFFFFF086;
	s6 =	sadd.s32 @!p0 s3, s7;
	s7 =	simm.s32 @!p0 $0x108  }
0x21: {  	s3 =	sadd.s32 s3, s9;
	s6 =	sadd.s32 @!p0 $0x88, s6;
	s7 =	simm.s32 @p2 $0x1082  }
0x22: {  	[simem:s7], [sflag:s8] =	dma.local @!p0 [hbm:s6], $0xF7A  }
0x23: {  	s9 =	sor.u32 $0xD0000000, s2;
	s6 =	simm.s32 $0x108;
	_ =	swait.ge @!p0 [sflag:s8], $0x0  }
0x24: {  	s3 =	sadd.s32 $0x88, s3;
	s6 =	simm.s32 @!p1 $0x1082;
	[sflag:s4] =	ssyncset.s32 $0xFFFFF086  }
0x25: {  	[simem:s6], [sflag:s4] =	dma.local [hbm:s3], $0xF7A  }
0x26: {  	[smem:$0x3F95] =	sst s1;
	(tag) =	ssettag s2;
	_ =	strace s9  }
0x27: {  	s1 =	sld [smem:$0x3FA5]  }
0x28: {  	s2 =	sld [smem:$0x3FA6]  }
0x29: {  	s4 =	sld [smem:$0x3FA8]  }
0x2a: {  	p0 =	seq.s32 s5, $0x0;
	s5 =	sld [smem:$0x3FA9]  }
0x2b: {  	s6 =	sld [smem:$0x3FAA]  }
0x2c: {  	s7 =	sld [smem:$0x3FAB]  }
0x2d: {  	s3 =	simm.s32 $0x108;
	s8 =	sld [smem:$0x3FAC]  }
0x2e: {  	s3 =	simm.s32 @!p0 $0x1082;
	s9 =	sld [smem:$0x3FAD]  }
0x2f: {  	lr =	sadd.s32 s0, s3;
	s0 =	sld [smem:$0x3FA4]  }
0x30: {  	s3 =	sld [smem:$0x3FA7]  }
0x31: {  	[smem:$0x3FB0] =	sst s10  }
0x32: {  	s10 =	sld [smem:$0x3FAE];
	_ =	sdelay $0x3  }
0x33: {  	p0 =	seq.s32 s10, $0x1;
	s10 =	sld [smem:$0x3FB0];
	_ =	sdelay $0x3  }
0x34: {  	[smem:$0x3FB0] =	sst s10  }
0x35: {  	s10 =	sld [smem:$0x3FAF];
	_ =	sdelay $0x3  }
0x36: {  	p1 =	seq.s32 s10, $0x1;
	s10 =	sld [smem:$0x3FB0];
	_ =	sdelay $0x3  }
0x37: {  	[smem:$0x3FB0] =	sst s10  }
0x38: {  	s10 =	sld [smem:$0x3FB1]  }
0x39: {  	_ = 	snop;
	(pc) =	sbr.ind lr, $3  }
0x3a: {  	_ = 	snop  }
0x3b: {  	_ = 	snop  }
0x3c: {  	p2 =	seq.s32 s10, $0x1;
	s10 =	sld [smem:$0x3FB0]  }
0x3d: {  	_ =	shalt  }
0x3e: {  	_ =	shalt  }
0x3f: {  	_ =	shalt  }
0x40: {  	_ =	shalt  }
0x41: {  	_ =	shalt  }
0x42: {  	_ =	shalt  }
0x43: {  	_ =	shalt  }
0x44: {  	_ =	shalt  }
0x45: {  	_ =	shalt  }
0x46: {  	_ =	shalt  }
0x47: {  	_ =	shalt  }
0x48: {  	_ =	shalt  }
0x49: {  	_ =	shalt  }
0x4a: {  	_ =	shalt  }
0x4b: {  	_ =	shalt  }
0x4c: {  	_ =	shalt  }
0x4d: {  	_ =	shalt  }
0x4e: {  	_ =	shalt  }
0x4f: {  	_ =	shalt  }
0x50: {  	_ =	shalt  }
0x51: {  	_ =	shalt  }
0x52: {  	_ =	shalt  }
0x53: {  	_ =	shalt  }
0x54: {  	_ =	shalt  }
0x55: {  	_ =	shalt  }
0x56: {  	_ =	shalt  }
0x57: {  	_ =	shalt  }
0x58: {  	_ =	shalt  }
0x59: {  	_ =	shalt  }
0x5a: {  	_ =	shalt  }
0x5b: {  	_ =	shalt  }
0x5c: {  	_ =	shalt  }
0x5d: {  	_ =	shalt  }
0x5e: {  	_ =	shalt  }
0x5f: {  	_ =	shalt  }
0x60: {  	_ =	shalt  }
0x61: {  	_ =	shalt  }
0x62: {  	_ =	shalt  }
0x63: {  	_ =	shalt  }
0x64: {  	_ =	shalt  }
0x65: {  	_ =	shalt  }
0x66: {  	_ =	shalt  }
0x67: {  	_ =	shalt  }
0x68: {  	_ =	shalt  }
0x69: {  	_ =	shalt  }
0x6a: {  	_ =	shalt  }
0x6b: {  	_ =	shalt  }
0x6c: {  	_ =	shalt  }
0x6d: {  	_ =	shalt  }
0x6e: {  	_ =	shalt  }
0x6f: {  	_ =	shalt  }
0x70: {  	_ =	shalt  }
0x71: {  	_ =	shalt  }
0x72: {  	_ =	shalt  }
0x73: {  	_ =	shalt  }
0x74: {  	_ =	shalt  }
0x75: {  	_ =	shalt  }
0x76: {  	_ =	shalt  }
0x77: {  	_ =	shalt  }
0x78: {  	_ =	shalt  }
0x79: {  	_ =	shalt  }
0x7a: {  	_ =	shalt  }
0x7b: {  	_ =	shalt  }
0x7c: {  	_ =	shalt  }
0x7d: {  	_ =	shalt  }
0x7e: {  	_ =	shalt  }
0x7f: {  	_ =	shalt  }
0x80: {  	_ =	shalt  }
0x81: {  	_ =	shalt  }
0x82: {  	_ =	shalt  }
0x83: {  	_ =	shalt  }
0x84: {  	_ =	shalt  }
0x85: {  	_ =	shalt  }
0x86: {  	_ =	shalt  }
0x87: {  	_ =	shalt  }
.Lfunc_end0:
.L_simem_size_0:
called_computation.7_lowered:
.L_overlay_start_0:
0x88: {  	s2 =	sld [smem:$0x3FD9]  }
0x89: {  	s3 =	sld [smem:$0x3FFE];
	_ =	sdelay $0x1  }
0x8a: {  	s1 =	srdreg.scid  }
0x8b: {  	s0 =	sand.u32 $0x1, s1  }
0x8c: {  	s17 =	sshll.u32 s0, $0xA;
	s2 =	sadd.s32 s3, s2  }
0x8d: {  	s2 =	sadd.s32 s2, s17  }
0x8e: {  	[smem:$0x3FBC] =	sst s2  }
0x8f: {  	_ = 	snop  }
0x90: {  	s18 =	sld [smem:$0x3FD0];
	(tm) =	ssettm $0x1  }
0x91: {  	s19 =	sld [smem:$0x3FFB];
	_ =	sdelay $0x3  }
0x92: {  	_ =	strace s19  }
0x93: {  	s2 =	sld [smem:$0x3FFC];
	_ =	sdelay $0x3  }
0x94: {  	_ =	strace s2  }
0x95: {  	s2 =	sld [smem:$0x3FFD];
	_ =	sdelay $0x3  }
0x96: {  	_ =	strace s2  }
0x97: {  	_ =	strace $0x8FFFFFFF  }
0x98: {  	s20 =	sld [smem:$0x3FDB];
	_ =	sdelay $0x1  }
0x99: {  	s4 =	simm.s32 $_scs_section_size  }
0x9a: {  	s5 =	simm.s32 $_size__tile_overlayer_lowered;
	s6 =	simm.s32 $_tile_overlayer_lowered  }
0x9b: {  	s7 =	simm.s32 $0x1BFF;
	s21 =	sshll.u32 s6, $0x1;
	s4 =	sadd.s32 s4, s20  }
0x9c: {  	s22 =	simm.s32 $0x0;
	s5 =	sshll.u32 s5, $0x1;
	s6 =	sadd.s32 s21, s4  }
0x9d: {  	[timem:s22], [sflag:s7] =	dma.local [hbm:s6], s5  }
0x9e: {  	_ =	swait.ge [sflag:s7], s5  }
0x9f: {  	s5 =	ssub.s32 $0x0, s5;
	[sflag:s7] =	ssyncset.done $0x0  }
0xa0: {  	[sflag:s7] =	ssyncadd.s32 s5;
	_ =	sdelay $0x1  }
0xa1: {  	s23 =	simm.s32 $0x1B8B  }
0xa2: {  	_ =	swait.ge [sflag:s23], $0x1  }
0xa3: {  	[sflag:s23] =	ssyncset.done $0x0  }
0xa4: {  	[sflag:s23] =	ssyncadd.s32 $0xFFFFFFFF  }
0xa5: {  	s5 =	sld [smem:$0x0]  }
0xa6: {  	s6 =	sand.u32 $0xFFFFFFFE, s1  }
0xa7: {  	p0 =	sne.s32 s1, s6  }
0xa8: {  	s6 =	sshll.u32 @p0 s6, $0xE  }
0xa9: {  	s6 =	sadd.s32 @p0 $0x11B8D, s6;
	s7 =	sshll.u32 @p0 s5, $0x11  }
0xaa: {  	s6 =	sor.u32 @p0 s7, s6  }
0xab: {  	[sflag:s6] =	ssyncadd.remote.s32 @p0 $0x1;
	_ =	sdelay $0x1  }
0xac: {  	s6 =	simm.s32 @p0 $0x1B8D  }
0xad: {  	_ =	swait.eq @p0 [sflag:s6], $0x1  }
0xae: {  	[sflag:s6] =	ssyncadd.s32 @p0 $0xFFFFFFFF  }
0xaf: {  	s7 =	sshll.u32 @!p0 s1, $0xE  }
0xb0: {  	s7 =	sor.u32 @!p0 $0x4000, s7;
	s6 =	simm.s32 @!p0 $0x1B8D  }
0xb1: {  	s5 =	sshll.u32 @!p0 s5, $0x11;
	s7 =	sadd.s32 @!p0 $0x11B8D, s7;
	_ =	swait.eq @!p0 [sflag:s6], $0x1  }
0xb2: {  	s5 =	sor.u32 @!p0 s5, s7;
	[sflag:s6] =	ssyncadd.s32 @!p0 $0xFFFFFFFF  }
0xb3: {  	s25 =	simm.s32 $0x1B8E;
	s24 =	sld [smem:$0x3FFE];
	[sflag:s5] =	ssyncadd.remote.s32 @!p0 $0x1  }
0xb4: {  	s26 =	simm.s32 $execute0_lowered;
	[smem:$0x3FD2] =	sst s25  }
0xb5: {  	s6 =	sshll.u32 s26, $0x1;
	_ =	strace $0x8000005E;
	[dreg:$0x1] =	wrdreg $0xFFFFFFFF  }
0xb6: {  	s28 =	simm.s32 $_size_execute0_lowered;
	s4 =	sadd.s32 s4, s6;
	[dreg:$0x0] =	wrdreg $0x0  }
0xb7: {  	s6 =	sshll.u32 s28, $0x1;
	[dreg:$0x2] =	wrdreg s4  }
0xb8: {  	[dreg:$0x3] =	wrdreg s6  }
0xb9: {  	[dreg:$0x4] =	wrdreg $0xC0  }
0xba: {  	_ =	task [dreg:s22], $0x5FFFF  }
0xbb: {  	[dreg:$0x1] =	wrdreg $0xFFFFFFFF  }
0xbc: {  	[dreg:$0x0] =	wrdreg $0x60  }
0xbd: {  	[dreg:$0x2] =	wrdreg s24  }
0xbe: {  	[dreg:$0x3] =	wrdreg s18  }
0xbf: {  	[dreg:$0x4] =	wrdreg $0xA8000  }
0xc0: {  	[dreg:$0x5] =	wrdreg $0x9  }
0xc1: {  	_ =	task.clear_ibuf [dreg:s22], $0x6FFFF;
	_ =	strace $0x9000005E  }
0xc2: {  	s29 =	simm.s32 $0x9;
	_ =	strace $0x80000060  }
0xc3: {  	_ =	swait.ge [sflag:s29], $0x1  }
0xc4: {  	[sflag:s29] =	ssyncadd.s32 $0xFFFFFFFF  }
0xc5: {  	_ =	strace $0x90000060  }
0xc6: {  	_ =	sfence  }
0xc7: {  	s30 =	sld [smem:$0x0];
	_ =	sdelay $0x2  }
0xc8: {  	s31 =	sshll.u32 s1, $0xD;
	s1 =	sshrl.u32 s1, $0x2  }
0xc9: {  	s4 =	sand.u32 $0x4000, s31;
	s1 =	sadd.s32 s1, s30  }
0xca: {  	s0 =	sor.u32 s4, s0;
	s1 =	sshll.u32 s1, $0x11  }
0xcb: {  	s0 =	sor.u32 s1, s0  }
0xcc: {  	s0 =	sadd.s32 $0x8F2B, s0  }
0xcd: {  	[sflag:s0] =	ssyncadd.remote.s32 $0x1  }
0xce: {  	_ =	sfence.sel $0xFFFF  }
0xcf: {  	[dreg:$0x0] =	wrdreg $0xFFFFFFFF;
	(pc) =	sbr.abs _section_cstart, $3  }
0xd0: {  	[dreg:$0x1] =	wrdreg $0xFFFFFFFF  }
0xd1: {  	_ =	task.clear_ibuf [dreg:s22], $0x2FFFF;
	_ =	strace $0x9FFFFFFF  }
0xd2: {  	(tm) =	ssettm $0x7FFFFFFF  }
0xd3: {  	_ =	shalt  }
tec
execute0_lowered:
.L_overlay_start_1:
0x0: {  	(tag) =	ssettag $0x1  }
0x1: {  	s5 =	rddreg [dreg:$0x0]  }
0x2: {  	s11 =	rddreg [dreg:$0x1]  }
0x3: {  	s1 =	rddreg [dreg:$0x2]  }
0x4: {  	s0 =	rddreg [dreg:$0x3];
	s3 =	simm.s32 $0x0  }
0x5: {  	s2 =	stileid.u32;
	s6 =	srdreg.scid;
	s17 =	simm.s32 $0x2800  }
0x6: {  	s18 =	simm.s32 $0x6800;
	s19 =	simm.s32 $0x1;
	s20 =	simm.s32 $0x2  }
0x7: {  	s21 =	simm.s32 $0x0;
	[smem:$0x7FF] =	sst s3;
	s4 =	sadd.s32 $0x92000, s5  }
0x8: {  	s8 =	smul.u32 $0x14000, s2;
	s9 =	sadd.s32 $0x60000, s5;
	s10 =	sadd.s32 $0x56000, s5  }
0x9: {  	s6 =	sand.u32 $0x1, s6;
	s13 =	sshll.u32 s2, $0x1;
	s15 =	smul.u32 $0x50000, s2  }
0xa: {  	s30 =	sshll.u32 s2, $0x6;
	_ =	strace $0x8000005F;
	s12 =	sshll.u32 s6, $0x5  }
0xb: {  	s14 =	ssub.s32 $0x2, s6;
	s16 =	smul.u32 $0x140000, s6;
	s6 =	sor.u32 $0x1C03, s30  }
0xc: {  	s7 =	sshrl.u32 s8, $0x3;
	s12 =	sor.u32 s13, s12;
	s28 =	sshrl.u32 s14, $0x1  }
0xd: {  	s29 =	sshrl.u32 s15, $0x2;
	s5 =	sadd.s32 s7, s5;
	s13 =	smul.u32 $0x280, s12  }
0xe: {  	s14 =	ssub.s32 s14, s28;
	s12 =	smul.u32 $0x1400, s12;
	s16 =	sadd.s32 s8, s16  }
0xf: {  	s15 =	sadd.s32 s29, s1;
	s5 =	sadd.s32 $0x6A000, s5;
	s31 =	sshrl.u32 s16, $0x3  }
0x10: {  	s16 =	simm.s32 $0x80;
	s12 =	sshrl.u32 s12, $0x3;
	s7 =	sadd.s32 s9, s13  }
0x11: {  	s8 =	sadd.s32 s10, s13;
	s11 =	sadd.s32 s11, s31;
	s12 =	sadd.s32 $0x280, s12  }
0x12: {  	s13 =	sshrl.u32 s15, $0x3;
	s15 =	simm.s32 $0x1400;
	s9 =	sadd.s32 s9, s12  }
0x13: {  	s10 =	sadd.s32 s10, s12;
	s12 =	smax.u32 s14, $0x1;
	s14 =	simm.s32 $0x3  }
.LBB2_1:
0x14: {  	[spmem:s13], [sflag:s6] =	dma.local [hbm:s5], $0x2800  }
0x15: {  	_ =	swait.ge [sflag:s14], $0x2800  }
0x16: {  	[sflag:s14] =	ssyncset.done $0x0  }
0x17: {  	[sflag:s14] =	ssyncadd.s32 $0xFFFFD800  }
0x18: {  	[bflag:$0x0] =	sbarrier.arrive $0xFFFF  }
0x19: {  	[tilespmem:s3], [sflag:$0x3] =	stream.linear.gather [hbm4b:s7+s3], $0x1400, $0x38;
	[tilespmem:$0x1E800] =	vst v63  }
0x1a: {  	_ =	swait.ge [sflag:s14], $0x1400  }
0x1b: {  	[sflag:s14] =	ssyncset.done $0x0  }
0x1c: {  	[sflag:s14] =	ssyncadd.s32 $0xFFFFEC00  }
0x1d: {  	[tilespmem:s15], [sflag:$0x3] =	stream.linear.gather [hbm4b:s8+s3], $0x1400, $0x38;
	[tilespmem:$0x1E800] =	vst v63  }
0x1e: {  	_ =	swait.ge [sflag:s14], $0x1400  }
0x1f: {  	[sflag:s14] =	ssyncset.done $0x0  }
0x20: {  	s22 =	simm.s32 $0x0;
	[sflag:s14] =	ssyncadd.s32 $0xFFFFEC00  }
0x21: {  	[tilespmem:s17], [sflag:$0x1] =	stream.indirect.gather [hbm4b:s4+s16], $0x80, s22, s16, $0xb8;
	[tilespmem:$0x1E800] =	vst v63  }
0x22: {  	s29 =	simm.s32 $0x80  }
0x23: {  	[tilespmem:s18], [sflag:$0x2] =	stream.indirect.gather [hbm4b:s4+s16], $0x80, s29, s16, $0xb8;
	[tilespmem:$0x1E800] =	vst v63  }
0x24: {  	_ =	swait.ge [sflag:s19], $0x4000  }
0x25: {  	[sflag:s19] =	ssyncset.done $0x0  }
0x26: {  	s30 =	simm.s32 $0x1400;
	[sflag:s19] =	ssyncadd.s32 $0xFFFFC000  }
0x27: {  	[spmem:s1] =	stream.indirect.scatter.add.f32 [tilespmem:s17], [sflag:$0x3], $0x80, s30, s16, $0xb8;
	[tilespmem:$0x1E800] =	vst v63  }
0x28: {  	_ =	swait.ge [sflag:s14], $0x4000  }
0x29: {  	[sflag:s14] =	ssyncset.done $0x0  }
0x2a: {  	[sflag:s14] =	ssyncadd.s32 $0xFFFFC000  }
0x2b: {  	_ =	swait.ge [sflag:s20], $0x4000  }
0x2c: {  	[sflag:s20] =	ssyncset.done $0x0  }
0x2d: {  	s31 =	simm.s32 $0x1480;
	[sflag:s20] =	ssyncadd.s32 $0xFFFFC000  }
0x2e: {  	[spmem:s1] =	stream.indirect.scatter.add.f32 [tilespmem:s18], [sflag:$0x3], $0x80, s31, s16, $0xb8;
	[tilespmem:$0x1E800] =	vst v63  }
0x2f: {  	_ =	swait.ge [sflag:s14], $0x4000  }
0x30: {  	s23 =	simm.s32 $0x800;
	s22 =	simm.s32 $0x400;
	[sflag:s14] =	ssyncset.done $0x0  }
.LBB2_2:
0x31: {  	s24 =	sshra.s32 s22, $0x2  }
0x32: {  	[sflag:s14] =	ssyncadd.s32 $0xFFFFC000;
	s22 =	smov.u32 s23;
	s25 =	sadd.s32 $0x400, s23  }
0x33: {  	[tilespmem:s17], [sflag:$0x1] =	stream.indirect.gather [hbm4b:s4+s16], $0x80, s24, s16, $0xb8;
	[tilespmem:$0x1E800] =	vst v63  }
0x34: {  	p0 =	sne.s32 s23, $0x4C00;
	s23 =	sadd.s32 $0x80, s24  }
0x35: {  	[tilespmem:s18], [sflag:$0x2] =	stream.indirect.gather [hbm4b:s4+s16], $0x80, s23, s16, $0xb8;
	[tilespmem:$0x1E800] =	vst v63  }
0x36: {  	_ =	swait.ge [sflag:s19], $0x4000  }
0x37: {  	[sflag:s19] =	ssyncset.done $0x0  }
0x38: {  	s23 =	sadd.s32 $0x1400, s24;
	[sflag:s19] =	ssyncadd.s32 $0xFFFFC000  }
0x39: {  	[spmem:s1] =	stream.indirect.scatter.add.f32 [tilespmem:s17], [sflag:$0x3], $0x80, s23, s16, $0xb8;
	[tilespmem:$0x1E800] =	vst v63  }
0x3a: {  	_ =	swait.ge [sflag:s14], $0x4000  }
0x3b: {  	[sflag:s14] =	ssyncset.done $0x0  }
0x3c: {  	[sflag:s14] =	ssyncadd.s32 $0xFFFFC000  }
0x3d: {  	_ =	swait.ge [sflag:s20], $0x4000  }
.Ltmp0:
0x3e: {  	[sflag:s20] =	ssyncset.done $0x0;
	(pc) =	sbr.rel @p0 .LBB2_2-.Ltmp0, $4  }
0x3f: {  	s23 =	sadd.s32 $0x1480, s24;
	[sflag:s20] =	ssyncadd.s32 $0xFFFFC000  }
0x40: {  	[spmem:s1] =	stream.indirect.scatter.add.f32 [tilespmem:s18], [sflag:$0x3], $0x80, s23, s16, $0xb8;
	[tilespmem:$0x1E800] =	vst v63  }
0x41: {  	_ =	swait.ge [sflag:s14], $0x4000  }
0x42: {  	s23 =	smov.u32 s25;
	[sflag:s14] =	ssyncset.done $0x0  }
0x43: {  	s22 =	sshra.s32 s22, $0x2;
	[sflag:s14] =	ssyncadd.s32 $0xFFFFC000  }
0x44: {  	[tilespmem:s17], [sflag:$0x1] =	stream.indirect.gather [hbm4b:s4+s16], $0x80, s22, s16, $0xb8;
	[tilespmem:$0x1E800] =	vst v63  }
0x45: {  	s23 =	sadd.s32 $0x80, s22  }
0x46: {  	[tilespmem:s18], [sflag:$0x2] =	stream.indirect.gather [hbm4b:s4+s16], $0x80, s23, s16, $0xb8;
	[tilespmem:$0x1E800] =	vst v63  }
0x47: {  	_ =	swait.ge [sflag:s19], $0x4000  }
0x48: {  	[sflag:s19] =	ssyncset.done $0x0  }
0x49: {  	s25 =	sadd.s32 $0x1400, s22;
	[sflag:s19] =	ssyncadd.s32 $0xFFFFC000  }
0x4a: {  	[spmem:s1] =	stream.indirect.scatter.add.f32 [tilespmem:s17], [sflag:$0x3], $0x80, s25, s16, $0xb8;
	[tilespmem:$0x1E800] =	vst v63  }
0x4b: {  	_ =	swait.ge [sflag:s14], $0x4000  }
0x4c: {  	[sflag:s14] =	ssyncset.done $0x0  }
0x4d: {  	[sflag:s14] =	ssyncadd.s32 $0xFFFFC000  }
0x4e: {  	_ =	swait.ge [sflag:s20], $0x4000  }
0x4f: {  	[sflag:s20] =	ssyncset.done $0x0  }
0x50: {  	s22 =	sadd.s32 $0x1480, s22;
	[sflag:s20] =	ssyncadd.s32 $0xFFFFC000  }
0x51: {  	[spmem:s1] =	stream.indirect.scatter.add.f32 [tilespmem:s18], [sflag:$0x3], $0x80, s22, s16, $0xb8;
	[tilespmem:$0x1E800] =	vst v63  }
0x52: {  	_ =	swait.ge [sflag:s14], $0x4000  }
0x53: {  	[sflag:s14] =	ssyncset.done $0x0  }
0x54: {  	s26 =	simm.s32 $0x0;
	[sflag:s14] =	ssyncadd.s32 $0xFFFFC000  }
0x55: {  	[tilespmem:s26], [sflag:$0x3] =	stream.linear.gather [hbm4b:s9+s26], $0x1400, $0x38;
	[tilespmem:$0x1E800] =	vst v63  }
0x56: {  	_ =	swait.ge [sflag:s14], $0x1400  }
0x57: {  	[sflag:s14] =	ssyncset.done $0x0  }
0x58: {  	[sflag:s14] =	ssyncadd.s32 $0xFFFFEC00  }
0x59: {  	[tilespmem:s15], [sflag:$0x3] =	stream.linear.gather [hbm4b:s10+s26], $0x1400, $0x38;
	[tilespmem:$0x1E800] =	vst v63  }
0x5a: {  	_ =	swait.ge [sflag:s14], $0x1400  }
0x5b: {  	[sflag:s14] =	ssyncset.done $0x0  }
0x5c: {  	s28 =	simm.s32 $0x0;
	[sflag:s14] =	ssyncadd.s32 $0xFFFFEC00  }
0x5d: {  	[tilespmem:s17], [sflag:$0x1] =	stream.indirect.gather [hbm4b:s4+s16], $0x80, s28, s16, $0xb8;
	[tilespmem:$0x1E800] =	vst v63  }
0x5e: {  	s29 =	simm.s32 $0x80  }
0x5f: {  	[tilespmem:s18], [sflag:$0x2] =	stream.indirect.gather [hbm4b:s4+s16], $0x80, s29, s16, $0xb8;
	[tilespmem:$0x1E800] =	vst v63  }
0x60: {  	_ =	swait.ge [sflag:s19], $0x4000  }
0x61: {  	[sflag:s19] =	ssyncset.done $0x0  }
0x62: {  	s30 =	simm.s32 $0x1400;
	[sflag:s19] =	ssyncadd.s32 $0xFFFFC000  }
0x63: {  	[spmem:s1] =	stream.indirect.scatter.add.f32 [tilespmem:s17], [sflag:$0x3], $0x80, s30, s16, $0xb8;
	[tilespmem:$0x1E800] =	vst v63  }
0x64: {  	_ =	swait.ge [sflag:s14], $0x4000  }
0x65: {  	[sflag:s14] =	ssyncset.done $0x0  }
0x66: {  	[sflag:s14] =	ssyncadd.s32 $0xFFFFC000  }
0x67: {  	_ =	swait.ge [sflag:s20], $0x4000  }
0x68: {  	[sflag:s20] =	ssyncset.done $0x0  }
0x69: {  	s31 =	simm.s32 $0x1480;
	[sflag:s20] =	ssyncadd.s32 $0xFFFFC000  }
0x6a: {  	[spmem:s1] =	stream.indirect.scatter.add.f32 [tilespmem:s18], [sflag:$0x3], $0x80, s31, s16, $0xb8;
	[tilespmem:$0x1E800] =	vst v63  }
0x6b: {  	_ =	swait.ge [sflag:s14], $0x4000  }
0x6c: {  	s23 =	simm.s32 $0x800;
	s22 =	simm.s32 $0x400;
	[sflag:s14] =	ssyncset.done $0x0  }
.LBB2_4:
0x6d: {  	s24 =	sshra.s32 s22, $0x2  }
0x6e: {  	[sflag:s14] =	ssyncadd.s32 $0xFFFFC000;
	s22 =	smov.u32 s23;
	s25 =	sadd.s32 $0x400, s23  }
0x6f: {  	[tilespmem:s17], [sflag:$0x1] =	stream.indirect.gather [hbm4b:s4+s16], $0x80, s24, s16, $0xb8;
	[tilespmem:$0x1E800] =	vst v63  }
0x70: {  	p0 =	sne.s32 s23, $0x4C00;
	s23 =	sadd.s32 $0x80, s24  }
0x71: {  	[tilespmem:s18], [sflag:$0x2] =	stream.indirect.gather [hbm4b:s4+s16], $0x80, s23, s16, $0xb8;
	[tilespmem:$0x1E800] =	vst v63  }
0x72: {  	_ =	swait.ge [sflag:s19], $0x4000  }
0x73: {  	[sflag:s19] =	ssyncset.done $0x0  }
0x74: {  	s23 =	sadd.s32 $0x1400, s24;
	[sflag:s19] =	ssyncadd.s32 $0xFFFFC000  }
0x75: {  	[spmem:s1] =	stream.indirect.scatter.add.f32 [tilespmem:s17], [sflag:$0x3], $0x80, s23, s16, $0xb8;
	[tilespmem:$0x1E800] =	vst v63  }
0x76: {  	_ =	swait.ge [sflag:s14], $0x4000  }
0x77: {  	[sflag:s14] =	ssyncset.done $0x0  }
0x78: {  	[sflag:s14] =	ssyncadd.s32 $0xFFFFC000  }
0x79: {  	_ =	swait.ge [sflag:s20], $0x4000  }
.Ltmp1:
0x7a: {  	[sflag:s20] =	ssyncset.done $0x0;
	(pc) =	sbr.rel @p0 .LBB2_4-.Ltmp1, $4  }
0x7b: {  	s23 =	sadd.s32 $0x1480, s24;
	[sflag:s20] =	ssyncadd.s32 $0xFFFFC000  }
0x7c: {  	[spmem:s1] =	stream.indirect.scatter.add.f32 [tilespmem:s18], [sflag:$0x3], $0x80, s23, s16, $0xb8;
	[tilespmem:$0x1E800] =	vst v63  }
0x7d: {  	_ =	swait.ge [sflag:s14], $0x4000  }
0x7e: {  	s23 =	smov.u32 s25;
	[sflag:s14] =	ssyncset.done $0x0  }
0x7f: {  	s22 =	sshra.s32 s22, $0x2;
	[sflag:s14] =	ssyncadd.s32 $0xFFFFC000  }
0x80: {  	[tilespmem:s17], [sflag:$0x1] =	stream.indirect.gather [hbm4b:s4+s16], $0x80, s22, s16, $0xb8;
	[tilespmem:$0x1E800] =	vst v63  }
0x81: {  	s23 =	sadd.s32 $0x80, s22  }
0x82: {  	[tilespmem:s18], [sflag:$0x2] =	stream.indirect.gather [hbm4b:s4+s16], $0x80, s23, s16, $0xb8;
	[tilespmem:$0x1E800] =	vst v63  }
0x83: {  	_ =	swait.ge [sflag:s19], $0x4000  }
0x84: {  	[sflag:s19] =	ssyncset.done $0x0  }
0x85: {  	s31 =	sadd.s32 $0x1400, s22;
	[sflag:s19] =	ssyncadd.s32 $0xFFFFC000  }
0x86: {  	[spmem:s1] =	stream.indirect.scatter.add.f32 [tilespmem:s17], [sflag:$0x3], $0x80, s31, s16, $0xb8;
	[tilespmem:$0x1E800] =	vst v63  }
0x87: {  	_ =	swait.ge [sflag:s14], $0x4000  }
0x88: {  	[sflag:s14] =	ssyncset.done $0x0  }
0x89: {  	[sflag:s14] =	ssyncadd.s32 $0xFFFFC000  }
0x8a: {  	_ =	swait.ge [sflag:s20], $0x4000  }
0x8b: {  	[sflag:s20] =	ssyncset.done $0x0  }
0x8c: {  	s22 =	sadd.s32 $0x1480, s22;
	[sflag:s20] =	ssyncadd.s32 $0xFFFFC000  }
0x8d: {  	[spmem:s1] =	stream.indirect.scatter.add.f32 [tilespmem:s18], [sflag:$0x3], $0x80, s22, s16, $0xb8;
	[tilespmem:$0x1E800] =	vst v63  }
0x8e: {  	_ =	swait.ge [sflag:s14], $0x4000  }
0x8f: {  	s21 =	sadd.s32 $0x1, s21;
	[sflag:s14] =	ssyncset.done $0x0  }
0x90: {  	p0 =	sne.s32 s21, s12;
	[sflag:s14] =	ssyncadd.s32 $0xFFFFC000  }
.Ltmp2:
0x91: {  	[bflag:$0x0] =	sbarrier.arrive $0xFFFF;
	(pc) =	sbr.rel @p0 .LBB2_1-.Ltmp2, $4  }
0x92: {  	[hbm:s11], [sflag:s6] =	dma.local [spmem:s13], $0x2800  }
0x93: {  	_ =	swait.ge [sflag:s14], $0x2800  }
0x94: {  	[sflag:s14] =	ssyncset.done $0x0  }
0x95: {  	[sflag:s14] =	ssyncadd.s32 $0xFFFFD800  }
0x96: {  	_ =	sfence.sel $0x180000  }
0x97: {  	[bflag:$0x0] =	sbarrier.arrive $0xFFFF  }
0x98: {  	p0 =	sne.s32 s2, $0x0;
	_ =	strace $0x9000005F  }
0x99: {  	s0 =	sadd.s32 @!p0 $0x100000, s0;
	[bflag:$0x2] =	sbarrier.arrive $0xFFFF  }
0x9a: {  	[sflag:s0] =	ssyncadd.tile.s32 @!p0 $0x1;
	_ =	shalt  }
.Lfunc_end2:
_tile_overlayer_lowered:
.L_overlay_start_2:
0x9b: {  	(tag) =	ssettag $0x2  }
0x9c: {  	s0 =	rddreg [dreg:$0x0];
	s2 =	stileid.u32  }
0x9d: {  	s1 =	rddreg [dreg:$0x1];
	p0 =	sne.s32 s2, $0x0  }
0x9e: {  	s3 =	rddreg [dreg:$0x2];
	[bflag:$0x3] =	sbarrier.arrive $0xFFFF;
	s2 =	simm.s32 @!p0 $0x1C03  }
0x9f: {  	[timem:s3], [sflag:s2] =	dma.local @!p0 [hbm:s0], s1  }
0xa0: {  	s0 =	simm.s32 @!p0 $0x3  }
0xa1: {  	_ =	swait.ge @!p0 [sflag:s0], s1  }
0xa2: {  	s1 =	ssub.s32 @!p0 $0x0, s1;
	[sflag:s0] =	ssyncset.done @!p0 $0x0  }
0xa3: {  	[sflag:s0] =	ssyncadd.s32 @!p0 s1  }
0xa4: {  	[bflag:$0x3] =	sbarrier.arrive $0xFFFF  }
0xa5: {  	_ =	shalt  }

// kernel: kernel.43.cloned.1.call-start
scs
__scs_entry_jumppad:
0x0: {  	(pc) =	sbr.rel $0x88, $3  }
0x1: {  	(tag) =	ssettag $0x0;
	lr =	simm.s32 $0x1  }
0x2: {  	[smem:$0x3F95] =	sst lr;
	_ =	strace $0xD0000000  }
0x3: {  	_ = 	snop  }
0x4: {  	_ = 	snop  }
0x5: {  	_ = 	snop  }
0x6: {  	_ = 	snop  }
0x7: {  	_ = 	snop  }
__scs_overlays_trampoline_lowered:
0x8: {  	[smem:$0x3FA4] =	sst s0  }
0x9: {  	[smem:$0x3FA5] =	sst s1  }
0xa: {  	[smem:$0x3FA6] =	sst s2  }
0xb: {  	[smem:$0x3FA7] =	sst s3  }
0xc: {  	[smem:$0x3FA8] =	sst s4  }
0xd: {  	[smem:$0x3FA9] =	sst s5  }
0xe: {  	[smem:$0x3FAA] =	sst s6  }
0xf: {  	[smem:$0x3FAB] =	sst s7  }
0x10: {  	[smem:$0x3FAC] =	sst s8  }
0x11: {  	[smem:$0x3FAD] =	sst s9;
	s0 =	simm.s32 @!p0 $0x0  }
0x12: {  	s1 =	sld [smem:$0x3F93];
	s0 =	simm.s32 @p0 $0x1  }
0x13: {  	[smem:$0x3FAE] =	sst s0;
	s0 =	simm.s32 @!p1 $0x0  }
0x14: {  	s2 =	sld [smem:$0x3F92];
	s0 =	simm.s32 @p1 $0x1  }
0x15: {  	[smem:$0x3FAF] =	sst s0;
	s0 =	simm.s32 @!p2 $0x0  }
0x16: {  	s3 =	sld [smem:$0x3FDB];
	s0 =	simm.s32 @p2 $0x1  }
0x17: {  	s4 =	simm.s32 $0x1BF5;
	[smem:$0x3FB1] =	sst s0  }
0x18: {  	s0 =	sld [smem:$0x3F94];
	_ =	swait.ge [sflag:s4], $0x0  }
0x19: {  	s7 =	sld [smem:$0x3F95]  }
0x1a: {  	s8 =	sadd.s32 $0xFFFFE003, lr  }
0x1b: {  	s9 =	sadd.s32 $0xFFFFFEF7, lr;
	s5 =	simm.s32 $0xFFFFFFFF;
	p2 =	slt.u32 s8, $0xFFFFF086  }
0x1c: {  	p1 =	slt.u32 s9, $0xF7A;
	s5 =	simm.s32 @!p2 $0x0  }
0x1d: {  	s5 =	simm.s32 @p1 $0x1;
	p0 =	seq.s32 s7, s2  }
0x1e: {  	s7 =	smul.u32 @!p0 $0xF7A, s2;
	p2 =	seq.s32 @!p0 s5, $0x0  }
0x1f: {  	s9 =	smul.u32 $0xF7A, s1;
	s8 =	simm.s32 @!p0 $0x1BF5;
	p2 =	por !p2, p0  }
0x20: {  	[sflag:s8] =	ssyncset.s32 @!p0 $0xFFFFF086;
	s6 =	sadd.s32 @!p0 s3, s7;
	s7 =	simm.s32 @!p0 $0x108  }
0x21: {  	s3 =	sadd.s32 s3, s9;
	s6 =	sadd.s32 @!p0 $0x88, s6;
	s7 =	simm.s32 @p2 $0x1082  }
0x22: {  	[simem:s7], [sflag:s8] =	dma.local @!p0 [hbm:s6], $0xF7A  }
0x23: {  	s9 =	sor.u32 $0xD0000000, s2;
	s6 =	simm.s32 $0x108;
	_ =	swait.ge @!p0 [sflag:s8], $0x0  }
0x24: {  	s3 =	sadd.s32 $0x88, s3;
	s6 =	simm.s32 @!p1 $0x1082;
	[sflag:s4] =	ssyncset.s32 $0xFFFFF086  }
0x25: {  	[simem:s6], [sflag:s4] =	dma.local [hbm:s3], $0xF7A  }
0x26: {  	[smem:$0x3F95] =	sst s1;
	(tag) =	ssettag s2;
	_ =	strace s9  }
0x27: {  	s1 =	sld [smem:$0x3FA5]  }
0x28: {  	s2 =	sld [smem:$0x3FA6]  }
0x29: {  	s4 =	sld [smem:$0x3FA8]  }
0x2a: {  	p0 =	seq.s32 s5, $0x0;
	s5 =	sld [smem:$0x3FA9]  }
0x2b: {  	s6 =	sld [smem:$0x3FAA]  }
0x2c: {  	s7 =	sld [smem:$0x3FAB]  }
0x2d: {  	s3 =	simm.s32 $0x108;
	s8 =	sld [smem:$0x3FAC]  }
0x2e: {  	s3 =	simm.s32 @!p0 $0x1082;
	s9 =	sld [smem:$0x3FAD]  }
0x2f: {  	lr =	sadd.s32 s0, s3;
	s0 =	sld [smem:$0x3FA4]  }
0x30: {  	s3 =	sld [smem:$0x3FA7]  }
0x31: {  	[smem:$0x3FB0] =	sst s10  }
0x32: {  	s10 =	sld [smem:$0x3FAE];
	_ =	sdelay $0x3  }
0x33: {  	p0 =	seq.s32 s10, $0x1;
	s10 =	sld [smem:$0x3FB0];
	_ =	sdelay $0x3  }
0x34: {  	[smem:$0x3FB0] =	sst s10  }
0x35: {  	s10 =	sld [smem:$0x3FAF];
	_ =	sdelay $0x3  }
0x36: {  	p1 =	seq.s32 s10, $0x1;
	s10 =	sld [smem:$0x3FB0];
	_ =	sdelay $0x3  }
0x37: {  	[smem:$0x3FB0] =	sst s10  }
0x38: {  	s10 =	sld [smem:$0x3FB1]  }
0x39: {  	_ = 	snop;
	(pc) =	sbr.ind lr, $3  }
0x3a: {  	_ = 	snop  }
0x3b: {  	_ = 	snop  }
0x3c: {  	p2 =	seq.s32 s10, $0x1;
	s10 =	sld [smem:$0x3FB0]  }
0x3d: {  	_ =	shalt  }
0x3e: {  	_ =	shalt  }
0x3f: {  	_ =	shalt  }
0x40: {  	_ =	shalt  }
0x41: {  	_ =	shalt  }
0x42: {  	_ =	shalt  }
0x43: {  	_ =	shalt  }
0x44: {  	_ =	shalt  }
0x45: {  	_ =	shalt  }
0x46: {  	_ =	shalt  }
0x47: {  	_ =	shalt  }
0x48: {  	_ =	shalt  }
0x49: {  	_ =	shalt  }
0x4a: {  	_ =	shalt  }
0x4b: {  	_ =	shalt  }
0x4c: {  	_ =	shalt  }
0x4d: {  	_ =	shalt  }
0x4e: {  	_ =	shalt  }
0x4f: {  	_ =	shalt  }
0x50: {  	_ =	shalt  }
0x51: {  	_ =	shalt  }
0x52: {  	_ =	shalt  }
0x53: {  	_ =	shalt  }
0x54: {  	_ =	shalt  }
0x55: {  	_ =	shalt  }
0x56: {  	_ =	shalt  }
0x57: {  	_ =	shalt  }
0x58: {  	_ =	shalt  }
0x59: {  	_ =	shalt  }
0x5a: {  	_ =	shalt  }
0x5b: {  	_ =	shalt  }
0x5c: {  	_ =	shalt  }
0x5d: {  	_ =	shalt  }
0x5e: {  	_ =	shalt  }
0x5f: {  	_ =	shalt  }
0x60: {  	_ =	shalt  }
0x61: {  	_ =	shalt  }
0x62: {  	_ =	shalt  }
0x63: {  	_ =	shalt  }
0x64: {  	_ =	shalt  }
0x65: {  	_ =	shalt  }
0x66: {  	_ =	shalt  }
0x67: {  	_ =	shalt  }
0x68: {  	_ =	shalt  }
0x69: {  	_ =	shalt  }
0x6a: {  	_ =	shalt  }
0x6b: {  	_ =	shalt  }
0x6c: {  	_ =	shalt  }
0x6d: {  	_ =	shalt  }
0x6e: {  	_ =	shalt  }
0x6f: {  	_ =	shalt  }
0x70: {  	_ =	shalt  }
0x71: {  	_ =	shalt  }
0x72: {  	_ =	shalt  }
0x73: {  	_ =	shalt  }
0x74: {  	_ =	shalt  }
0x75: {  	_ =	shalt  }
0x76: {  	_ =	shalt  }
0x77: {  	_ =	shalt  }
0x78: {  	_ =	shalt  }
0x79: {  	_ =	shalt  }
0x7a: {  	_ =	shalt  }
0x7b: {  	_ =	shalt  }
0x7c: {  	_ =	shalt  }
0x7d: {  	_ =	shalt  }
0x7e: {  	_ =	shalt  }
0x7f: {  	_ =	shalt  }
0x80: {  	_ =	shalt  }
0x81: {  	_ =	shalt  }
0x82: {  	_ =	shalt  }
0x83: {  	_ =	shalt  }
0x84: {  	_ =	shalt  }
0x85: {  	_ =	shalt  }
0x86: {  	_ =	shalt  }
0x87: {  	_ =	shalt  }
.Lfunc_end0:
.L_simem_size_0:
called_computation.8_lowered:
.L_overlay_start_0:
0x88: {  	s2 =	sld [smem:$0x3FD9]  }
0x89: {  	s3 =	sld [smem:$0x3FFE];
	_ =	sdelay $0x1  }
0x8a: {  	s1 =	srdreg.scid  }
0x8b: {  	s0 =	sand.u32 $0x1, s1  }
0x8c: {  	s17 =	sshll.u32 s0, $0xA;
	s2 =	sadd.s32 s3, s2  }
0x8d: {  	s2 =	sadd.s32 s2, s17  }
0x8e: {  	[smem:$0x3FBC] =	sst s2  }
0x8f: {  	_ = 	snop  }
0x90: {  	(tm) =	ssettm $0x1  }
0x91: {  	s18 =	sld [smem:$0x3FFB];
	_ =	sdelay $0x3  }
0x92: {  	_ =	strace s18  }
0x93: {  	s2 =	sld [smem:$0x3FFC];
	_ =	sdelay $0x3  }
0x94: {  	_ =	strace s2  }
0x95: {  	s2 =	sld [smem:$0x3FFD];
	_ =	sdelay $0x3  }
0x96: {  	_ =	strace s2  }
0x97: {  	_ =	strace $0x8FFFFFFF  }
0x98: {  	s19 =	sld [smem:$0x3FDB];
	_ =	sdelay $0x1  }
0x99: {  	s20 =	simm.s32 $_scs_section_size  }
0x9a: {  	s4 =	simm.s32 $_size__tile_overlayer_lowered;
	s5 =	simm.s32 $_tile_overlayer_lowered  }
0x9b: {  	s6 =	simm.s32 $0x1BFF;
	s21 =	sshll.u32 s5, $0x1;
	s3 =	sadd.s32 s20, s19  }
0x9c: {  	s22 =	simm.s32 $0x0;
	s4 =	sshll.u32 s4, $0x1;
	s5 =	sadd.s32 s21, s3  }
0x9d: {  	[timem:s22], [sflag:s6] =	dma.local [hbm:s5], s4  }
0x9e: {  	_ =	swait.ge [sflag:s6], s4  }
0x9f: {  	s4 =	ssub.s32 $0x0, s4;
	[sflag:s6] =	ssyncset.done $0x0  }
0xa0: {  	[sflag:s6] =	ssyncadd.s32 s4;
	_ =	sdelay $0x1  }
0xa1: {  	s23 =	simm.s32 $0x1B8B  }
0xa2: {  	_ =	swait.ge [sflag:s23], $0x1  }
0xa3: {  	[sflag:s23] =	ssyncset.done $0x0  }
0xa4: {  	[sflag:s23] =	ssyncadd.s32 $0xFFFFFFFF  }
0xa5: {  	s4 =	sld [smem:$0x0]  }
0xa6: {  	s5 =	sand.u32 $0xFFFFFFFE, s1  }
0xa7: {  	p0 =	sne.s32 s1, s5  }
0xa8: {  	s5 =	sshll.u32 @p0 s5, $0xE  }
0xa9: {  	s5 =	sadd.s32 @p0 $0x11B8D, s5;
	s6 =	sshll.u32 @p0 s4, $0x11  }
0xaa: {  	s5 =	sor.u32 @p0 s6, s5  }
0xab: {  	[sflag:s5] =	ssyncadd.remote.s32 @p0 $0x1;
	_ =	sdelay $0x1  }
0xac: {  	s5 =	simm.s32 @p0 $0x1B8D  }
0xad: {  	_ =	swait.eq @p0 [sflag:s5], $0x1  }
0xae: {  	[sflag:s5] =	ssyncadd.s32 @p0 $0xFFFFFFFF  }
0xaf: {  	s6 =	sshll.u32 @!p0 s1, $0xE  }
0xb0: {  	s6 =	sor.u32 @!p0 $0x4000, s6;
	s5 =	simm.s32 @!p0 $0x1B8D  }
0xb1: {  	s4 =	sshll.u32 @!p0 s4, $0x11;
	s6 =	sadd.s32 @!p0 $0x11B8D, s6;
	_ =	swait.eq @!p0 [sflag:s5], $0x1  }
0xb2: {  	s4 =	sor.u32 @!p0 s4, s6;
	[sflag:s5] =	ssyncadd.s32 @!p0 $0xFFFFFFFF  }
0xb3: {  	s25 =	simm.s32 $0x1B8E;
	s24 =	sld [smem:$0x3FFE];
	[sflag:s4] =	ssyncadd.remote.s32 @!p0 $0x1  }
0xb4: {  	s26 =	simm.s32 $execute0_lowered;
	[smem:$0x3FD2] =	sst s25  }
0xb5: {  	s5 =	sshll.u32 s26, $0x1;
	_ =	strace $0x8000005B;
	[dreg:$0x1] =	wrdreg $0xFFFFFFFF  }
0xb6: {  	s28 =	simm.s32 $_size_execute0_lowered;
	s3 =	sadd.s32 s3, s5;
	[dreg:$0x0] =	wrdreg $0x0  }
0xb7: {  	s5 =	sshll.u32 s28, $0x1;
	[dreg:$0x2] =	wrdreg s3  }
0xb8: {  	[dreg:$0x3] =	wrdreg s5  }
0xb9: {  	[dreg:$0x4] =	wrdreg $0xC0  }
0xba: {  	_ =	task [dreg:s22], $0x5FFFF  }
0xbb: {  	[dreg:$0x1] =	wrdreg $0xFFFFFFFF  }
0xbc: {  	[dreg:$0x0] =	wrdreg $0x60  }
0xbd: {  	[dreg:$0x2] =	wrdreg s24  }
0xbe: {  	[dreg:$0x3] =	wrdreg $0xA8000  }
0xbf: {  	[dreg:$0x4] =	wrdreg $0xB  }
0xc0: {  	_ =	task.clear_ibuf [dreg:s22], $0x5FFFF;
	_ =	strace $0x9000005B  }
0xc1: {  	s29 =	simm.s32 $0xB;
	_ =	strace $0x8000005D  }
0xc2: {  	_ =	swait.ge [sflag:s29], $0x1  }
0xc3: {  	[sflag:s29] =	ssyncadd.s32 $0xFFFFFFFF  }
0xc4: {  	_ =	strace $0x9000005D  }
0xc5: {  	_ =	sfence  }
0xc6: {  	s30 =	sld [smem:$0x0];
	_ =	sdelay $0x2  }
0xc7: {  	s31 =	sshll.u32 s1, $0xD;
	s1 =	sshrl.u32 s1, $0x2  }
0xc8: {  	s4 =	sand.u32 $0x4000, s31;
	s1 =	sadd.s32 s1, s30  }
0xc9: {  	s0 =	sor.u32 s4, s0;
	s1 =	sshll.u32 s1, $0x11  }
0xca: {  	s0 =	sor.u32 s1, s0  }
0xcb: {  	s0 =	sadd.s32 $0x8F2B, s0  }
0xcc: {  	[sflag:s0] =	ssyncadd.remote.s32 $0x1  }
0xcd: {  	_ =	sfence.sel $0xFFFF  }
0xce: {  	[dreg:$0x0] =	wrdreg $0xFFFFFFFF;
	(pc) =	sbr.abs _section_cstart, $3  }
0xcf: {  	[dreg:$0x1] =	wrdreg $0xFFFFFFFF  }
0xd0: {  	_ =	task.clear_ibuf [dreg:s22], $0x2FFFF;
	_ =	strace $0x9FFFFFFF  }
0xd1: {  	(tm) =	ssettm $0x7FFFFFFF  }
tec
execute0_lowered:
.L_overlay_start_1:
0x0: {  	(tag) =	ssettag $0x1  }
0x1: {  	s5 =	rddreg [dreg:$0x0]  }
0x2: {  	s2 =	rddreg [dreg:$0x1]  }
0x3: {  	s0 =	rddreg [dreg:$0x2];
	s3 =	simm.s32 $0x0;
	s1 =	stileid.u32  }
0x4: {  	s4 =	srdreg.scid;
	s17 =	simm.s32 $0x2800;
	s18 =	simm.s32 $0x6800  }
0x5: {  	s19 =	simm.s32 $0x1;
	s20 =	simm.s32 $0x2;
	s21 =	simm.s32 $0x0  }
0x6: {  	[smem:$0x7FF] =	sst s3;
	s6 =	smul.u32 $0x14000, s1;
	s7 =	sand.u32 $0x1, s4  }
0x7: {  	s4 =	sadd.s32 $0x1A9200, s5;
	s9 =	sadd.s32 $0x42000, s5;
	s11 =	sadd.s32 $0x4C000, s5  }
0x8: {  	s25 =	smul.u32 $0x50000, s1;
	s13 =	sshll.u32 s1, $0x1;
	s28 =	sshll.u32 s1, $0x6  }
0x9: {  	_ =	strace $0x8000005C;
	s8 =	smul.u32 $0x140000, s7;
	s12 =	sshll.u32 s7, $0x5  }
0xa: {  	s7 =	ssub.s32 $0x2, s7;
	s10 =	sshrl.u32 s6, $0x3;
	s12 =	sor.u32 s13, s12  }
0xb: {  	s26 =	sshrl.u32 s7, $0x1;
	s10 =	sadd.s32 s10, s5;
	s6 =	sadd.s32 s6, s8  }
0xc: {  	s8 =	sshrl.u32 s25, $0x2;
	s14 =	smul.u32 $0x1400, s12;
	s13 =	ssub.s32 s7, s26  }
0xd: {  	s29 =	smul.u32 $0x280, s12;
	s6 =	sshrl.u32 s6, $0x3;
	s16 =	sadd.s32 s8, s2  }
0xe: {  	s12 =	smax.u32 s13, $0x1;
	s15 =	sadd.s32 s6, s5;
	s30 =	sshrl.u32 s14, $0x3  }
0xf: {  	s5 =	sadd.s32 $0x6A000, s10;
	s6 =	sor.u32 $0x1C03, s28;
	s7 =	sadd.s32 s9, s29  }
0x10: {  	s8 =	sadd.s32 s11, s29;
	s13 =	sshrl.u32 s16, $0x3;
	s31 =	sadd.s32 $0x280, s30  }
0x11: {  	s14 =	simm.s32 $0x3;
	s16 =	simm.s32 $0x80;
	s9 =	sadd.s32 s9, s31  }
0x12: {  	s10 =	sadd.s32 s11, s31;
	s11 =	sadd.s32 $0xB9200, s15;
	s15 =	simm.s32 $0x1400  }
.LBB2_1:
0x13: {  	[spmem:s13], [sflag:s6] =	dma.local [hbm:s5], $0x2800  }
0x14: {  	_ =	swait.ge [sflag:s14], $0x2800  }
0x15: {  	[sflag:s14] =	ssyncset.done $0x0  }
0x16: {  	[sflag:s14] =	ssyncadd.s32 $0xFFFFD800  }
0x17: {  	[bflag:$0x0] =	sbarrier.arrive $0xFFFF  }
0x18: {  	[tilespmem:s3], [sflag:$0x3] =	stream.linear.gather [hbm4b:s7+s3], $0x1400, $0x38;
	[tilespmem:$0x1E800] =	vst v63  }
0x19: {  	_ =	swait.ge [sflag:s14], $0x1400  }
0x1a: {  	[sflag:s14] =	ssyncset.done $0x0  }
0x1b: {  	[sflag:s14] =	ssyncadd.s32 $0xFFFFEC00  }
0x1c: {  	[tilespmem:s15], [sflag:$0x3] =	stream.linear.gather [hbm4b:s8+s3], $0x1400, $0x38;
	[tilespmem:$0x1E800] =	vst v63  }
0x1d: {  	_ =	swait.ge [sflag:s14], $0x1400  }
0x1e: {  	[sflag:s14] =	ssyncset.done $0x0  }
0x1f: {  	s22 =	simm.s32 $0x0;
	[sflag:s14] =	ssyncadd.s32 $0xFFFFEC00  }
0x20: {  	[tilespmem:s17], [sflag:$0x1] =	stream.indirect.gather [hbm4b:s4+s16], $0x80, s22, s16, $0xb8;
	[tilespmem:$0x1E800] =	vst v63  }
0x21: {  	s29 =	simm.s32 $0x80  }
0x22: {  	[tilespmem:s18], [sflag:$0x2] =	stream.indirect.gather [hbm4b:s4+s16], $0x80, s29, s16, $0xb8;
	[tilespmem:$0x1E800] =	vst v63  }
0x23: {  	_ =	swait.ge [sflag:s19], $0x4000  }
0x24: {  	[sflag:s19] =	ssyncset.done $0x0  }
0x25: {  	s30 =	simm.s32 $0x1400;
	[sflag:s19] =	ssyncadd.s32 $0xFFFFC000  }
0x26: {  	[spmem:s2] =	stream.indirect.scatter.add.f32 [tilespmem:s17], [sflag:$0x3], $0x80, s30, s16, $0xb8;
	[tilespmem:$0x1E800] =	vst v63  }
0x27: {  	_ =	swait.ge [sflag:s14], $0x4000  }
0x28: {  	[sflag:s14] =	ssyncset.done $0x0  }
0x29: {  	[sflag:s14] =	ssyncadd.s32 $0xFFFFC000  }
0x2a: {  	_ =	swait.ge [sflag:s20], $0x4000  }
0x2b: {  	[sflag:s20] =	ssyncset.done $0x0  }
0x2c: {  	s31 =	simm.s32 $0x1480;
	[sflag:s20] =	ssyncadd.s32 $0xFFFFC000  }
0x2d: {  	[spmem:s2] =	stream.indirect.scatter.add.f32 [tilespmem:s18], [sflag:$0x3], $0x80, s31, s16, $0xb8;
	[tilespmem:$0x1E800] =	vst v63  }
0x2e: {  	_ =	swait.ge [sflag:s14], $0x4000  }
0x2f: {  	s23 =	simm.s32 $0x800;
	s22 =	simm.s32 $0x400;
	[sflag:s14] =	ssyncset.done $0x0  }
.LBB2_2:
0x30: {  	s24 =	sshra.s32 s22, $0x2  }
0x31: {  	[sflag:s14] =	ssyncadd.s32 $0xFFFFC000;
	s22 =	smov.u32 s23;
	s25 =	sadd.s32 $0x400, s23  }
0x32: {  	[tilespmem:s17], [sflag:$0x1] =	stream.indirect.gather [hbm4b:s4+s16], $0x80, s24, s16, $0xb8;
	[tilespmem:$0x1E800] =	vst v63  }
0x33: {  	p0 =	sne.s32 s23, $0x4C00;
	s23 =	sadd.s32 $0x80, s24  }
0x34: {  	[tilespmem:s18], [sflag:$0x2] =	stream.indirect.gather [hbm4b:s4+s16], $0x80, s23, s16, $0xb8;
	[tilespmem:$0x1E800] =	vst v63  }
0x35: {  	_ =	swait.ge [sflag:s19], $0x4000  }
0x36: {  	[sflag:s19] =	ssyncset.done $0x0  }
0x37: {  	s23 =	sadd.s32 $0x1400, s24;
	[sflag:s19] =	ssyncadd.s32 $0xFFFFC000  }
0x38: {  	[spmem:s2] =	stream.indirect.scatter.add.f32 [tilespmem:s17], [sflag:$0x3], $0x80, s23, s16, $0xb8;
	[tilespmem:$0x1E800] =	vst v63  }
0x39: {  	_ =	swait.ge [sflag:s14], $0x4000  }
0x3a: {  	[sflag:s14] =	ssyncset.done $0x0  }
0x3b: {  	[sflag:s14] =	ssyncadd.s32 $0xFFFFC000  }
0x3c: {  	_ =	swait.ge [sflag:s20], $0x4000  }
.Ltmp0:
0x3d: {  	[sflag:s20] =	ssyncset.done $0x0;
	(pc) =	sbr.rel @p0 .LBB2_2-.Ltmp0, $4  }
0x3e: {  	s23 =	sadd.s32 $0x1480, s24;
	[sflag:s20] =	ssyncadd.s32 $0xFFFFC000  }
0x3f: {  	[spmem:s2] =	stream.indirect.scatter.add.f32 [tilespmem:s18], [sflag:$0x3], $0x80, s23, s16, $0xb8;
	[tilespmem:$0x1E800] =	vst v63  }
0x40: {  	_ =	swait.ge [sflag:s14], $0x4000  }
0x41: {  	s23 =	smov.u32 s25;
	[sflag:s14] =	ssyncset.done $0x0  }
0x42: {  	s22 =	sshra.s32 s22, $0x2;
	[sflag:s14] =	ssyncadd.s32 $0xFFFFC000  }
0x43: {  	[tilespmem:s17], [sflag:$0x1] =	stream.indirect.gather [hbm4b:s4+s16], $0x80, s22, s16, $0xb8;
	[tilespmem:$0x1E800] =	vst v63  }
0x44: {  	s23 =	sadd.s32 $0x80, s22  }
0x45: {  	[tilespmem:s18], [sflag:$0x2] =	stream.indirect.gather [hbm4b:s4+s16], $0x80, s23, s16, $0xb8;
	[tilespmem:$0x1E800] =	vst v63  }
0x46: {  	_ =	swait.ge [sflag:s19], $0x4000  }
0x47: {  	[sflag:s19] =	ssyncset.done $0x0  }
0x48: {  	s25 =	sadd.s32 $0x1400, s22;
	[sflag:s19] =	ssyncadd.s32 $0xFFFFC000  }
0x49: {  	[spmem:s2] =	stream.indirect.scatter.add.f32 [tilespmem:s17], [sflag:$0x3], $0x80, s25, s16, $0xb8;
	[tilespmem:$0x1E800] =	vst v63  }
0x4a: {  	_ =	swait.ge [sflag:s14], $0x4000  }
0x4b: {  	[sflag:s14] =	ssyncset.done $0x0  }
0x4c: {  	[sflag:s14] =	ssyncadd.s32 $0xFFFFC000  }
0x4d: {  	_ =	swait.ge [sflag:s20], $0x4000  }
0x4e: {  	[sflag:s20] =	ssyncset.done $0x0  }
0x4f: {  	s22 =	sadd.s32 $0x1480, s22;
	[sflag:s20] =	ssyncadd.s32 $0xFFFFC000  }
0x50: {  	[spmem:s2] =	stream.indirect.scatter.add.f32 [tilespmem:s18], [sflag:$0x3], $0x80, s22, s16, $0xb8;
	[tilespmem:$0x1E800] =	vst v63  }
0x51: {  	_ =	swait.ge [sflag:s14], $0x4000  }
0x52: {  	[sflag:s14] =	ssyncset.done $0x0  }
0x53: {  	s26 =	simm.s32 $0x0;
	[sflag:s14] =	ssyncadd.s32 $0xFFFFC000  }
0x54: {  	[tilespmem:s26], [sflag:$0x3] =	stream.linear.gather [hbm4b:s9+s26], $0x1400, $0x38;
	[tilespmem:$0x1E800] =	vst v63  }
0x55: {  	_ =	swait.ge [sflag:s14], $0x1400  }
0x56: {  	[sflag:s14] =	ssyncset.done $0x0  }
0x57: {  	[sflag:s14] =	ssyncadd.s32 $0xFFFFEC00  }
0x58: {  	[tilespmem:s15], [sflag:$0x3] =	stream.linear.gather [hbm4b:s10+s26], $0x1400, $0x38;
	[tilespmem:$0x1E800] =	vst v63  }
0x59: {  	_ =	swait.ge [sflag:s14], $0x1400  }
0x5a: {  	[sflag:s14] =	ssyncset.done $0x0  }
0x5b: {  	s28 =	simm.s32 $0x0;
	[sflag:s14] =	ssyncadd.s32 $0xFFFFEC00  }
0x5c: {  	[tilespmem:s17], [sflag:$0x1] =	stream.indirect.gather [hbm4b:s4+s16], $0x80, s28, s16, $0xb8;
	[tilespmem:$0x1E800] =	vst v63  }
0x5d: {  	s29 =	simm.s32 $0x80  }
0x5e: {  	[tilespmem:s18], [sflag:$0x2] =	stream.indirect.gather [hbm4b:s4+s16], $0x80, s29, s16, $0xb8;
	[tilespmem:$0x1E800] =	vst v63  }
0x5f: {  	_ =	swait.ge [sflag:s19], $0x4000  }
0x60: {  	[sflag:s19] =	ssyncset.done $0x0  }
0x61: {  	s30 =	simm.s32 $0x1400;
	[sflag:s19] =	ssyncadd.s32 $0xFFFFC000  }
0x62: {  	[spmem:s2] =	stream.indirect.scatter.add.f32 [tilespmem:s17], [sflag:$0x3], $0x80, s30, s16, $0xb8;
	[tilespmem:$0x1E800] =	vst v63  }
0x63: {  	_ =	swait.ge [sflag:s14], $0x4000  }
0x64: {  	[sflag:s14] =	ssyncset.done $0x0  }
0x65: {  	[sflag:s14] =	ssyncadd.s32 $0xFFFFC000  }
0x66: {  	_ =	swait.ge [sflag:s20], $0x4000  }
0x67: {  	[sflag:s20] =	ssyncset.done $0x0  }
0x68: {  	s31 =	simm.s32 $0x1480;
	[sflag:s20] =	ssyncadd.s32 $0xFFFFC000  }
0x69: {  	[spmem:s2] =	stream.indirect.scatter.add.f32 [tilespmem:s18], [sflag:$0x3], $0x80, s31, s16, $0xb8;
	[tilespmem:$0x1E800] =	vst v63  }
0x6a: {  	_ =	swait.ge [sflag:s14], $0x4000  }
0x6b: {  	s23 =	simm.s32 $0x800;
	s22 =	simm.s32 $0x400;
	[sflag:s14] =	ssyncset.done $0x0  }
.LBB2_4:
0x6c: {  	s24 =	sshra.s32 s22, $0x2  }
0x6d: {  	[sflag:s14] =	ssyncadd.s32 $0xFFFFC000;
	s22 =	smov.u32 s23;
	s25 =	sadd.s32 $0x400, s23  }
0x6e: {  	[tilespmem:s17], [sflag:$0x1] =	stream.indirect.gather [hbm4b:s4+s16], $0x80, s24, s16, $0xb8;
	[tilespmem:$0x1E800] =	vst v63  }
0x6f: {  	p0 =	sne.s32 s23, $0x4C00;
	s23 =	sadd.s32 $0x80, s24  }
0x70: {  	[tilespmem:s18], [sflag:$0x2] =	stream.indirect.gather [hbm4b:s4+s16], $0x80, s23, s16, $0xb8;
	[tilespmem:$0x1E800] =	vst v63  }
0x71: {  	_ =	swait.ge [sflag:s19], $0x4000  }
0x72: {  	[sflag:s19] =	ssyncset.done $0x0  }
0x73: {  	s23 =	sadd.s32 $0x1400, s24;
	[sflag:s19] =	ssyncadd.s32 $0xFFFFC000  }
0x74: {  	[spmem:s2] =	stream.indirect.scatter.add.f32 [tilespmem:s17], [sflag:$0x3], $0x80, s23, s16, $0xb8;
	[tilespmem:$0x1E800] =	vst v63  }
0x75: {  	_ =	swait.ge [sflag:s14], $0x4000  }
0x76: {  	[sflag:s14] =	ssyncset.done $0x0  }
0x77: {  	[sflag:s14] =	ssyncadd.s32 $0xFFFFC000  }
0x78: {  	_ =	swait.ge [sflag:s20], $0x4000  }
.Ltmp1:
0x79: {  	[sflag:s20] =	ssyncset.done $0x0;
	(pc) =	sbr.rel @p0 .LBB2_4-.Ltmp1, $4  }
0x7a: {  	s23 =	sadd.s32 $0x1480, s24;
	[sflag:s20] =	ssyncadd.s32 $0xFFFFC000  }
0x7b: {  	[spmem:s2] =	stream.indirect.scatter.add.f32 [tilespmem:s18], [sflag:$0x3], $0x80, s23, s16, $0xb8;
	[tilespmem:$0x1E800] =	vst v63  }
0x7c: {  	_ =	swait.ge [sflag:s14], $0x4000  }
0x7d: {  	s23 =	smov.u32 s25;
	[sflag:s14] =	ssyncset.done $0x0  }
0x7e: {  	s22 =	sshra.s32 s22, $0x2;
	[sflag:s14] =	ssyncadd.s32 $0xFFFFC000  }
0x7f: {  	[tilespmem:s17], [sflag:$0x1] =	stream.indirect.gather [hbm4b:s4+s16], $0x80, s22, s16, $0xb8;
	[tilespmem:$0x1E800] =	vst v63  }
0x80: {  	s23 =	sadd.s32 $0x80, s22  }
0x81: {  	[tilespmem:s18], [sflag:$0x2] =	stream.indirect.gather [hbm4b:s4+s16], $0x80, s23, s16, $0xb8;
	[tilespmem:$0x1E800] =	vst v63  }
0x82: {  	_ =	swait.ge [sflag:s19], $0x4000  }
0x83: {  	[sflag:s19] =	ssyncset.done $0x0  }
0x84: {  	s31 =	sadd.s32 $0x1400, s22;
	[sflag:s19] =	ssyncadd.s32 $0xFFFFC000  }
0x85: {  	[spmem:s2] =	stream.indirect.scatter.add.f32 [tilespmem:s17], [sflag:$0x3], $0x80, s31, s16, $0xb8;
	[tilespmem:$0x1E800] =	vst v63  }
0x86: {  	_ =	swait.ge [sflag:s14], $0x4000  }
0x87: {  	[sflag:s14] =	ssyncset.done $0x0  }
0x88: {  	[sflag:s14] =	ssyncadd.s32 $0xFFFFC000  }
0x89: {  	_ =	swait.ge [sflag:s20], $0x4000  }
0x8a: {  	[sflag:s20] =	ssyncset.done $0x0  }
0x8b: {  	s22 =	sadd.s32 $0x1480, s22;
	[sflag:s20] =	ssyncadd.s32 $0xFFFFC000  }
0x8c: {  	[spmem:s2] =	stream.indirect.scatter.add.f32 [tilespmem:s18], [sflag:$0x3], $0x80, s22, s16, $0xb8;
	[tilespmem:$0x1E800] =	vst v63  }
0x8d: {  	_ =	swait.ge [sflag:s14], $0x4000  }
0x8e: {  	s21 =	sadd.s32 $0x1, s21;
	[sflag:s14] =	ssyncset.done $0x0  }
0x8f: {  	p0 =	sne.s32 s21, s12;
	[sflag:s14] =	ssyncadd.s32 $0xFFFFC000  }
.Ltmp2:
0x90: {  	[bflag:$0x0] =	sbarrier.arrive $0xFFFF;
	(pc) =	sbr.rel @p0 .LBB2_1-.Ltmp2, $4  }
0x91: {  	[hbm:s11], [sflag:s6] =	dma.local [spmem:s13], $0x2800  }
0x92: {  	_ =	swait.ge [sflag:s14], $0x2800  }
0x93: {  	[sflag:s14] =	ssyncset.done $0x0  }
0x94: {  	[sflag:s14] =	ssyncadd.s32 $0xFFFFD800  }
0x95: {  	_ =	sfence.sel $0x180000  }
0x96: {  	[bflag:$0x0] =	sbarrier.arrive $0xFFFF  }
0x97: {  	p0 =	sne.s32 s1, $0x0;
	_ =	strace $0x9000005C  }
0x98: {  	s0 =	sadd.s32 @!p0 $0x100000, s0;
	[bflag:$0x2] =	sbarrier.arrive $0xFFFF  }
0x99: {  	[sflag:s0] =	ssyncadd.tile.s32 @!p0 $0x1;
	_ =	shalt  }
.Lfunc_end2:
_tile_overlayer_lowered:
.L_overlay_start_2:
0x9a: {  	(tag) =	ssettag $0x2  }
0x9b: {  	s0 =	rddreg [dreg:$0x0];
	s2 =	stileid.u32  }
0x9c: {  	s1 =	rddreg [dreg:$0x1];
	p0 =	sne.s32 s2, $0x0  }
0x9d: {  	s3 =	rddreg [dreg:$0x2];
	[bflag:$0x3] =	sbarrier.arrive $0xFFFF;
	s2 =	simm.s32 @!p0 $0x1C03  }
0x9e: {  	[timem:s3], [sflag:s2] =	dma.local @!p0 [hbm:s0], s1  }
0x9f: {  	s0 =	simm.s32 @!p0 $0x3  }
0xa0: {  	_ =	swait.ge @!p0 [sflag:s0], s1  }
0xa1: {  	s1 =	ssub.s32 @!p0 $0x0, s1;
	[sflag:s0] =	ssyncset.done @!p0 $0x0  }
0xa2: {  	[sflag:s0] =	ssyncadd.s32 @!p0 s1  }
0xa3: {  	[bflag:$0x3] =	sbarrier.arrive $0xFFFF  }
0xa4: {  	_ =	shalt  }

</sc_bundles>
